<compile_context>
chip_gen: v7x
topology: tpu7x:2x2x1
jax: 0.10.2.dev20260603
libtpu: 0.0.44.dev20260713+nightly
codegen_flags: <defaults>
</compile_context>

<pallas_src>
import jax
import jax.numpy as jnp
from jax import lax
from jax.experimental import pallas as pl
from jax.experimental.pallas import tpu as pltpu
from jax.experimental.pallas import tpu_sc as plsc

N = 10000
E = 320000
D = 128
H = 128
NG = 64
NC = 10

NCORES = 2
NSUB = 16
NW = NCORES * NSUB
EPW = E // NW
CHUNK = 80
NCHUNK = EPW // CHUNK
RPT = 640
NPAD = RPT * NSUB
ZR = 128

SELU_SCALE = 1.0507009873554805
SELU_ALPHA = 1.6732632423543772


def _selu(v):
    return SELU_SCALE * jnp.where(v > 0, v, SELU_ALPHA * (jnp.exp(v) - 1.0))


def _proj_body(x_ref, w_ref, a2_ref, h_ref, asd_ref):
    h = jnp.dot(x_ref[...], w_ref[...], preferred_element_type=jnp.float32)
    h_ref[...] = h
    asd_ref[...] = jnp.dot(h, a2_ref[...], preferred_element_type=jnp.float32)


def _project(x, W, A2):
    R = 1000
    return pl.pallas_call(
        _proj_body,
        grid=(N // R,),
        in_specs=[
            pl.BlockSpec((R, D), lambda i: (i, 0)),
            pl.BlockSpec((D, H), lambda i: (0, 0)),
            pl.BlockSpec((H, 128), lambda i: (0, 0)),
        ],
        out_specs=[
            pl.BlockSpec((R, H), lambda i: (i, 0)),
            pl.BlockSpec((R, 128), lambda i: (i, 0)),
        ],
        out_shape=[
            jax.ShapeDtypeStruct((N, H), jnp.float32),
            jax.ShapeDtypeStruct((N, 128), jnp.float32),
        ],
    )(x, W, A2)


def _edge_body(h_hbm, as_hbm, ad_hbm, src_hbm, dst_hbm, acc_hbm, den_hbm,
               acc_s, den_s, as_v, ad_v, src_v, dst_v, rows_v, ee_v,
               zrow_v, zden_v, sem):
    c = lax.axis_index("c")
    s = lax.axis_index("s")
    w = s * NCORES + c

    pltpu.sync_copy(as_hbm, as_v)
    pltpu.sync_copy(ad_hbm, ad_v)

    zero16 = jnp.zeros((16,), jnp.float32)

    def zrow_it(r, carry):
        for k in range(8):
            zrow_v[r, pl.ds(k * 16, 16)] = zero16
        return carry

    lax.fori_loop(0, ZR, zrow_it, 0)

    def zden_it(i, carry):
        zden_v[pl.ds(i * 16, 16)] = zero16
        return carry

    lax.fori_loop(0, RPT // 16, zden_it, 0)

    for j in range(5):
        pltpu.sync_copy(zrow_v, acc_s.at[pl.ds(s * RPT + j * ZR, ZR)])
    pltpu.sync_copy(zden_v, den_s.at[pl.ds(s * RPT, RPT)])
    plsc.subcore_barrier()

    def chunk_it(i, carry):
        base = pl.multiple_of(w * EPW + i * CHUNK, CHUNK)
        pltpu.sync_copy(src_hbm.at[pl.ds(base, CHUNK)], src_v)
        pltpu.sync_copy(dst_hbm.at[pl.ds(base, CHUNK)], dst_v)
        pltpu.async_copy(h_hbm.at[src_v], rows_v, sem).wait()
        for j in range(CHUNK // 16):
            si = src_v[pl.ds(j * 16, 16)]
            di = dst_v[pl.ds(j * 16, 16)]
            t = plsc.load_gather(as_v, [si]) + plsc.load_gather(ad_v, [di])
            t = jnp.where(t >= 0, t, t * jnp.float32(0.2))
            ee_v[pl.ds(j * 16, 16)] = jnp.exp(t)

        def scale_it(j2, carry2):
            ee16 = ee_v[pl.ds(j2 * 16, 16)]
            for l in range(16):
                sc = ee16[l]
                e = j2 * 16 + l
                for k in range(8):
                    rows_v[e, pl.ds(k * 16, 16)] = (
                        rows_v[e, pl.ds(k * 16, 16)] * sc)
            return carry2

        lax.fori_loop(0, CHUNK // 16, scale_it, 0)
        pltpu.sync_copy(rows_v, acc_s.at[dst_v], add=True)
        pltpu.sync_copy(ee_v, den_s.at[dst_v], add=True)
        return carry

    lax.fori_loop(0, NCHUNK, chunk_it, 0)
    plsc.subcore_barrier()

    r0 = s * RPT
    pltpu.sync_copy(acc_s.at[pl.ds(r0, RPT)], acc_hbm.at[c, pl.ds(r0, RPT)])
    pltpu.sync_copy(den_s.at[pl.ds(s * RPT, RPT)], den_hbm.at[c, s])


def _edge_pass(h, as_, ad, src, dst):
    mesh = plsc.VectorSubcoreMesh(
        core_axis_name="c", subcore_axis_name="s",
        num_cores=NCORES, num_subcores=NSUB)
    fn = pl.kernel(
        _edge_body,
        out_type=[
            jax.ShapeDtypeStruct((NCORES, NPAD, H), jnp.float32),
            jax.ShapeDtypeStruct((NCORES, NSUB, RPT), jnp.float32),
        ],
        mesh=mesh,
        compiler_params=pltpu.CompilerParams(needs_layout_passes=False),
        scratch_types=[
            pltpu.VMEM_SHARED((NPAD, H), jnp.float32),
            pltpu.VMEM_SHARED((NPAD,), jnp.float32),
            pltpu.VMEM((N,), jnp.float32),
            pltpu.VMEM((N,), jnp.float32),
            pltpu.VMEM((CHUNK,), jnp.int32),
            pltpu.VMEM((CHUNK,), jnp.int32),
            pltpu.VMEM((CHUNK, H), jnp.float32),
            pltpu.VMEM((CHUNK,), jnp.float32),
            pltpu.VMEM((ZR, H), jnp.float32),
            pltpu.VMEM((RPT,), jnp.float32),
            pltpu.SemaphoreType.DMA,
        ],
    )
    return fn(h, as_, ad, src, dst)


def _combine_body(h_ref, asd_ref, acc_ref, den_ref, b_ref, o_ref):
    h = h_ref[...]
    asd = asd_ref[...]
    t = asd[:, 0] + asd[:, 1]
    t = jnp.where(t >= 0, t, t * jnp.float32(0.2))
    es = jnp.exp(t)
    num = acc_ref[0] + acc_ref[1] + es[:, None] * h
    den = den_ref[0, 0, 0] + den_ref[1, 0, 0] + es + jnp.float32(1e-16)
    o_ref[...] = _selu(num / den[:, None] + b_ref[0])


def _combine(h, asd, acc, den4, b):
    R = 1000
    return pl.pallas_call(
        _combine_body,
        grid=(N // R,),
        in_specs=[
            pl.BlockSpec((R, H), lambda i: (i, 0)),
            pl.BlockSpec((R, 128), lambda i: (i, 0)),
            pl.BlockSpec((NCORES, R, H), lambda i: (0, i, 0)),
            pl.BlockSpec((NCORES, 1, 1, R), lambda i: (0, i, 0, 0)),
            pl.BlockSpec((1, H), lambda i: (0, 0)),
        ],
        out_specs=pl.BlockSpec((R, H), lambda i: (i, 0)),
        out_shape=jax.ShapeDtypeStruct((N, H), jnp.float32),
    )(h, asd, acc, den4, b)


def _pool_body(hb_ref, bt_ref, sum_ref, cnt_ref):
    i = pl.program_id(0)

    @pl.when(i == 0)
    def _():
        sum_ref[...] = jnp.zeros_like(sum_ref)
        cnt_ref[...] = jnp.zeros_like(cnt_ref)

    b = bt_ref[0, 0]
    gids = lax.broadcasted_iota(jnp.int32, (1, NG), 1)
    oh = (b[:, None] == gids).astype(jnp.float32)
    sum_ref[...] += lax.dot_general(
        oh, hb_ref[...], (((0,), (0,)), ((), ())),
        preferred_element_type=jnp.float32)
    cnt_ref[...] += jnp.sum(oh, axis=0)[:, None]


def _pool(h, batch3):
    RB = 400
    return pl.pallas_call(
        _pool_body,
        grid=(N // RB,),
        in_specs=[
            pl.BlockSpec((RB, H), lambda i: (i, 0)),
            pl.BlockSpec((1, 1, RB), lambda i: (i, 0, 0)),
        ],
        out_specs=[
            pl.BlockSpec((NG, H), lambda i: (0, 0)),
            pl.BlockSpec((NG, H), lambda i: (0, 0)),
        ],
        out_shape=[
            jax.ShapeDtypeStruct((NG, H), jnp.float32),
            jax.ShapeDtypeStruct((NG, H), jnp.float32),
        ],
    )(h, batch3)


def _mlp_body(sum_ref, cnt_ref, w1_ref, b1_ref, w2_ref, b2_ref, o_ref):
    g = sum_ref[...] / jnp.maximum(cnt_ref[...], 1.0)
    g = _selu(g)
    g1 = _selu(jnp.dot(g, w1_ref[...], preferred_element_type=jnp.float32)
               + b1_ref[0])
    lg = (jnp.dot(g1, w2_ref[...], preferred_element_type=jnp.float32)
          + b2_ref[0])
    lane = lax.broadcasted_iota(jnp.int32, (NG, 128), 1)
    lg = jnp.where(lane < NC, lg, jnp.float32(-1e30))
    m = jnp.max(lg, axis=1, keepdims=True)
    lse = jnp.log(jnp.sum(jnp.exp(lg - m), axis=1, keepdims=True)) + m
    o_ref[...] = lg - lse


def _mlp(sums, cnt, W1p, b1p, W2p, b2p):
    return pl.pallas_call(
        _mlp_body,
        in_specs=[
            pl.BlockSpec((NG, H), lambda: (0, 0)),
            pl.BlockSpec((NG, H), lambda: (0, 0)),
            pl.BlockSpec((H, 128), lambda: (0, 0)),
            pl.BlockSpec((1, 128), lambda: (0, 0)),
            pl.BlockSpec((128, 128), lambda: (0, 0)),
            pl.BlockSpec((1, 128), lambda: (0, 0)),
        ],
        out_specs=pl.BlockSpec((NG, 128), lambda: (0, 0)),
        out_shape=jax.ShapeDtypeStruct((NG, 128), jnp.float32),
    )(sums, cnt, W1p, b1p, W2p, b2p)


def _gat_layer(xin, W, a_src, a_dst, b, src, dst):
    A2 = jnp.concatenate(
        [a_src[:, None], a_dst[:, None], jnp.zeros((H, 126), jnp.float32)],
        axis=1)
    h, asd = _project(xin, W, A2)
    as_ = asd[:, 0] + 0.0
    ad = asd[:, 1] + 0.0
    acc, den = _edge_pass(h, as_, ad, src, dst)
    den4 = den.reshape(NCORES, NPAD)[:, :N].reshape(NCORES, N // 1000, 1, 1000)
    return _combine(h, asd, acc, den4, b[None, :])


def kernel(x, edge_index, batch, W1, a1_src, a1_dst, b1, W2, a2_src, a2_dst,
           b2, W_fc1, b_fc1, W_fc2, b_fc2):
    src = edge_index[0] + 0
    dst = edge_index[1] + 0

    x2 = _gat_layer(x, W1, a1_src, a1_dst, b1, src, dst)
    x3 = _gat_layer(x2, W2, a2_src, a2_dst, b2, src, dst)

    batch3 = batch.reshape(N // 400, 1, 400)
    sums, cnt = _pool(x3, batch3)

    W1p = jnp.concatenate([W_fc1, jnp.zeros((H, 128 - NG), jnp.float32)], axis=1)
    b1p = jnp.concatenate([b_fc1, jnp.zeros((128 - NG,), jnp.float32)])[None, :]
    W2p = jnp.zeros((128, 128), jnp.float32).at[:NG, :NC].set(W_fc2)
    b2p = jnp.concatenate([b_fc2, jnp.zeros((128 - NC,), jnp.float32)])[None, :]
    out = _mlp(sums, cnt, W1p, b1p, W2p, b2p)
    return out[:, :NC]

# --- scband reference (transcript-rebuilt; emitter-appended) ---
"""Pipeline reference for scband-net-45131516346671 (READ-ONLY COPY).

The authoritative reference and input builder live on the scoring server;
editing this copy changes nothing except your own understanding.
"""

import jax, jax.numpy as jnp
import numpy as np

N = 10000
E = 320000
D = 128
NHID = 64
H = NHID * 2
NG = 64
NC = 10


def setup_inputs(seed: int = 0) -> dict:
    key = jax.random.key(seed)
    ks = jax.random.split(key, 16)
    x = jax.random.normal(ks[0], (N, D), dtype=jnp.float32)
    edge_index = jax.random.randint(ks[1], (2, E), 0, N)
    batch = jnp.sort(jax.random.randint(ks[2], (N,), 0, NG))
    W1 = jax.random.normal(ks[3], (D, H), dtype=jnp.float32) * (1.0 / np.sqrt(D))
    a1_src = jax.random.normal(ks[4], (H,), dtype=jnp.float32) * 0.05
    a1_dst = jax.random.normal(ks[5], (H,), dtype=jnp.float32) * 0.05
    b1 = jnp.zeros((H,), dtype=jnp.float32)
    W2 = jax.random.normal(ks[6], (H, H), dtype=jnp.float32) * (1.0 / np.sqrt(H))
    a2_src = jax.random.normal(ks[7], (H,), dtype=jnp.float32) * 0.05
    a2_dst = jax.random.normal(ks[8], (H,), dtype=jnp.float32) * 0.05
    b2 = jnp.zeros((H,), dtype=jnp.float32)
    W_fc1 = jax.random.normal(ks[9], (H, NHID), dtype=jnp.float32) * (1.0 / np.sqrt(H))
    b_fc1 = jnp.zeros((NHID,), dtype=jnp.float32)
    W_fc2 = jax.random.normal(ks[10], (NHID, NC), dtype=jnp.float32) * (1.0 / np.sqrt(NHID))
    b_fc2 = jnp.zeros((NC,), dtype=jnp.float32)
    return {"x": x, "edge_index": edge_index, "batch": batch,
            "W1": W1, "a1_src": a1_src, "a1_dst": a1_dst, "b1": b1,
            "W2": W2, "a2_src": a2_src, "a2_dst": a2_dst, "b2": b2,
            "W_fc1": W_fc1, "b_fc1": b_fc1, "W_fc2": W_fc2, "b_fc2": b_fc2}


def _gat_conv(x, edge_index, W, a_src, a_dst, b):
    # PyG GATConv (heads=1, negative_slope=0.2, add_self_loops=True)
    n = x.shape[0]
    loops = jnp.arange(n, dtype=edge_index.dtype)
    src = jnp.concatenate([edge_index[0], loops])
    dst = jnp.concatenate([edge_index[1], loops])
    h = x @ W
    alpha_s = (h * a_src).sum(axis=-1)
    alpha_d = (h * a_dst).sum(axis=-1)
    e = jax.nn.leaky_relu(alpha_s[src] + alpha_d[dst], negative_slope=0.2)
    emax = jax.lax.stop_gradient(jax.ops.segment_max(e, dst, num_segments=n))
    ee = jnp.exp(e - emax[dst])
    denom = jax.ops.segment_sum(ee, dst, num_segments=n)
    alpha = ee / (denom[dst] + 1e-16)
    out = jax.ops.segment_sum(h[src] * alpha[:, None], dst, num_segments=n)
    return out + b


def reference(x, edge_index, batch, W1, a1_src, a1_dst, b1, W2, a2_src, a2_dst, b2, W_fc1, b_fc1, W_fc2, b_fc2):
    h = jax.nn.selu(_gat_conv(x, edge_index, W1, a1_src, a1_dst, b1))
    h = jax.nn.selu(_gat_conv(h, edge_index, W2, a2_src, a2_dst, b2))
    sums = jax.ops.segment_sum(h, batch, num_segments=NG)
    cnt = jax.ops.segment_sum(jnp.ones((h.shape[0],), dtype=h.dtype), batch, num_segments=NG)
    g = sums / jnp.maximum(cnt, 1.0)[:, None]
    g = jax.nn.selu(g)
    g = jax.nn.selu(g @ W_fc1 + b_fc1)
    # dropout is identity in eval mode
    g = g @ W_fc2 + b_fc2
    return jax.nn.log_softmax(g, axis=-1)

if __name__ == "__main__":
    import jax
    _d = setup_inputs()
    print(jax.jit(kernel)(*tuple(_d.values())))

</pallas_src>

<mosaic_0001>
#map = affine_map<(d0, d1) -> (0, 0)>
#map1 = affine_map<(d0, d1) -> (0)>
#map2 = affine_map<(d0, d1) -> (0, 0, 0)>
module attributes {stable_mosaic.version = 14 : i64} {
  func.func @_edge_body(%arg0: i32, %arg1: i32, %arg2: memref<10000x128xf32, #tpu.memory_space<hbm>>, %arg3: memref<10000xf32, #tpu.memory_space<hbm>>, %arg4: memref<10000xf32, #tpu.memory_space<hbm>>, %arg5: memref<320000xi32, #tpu.memory_space<hbm>>, %arg6: memref<320000xi32, #tpu.memory_space<hbm>>, %arg7: memref<2x10240x128xf32, #tpu.memory_space<hbm>>, %arg8: memref<2x16x640xf32, #tpu.memory_space<hbm>>, %arg9: memref<10240x128xf32, #tpu.memory_space<vmem_shared>>, %arg10: memref<10240xf32, #tpu.memory_space<vmem_shared>>, %arg11: memref<10000xf32, #tpu.memory_space<vmem>>, %arg12: memref<10000xf32, #tpu.memory_space<vmem>>, %arg13: memref<80xi32, #tpu.memory_space<vmem>>, %arg14: memref<80xi32, #tpu.memory_space<vmem>>, %arg15: memref<80x128xf32, #tpu.memory_space<vmem>>, %arg16: memref<80xf32, #tpu.memory_space<vmem>>, %arg17: memref<128x128xf32, #tpu.memory_space<vmem>>, %arg18: memref<640xf32, #tpu.memory_space<vmem>>, %arg19: memref<!tpu.dma_semaphore, #tpu.memory_space<semaphore_mem>>) attributes {dimension_semantics = [#tpu.dimension_semantics<core_parallel>, #tpu.dimension_semantics<subcore_parallel>], iteration_bounds = array<i64: 2, 16>, scalar_prefetch = 0 : i64, scratch_operands = 11 : i64, tpu.core_type = #tpu.core_type<sc_vector_subcore>, window_params = [{transform_indices = #map}, {transform_indices = #map1}, {transform_indices = #map1}, {transform_indices = #map1}, {transform_indices = #map1}, {transform_indices = #map2}, {transform_indices = #map2}]} {
    %mul3A = arith.constant 2 : i32
    %mul3A_0 = arith.muli %arg1, %mul3A : i32
    %add3A = arith.addi %mul3A_0, %arg0 : i32
    "tpu.region"() ({
      %run_scoped3A = tpu.sem_alloc : memref<!tpu.dma_semaphore, #tpu.memory_space<semaphore_mem>>
      tpu.enqueue_dma source(%arg3 : memref<10000xf32, #tpu.memory_space<hbm>>) target(%arg11 : memref<10000xf32, #tpu.memory_space<vmem>>) target_semaphore(%run_scoped3A : memref<!tpu.dma_semaphore, #tpu.memory_space<semaphore_mem>>)
      tpu.wait_dma2 semaphore(%run_scoped3A : memref<!tpu.dma_semaphore, #tpu.memory_space<semaphore_mem>>) src(%arg3 : memref<10000xf32, #tpu.memory_space<hbm>>) dst(%arg11 : memref<10000xf32, #tpu.memory_space<vmem>>)
      tpu.yield
    }) : () -> ()
    "tpu.region"() ({
      %run_scoped3A = tpu.sem_alloc : memref<!tpu.dma_semaphore, #tpu.memory_space<semaphore_mem>>
      tpu.enqueue_dma source(%arg4 : memref<10000xf32, #tpu.memory_space<hbm>>) target(%arg12 : memref<10000xf32, #tpu.memory_space<vmem>>) target_semaphore(%run_scoped3A : memref<!tpu.dma_semaphore, #tpu.memory_space<semaphore_mem>>)
      tpu.wait_dma2 semaphore(%run_scoped3A : memref<!tpu.dma_semaphore, #tpu.memory_space<semaphore_mem>>) src(%arg4 : memref<10000xf32, #tpu.memory_space<hbm>>) dst(%arg12 : memref<10000xf32, #tpu.memory_space<vmem>>)
      tpu.yield
    }) : () -> ()
    %broadcast_in_dim3A = arith.constant 0.000000e+00 : f32
    %broadcast_in_dim3A_1 = vector.broadcast %broadcast_in_dim3A : f32 to vector<16xf32>
    %scan3A = arith.constant 0 : i32
    %scan3A_2 = arith.constant 0 : i32
    %scan3A_3 = arith.constant 128 : i32
    %scan3A_4 = arith.addi %scan3A_2, %scan3A_3 : i32
    %scan3A_5 = arith.constant 1 : i32
    scf.for %scan3A_46 = %scan3A_2 to %scan3A_4 step %scan3A_5  : i32 {
      %swap3A = arith.index_cast %scan3A_46 : i32 to index
      %swap3A_47 = arith.constant 0 : index
      %swap3A_48 = tpu.vector_load %arg17[%swap3A, %swap3A_47] {strides = array<i32>} : memref<128x128xf32, #tpu.memory_space<vmem>>, vector<16xf32>,
      tpu.vector_store %arg17[%swap3A, %swap3A_47], %broadcast_in_dim3A_1 {strides = array<i32>} : memref<128x128xf32, #tpu.memory_space<vmem>>, vector<16xf32>,
      %swap3A_49 = arith.index_cast %scan3A_46 : i32 to index
      %swap3A_50 = arith.constant 16 : index
      %swap3A_51 = tpu.vector_load %arg17[%swap3A_49, %swap3A_50] {strides = array<i32>} : memref<128x128xf32, #tpu.memory_space<vmem>>, vector<16xf32>,
      tpu.vector_store %arg17[%swap3A_49, %swap3A_50], %broadcast_in_dim3A_1 {strides = array<i32>} : memref<128x128xf32, #tpu.memory_space<vmem>>, vector<16xf32>,
      %swap3A_52 = arith.index_cast %scan3A_46 : i32 to index
      %swap3A_53 = arith.constant 32 : index
      %swap3A_54 = tpu.vector_load %arg17[%swap3A_52, %swap3A_53] {strides = array<i32>} : memref<128x128xf32, #tpu.memory_space<vmem>>, vector<16xf32>,
      tpu.vector_store %arg17[%swap3A_52, %swap3A_53], %broadcast_in_dim3A_1 {strides = array<i32>} : memref<128x128xf32, #tpu.memory_space<vmem>>, vector<16xf32>,
      %swap3A_55 = arith.index_cast %scan3A_46 : i32 to index
      %swap3A_56 = arith.constant 48 : index
      %swap3A_57 = tpu.vector_load %arg17[%swap3A_55, %swap3A_56] {strides = array<i32>} : memref<128x128xf32, #tpu.memory_space<vmem>>, vector<16xf32>,
      tpu.vector_store %arg17[%swap3A_55, %swap3A_56], %broadcast_in_dim3A_1 {strides = array<i32>} : memref<128x128xf32, #tpu.memory_space<vmem>>, vector<16xf32>,
      %swap3A_58 = arith.index_cast %scan3A_46 : i32 to index
      %swap3A_59 = arith.constant 64 : index
      %swap3A_60 = tpu.vector_load %arg17[%swap3A_58, %swap3A_59] {strides = array<i32>} : memref<128x128xf32, #tpu.memory_space<vmem>>, vector<16xf32>,
      tpu.vector_store %arg17[%swap3A_58, %swap3A_59], %broadcast_in_dim3A_1 {strides = array<i32>} : memref<128x128xf32, #tpu.memory_space<vmem>>, vector<16xf32>,
      %swap3A_61 = arith.index_cast %scan3A_46 : i32 to index
      %swap3A_62 = arith.constant 80 : index
      %swap3A_63 = tpu.vector_load %arg17[%swap3A_61, %swap3A_62] {strides = array<i32>} : memref<128x128xf32, #tpu.memory_space<vmem>>, vector<16xf32>,
      tpu.vector_store %arg17[%swap3A_61, %swap3A_62], %broadcast_in_dim3A_1 {strides = array<i32>} : memref<128x128xf32, #tpu.memory_space<vmem>>, vector<16xf32>,
      %swap3A_64 = arith.index_cast %scan3A_46 : i32 to index
      %swap3A_65 = arith.constant 96 : index
      %swap3A_66 = tpu.vector_load %arg17[%swap3A_64, %swap3A_65] {strides = array<i32>} : memref<128x128xf32, #tpu.memory_space<vmem>>, vector<16xf32>,
      tpu.vector_store %arg17[%swap3A_64, %swap3A_65], %broadcast_in_dim3A_1 {strides = array<i32>} : memref<128x128xf32, #tpu.memory_space<vmem>>, vector<16xf32>,
      %swap3A_67 = arith.index_cast %scan3A_46 : i32 to index
      %swap3A_68 = arith.constant 112 : index
      %swap3A_69 = tpu.vector_load %arg17[%swap3A_67, %swap3A_68] {strides = array<i32>} : memref<128x128xf32, #tpu.memory_space<vmem>>, vector<16xf32>,
      tpu.vector_store %arg17[%swap3A_67, %swap3A_68], %broadcast_in_dim3A_1 {strides = array<i32>} : memref<128x128xf32, #tpu.memory_space<vmem>>, vector<16xf32>,
    }
    %scan3A_6 = arith.constant 128 : i32
    %scan3A_7 = arith.constant 0 : i32
    %scan3A_8 = arith.constant 0 : i32
    %scan3A_9 = arith.constant 40 : i32
    %scan3A_10 = arith.addi %scan3A_8, %scan3A_9 : i32
    %scan3A_11 = arith.constant 1 : i32
    scf.for %scan3A_46 = %scan3A_8 to %scan3A_10 step %scan3A_11  : i32 {
      %mul3A_47 = arith.constant 16 : i32
      %mul3A_48 = arith.muli %scan3A_46, %mul3A_47 : i32
      %swap3A = arith.index_cast %mul3A_48 : i32 to index
      %swap3A_49 = tpu.vector_load %arg18[%swap3A] {strides = array<i32>} : memref<640xf32, #tpu.memory_space<vmem>>, vector<16xf32>,
      tpu.vector_store %arg18[%swap3A], %broadcast_in_dim3A_1 {strides = array<i32>} : memref<640xf32, #tpu.memory_space<vmem>>, vector<16xf32>,
    }
    %scan3A_12 = arith.constant 40 : i32
    %mul3A_13 = arith.constant 640 : i32
    %mul3A_14 = arith.muli %arg1, %mul3A_13 : i32
    %add3A_15 = arith.constant 0 : i32
    %add3A_16 = arith.addi %mul3A_14, %add3A_15 : i32
    "tpu.region"() ({
      %run_scoped3A = tpu.sem_alloc : memref<!tpu.dma_semaphore, #tpu.memory_space<semaphore_mem>>
      %dma_start3A = arith.constant 0 : i32
      %dma_start3A_46 = tpu.memref_slice %arg9[%add3A_16, %dma_start3A] : memref<10240x128xf32, #tpu.memory_space<vmem_shared>> -> memref<128x128xf32, #tpu.memory_space<vmem_shared>>
      %dma_start3A_47 = arith.constant 0 : i32
      %dma_start3A_48 = tpu.memref_slice %arg9[%add3A_16, %dma_start3A_47] : memref<10240x128xf32, #tpu.memory_space<vmem_shared>> -> memref<128x128xf32, #tpu.memory_space<vmem_shared>>
      tpu.enqueue_dma source(%arg17 : memref<128x128xf32, #tpu.memory_space<vmem>>) target(%dma_start3A_48 : memref<128x128xf32, #tpu.memory_space<vmem_shared>>) target_semaphore(%run_scoped3A : memref<!tpu.dma_semaphore, #tpu.memory_space<semaphore_mem>>)
      %dma_wait3A = arith.constant 0 : i32
      %dma_wait3A_49 = tpu.memref_slice %arg9[%add3A_16, %dma_wait3A] : memref<10240x128xf32, #tpu.memory_space<vmem_shared>> -> memref<128x128xf32, #tpu.memory_space<vmem_shared>>
      %dma_wait3A_50 = arith.constant 0 : i32
      %dma_wait3A_51 = tpu.memref_slice %arg9[%add3A_16, %dma_wait3A_50] : memref<10240x128xf32, #tpu.memory_space<vmem_shared>> -> memref<128x128xf32, #tpu.memory_space<vmem_shared>>
      tpu.wait_dma2 semaphore(%run_scoped3A : memref<!tpu.dma_semaphore, #tpu.memory_space<semaphore_mem>>) src(%arg17 : memref<128x128xf32, #tpu.memory_space<vmem>>) dst(%dma_wait3A_51 : memref<128x128xf32, #tpu.memory_space<vmem_shared>>)
      tpu.yield
    }) : () -> ()
    %mul3A_17 = arith.constant 640 : i32
    %mul3A_18 = arith.muli %arg1, %mul3A_17 : i32
    %add3A_19 = arith.constant 128 : i32
    %add3A_20 = arith.addi %mul3A_18, %add3A_19 : i32
    "tpu.region"() ({
      %run_scoped3A = tpu.sem_alloc : memref<!tpu.dma_semaphore, #tpu.memory_space<semaphore_mem>>
      %dma_start3A = arith.constant 0 : i32
      %dma_start3A_46 = tpu.memref_slice %arg9[%add3A_20, %dma_start3A] : memref<10240x128xf32, #tpu.memory_space<vmem_shared>> -> memref<128x128xf32, #tpu.memory_space<vmem_shared>>
      %dma_start3A_47 = arith.constant 0 : i32
      %dma_start3A_48 = tpu.memref_slice %arg9[%add3A_20, %dma_start3A_47] : memref<10240x128xf32, #tpu.memory_space<vmem_shared>> -> memref<128x128xf32, #tpu.memory_space<vmem_shared>>
      tpu.enqueue_dma source(%arg17 : memref<128x128xf32, #tpu.memory_space<vmem>>) target(%dma_start3A_48 : memref<128x128xf32, #tpu.memory_space<vmem_shared>>) target_semaphore(%run_scoped3A : memref<!tpu.dma_semaphore, #tpu.memory_space<semaphore_mem>>)
      %dma_wait3A = arith.constant 0 : i32
      %dma_wait3A_49 = tpu.memref_slice %arg9[%add3A_20, %dma_wait3A] : memref<10240x128xf32, #tpu.memory_space<vmem_shared>> -> memref<128x128xf32, #tpu.memory_space<vmem_shared>>
      %dma_wait3A_50 = arith.constant 0 : i32
      %dma_wait3A_51 = tpu.memref_slice %arg9[%add3A_20, %dma_wait3A_50] : memref<10240x128xf32, #tpu.memory_space<vmem_shared>> -> memref<128x128xf32, #tpu.memory_space<vmem_shared>>
      tpu.wait_dma2 semaphore(%run_scoped3A : memref<!tpu.dma_semaphore, #tpu.memory_space<semaphore_mem>>) src(%arg17 : memref<128x128xf32, #tpu.memory_space<vmem>>) dst(%dma_wait3A_51 : memref<128x128xf32, #tpu.memory_space<vmem_shared>>)
      tpu.yield
    }) : () -> ()
    %mul3A_21 = arith.constant 640 : i32
    %mul3A_22 = arith.muli %arg1, %mul3A_21 : i32
    %add3A_23 = arith.constant 256 : i32
    %add3A_24 = arith.addi %mul3A_22, %add3A_23 : i32
    "tpu.region"() ({
      %run_scoped3A = tpu.sem_alloc : memref<!tpu.dma_semaphore, #tpu.memory_space<semaphore_mem>>
      %dma_start3A = arith.constant 0 : i32
      %dma_start3A_46 = tpu.memref_slice %arg9[%add3A_24, %dma_start3A] : memref<10240x128xf32, #tpu.memory_space<vmem_shared>> -> memref<128x128xf32, #tpu.memory_space<vmem_shared>>
      %dma_start3A_47 = arith.constant 0 : i32
      %dma_start3A_48 = tpu.memref_slice %arg9[%add3A_24, %dma_start3A_47] : memref<10240x128xf32, #tpu.memory_space<vmem_shared>> -> memref<128x128xf32, #tpu.memory_space<vmem_shared>>
      tpu.enqueue_dma source(%arg17 : memref<128x128xf32, #tpu.memory_space<vmem>>) target(%dma_start3A_48 : memref<128x128xf32, #tpu.memory_space<vmem_shared>>) target_semaphore(%run_scoped3A : memref<!tpu.dma_semaphore, #tpu.memory_space<semaphore_mem>>)
      %dma_wait3A = arith.constant 0 : i32
      %dma_wait3A_49 = tpu.memref_slice %arg9[%add3A_24, %dma_wait3A] : memref<10240x128xf32, #tpu.memory_space<vmem_shared>> -> memref<128x128xf32, #tpu.memory_space<vmem_shared>>
      %dma_wait3A_50 = arith.constant 0 : i32
      %dma_wait3A_51 = tpu.memref_slice %arg9[%add3A_24, %dma_wait3A_50] : memref<10240x128xf32, #tpu.memory_space<vmem_shared>> -> memref<128x128xf32, #tpu.memory_space<vmem_shared>>
      tpu.wait_dma2 semaphore(%run_scoped3A : memref<!tpu.dma_semaphore, #tpu.memory_space<semaphore_mem>>) src(%arg17 : memref<128x128xf32, #tpu.memory_space<vmem>>) dst(%dma_wait3A_51 : memref<128x128xf32, #tpu.memory_space<vmem_shared>>)
      tpu.yield
    }) : () -> ()
    %mul3A_25 = arith.constant 640 : i32
    %mul3A_26 = arith.muli %arg1, %mul3A_25 : i32
    %add3A_27 = arith.constant 384 : i32
    %add3A_28 = arith.addi %mul3A_26, %add3A_27 : i32
    "tpu.region"() ({
      %run_scoped3A = tpu.sem_alloc : memref<!tpu.dma_semaphore, #tpu.memory_space<semaphore_mem>>
      %dma_start3A = arith.constant 0 : i32
      %dma_start3A_46 = tpu.memref_slice %arg9[%add3A_28, %dma_start3A] : memref<10240x128xf32, #tpu.memory_space<vmem_shared>> -> memref<128x128xf32, #tpu.memory_space<vmem_shared>>
      %dma_start3A_47 = arith.constant 0 : i32
      %dma_start3A_48 = tpu.memref_slice %arg9[%add3A_28, %dma_start3A_47] : memref<10240x128xf32, #tpu.memory_space<vmem_shared>> -> memref<128x128xf32, #tpu.memory_space<vmem_shared>>
      tpu.enqueue_dma source(%arg17 : memref<128x128xf32, #tpu.memory_space<vmem>>) target(%dma_start3A_48 : memref<128x128xf32, #tpu.memory_space<vmem_shared>>) target_semaphore(%run_scoped3A : memref<!tpu.dma_semaphore, #tpu.memory_space<semaphore_mem>>)
      %dma_wait3A = arith.constant 0 : i32
      %dma_wait3A_49 = tpu.memref_slice %arg9[%add3A_28, %dma_wait3A] : memref<10240x128xf32, #tpu.memory_space<vmem_shared>> -> memref<128x128xf32, #tpu.memory_space<vmem_shared>>
      %dma_wait3A_50 = arith.constant 0 : i32
      %dma_wait3A_51 = tpu.memref_slice %arg9[%add3A_28, %dma_wait3A_50] : memref<10240x128xf32, #tpu.memory_space<vmem_shared>> -> memref<128x128xf32, #tpu.memory_space<vmem_shared>>
      tpu.wait_dma2 semaphore(%run_scoped3A : memref<!tpu.dma_semaphore, #tpu.memory_space<semaphore_mem>>) src(%arg17 : memref<128x128xf32, #tpu.memory_space<vmem>>) dst(%dma_wait3A_51 : memref<128x128xf32, #tpu.memory_space<vmem_shared>>)
      tpu.yield
    }) : () -> ()
    %mul3A_29 = arith.constant 640 : i32
    %mul3A_30 = arith.muli %arg1, %mul3A_29 : i32
    %add3A_31 = arith.constant 512 : i32
    %add3A_32 = arith.addi %mul3A_30, %add3A_31 : i32
    "tpu.region"() ({
      %run_scoped3A = tpu.sem_alloc : memref<!tpu.dma_semaphore, #tpu.memory_space<semaphore_mem>>
      %dma_start3A = arith.constant 0 : i32
      %dma_start3A_46 = tpu.memref_slice %arg9[%add3A_32, %dma_start3A] : memref<10240x128xf32, #tpu.memory_space<vmem_shared>> -> memref<128x128xf32, #tpu.memory_space<vmem_shared>>
      %dma_start3A_47 = arith.constant 0 : i32
      %dma_start3A_48 = tpu.memref_slice %arg9[%add3A_32, %dma_start3A_47] : memref<10240x128xf32, #tpu.memory_space<vmem_shared>> -> memref<128x128xf32, #tpu.memory_space<vmem_shared>>
      tpu.enqueue_dma source(%arg17 : memref<128x128xf32, #tpu.memory_space<vmem>>) target(%dma_start3A_48 : memref<128x128xf32, #tpu.memory_space<vmem_shared>>) target_semaphore(%run_scoped3A : memref<!tpu.dma_semaphore, #tpu.memory_space<semaphore_mem>>)
      %dma_wait3A = arith.constant 0 : i32
      %dma_wait3A_49 = tpu.memref_slice %arg9[%add3A_32, %dma_wait3A] : memref<10240x128xf32, #tpu.memory_space<vmem_shared>> -> memref<128x128xf32, #tpu.memory_space<vmem_shared>>
      %dma_wait3A_50 = arith.constant 0 : i32
      %dma_wait3A_51 = tpu.memref_slice %arg9[%add3A_32, %dma_wait3A_50] : memref<10240x128xf32, #tpu.memory_space<vmem_shared>> -> memref<128x128xf32, #tpu.memory_space<vmem_shared>>
      tpu.wait_dma2 semaphore(%run_scoped3A : memref<!tpu.dma_semaphore, #tpu.memory_space<semaphore_mem>>) src(%arg17 : memref<128x128xf32, #tpu.memory_space<vmem>>) dst(%dma_wait3A_51 : memref<128x128xf32, #tpu.memory_space<vmem_shared>>)
      tpu.yield
    }) : () -> ()
    %mul3A_33 = arith.constant 640 : i32
    %mul3A_34 = arith.muli %arg1, %mul3A_33 : i32
    "tpu.region"() ({
      %run_scoped3A = tpu.sem_alloc : memref<!tpu.dma_semaphore, #tpu.memory_space<semaphore_mem>>
      %dma_start3A = tpu.memref_slice %arg10[%mul3A_34] : memref<10240xf32, #tpu.memory_space<vmem_shared>> -> memref<640xf32, #tpu.memory_space<vmem_shared>>
      %dma_start3A_46 = tpu.memref_slice %arg10[%mul3A_34] : memref<10240xf32, #tpu.memory_space<vmem_shared>> -> memref<640xf32, #tpu.memory_space<vmem_shared>>
      tpu.enqueue_dma source(%arg18 : memref<640xf32, #tpu.memory_space<vmem>>) target(%dma_start3A_46 : memref<640xf32, #tpu.memory_space<vmem_shared>>) target_semaphore(%run_scoped3A : memref<!tpu.dma_semaphore, #tpu.memory_space<semaphore_mem>>)
      %dma_wait3A = tpu.memref_slice %arg10[%mul3A_34] : memref<10240xf32, #tpu.memory_space<vmem_shared>> -> memref<640xf32, #tpu.memory_space<vmem_shared>>
      %dma_wait3A_47 = tpu.memref_slice %arg10[%mul3A_34] : memref<10240xf32, #tpu.memory_space<vmem_shared>> -> memref<640xf32, #tpu.memory_space<vmem_shared>>
      tpu.wait_dma2 semaphore(%run_scoped3A : memref<!tpu.dma_semaphore, #tpu.memory_space<semaphore_mem>>) src(%arg18 : memref<640xf32, #tpu.memory_space<vmem>>) dst(%dma_wait3A_47 : memref<640xf32, #tpu.memory_space<vmem_shared>>)
      tpu.yield
    }) : () -> ()
    %barrier3A = arith.constant 0 : index
    tpu.barrier barrier_id(%barrier3A)
    %scan3A_35 = arith.constant 0 : i32
    %scan3A_36 = arith.constant 0 : i32
    %scan3A_37 = arith.constant 125 : i32
    %scan3A_38 = arith.addi %scan3A_36, %scan3A_37 : i32
    %scan3A_39 = arith.constant 1 : i32
    scf.for %scan3A_46 = %scan3A_36 to %scan3A_38 step %scan3A_39  : i32 {
      %mul3A_47 = arith.constant 10000 : i32
      %mul3A_48 = arith.muli %add3A, %mul3A_47 : i32
      %mul3A_49 = arith.constant 80 : i32
      %mul3A_50 = arith.muli %scan3A_46, %mul3A_49 : i32
      %add3A_51 = arith.addi %mul3A_48, %mul3A_50 : i32
      %multiple_of3A = tpu.assume_multiple %add3A_51, 80 : i32
      "tpu.region"() ({
        %run_scoped3A = tpu.sem_alloc : memref<!tpu.dma_semaphore, #tpu.memory_space<semaphore_mem>>
        %dma_start3A_141 = tpu.memref_slice %arg5[%multiple_of3A] : memref<320000xi32, #tpu.memory_space<hbm>> -> memref<80xi32, #tpu.memory_space<hbm>>
        %dma_start3A_142 = tpu.memref_slice %arg5[%multiple_of3A] : memref<320000xi32, #tpu.memory_space<hbm>> -> memref<80xi32, #tpu.memory_space<hbm>>
        tpu.enqueue_dma source(%dma_start3A_142 : memref<80xi32, #tpu.memory_space<hbm>>) target(%arg13 : memref<80xi32, #tpu.memory_space<vmem>>) target_semaphore(%run_scoped3A : memref<!tpu.dma_semaphore, #tpu.memory_space<semaphore_mem>>)
        %dma_wait3A_143 = tpu.memref_slice %arg5[%multiple_of3A] : memref<320000xi32, #tpu.memory_space<hbm>> -> memref<80xi32, #tpu.memory_space<hbm>>
        %dma_wait3A_144 = tpu.memref_slice %arg5[%multiple_of3A] : memref<320000xi32, #tpu.memory_space<hbm>> -> memref<80xi32, #tpu.memory_space<hbm>>
        tpu.wait_dma2 semaphore(%run_scoped3A : memref<!tpu.dma_semaphore, #tpu.memory_space<semaphore_mem>>) src(%dma_wait3A_144 : memref<80xi32, #tpu.memory_space<hbm>>) dst(%arg13 : memref<80xi32, #tpu.memory_space<vmem>>)
        tpu.yield
      }) : () -> ()
      "tpu.region"() ({
        %run_scoped3A = tpu.sem_alloc : memref<!tpu.dma_semaphore, #tpu.memory_space<semaphore_mem>>
        %dma_start3A_141 = tpu.memref_slice %arg6[%multiple_of3A] : memref<320000xi32, #tpu.memory_space<hbm>> -> memref<80xi32, #tpu.memory_space<hbm>>
        %dma_start3A_142 = tpu.memref_slice %arg6[%multiple_of3A] : memref<320000xi32, #tpu.memory_space<hbm>> -> memref<80xi32, #tpu.memory_space<hbm>>
        tpu.enqueue_dma source(%dma_start3A_142 : memref<80xi32, #tpu.memory_space<hbm>>) target(%arg14 : memref<80xi32, #tpu.memory_space<vmem>>) target_semaphore(%run_scoped3A : memref<!tpu.dma_semaphore, #tpu.memory_space<semaphore_mem>>)
        %dma_wait3A_143 = tpu.memref_slice %arg6[%multiple_of3A] : memref<320000xi32, #tpu.memory_space<hbm>> -> memref<80xi32, #tpu.memory_space<hbm>>
        %dma_wait3A_144 = tpu.memref_slice %arg6[%multiple_of3A] : memref<320000xi32, #tpu.memory_space<hbm>> -> memref<80xi32, #tpu.memory_space<hbm>>
        tpu.wait_dma2 semaphore(%run_scoped3A : memref<!tpu.dma_semaphore, #tpu.memory_space<semaphore_mem>>) src(%dma_wait3A_144 : memref<80xi32, #tpu.memory_space<hbm>>) dst(%arg14 : memref<80xi32, #tpu.memory_space<vmem>>)
        tpu.yield
      }) : () -> ()
      %dma_start3A = arith.constant 0 : i32
      %dma_start3A_52 = arith.constant 0 : i32
      %dma_start3A_53 = tpu.memref_slice %arg2[%dma_start3A, %dma_start3A_52] : memref<10000x128xf32, #tpu.memory_space<hbm>> -> memref<10000x128xf32, #tpu.memory_space<hbm>>
      tpu.enqueue_indirect_dma source(%dma_start3A_53 : memref<10000x128xf32, #tpu.memory_space<hbm>>) target(%arg15 : memref<80x128xf32, #tpu.memory_space<vmem>>) offsets(%arg13 : memref<80xi32, #tpu.memory_space<vmem>>) semaphore(%arg19 : memref<!tpu.dma_semaphore, #tpu.memory_space<semaphore_mem>>)
      %dma_wait3A = arith.constant 0 : i32
      %dma_wait3A_54 = arith.constant 0 : i32
      %dma_wait3A_55 = tpu.memref_slice %arg2[%dma_wait3A, %dma_wait3A_54] : memref<10000x128xf32, #tpu.memory_space<hbm>> -> memref<10000x128xf32, #tpu.memory_space<hbm>>
      tpu.wait_indirect_dma semaphore(%arg19 : memref<!tpu.dma_semaphore, #tpu.memory_space<semaphore_mem>>) src(%dma_wait3A_55 : memref<10000x128xf32, #tpu.memory_space<hbm>>) dst(%arg15 : memref<80x128xf32, #tpu.memory_space<vmem>>)
      %get3A = arith.constant 0 : index
      %get3A_56 = tpu.vector_load %arg13[%get3A] {strides = array<i32>} : memref<80xi32, #tpu.memory_space<vmem>>, vector<16xi32>,
      %get3A_57 = arith.constant 0 : index
      %get3A_58 = tpu.vector_load %arg14[%get3A_57] {strides = array<i32>} : memref<80xi32, #tpu.memory_space<vmem>>, vector<16xi32>,
      %gather3A = tpu.vector_load_idx %arg11[%get3A_56] : memref<10000xf32, #tpu.memory_space<vmem>>[vector<16xi32>], vector<16xf32>,
      %gather3A_59 = tpu.vector_load_idx %arg12[%get3A_58] : memref<10000xf32, #tpu.memory_space<vmem>>[vector<16xi32>], vector<16xf32>,
      %add3A_60 = arith.addf %gather3A, %gather3A_59 : vector<16xf32>
      %ge3A = arith.constant 0.000000e+00 : f32
      %ge3A_61 = vector.broadcast %ge3A : f32 to vector<16xf32>
      %ge3A_62 = arith.cmpf oge, %add3A_60, %ge3A_61 : vector<16xf32>
      %mul3A_63 = arith.constant 2.000000e-01 : f32
      %mul3A_64 = vector.broadcast %mul3A_63 : f32 to vector<16xf32>
      %mul3A_65 = arith.mulf %add3A_60, %mul3A_64 : vector<16xf32>
      %select_n3A = arith.select %ge3A_62, %add3A_60, %mul3A_65 : vector<16xi1>, vector<16xf32>
      %exp3A = math.exp %select_n3A : vector<16xf32>
      %swap3A = arith.constant 0 : index
      %swap3A_66 = tpu.vector_load %arg16[%swap3A] {strides = array<i32>} : memref<80xf32, #tpu.memory_space<vmem>>, vector<16xf32>,
      tpu.vector_store %arg16[%swap3A], %exp3A {strides = array<i32>} : memref<80xf32, #tpu.memory_space<vmem>>, vector<16xf32>,
      %get3A_67 = arith.constant 16 : index
      %get3A_68 = tpu.vector_load %arg13[%get3A_67] {strides = array<i32>} : memref<80xi32, #tpu.memory_space<vmem>>, vector<16xi32>,
      %get3A_69 = arith.constant 16 : index
      %get3A_70 = tpu.vector_load %arg14[%get3A_69] {strides = array<i32>} : memref<80xi32, #tpu.memory_space<vmem>>, vector<16xi32>,
      %gather3A_71 = tpu.vector_load_idx %arg11[%get3A_68] : memref<10000xf32, #tpu.memory_space<vmem>>[vector<16xi32>], vector<16xf32>,
      %gather3A_72 = tpu.vector_load_idx %arg12[%get3A_70] : memref<10000xf32, #tpu.memory_space<vmem>>[vector<16xi32>], vector<16xf32>,
      %add3A_73 = arith.addf %gather3A_71, %gather3A_72 : vector<16xf32>
      %ge3A_74 = arith.constant 0.000000e+00 : f32
      %ge3A_75 = vector.broadcast %ge3A_74 : f32 to vector<16xf32>
      %ge3A_76 = arith.cmpf oge, %add3A_73, %ge3A_75 : vector<16xf32>
      %mul3A_77 = arith.constant 2.000000e-01 : f32
      %mul3A_78 = vector.broadcast %mul3A_77 : f32 to vector<16xf32>
      %mul3A_79 = arith.mulf %add3A_73, %mul3A_78 : vector<16xf32>
      %select_n3A_80 = arith.select %ge3A_76, %add3A_73, %mul3A_79 : vector<16xi1>, vector<16xf32>
      %exp3A_81 = math.exp %select_n3A_80 : vector<16xf32>
      %swap3A_82 = arith.constant 16 : index
      %swap3A_83 = tpu.vector_load %arg16[%swap3A_82] {strides = array<i32>} : memref<80xf32, #tpu.memory_space<vmem>>, vector<16xf32>,
      tpu.vector_store %arg16[%swap3A_82], %exp3A_81 {strides = array<i32>} : memref<80xf32, #tpu.memory_space<vmem>>, vector<16xf32>,
      %get3A_84 = arith.constant 32 : index
      %get3A_85 = tpu.vector_load %arg13[%get3A_84] {strides = array<i32>} : memref<80xi32, #tpu.memory_space<vmem>>, vector<16xi32>,
      %get3A_86 = arith.constant 32 : index
      %get3A_87 = tpu.vector_load %arg14[%get3A_86] {strides = array<i32>} : memref<80xi32, #tpu.memory_space<vmem>>, vector<16xi32>,
      %gather3A_88 = tpu.vector_load_idx %arg11[%get3A_85] : memref<10000xf32, #tpu.memory_space<vmem>>[vector<16xi32>], vector<16xf32>,
      %gather3A_89 = tpu.vector_load_idx %arg12[%get3A_87] : memref<10000xf32, #tpu.memory_space<vmem>>[vector<16xi32>], vector<16xf32>,
      %add3A_90 = arith.addf %gather3A_88, %gather3A_89 : vector<16xf32>
      %ge3A_91 = arith.constant 0.000000e+00 : f32
      %ge3A_92 = vector.broadcast %ge3A_91 : f32 to vector<16xf32>
      %ge3A_93 = arith.cmpf oge, %add3A_90, %ge3A_92 : vector<16xf32>
      %mul3A_94 = arith.constant 2.000000e-01 : f32
      %mul3A_95 = vector.broadcast %mul3A_94 : f32 to vector<16xf32>
      %mul3A_96 = arith.mulf %add3A_90, %mul3A_95 : vector<16xf32>
      %select_n3A_97 = arith.select %ge3A_93, %add3A_90, %mul3A_96 : vector<16xi1>, vector<16xf32>
      %exp3A_98 = math.exp %select_n3A_97 : vector<16xf32>
      %swap3A_99 = arith.constant 32 : index
      %swap3A_100 = tpu.vector_load %arg16[%swap3A_99] {strides = array<i32>} : memref<80xf32, #tpu.memory_space<vmem>>, vector<16xf32>,
      tpu.vector_store %arg16[%swap3A_99], %exp3A_98 {strides = array<i32>} : memref<80xf32, #tpu.memory_space<vmem>>, vector<16xf32>,
      %get3A_101 = arith.constant 48 : index
      %get3A_102 = tpu.vector_load %arg13[%get3A_101] {strides = array<i32>} : memref<80xi32, #tpu.memory_space<vmem>>, vector<16xi32>,
      %get3A_103 = arith.constant 48 : index
      %get3A_104 = tpu.vector_load %arg14[%get3A_103] {strides = array<i32>} : memref<80xi32, #tpu.memory_space<vmem>>, vector<16xi32>,
      %gather3A_105 = tpu.vector_load_idx %arg11[%get3A_102] : memref<10000xf32, #tpu.memory_space<vmem>>[vector<16xi32>], vector<16xf32>,
      %gather3A_106 = tpu.vector_load_idx %arg12[%get3A_104] : memref<10000xf32, #tpu.memory_space<vmem>>[vector<16xi32>], vector<16xf32>,
      %add3A_107 = arith.addf %gather3A_105, %gather3A_106 : vector<16xf32>
      %ge3A_108 = arith.constant 0.000000e+00 : f32
      %ge3A_109 = vector.broadcast %ge3A_108 : f32 to vector<16xf32>
      %ge3A_110 = arith.cmpf oge, %add3A_107, %ge3A_109 : vector<16xf32>
      %mul3A_111 = arith.constant 2.000000e-01 : f32
      %mul3A_112 = vector.broadcast %mul3A_111 : f32 to vector<16xf32>
      %mul3A_113 = arith.mulf %add3A_107, %mul3A_112 : vector<16xf32>
      %select_n3A_114 = arith.select %ge3A_110, %add3A_107, %mul3A_113 : vector<16xi1>, vector<16xf32>
      %exp3A_115 = math.exp %select_n3A_114 : vector<16xf32>
      %swap3A_116 = arith.constant 48 : index
      %swap3A_117 = tpu.vector_load %arg16[%swap3A_116] {strides = array<i32>} : memref<80xf32, #tpu.memory_space<vmem>>, vector<16xf32>,
      tpu.vector_store %arg16[%swap3A_116], %exp3A_115 {strides = array<i32>} : memref<80xf32, #tpu.memory_space<vmem>>, vector<16xf32>,
      %get3A_118 = arith.constant 64 : index
      %get3A_119 = tpu.vector_load %arg13[%get3A_118] {strides = array<i32>} : memref<80xi32, #tpu.memory_space<vmem>>, vector<16xi32>,
      %get3A_120 = arith.constant 64 : index
      %get3A_121 = tpu.vector_load %arg14[%get3A_120] {strides = array<i32>} : memref<80xi32, #tpu.memory_space<vmem>>, vector<16xi32>,
      %gather3A_122 = tpu.vector_load_idx %arg11[%get3A_119] : memref<10000xf32, #tpu.memory_space<vmem>>[vector<16xi32>], vector<16xf32>,
      %gather3A_123 = tpu.vector_load_idx %arg12[%get3A_121] : memref<10000xf32, #tpu.memory_space<vmem>>[vector<16xi32>], vector<16xf32>,
      %add3A_124 = arith.addf %gather3A_122, %gather3A_123 : vector<16xf32>
      %ge3A_125 = arith.constant 0.000000e+00 : f32
      %ge3A_126 = vector.broadcast %ge3A_125 : f32 to vector<16xf32>
      %ge3A_127 = arith.cmpf oge, %add3A_124, %ge3A_126 : vector<16xf32>
      %mul3A_128 = arith.constant 2.000000e-01 : f32
      %mul3A_129 = vector.broadcast %mul3A_128 : f32 to vector<16xf32>
      %mul3A_130 = arith.mulf %add3A_124, %mul3A_129 : vector<16xf32>
      %select_n3A_131 = arith.select %ge3A_127, %add3A_124, %mul3A_130 : vector<16xi1>, vector<16xf32>
      %exp3A_132 = math.exp %select_n3A_131 : vector<16xf32>
      %swap3A_133 = arith.constant 64 : index
      %swap3A_134 = tpu.vector_load %arg16[%swap3A_133] {strides = array<i32>} : memref<80xf32, #tpu.memory_space<vmem>>, vector<16xf32>,
      tpu.vector_store %arg16[%swap3A_133], %exp3A_132 {strides = array<i32>} : memref<80xf32, #tpu.memory_space<vmem>>, vector<16xf32>,
      %scan3A_135 = arith.constant 0 : i32
      %scan3A_136 = arith.constant 0 : i32
      %scan3A_137 = arith.constant 5 : i32
      %scan3A_138 = arith.addi %scan3A_136, %scan3A_137 : i32
      %scan3A_139 = arith.constant 1 : i32
      scf.for %scan3A_141 = %scan3A_136 to %scan3A_138 step %scan3A_139  : i32 {
        %mul3A_142 = arith.constant 16 : i32
        %mul3A_143 = arith.muli %scan3A_141, %mul3A_142 : i32
        %get3A_144 = arith.index_cast %mul3A_143 : i32 to index
        %get3A_145 = tpu.vector_load %arg16[%get3A_144] {strides = array<i32>} : memref<80xf32, #tpu.memory_space<vmem>>, vector<16xf32>,
        %slice3A = vector.extract_strided_slice %get3A_145 {offsets = [0], sizes = [1], strides = [1]} : vector<16xf32> to vector<1xf32>
        %squeeze3A = vector.extract %slice3A[0] : f32 from vector<1xf32>
        %mul3A_146 = arith.constant 16 : i32
        %mul3A_147 = arith.muli %scan3A_141, %mul3A_146 : i32
        %add3A_148 = arith.constant 0 : i32
        %add3A_149 = arith.addi %mul3A_147, %add3A_148 : i32
        %get3A_150 = arith.index_cast %add3A_149 : i32 to index
        %get3A_151 = arith.constant 0 : index
        %get3A_152 = tpu.vector_load %arg15[%get3A_150, %get3A_151] {strides = array<i32>} : memref<80x128xf32, #tpu.memory_space<vmem>>, vector<16xf32>,
        %mul3A_153 = vector.broadcast %squeeze3A : f32 to vector<16xf32>
        %mul3A_154 = arith.mulf %get3A_152, %mul3A_153 : vector<16xf32>
        %swap3A_155 = arith.index_cast %add3A_149 : i32 to index
        %swap3A_156 = arith.constant 0 : index
        %swap3A_157 = tpu.vector_load %arg15[%swap3A_155, %swap3A_156] {strides = array<i32>} : memref<80x128xf32, #tpu.memory_space<vmem>>, vector<16xf32>,
        tpu.vector_store %arg15[%swap3A_155, %swap3A_156], %mul3A_154 {strides = array<i32>} : memref<80x128xf32, #tpu.memory_space<vmem>>, vector<16xf32>,
        %get3A_158 = arith.index_cast %add3A_149 : i32 to index
        %get3A_159 = arith.constant 16 : index
        %get3A_160 = tpu.vector_load %arg15[%get3A_158, %get3A_159] {strides = array<i32>} : memref<80x128xf32, #tpu.memory_space<vmem>>, vector<16xf32>,
        %mul3A_161 = vector.broadcast %squeeze3A : f32 to vector<16xf32>
        %mul3A_162 = arith.mulf %get3A_160, %mul3A_161 : vector<16xf32>
        %swap3A_163 = arith.index_cast %add3A_149 : i32 to index
        %swap3A_164 = arith.constant 16 : index
        %swap3A_165 = tpu.vector_load %arg15[%swap3A_163, %swap3A_164] {strides = array<i32>} : memref<80x128xf32, #tpu.memory_space<vmem>>, vector<16xf32>,
        tpu.vector_store %arg15[%swap3A_163, %swap3A_164], %mul3A_162 {strides = array<i32>} : memref<80x128xf32, #tpu.memory_space<vmem>>, vector<16xf32>,
        %get3A_166 = arith.index_cast %add3A_149 : i32 to index
        %get3A_167 = arith.constant 32 : index
        %get3A_168 = tpu.vector_load %arg15[%get3A_166, %get3A_167] {strides = array<i32>} : memref<80x128xf32, #tpu.memory_space<vmem>>, vector<16xf32>,
        %mul3A_169 = vector.broadcast %squeeze3A : f32 to vector<16xf32>
        %mul3A_170 = arith.mulf %get3A_168, %mul3A_169 : vector<16xf32>
        %swap3A_171 = arith.index_cast %add3A_149 : i32 to index
        %swap3A_172 = arith.constant 32 : index
        %swap3A_173 = tpu.vector_load %arg15[%swap3A_171, %swap3A_172] {strides = array<i32>} : memref<80x128xf32, #tpu.memory_space<vmem>>, vector<16xf32>,
        tpu.vector_store %arg15[%swap3A_171, %swap3A_172], %mul3A_170 {strides = array<i32>} : memref<80x128xf32, #tpu.memory_space<vmem>>, vector<16xf32>,
        %get3A_174 = arith.index_cast %add3A_149 : i32 to index
        %get3A_175 = arith.constant 48 : index
        %get3A_176 = tpu.vector_load %arg15[%get3A_174, %get3A_175] {strides = array<i32>} : memref<80x128xf32, #tpu.memory_space<vmem>>, vector<16xf32>,
        %mul3A_177 = vector.broadcast %squeeze3A : f32 to vector<16xf32>
        %mul3A_178 = arith.mulf %get3A_176, %mul3A_177 : vector<16xf32>
        %swap3A_179 = arith.index_cast %add3A_149 : i32 to index
        %swap3A_180 = arith.constant 48 : index
        %swap3A_181 = tpu.vector_load %arg15[%swap3A_179, %swap3A_180] {strides = array<i32>} : memref<80x128xf32, #tpu.memory_space<vmem>>, vector<16xf32>,
        tpu.vector_store %arg15[%swap3A_179, %swap3A_180], %mul3A_178 {strides = array<i32>} : memref<80x128xf32, #tpu.memory_space<vmem>>, vector<16xf32>,
        %get3A_182 = arith.index_cast %add3A_149 : i32 to index
        %get3A_183 = arith.constant 64 : index
        %get3A_184 = tpu.vector_load %arg15[%get3A_182, %get3A_183] {strides = array<i32>} : memref<80x128xf32, #tpu.memory_space<vmem>>, vector<16xf32>,
        %mul3A_185 = vector.broadcast %squeeze3A : f32 to vector<16xf32>
        %mul3A_186 = arith.mulf %get3A_184, %mul3A_185 : vector<16xf32>
        %swap3A_187 = arith.index_cast %add3A_149 : i32 to index
        %swap3A_188 = arith.constant 64 : index
        %swap3A_189 = tpu.vector_load %arg15[%swap3A_187, %swap3A_188] {strides = array<i32>} : memref<80x128xf32, #tpu.memory_space<vmem>>, vector<16xf32>,
        tpu.vector_store %arg15[%swap3A_187, %swap3A_188], %mul3A_186 {strides = array<i32>} : memref<80x128xf32, #tpu.memory_space<vmem>>, vector<16xf32>,
        %get3A_190 = arith.index_cast %add3A_149 : i32 to index
        %get3A_191 = arith.constant 80 : index
        %get3A_192 = tpu.vector_load %arg15[%get3A_190, %get3A_191] {strides = array<i32>} : memref<80x128xf32, #tpu.memory_space<vmem>>, vector<16xf32>,
        %mul3A_193 = vector.broadcast %squeeze3A : f32 to vector<16xf32>
        %mul3A_194 = arith.mulf %get3A_192, %mul3A_193 : vector<16xf32>
        %swap3A_195 = arith.index_cast %add3A_149 : i32 to index
        %swap3A_196 = arith.constant 80 : index
        %swap3A_197 = tpu.vector_load %arg15[%swap3A_195, %swap3A_196] {strides = array<i32>} : memref<80x128xf32, #tpu.memory_space<vmem>>, vector<16xf32>,
        tpu.vector_store %arg15[%swap3A_195, %swap3A_196], %mul3A_194 {strides = array<i32>} : memref<80x128xf32, #tpu.memory_space<vmem>>, vector<16xf32>,
        %get3A_198 = arith.index_cast %add3A_149 : i32 to index
        %get3A_199 = arith.constant 96 : index
        %get3A_200 = tpu.vector_load %arg15[%get3A_198, %get3A_199] {strides = array<i32>} : memref<80x128xf32, #tpu.memory_space<vmem>>, vector<16xf32>,
        %mul3A_201 = vector.broadcast %squeeze3A : f32 to vector<16xf32>
        %mul3A_202 = arith.mulf %get3A_200, %mul3A_201 : vector<16xf32>
        %swap3A_203 = arith.index_cast %add3A_149 : i32 to index
        %swap3A_204 = arith.constant 96 : index
        %swap3A_205 = tpu.vector_load %arg15[%swap3A_203, %swap3A_204] {strides = array<i32>} : memref<80x128xf32, #tpu.memory_space<vmem>>, vector<16xf32>,
        tpu.vector_store %arg15[%swap3A_203, %swap3A_204], %mul3A_202 {strides = array<i32>} : memref<80x128xf32, #tpu.memory_space<vmem>>, vector<16xf32>,
        %get3A_206 = arith.index_cast %add3A_149 : i32 to index
        %get3A_207 = arith.constant 112 : index
        %get3A_208 = tpu.vector_load %arg15[%get3A_206, %get3A_207] {strides = array<i32>} : memref<80x128xf32, #tpu.memory_space<vmem>>, vector<16xf32>,
        %mul3A_209 = vector.broadcast %squeeze3A : f32 to vector<16xf32>
        %mul3A_210 = arith.mulf %get3A_208, %mul3A_209 : vector<16xf32>
        %swap3A_211 = arith.index_cast %add3A_149 : i32 to index
        %swap3A_212 = arith.constant 112 : index
        %swap3A_213 = tpu.vector_load %arg15[%swap3A_211, %swap3A_212] {strides = array<i32>} : memref<80x128xf32, #tpu.memory_space<vmem>>, vector<16xf32>,
        tpu.vector_store %arg15[%swap3A_211, %swap3A_212], %mul3A_210 {strides = array<i32>} : memref<80x128xf32, #tpu.memory_space<vmem>>, vector<16xf32>,
        %slice3A_214 = vector.extract_strided_slice %get3A_145 {offsets = [1], sizes = [1], strides = [1]} : vector<16xf32> to vector<1xf32>
        %squeeze3A_215 = vector.extract %slice3A_214[0] : f32 from vector<1xf32>
        %mul3A_216 = arith.constant 16 : i32
        %mul3A_217 = arith.muli %scan3A_141, %mul3A_216 : i32
        %add3A_218 = arith.constant 1 : i32
        %add3A_219 = arith.addi %mul3A_217, %add3A_218 : i32
        %get3A_220 = arith.index_cast %add3A_219 : i32 to index
        %get3A_221 = arith.constant 0 : index
        %get3A_222 = tpu.vector_load %arg15[%get3A_220, %get3A_221] {strides = array<i32>} : memref<80x128xf32, #tpu.memory_space<vmem>>, vector<16xf32>,
        %mul3A_223 = vector.broadcast %squeeze3A_215 : f32 to vector<16xf32>
        %mul3A_224 = arith.mulf %get3A_222, %mul3A_223 : vector<16xf32>
        %swap3A_225 = arith.index_cast %add3A_219 : i32 to index
        %swap3A_226 = arith.constant 0 : index
        %swap3A_227 = tpu.vector_load %arg15[%swap3A_225, %swap3A_226] {strides = array<i32>} : memref<80x128xf32, #tpu.memory_space<vmem>>, vector<16xf32>,
        tpu.vector_store %arg15[%swap3A_225, %swap3A_226], %mul3A_224 {strides = array<i32>} : memref<80x128xf32, #tpu.memory_space<vmem>>, vector<16xf32>,
        %get3A_228 = arith.index_cast %add3A_219 : i32 to index
        %get3A_229 = arith.constant 16 : index
        %get3A_230 = tpu.vector_load %arg15[%get3A_228, %get3A_229] {strides = array<i32>} : memref<80x128xf32, #tpu.memory_space<vmem>>, vector<16xf32>,
        %mul3A_231 = vector.broadcast %squeeze3A_215 : f32 to vector<16xf32>
        %mul3A_232 = arith.mulf %get3A_230, %mul3A_231 : vector<16xf32>
        %swap3A_233 = arith.index_cast %add3A_219 : i32 to index
        %swap3A_234 = arith.constant 16 : index
        %swap3A_235 = tpu.vector_load %arg15[%swap3A_233, %swap3A_234] {strides = array<i32>} : memref<80x128xf32, #tpu.memory_space<vmem>>, vector<16xf32>,
        tpu.vector_store %arg15[%swap3A_233, %swap3A_234], %mul3A_232 {strides = array<i32>} : memref<80x128xf32, #tpu.memory_space<vmem>>, vector<16xf32>,
        %get3A_236 = arith.index_cast %add3A_219 : i32 to index
        %get3A_237 = arith.constant 32 : index
        %get3A_238 = tpu.vector_load %arg15[%get3A_236, %get3A_237] {strides = array<i32>} : memref<80x128xf32, #tpu.memory_space<vmem>>, vector<16xf32>,
        %mul3A_239 = vector.broadcast %squeeze3A_215 : f32 to vector<16xf32>
        %mul3A_240 = arith.mulf %get3A_238, %mul3A_239 : vector<16xf32>
        %swap3A_241 = arith.index_cast %add3A_219 : i32 to index
        %swap3A_242 = arith.constant 32 : index
        %swap3A_243 = tpu.vector_load %arg15[%swap3A_241, %swap3A_242] {strides = array<i32>} : memref<80x128xf32, #tpu.memory_space<vmem>>, vector<16xf32>,
        tpu.vector_store %arg15[%swap3A_241, %swap3A_242], %mul3A_240 {strides = array<i32>} : memref<80x128xf32, #tpu.memory_space<vmem>>, vector<16xf32>,
        %get3A_244 = arith.index_cast %add3A_219 : i32 to index
        %get3A_245 = arith.constant 48 : index
        %get3A_246 = tpu.vector_load %arg15[%get3A_244, %get3A_245] {strides = array<i32>} : memref<80x128xf32, #tpu.memory_space<vmem>>, vector<16xf32>,
        %mul3A_247 = vector.broadcast %squeeze3A_215 : f32 to vector<16xf32>
        %mul3A_248 = arith.mulf %get3A_246, %mul3A_247 : vector<16xf32>
        %swap3A_249 = arith.index_cast %add3A_219 : i32 to index
        %swap3A_250 = arith.constant 48 : index
        %swap3A_251 = tpu.vector_load %arg15[%swap3A_249, %swap3A_250] {strides = array<i32>} : memref<80x128xf32, #tpu.memory_space<vmem>>, vector<16xf32>,
        tpu.vector_store %arg15[%swap3A_249, %swap3A_250], %mul3A_248 {strides = array<i32>} : memref<80x128xf32, #tpu.memory_space<vmem>>, vector<16xf32>,
        %get3A_252 = arith.index_cast %add3A_219 : i32 to index
        %get3A_253 = arith.constant 64 : index
        %get3A_254 = tpu.vector_load %arg15[%get3A_252, %get3A_253] {strides = array<i32>} : memref<80x128xf32, #tpu.memory_space<vmem>>, vector<16xf32>,
        %mul3A_255 = vector.broadcast %squeeze3A_215 : f32 to vector<16xf32>
        %mul3A_256 = arith.mulf %get3A_254, %mul3A_255 : vector<16xf32>
        %swap3A_257 = arith.index_cast %add3A_219 : i32 to index
        %swap3A_258 = arith.constant 64 : index
        %swap3A_259 = tpu.vector_load %arg15[%swap3A_257, %swap3A_258] {strides = array<i32>} : memref<80x128xf32, #tpu.memory_space<vmem>>, vector<16xf32>,
        tpu.vector_store %arg15[%swap3A_257, %swap3A_258], %mul3A_256 {strides = array<i32>} : memref<80x128xf32, #tpu.memory_space<vmem>>, vector<16xf32>,
        %get3A_260 = arith.index_cast %add3A_219 : i32 to index
        %get3A_261 = arith.constant 80 : index
        %get3A_262 = tpu.vector_load %arg15[%get3A_260, %get3A_261] {strides = array<i32>} : memref<80x128xf32, #tpu.memory_space<vmem>>, vector<16xf32>,
        %mul3A_263 = vector.broadcast %squeeze3A_215 : f32 to vector<16xf32>
        %mul3A_264 = arith.mulf %get3A_262, %mul3A_263 : vector<16xf32>
        %swap3A_265 = arith.index_cast %add3A_219 : i32 to index
        %swap3A_266 = arith.constant 80 : index
        %swap3A_267 = tpu.vector_load %arg15[%swap3A_265, %swap3A_266] {strides = array<i32>} : memref<80x128xf32, #tpu.memory_space<vmem>>, vector<16xf32>,
        tpu.vector_store %arg15[%swap3A_265, %swap3A_266], %mul3A_264 {strides = array<i32>} : memref<80x128xf32, #tpu.memory_space<vmem>>, vector<16xf32>,
        %get3A_268 = arith.index_cast %add3A_219 : i32 to index
        %get3A_269 = arith.constant 96 : index
        %get3A_270 = tpu.vector_load %arg15[%get3A_268, %get3A_269] {strides = array<i32>} : memref<80x128xf32, #tpu.memory_space<vmem>>, vector<16xf32>,
        %mul3A_271 = vector.broadcast %squeeze3A_215 : f32 to vector<16xf32>
        %mul3A_272 = arith.mulf %get3A_270, %mul3A_271 : vector<16xf32>
        %swap3A_273 = arith.index_cast %add3A_219 : i32 to index
        %swap3A_274 = arith.constant 96 : index
        %swap3A_275 = tpu.vector_load %arg15[%swap3A_273, %swap3A_274] {strides = array<i32>} : memref<80x128xf32, #tpu.memory_space<vmem>>, vector<16xf32>,
        tpu.vector_store %arg15[%swap3A_273, %swap3A_274], %mul3A_272 {strides = array<i32>} : memref<80x128xf32, #tpu.memory_space<vmem>>, vector<16xf32>,
        %get3A_276 = arith.index_cast %add3A_219 : i32 to index
        %get3A_277 = arith.constant 112 : index
        %get3A_278 = tpu.vector_load %arg15[%get3A_276, %get3A_277] {strides = array<i32>} : memref<80x128xf32, #tpu.memory_space<vmem>>, vector<16xf32>,
        %mul3A_279 = vector.broadcast %squeeze3A_215 : f32 to vector<16xf32>
        %mul3A_280 = arith.mulf %get3A_278, %mul3A_279 : vector<16xf32>
        %swap3A_281 = arith.index_cast %add3A_219 : i32 to index
        %swap3A_282 = arith.constant 112 : index
        %swap3A_283 = tpu.vector_load %arg15[%swap3A_281, %swap3A_282] {strides = array<i32>} : memref<80x128xf32, #tpu.memory_space<vmem>>, vector<16xf32>,
        tpu.vector_store %arg15[%swap3A_281, %swap3A_282], %mul3A_280 {strides = array<i32>} : memref<80x128xf32, #tpu.memory_space<vmem>>, vector<16xf32>,
        %slice3A_284 = vector.extract_strided_slice %get3A_145 {offsets = [2], sizes = [1], strides = [1]} : vector<16xf32> to vector<1xf32>
        %squeeze3A_285 = vector.extract %slice3A_284[0] : f32 from vector<1xf32>
        %mul3A_286 = arith.constant 16 : i32
        %mul3A_287 = arith.muli %scan3A_141, %mul3A_286 : i32
        %add3A_288 = arith.constant 2 : i32
        %add3A_289 = arith.addi %mul3A_287, %add3A_288 : i32
        %get3A_290 = arith.index_cast %add3A_289 : i32 to index
        %get3A_291 = arith.constant 0 : index
        %get3A_292 = tpu.vector_load %arg15[%get3A_290, %get3A_291] {strides = array<i32>} : memref<80x128xf32, #tpu.memory_space<vmem>>, vector<16xf32>,
        %mul3A_293 = vector.broadcast %squeeze3A_285 : f32 to vector<16xf32>
        %mul3A_294 = arith.mulf %get3A_292, %mul3A_293 : vector<16xf32>
        %swap3A_295 = arith.index_cast %add3A_289 : i32 to index
        %swap3A_296 = arith.constant 0 : index
        %swap3A_297 = tpu.vector_load %arg15[%swap3A_295, %swap3A_296] {strides = array<i32>} : memref<80x128xf32, #tpu.memory_space<vmem>>, vector<16xf32>,
        tpu.vector_store %arg15[%swap3A_295, %swap3A_296], %mul3A_294 {strides = array<i32>} : memref<80x128xf32, #tpu.memory_space<vmem>>, vector<16xf32>,
        %get3A_298 = arith.index_cast %add3A_289 : i32 to index
        %get3A_299 = arith.constant 16 : index
        %get3A_300 = tpu.vector_load %arg15[%get3A_298, %get3A_299] {strides = array<i32>} : memref<80x128xf32, #tpu.memory_space<vmem>>, vector<16xf32>,
        %mul3A_301 = vector.broadcast %squeeze3A_285 : f32 to vector<16xf32>
        %mul3A_302 = arith.mulf %get3A_300, %mul3A_301 : vector<16xf32>
        %swap3A_303 = arith.index_cast %add3A_289 : i32 to index
        %swap3A_304 = arith.constant 16 : index
        %swap3A_305 = tpu.vector_load %arg15[%swap3A_303, %swap3A_304] {strides = array<i32>} : memref<80x128xf32, #tpu.memory_space<vmem>>, vector<16xf32>,
        tpu.vector_store %arg15[%swap3A_303, %swap3A_304], %mul3A_302 {strides = array<i32>} : memref<80x128xf32, #tpu.memory_space<vmem>>, vector<16xf32>,
        %get3A_306 = arith.index_cast %add3A_289 : i32 to index
        %get3A_307 = arith.constant 32 : index
        %get3A_308 = tpu.vector_load %arg15[%get3A_306, %get3A_307] {strides = array<i32>} : memref<80x128xf32, #tpu.memory_space<vmem>>, vector<16xf32>,
        %mul3A_309 = vector.broadcast %squeeze3A_285 : f32 to vector<16xf32>
        %mul3A_310 = arith.mulf %get3A_308, %mul3A_309 : vector<16xf32>
        %swap3A_311 = arith.index_cast %add3A_289 : i32 to index
        %swap3A_312 = arith.constant 32 : index
        %swap3A_313 = tpu.vector_load %arg15[%swap3A_311, %swap3A_312] {strides = array<i32>} : memref<80x128xf32, #tpu.memory_space<vmem>>, vector<16xf32>,
        tpu.vector_store %arg15[%swap3A_311, %swap3A_312], %mul3A_310 {strides = array<i32>} : memref<80x128xf32, #tpu.memory_space<vmem>>, vector<16xf32>,
        %get3A_314 = arith.index_cast %add3A_289 : i32 to index
        %get3A_315 = arith.constant 48 : index
        %get3A_316 = tpu.vector_load %arg15[%get3A_314, %get3A_315] {strides = array<i32>} : memref<80x128xf32, #tpu.memory_space<vmem>>, vector<16xf32>,
        %mul3A_317 = vector.broadcast %squeeze3A_285 : f32 to vector<16xf32>
        %mul3A_318 = arith.mulf %get3A_316, %mul3A_317 : vector<16xf32>
        %swap3A_319 = arith.index_cast %add3A_289 : i32 to index
        %swap3A_320 = arith.constant 48 : index
        %swap3A_321 = tpu.vector_load %arg15[%swap3A_319, %swap3A_320] {strides = array<i32>} : memref<80x128xf32, #tpu.memory_space<vmem>>, vector<16xf32>,
        tpu.vector_store %arg15[%swap3A_319, %swap3A_320], %mul3A_318 {strides = array<i32>} : memref<80x128xf32, #tpu.memory_space<vmem>>, vector<16xf32>,
        %get3A_322 = arith.index_cast %add3A_289 : i32 to index
        %get3A_323 = arith.constant 64 : index
        %get3A_324 = tpu.vector_load %arg15[%get3A_322, %get3A_323] {strides = array<i32>} : memref<80x128xf32, #tpu.memory_space<vmem>>, vector<16xf32>,
        %mul3A_325 = vector.broadcast %squeeze3A_285 : f32 to vector<16xf32>
        %mul3A_326 = arith.mulf %get3A_324, %mul3A_325 : vector<16xf32>
        %swap3A_327 = arith.index_cast %add3A_289 : i32 to index
        %swap3A_328 = arith.constant 64 : index
        %swap3A_329 = tpu.vector_load %arg15[%swap3A_327, %swap3A_328] {strides = array<i32>} : memref<80x128xf32, #tpu.memory_space<vmem>>, vector<16xf32>,
        tpu.vector_store %arg15[%swap3A_327, %swap3A_328], %mul3A_326 {strides = array<i32>} : memref<80x128xf32, #tpu.memory_space<vmem>>, vector<16xf32>,
        %get3A_330 = arith.index_cast %add3A_289 : i32 to index
        %get3A_331 = arith.constant 80 : index
        %get3A_332 = tpu.vector_load %arg15[%get3A_330, %get3A_331] {strides = array<i32>} : memref<80x128xf32, #tpu.memory_space<vmem>>, vector<16xf32>,
        %mul3A_333 = vector.broadcast %squeeze3A_285 : f32 to vector<16xf32>
        %mul3A_334 = arith.mulf %get3A_332, %mul3A_333 : vector<16xf32>
        %swap3A_335 = arith.index_cast %add3A_289 : i32 to index
        %swap3A_336 = arith.constant 80 : index
        %swap3A_337 = tpu.vector_load %arg15[%swap3A_335, %swap3A_336] {strides = array<i32>} : memref<80x128xf32, #tpu.memory_space<vmem>>, vector<16xf32>,
        tpu.vector_store %arg15[%swap3A_335, %swap3A_336], %mul3A_334 {strides = array<i32>} : memref<80x128xf32, #tpu.memory_space<vmem>>, vector<16xf32>,
        %get3A_338 = arith.index_cast %add3A_289 : i32 to index
        %get3A_339 = arith.constant 96 : index
        %get3A_340 = tpu.vector_load %arg15[%get3A_338, %get3A_339] {strides = array<i32>} : memref<80x128xf32, #tpu.memory_space<vmem>>, vector<16xf32>,
        %mul3A_341 = vector.broadcast %squeeze3A_285 : f32 to vector<16xf32>
        %mul3A_342 = arith.mulf %get3A_340, %mul3A_341 : vector<16xf32>
        %swap3A_343 = arith.index_cast %add3A_289 : i32 to index
        %swap3A_344 = arith.constant 96 : index
        %swap3A_345 = tpu.vector_load %arg15[%swap3A_343, %swap3A_344] {strides = array<i32>} : memref<80x128xf32, #tpu.memory_space<vmem>>, vector<16xf32>,
        tpu.vector_store %arg15[%swap3A_343, %swap3A_344], %mul3A_342 {strides = array<i32>} : memref<80x128xf32, #tpu.memory_space<vmem>>, vector<16xf32>,
        %get3A_346 = arith.index_cast %add3A_289 : i32 to index
        %get3A_347 = arith.constant 112 : index
        %get3A_348 = tpu.vector_load %arg15[%get3A_346, %get3A_347] {strides = array<i32>} : memref<80x128xf32, #tpu.memory_space<vmem>>, vector<16xf32>,
        %mul3A_349 = vector.broadcast %squeeze3A_285 : f32 to vector<16xf32>
        %mul3A_350 = arith.mulf %get3A_348, %mul3A_349 : vector<16xf32>
        %swap3A_351 = arith.index_cast %add3A_289 : i32 to index
        %swap3A_352 = arith.constant 112 : index
        %swap3A_353 = tpu.vector_load %arg15[%swap3A_351, %swap3A_352] {strides = array<i32>} : memref<80x128xf32, #tpu.memory_space<vmem>>, vector<16xf32>,
        tpu.vector_store %arg15[%swap3A_351, %swap3A_352], %mul3A_350 {strides = array<i32>} : memref<80x128xf32, #tpu.memory_space<vmem>>, vector<16xf32>,
        %slice3A_354 = vector.extract_strided_slice %get3A_145 {offsets = [3], sizes = [1], strides = [1]} : vector<16xf32> to vector<1xf32>
        %squeeze3A_355 = vector.extract %slice3A_354[0] : f32 from vector<1xf32>
        %mul3A_356 = arith.constant 16 : i32
        %mul3A_357 = arith.muli %scan3A_141, %mul3A_356 : i32
        %add3A_358 = arith.constant 3 : i32
        %add3A_359 = arith.addi %mul3A_357, %add3A_358 : i32
        %get3A_360 = arith.index_cast %add3A_359 : i32 to index
        %get3A_361 = arith.constant 0 : index
        %get3A_362 = tpu.vector_load %arg15[%get3A_360, %get3A_361] {strides = array<i32>} : memref<80x128xf32, #tpu.memory_space<vmem>>, vector<16xf32>,
        %mul3A_363 = vector.broadcast %squeeze3A_355 : f32 to vector<16xf32>
        %mul3A_364 = arith.mulf %get3A_362, %mul3A_363 : vector<16xf32>
        %swap3A_365 = arith.index_cast %add3A_359 : i32 to index
        %swap3A_366 = arith.constant 0 : index
        %swap3A_367 = tpu.vector_load %arg15[%swap3A_365, %swap3A_366] {strides = array<i32>} : memref<80x128xf32, #tpu.memory_space<vmem>>, vector<16xf32>,
        tpu.vector_store %arg15[%swap3A_365, %swap3A_366], %mul3A_364 {strides = array<i32>} : memref<80x128xf32, #tpu.memory_space<vmem>>, vector<16xf32>,
        %get3A_368 = arith.index_cast %add3A_359 : i32 to index
        %get3A_369 = arith.constant 16 : index
        %get3A_370 = tpu.vector_load %arg15[%get3A_368, %get3A_369] {strides = array<i32>} : memref<80x128xf32, #tpu.memory_space<vmem>>, vector<16xf32>,
        %mul3A_371 = vector.broadcast %squeeze3A_355 : f32 to vector<16xf32>
        %mul3A_372 = arith.mulf %get3A_370, %mul3A_371 : vector<16xf32>
        %swap3A_373 = arith.index_cast %add3A_359 : i32 to index
        %swap3A_374 = arith.constant 16 : index
        %swap3A_375 = tpu.vector_load %arg15[%swap3A_373, %swap3A_374] {strides = array<i32>} : memref<80x128xf32, #tpu.memory_space<vmem>>, vector<16xf32>,
        tpu.vector_store %arg15[%swap3A_373, %swap3A_374], %mul3A_372 {strides = array<i32>} : memref<80x128xf32, #tpu.memory_space<vmem>>, vector<16xf32>,
        %get3A_376 = arith.index_cast %add3A_359 : i32 to index
        %get3A_377 = arith.constant 32 : index
        %get3A_378 = tpu.vector_load %arg15[%get3A_376, %get3A_377] {strides = array<i32>} : memref<80x128xf32, #tpu.memory_space<vmem>>, vector<16xf32>,
        %mul3A_379 = vector.broadcast %squeeze3A_355 : f32 to vector<16xf32>
        %mul3A_380 = arith.mulf %get3A_378, %mul3A_379 : vector<16xf32>
        %swap3A_381 = arith.index_cast %add3A_359 : i32 to index
        %swap3A_382 = arith.constant 32 : index
        %swap3A_383 = tpu.vector_load %arg15[%swap3A_381, %swap3A_382] {strides = array<i32>} : memref<80x128xf32, #tpu.memory_space<vmem>>, vector<16xf32>,
        tpu.vector_store %arg15[%swap3A_381, %swap3A_382], %mul3A_380 {strides = array<i32>} : memref<80x128xf32, #tpu.memory_space<vmem>>, vector<16xf32>,
        %get3A_384 = arith.index_cast %add3A_359 : i32 to index
        %get3A_385 = arith.constant 48 : index
        %get3A_386 = tpu.vector_load %arg15[%get3A_384, %get3A_385] {strides = array<i32>} : memref<80x128xf32, #tpu.memory_space<vmem>>, vector<16xf32>,
        %mul3A_387 = vector.broadcast %squeeze3A_355 : f32 to vector<16xf32>
        %mul3A_388 = arith.mulf %get3A_386, %mul3A_387 : vector<16xf32>
        %swap3A_389 = arith.index_cast %add3A_359 : i32 to index
        %swap3A_390 = arith.constant 48 : index
        %swap3A_391 = tpu.vector_load %arg15[%swap3A_389, %swap3A_390] {strides = array<i32>} : memref<80x128xf32, #tpu.memory_space<vmem>>, vector<16xf32>,
        tpu.vector_store %arg15[%swap3A_389, %swap3A_390], %mul3A_388 {strides = array<i32>} : memref<80x128xf32, #tpu.memory_space<vmem>>, vector<16xf32>,
        %get3A_392 = arith.index_cast %add3A_359 : i32 to index
        %get3A_393 = arith.constant 64 : index
        %get3A_394 = tpu.vector_load %arg15[%get3A_392, %get3A_393] {strides = array<i32>} : memref<80x128xf32, #tpu.memory_space<vmem>>, vector<16xf32>,
        %mul3A_395 = vector.broadcast %squeeze3A_355 : f32 to vector<16xf32>
        %mul3A_396 = arith.mulf %get3A_394, %mul3A_395 : vector<16xf32>
        %swap3A_397 = arith.index_cast %add3A_359 : i32 to index
        %swap3A_398 = arith.constant 64 : index
        %swap3A_399 = tpu.vector_load %arg15[%swap3A_397, %swap3A_398] {strides = array<i32>} : memref<80x128xf32, #tpu.memory_space<vmem>>, vector<16xf32>,
        tpu.vector_store %arg15[%swap3A_397, %swap3A_398], %mul3A_396 {strides = array<i32>} : memref<80x128xf32, #tpu.memory_space<vmem>>, vector<16xf32>,
        %get3A_400 = arith.index_cast %add3A_359 : i32 to index
        %get3A_401 = arith.constant 80 : index
        %get3A_402 = tpu.vector_load %arg15[%get3A_400, %get3A_401] {strides = array<i32>} : memref<80x128xf32, #tpu.memory_space<vmem>>, vector<16xf32>,
        %mul3A_403 = vector.broadcast %squeeze3A_355 : f32 to vector<16xf32>
        %mul3A_404 = arith.mulf %get3A_402, %mul3A_403 : vector<16xf32>
        %swap3A_405 = arith.index_cast %add3A_359 : i32 to index
        %swap3A_406 = arith.constant 80 : index
        %swap3A_407 = tpu.vector_load %arg15[%swap3A_405, %swap3A_406] {strides = array<i32>} : memref<80x128xf32, #tpu.memory_space<vmem>>, vector<16xf32>,
        tpu.vector_store %arg15[%swap3A_405, %swap3A_406], %mul3A_404 {strides = array<i32>} : memref<80x128xf32, #tpu.memory_space<vmem>>, vector<16xf32>,
        %get3A_408 = arith.index_cast %add3A_359 : i32 to index
        %get3A_409 = arith.constant 96 : index
        %get3A_410 = tpu.vector_load %arg15[%get3A_408, %get3A_409] {strides = array<i32>} : memref<80x128xf32, #tpu.memory_space<vmem>>, vector<16xf32>,
        %mul3A_411 = vector.broadcast %squeeze3A_355 : f32 to vector<16xf32>
        %mul3A_412 = arith.mulf %get3A_410, %mul3A_411 : vector<16xf32>
        %swap3A_413 = arith.index_cast %add3A_359 : i32 to index
        %swap3A_414 = arith.constant 96 : index
        %swap3A_415 = tpu.vector_load %arg15[%swap3A_413, %swap3A_414] {strides = array<i32>} : memref<80x128xf32, #tpu.memory_space<vmem>>, vector<16xf32>,
        tpu.vector_store %arg15[%swap3A_413, %swap3A_414], %mul3A_412 {strides = array<i32>} : memref<80x128xf32, #tpu.memory_space<vmem>>, vector<16xf32>,
        %get3A_416 = arith.index_cast %add3A_359 : i32 to index
        %get3A_417 = arith.constant 112 : index
        %get3A_418 = tpu.vector_load %arg15[%get3A_416, %get3A_417] {strides = array<i32>} : memref<80x128xf32, #tpu.memory_space<vmem>>, vector<16xf32>,
        %mul3A_419 = vector.broadcast %squeeze3A_355 : f32 to vector<16xf32>
        %mul3A_420 = arith.mulf %get3A_418, %mul3A_419 : vector<16xf32>
        %swap3A_421 = arith.index_cast %add3A_359 : i32 to index
        %swap3A_422 = arith.constant 112 : index
        %swap3A_423 = tpu.vector_load %arg15[%swap3A_421, %swap3A_422] {strides = array<i32>} : memref<80x128xf32, #tpu.memory_space<vmem>>, vector<16xf32>,
        tpu.vector_store %arg15[%swap3A_421, %swap3A_422], %mul3A_420 {strides = array<i32>} : memref<80x128xf32, #tpu.memory_space<vmem>>, vector<16xf32>,
        %slice3A_424 = vector.extract_strided_slice %get3A_145 {offsets = [4], sizes = [1], strides = [1]} : vector<16xf32> to vector<1xf32>
        %squeeze3A_425 = vector.extract %slice3A_424[0] : f32 from vector<1xf32>
        %mul3A_426 = arith.constant 16 : i32
        %mul3A_427 = arith.muli %scan3A_141, %mul3A_426 : i32
        %add3A_428 = arith.constant 4 : i32
        %add3A_429 = arith.addi %mul3A_427, %add3A_428 : i32
        %get3A_430 = arith.index_cast %add3A_429 : i32 to index
        %get3A_431 = arith.constant 0 : index
        %get3A_432 = tpu.vector_load %arg15[%get3A_430, %get3A_431] {strides = array<i32>} : memref<80x128xf32, #tpu.memory_space<vmem>>, vector<16xf32>,
        %mul3A_433 = vector.broadcast %squeeze3A_425 : f32 to vector<16xf32>
        %mul3A_434 = arith.mulf %get3A_432, %mul3A_433 : vector<16xf32>
        %swap3A_435 = arith.index_cast %add3A_429 : i32 to index
        %swap3A_436 = arith.constant 0 : index
        %swap3A_437 = tpu.vector_load %arg15[%swap3A_435, %swap3A_436] {strides = array<i32>} : memref<80x128xf32, #tpu.memory_space<vmem>>, vector<16xf32>,
        tpu.vector_store %arg15[%swap3A_435, %swap3A_436], %mul3A_434 {strides = array<i32>} : memref<80x128xf32, #tpu.memory_space<vmem>>, vector<16xf32>,
        %get3A_438 = arith.index_cast %add3A_429 : i32 to index
        %get3A_439 = arith.constant 16 : index
        %get3A_440 = tpu.vector_load %arg15[%get3A_438, %get3A_439] {strides = array<i32>} : memref<80x128xf32, #tpu.memory_space<vmem>>, vector<16xf32>,
        %mul3A_441 = vector.broadcast %squeeze3A_425 : f32 to vector<16xf32>
        %mul3A_442 = arith.mulf %get3A_440, %mul3A_441 : vector<16xf32>
        %swap3A_443 = arith.index_cast %add3A_429 : i32 to index
        %swap3A_444 = arith.constant 16 : index
        %swap3A_445 = tpu.vector_load %arg15[%swap3A_443, %swap3A_444] {strides = array<i32>} : memref<80x128xf32, #tpu.memory_space<vmem>>, vector<16xf32>,
        tpu.vector_store %arg15[%swap3A_443, %swap3A_444], %mul3A_442 {strides = array<i32>} : memref<80x128xf32, #tpu.memory_space<vmem>>, vector<16xf32>,
        %get3A_446 = arith.index_cast %add3A_429 : i32 to index
        %get3A_447 = arith.constant 32 : index
        %get3A_448 = tpu.vector_load %arg15[%get3A_446, %get3A_447] {strides = array<i32>} : memref<80x128xf32, #tpu.memory_space<vmem>>, vector<16xf32>,
        %mul3A_449 = vector.broadcast %squeeze3A_425 : f32 to vector<16xf32>
        %mul3A_450 = arith.mulf %get3A_448, %mul3A_449 : vector<16xf32>
        %swap3A_451 = arith.index_cast %add3A_429 : i32 to index
        %swap3A_452 = arith.constant 32 : index
        %swap3A_453 = tpu.vector_load %arg15[%swap3A_451, %swap3A_452] {strides = array<i32>} : memref<80x128xf32, #tpu.memory_space<vmem>>, vector<16xf32>,
        tpu.vector_store %arg15[%swap3A_451, %swap3A_452], %mul3A_450 {strides = array<i32>} : memref<80x128xf32, #tpu.memory_space<vmem>>, vector<16xf32>,
        %get3A_454 = arith.index_cast %add3A_429 : i32 to index
        %get3A_455 = arith.constant 48 : index
        %get3A_456 = tpu.vector_load %arg15[%get3A_454, %get3A_455] {strides = array<i32>} : memref<80x128xf32, #tpu.memory_space<vmem>>, vector<16xf32>,
        %mul3A_457 = vector.broadcast %squeeze3A_425 : f32 to vector<16xf32>
        %mul3A_458 = arith.mulf %get3A_456, %mul3A_457 : vector<16xf32>
        %swap3A_459 = arith.index_cast %add3A_429 : i32 to index
        %swap3A_460 = arith.constant 48 : index
        %swap3A_461 = tpu.vector_load %arg15[%swap3A_459, %swap3A_460] {strides = array<i32>} : memref<80x128xf32, #tpu.memory_space<vmem>>, vector<16xf32>,
        tpu.vector_store %arg15[%swap3A_459, %swap3A_460], %mul3A_458 {strides = array<i32>} : memref<80x128xf32, #tpu.memory_space<vmem>>, vector<16xf32>,
        %get3A_462 = arith.index_cast %add3A_429 : i32 to index
        %get3A_463 = arith.constant 64 : index
        %get3A_464 = tpu.vector_load %arg15[%get3A_462, %get3A_463] {strides = array<i32>} : memref<80x128xf32, #tpu.memory_space<vmem>>, vector<16xf32>,
        %mul3A_465 = vector.broadcast %squeeze3A_425 : f32 to vector<16xf32>
        %mul3A_466 = arith.mulf %get3A_464, %mul3A_465 : vector<16xf32>
        %swap3A_467 = arith.index_cast %add3A_429 : i32 to index
        %swap3A_468 = arith.constant 64 : index
        %swap3A_469 = tpu.vector_load %arg15[%swap3A_467, %swap3A_468] {strides = array<i32>} : memref<80x128xf32, #tpu.memory_space<vmem>>, vector<16xf32>,
        tpu.vector_store %arg15[%swap3A_467, %swap3A_468], %mul3A_466 {strides = array<i32>} : memref<80x128xf32, #tpu.memory_space<vmem>>, vector<16xf32>,
        %get3A_470 = arith.index_cast %add3A_429 : i32 to index
        %get3A_471 = arith.constant 80 : index
        %get3A_472 = tpu.vector_load %arg15[%get3A_470, %get3A_471] {strides = array<i32>} : memref<80x128xf32, #tpu.memory_space<vmem>>, vector<16xf32>,
        %mul3A_473 = vector.broadcast %squeeze3A_425 : f32 to vector<16xf32>
        %mul3A_474 = arith.mulf %get3A_472, %mul3A_473 : vector<16xf32>
        %swap3A_475 = arith.index_cast %add3A_429 : i32 to index
        %swap3A_476 = arith.constant 80 : index
        %swap3A_477 = tpu.vector_load %arg15[%swap3A_475, %swap3A_476] {strides = array<i32>} : memref<80x128xf32, #tpu.memory_space<vmem>>, vector<16xf32>,
        tpu.vector_store %arg15[%swap3A_475, %swap3A_476], %mul3A_474 {strides = array<i32>} : memref<80x128xf32, #tpu.memory_space<vmem>>, vector<16xf32>,
        %get3A_478 = arith.index_cast %add3A_429 : i32 to index
        %get3A_479 = arith.constant 96 : index
        %get3A_480 = tpu.vector_load %arg15[%get3A_478, %get3A_479] {strides = array<i32>} : memref<80x128xf32, #tpu.memory_space<vmem>>, vector<16xf32>,
        %mul3A_481 = vector.broadcast %squeeze3A_425 : f32 to vector<16xf32>
        %mul3A_482 = arith.mulf %get3A_480, %mul3A_481 : vector<16xf32>
        %swap3A_483 = arith.index_cast %add3A_429 : i32 to index
        %swap3A_484 = arith.constant 96 : index
        %swap3A_485 = tpu.vector_load %arg15[%swap3A_483, %swap3A_484] {strides = array<i32>} : memref<80x128xf32, #tpu.memory_space<vmem>>, vector<16xf32>,
        tpu.vector_store %arg15[%swap3A_483, %swap3A_484], %mul3A_482 {strides = array<i32>} : memref<80x128xf32, #tpu.memory_space<vmem>>, vector<16xf32>,
        %get3A_486 = arith.index_cast %add3A_429 : i32 to index
        %get3A_487 = arith.constant 112 : index
        %get3A_488 = tpu.vector_load %arg15[%get3A_486, %get3A_487] {strides = array<i32>} : memref<80x128xf32, #tpu.memory_space<vmem>>, vector<16xf32>,
        %mul3A_489 = vector.broadcast %squeeze3A_425 : f32 to vector<16xf32>
        %mul3A_490 = arith.mulf %get3A_488, %mul3A_489 : vector<16xf32>
        %swap3A_491 = arith.index_cast %add3A_429 : i32 to index
        %swap3A_492 = arith.constant 112 : index
        %swap3A_493 = tpu.vector_load %arg15[%swap3A_491, %swap3A_492] {strides = array<i32>} : memref<80x128xf32, #tpu.memory_space<vmem>>, vector<16xf32>,
        tpu.vector_store %arg15[%swap3A_491, %swap3A_492], %mul3A_490 {strides = array<i32>} : memref<80x128xf32, #tpu.memory_space<vmem>>, vector<16xf32>,
        %slice3A_494 = vector.extract_strided_slice %get3A_145 {offsets = [5], sizes = [1], strides = [1]} : vector<16xf32> to vector<1xf32>
        %squeeze3A_495 = vector.extract %slice3A_494[0] : f32 from vector<1xf32>
        %mul3A_496 = arith.constant 16 : i32
        %mul3A_497 = arith.muli %scan3A_141, %mul3A_496 : i32
        %add3A_498 = arith.constant 5 : i32
        %add3A_499 = arith.addi %mul3A_497, %add3A_498 : i32
        %get3A_500 = arith.index_cast %add3A_499 : i32 to index
        %get3A_501 = arith.constant 0 : index
        %get3A_502 = tpu.vector_load %arg15[%get3A_500, %get3A_501] {strides = array<i32>} : memref<80x128xf32, #tpu.memory_space<vmem>>, vector<16xf32>,
        %mul3A_503 = vector.broadcast %squeeze3A_495 : f32 to vector<16xf32>
        %mul3A_504 = arith.mulf %get3A_502, %mul3A_503 : vector<16xf32>
        %swap3A_505 = arith.index_cast %add3A_499 : i32 to index
        %swap3A_506 = arith.constant 0 : index
        %swap3A_507 = tpu.vector_load %arg15[%swap3A_505, %swap3A_506] {strides = array<i32>} : memref<80x128xf32, #tpu.memory_space<vmem>>, vector<16xf32>,
        tpu.vector_store %arg15[%swap3A_505, %swap3A_506], %mul3A_504 {strides = array<i32>} : memref<80x128xf32, #tpu.memory_space<vmem>>, vector<16xf32>,
        %get3A_508 = arith.index_cast %add3A_499 : i32 to index
        %get3A_509 = arith.constant 16 : index
        %get3A_510 = tpu.vector_load %arg15[%get3A_508, %get3A_509] {strides = array<i32>} : memref<80x128xf32, #tpu.memory_space<vmem>>, vector<16xf32>,
        %mul3A_511 = vector.broadcast %squeeze3A_495 : f32 to vector<16xf32>
        %mul3A_512 = arith.mulf %get3A_510, %mul3A_511 : vector<16xf32>
        %swap3A_513 = arith.index_cast %add3A_499 : i32 to index
        %swap3A_514 = arith.constant 16 : index
        %swap3A_515 = tpu.vector_load %arg15[%swap3A_513, %swap3A_514] {strides = array<i32>} : memref<80x128xf32, #tpu.memory_space<vmem>>, vector<16xf32>,
        tpu.vector_store %arg15[%swap3A_513, %swap3A_514], %mul3A_512 {strides = array<i32>} : memref<80x128xf32, #tpu.memory_space<vmem>>, vector<16xf32>,
        %get3A_516 = arith.index_cast %add3A_499 : i32 to index
        %get3A_517 = arith.constant 32 : index
        %get3A_518 = tpu.vector_load %arg15[%get3A_516, %get3A_517] {strides = array<i32>} : memref<80x128xf32, #tpu.memory_space<vmem>>, vector<16xf32>,
        %mul3A_519 = vector.broadcast %squeeze3A_495 : f32 to vector<16xf32>
        %mul3A_520 = arith.mulf %get3A_518, %mul3A_519 : vector<16xf32>
        %swap3A_521 = arith.index_cast %add3A_499 : i32 to index
        %swap3A_522 = arith.constant 32 : index
        %swap3A_523 = tpu.vector_load %arg15[%swap3A_521, %swap3A_522] {strides = array<i32>} : memref<80x128xf32, #tpu.memory_space<vmem>>, vector<16xf32>,
        tpu.vector_store %arg15[%swap3A_521, %swap3A_522], %mul3A_520 {strides = array<i32>} : memref<80x128xf32, #tpu.memory_space<vmem>>, vector<16xf32>,
        %get3A_524 = arith.index_cast %add3A_499 : i32 to index
        %get3A_525 = arith.constant 48 : index
        %get3A_526 = tpu.vector_load %arg15[%get3A_524, %get3A_525] {strides = array<i32>} : memref<80x128xf32, #tpu.memory_space<vmem>>, vector<16xf32>,
        %mul3A_527 = vector.broadcast %squeeze3A_495 : f32 to vector<16xf32>
        %mul3A_528 = arith.mulf %get3A_526, %mul3A_527 : vector<16xf32>
        %swap3A_529 = arith.index_cast %add3A_499 : i32 to index
        %swap3A_530 = arith.constant 48 : index
        %swap3A_531 = tpu.vector_load %arg15[%swap3A_529, %swap3A_530] {strides = array<i32>} : memref<80x128xf32, #tpu.memory_space<vmem>>, vector<16xf32>,
        tpu.vector_store %arg15[%swap3A_529, %swap3A_530], %mul3A_528 {strides = array<i32>} : memref<80x128xf32, #tpu.memory_space<vmem>>, vector<16xf32>,
        %get3A_532 = arith.index_cast %add3A_499 : i32 to index
        %get3A_533 = arith.constant 64 : index
        %get3A_534 = tpu.vector_load %arg15[%get3A_532, %get3A_533] {strides = array<i32>} : memref<80x128xf32, #tpu.memory_space<vmem>>, vector<16xf32>,
        %mul3A_535 = vector.broadcast %squeeze3A_495 : f32 to vector<16xf32>
        %mul3A_536 = arith.mulf %get3A_534, %mul3A_535 : vector<16xf32>
        %swap3A_537 = arith.index_cast %add3A_499 : i32 to index
        %swap3A_538 = arith.constant 64 : index
        %swap3A_539 = tpu.vector_load %arg15[%swap3A_537, %swap3A_538] {strides = array<i32>} : memref<80x128xf32, #tpu.memory_space<vmem>>, vector<16xf32>,
        tpu.vector_store %arg15[%swap3A_537, %swap3A_538], %mul3A_536 {strides = array<i32>} : memref<80x128xf32, #tpu.memory_space<vmem>>, vector<16xf32>,
        %get3A_540 = arith.index_cast %add3A_499 : i32 to index
        %get3A_541 = arith.constant 80 : index
        %get3A_542 = tpu.vector_load %arg15[%get3A_540, %get3A_541] {strides = array<i32>} : memref<80x128xf32, #tpu.memory_space<vmem>>, vector<16xf32>,
        %mul3A_543 = vector.broadcast %squeeze3A_495 : f32 to vector<16xf32>
        %mul3A_544 = arith.mulf %get3A_542, %mul3A_543 : vector<16xf32>
        %swap3A_545 = arith.index_cast %add3A_499 : i32 to index
        %swap3A_546 = arith.constant 80 : index
        %swap3A_547 = tpu.vector_load %arg15[%swap3A_545, %swap3A_546] {strides = array<i32>} : memref<80x128xf32, #tpu.memory_space<vmem>>, vector<16xf32>,
        tpu.vector_store %arg15[%swap3A_545, %swap3A_546], %mul3A_544 {strides = array<i32>} : memref<80x128xf32, #tpu.memory_space<vmem>>, vector<16xf32>,
        %get3A_548 = arith.index_cast %add3A_499 : i32 to index
        %get3A_549 = arith.constant 96 : index
        %get3A_550 = tpu.vector_load %arg15[%get3A_548, %get3A_549] {strides = array<i32>} : memref<80x128xf32, #tpu.memory_space<vmem>>, vector<16xf32>,
        %mul3A_551 = vector.broadcast %squeeze3A_495 : f32 to vector<16xf32>
        %mul3A_552 = arith.mulf %get3A_550, %mul3A_551 : vector<16xf32>
        %swap3A_553 = arith.index_cast %add3A_499 : i32 to index
        %swap3A_554 = arith.constant 96 : index
        %swap3A_555 = tpu.vector_load %arg15[%swap3A_553, %swap3A_554] {strides = array<i32>} : memref<80x128xf32, #tpu.memory_space<vmem>>, vector<16xf32>,
        tpu.vector_store %arg15[%swap3A_553, %swap3A_554], %mul3A_552 {strides = array<i32>} : memref<80x128xf32, #tpu.memory_space<vmem>>, vector<16xf32>,
        %get3A_556 = arith.index_cast %add3A_499 : i32 to index
        %get3A_557 = arith.constant 112 : index
        %get3A_558 = tpu.vector_load %arg15[%get3A_556, %get3A_557] {strides = array<i32>} : memref<80x128xf32, #tpu.memory_space<vmem>>, vector<16xf32>,
        %mul3A_559 = vector.broadcast %squeeze3A_495 : f32 to vector<16xf32>
        %mul3A_560 = arith.mulf %get3A_558, %mul3A_559 : vector<16xf32>
        %swap3A_561 = arith.index_cast %add3A_499 : i32 to index
        %swap3A_562 = arith.constant 112 : index
        %swap3A_563 = tpu.vector_load %arg15[%swap3A_561, %swap3A_562] {strides = array<i32>} : memref<80x128xf32, #tpu.memory_space<vmem>>, vector<16xf32>,
        tpu.vector_store %arg15[%swap3A_561, %swap3A_562], %mul3A_560 {strides = array<i32>} : memref<80x128xf32, #tpu.memory_space<vmem>>, vector<16xf32>,
        %slice3A_564 = vector.extract_strided_slice %get3A_145 {offsets = [6], sizes = [1], strides = [1]} : vector<16xf32> to vector<1xf32>
        %squeeze3A_565 = vector.extract %slice3A_564[0] : f32 from vector<1xf32>
        %mul3A_566 = arith.constant 16 : i32
        %mul3A_567 = arith.muli %scan3A_141, %mul3A_566 : i32
        %add3A_568 = arith.constant 6 : i32
        %add3A_569 = arith.addi %mul3A_567, %add3A_568 : i32
        %get3A_570 = arith.index_cast %add3A_569 : i32 to index
        %get3A_571 = arith.constant 0 : index
        %get3A_572 = tpu.vector_load %arg15[%get3A_570, %get3A_571] {strides = array<i32>} : memref<80x128xf32, #tpu.memory_space<vmem>>, vector<16xf32>,
        %mul3A_573 = vector.broadcast %squeeze3A_565 : f32 to vector<16xf32>
        %mul3A_574 = arith.mulf %get3A_572, %mul3A_573 : vector<16xf32>
        %swap3A_575 = arith.index_cast %add3A_569 : i32 to index
        %swap3A_576 = arith.constant 0 : index
        %swap3A_577 = tpu.vector_load %arg15[%swap3A_575, %swap3A_576] {strides = array<i32>} : memref<80x128xf32, #tpu.memory_space<vmem>>, vector<16xf32>,
        tpu.vector_store %arg15[%swap3A_575, %swap3A_576], %mul3A_574 {strides = array<i32>} : memref<80x128xf32, #tpu.memory_space<vmem>>, vector<16xf32>,
        %get3A_578 = arith.index_cast %add3A_569 : i32 to index
        %get3A_579 = arith.constant 16 : index
        %get3A_580 = tpu.vector_load %arg15[%get3A_578, %get3A_579] {strides = array<i32>} : memref<80x128xf32, #tpu.memory_space<vmem>>, vector<16xf32>,
        %mul3A_581 = vector.broadcast %squeeze3A_565 : f32 to vector<16xf32>
        %mul3A_582 = arith.mulf %get3A_580, %mul3A_581 : vector<16xf32>
        %swap3A_583 = arith.index_cast %add3A_569 : i32 to index
        %swap3A_584 = arith.constant 16 : index
        %swap3A_585 = tpu.vector_load %arg15[%swap3A_583, %swap3A_584] {strides = array<i32>} : memref<80x128xf32, #tpu.memory_space<vmem>>, vector<16xf32>,
        tpu.vector_store %arg15[%swap3A_583, %swap3A_584], %mul3A_582 {strides = array<i32>} : memref<80x128xf32, #tpu.memory_space<vmem>>, vector<16xf32>,
        %get3A_586 = arith.index_cast %add3A_569 : i32 to index
        %get3A_587 = arith.constant 32 : index
        %get3A_588 = tpu.vector_load %arg15[%get3A_586, %get3A_587] {strides = array<i32>} : memref<80x128xf32, #tpu.memory_space<vmem>>, vector<16xf32>,
        %mul3A_589 = vector.broadcast %squeeze3A_565 : f32 to vector<16xf32>
        %mul3A_590 = arith.mulf %get3A_588, %mul3A_589 : vector<16xf32>
        %swap3A_591 = arith.index_cast %add3A_569 : i32 to index
        %swap3A_592 = arith.constant 32 : index
        %swap3A_593 = tpu.vector_load %arg15[%swap3A_591, %swap3A_592] {strides = array<i32>} : memref<80x128xf32, #tpu.memory_space<vmem>>, vector<16xf32>,
        tpu.vector_store %arg15[%swap3A_591, %swap3A_592], %mul3A_590 {strides = array<i32>} : memref<80x128xf32, #tpu.memory_space<vmem>>, vector<16xf32>,
        %get3A_594 = arith.index_cast %add3A_569 : i32 to index
        %get3A_595 = arith.constant 48 : index
        %get3A_596 = tpu.vector_load %arg15[%get3A_594, %get3A_595] {strides = array<i32>} : memref<80x128xf32, #tpu.memory_space<vmem>>, vector<16xf32>,
        %mul3A_597 = vector.broadcast %squeeze3A_565 : f32 to vector<16xf32>
        %mul3A_598 = arith.mulf %get3A_596, %mul3A_597 : vector<16xf32>
        %swap3A_599 = arith.index_cast %add3A_569 : i32 to index
        %swap3A_600 = arith.constant 48 : index
        %swap3A_601 = tpu.vector_load %arg15[%swap3A_599, %swap3A_600] {strides = array<i32>} : memref<80x128xf32, #tpu.memory_space<vmem>>, vector<16xf32>,
        tpu.vector_store %arg15[%swap3A_599, %swap3A_600], %mul3A_598 {strides = array<i32>} : memref<80x128xf32, #tpu.memory_space<vmem>>, vector<16xf32>,
        %get3A_602 = arith.index_cast %add3A_569 : i32 to index
        %get3A_603 = arith.constant 64 : index
        %get3A_604 = tpu.vector_load %arg15[%get3A_602, %get3A_603] {strides = array<i32>} : memref<80x128xf32, #tpu.memory_space<vmem>>, vector<16xf32>,
        %mul3A_605 = vector.broadcast %squeeze3A_565 : f32 to vector<16xf32>
        %mul3A_606 = arith.mulf %get3A_604, %mul3A_605 : vector<16xf32>
        %swap3A_607 = arith.index_cast %add3A_569 : i32 to index
        %swap3A_608 = arith.constant 64 : index
        %swap3A_609 = tpu.vector_load %arg15[%swap3A_607, %swap3A_608] {strides = array<i32>} : memref<80x128xf32, #tpu.memory_space<vmem>>, vector<16xf32>,
        tpu.vector_store %arg15[%swap3A_607, %swap3A_608], %mul3A_606 {strides = array<i32>} : memref<80x128xf32, #tpu.memory_space<vmem>>, vector<16xf32>,
        %get3A_610 = arith.index_cast %add3A_569 : i32 to index
        %get3A_611 = arith.constant 80 : index
        %get3A_612 = tpu.vector_load %arg15[%get3A_610, %get3A_611] {strides = array<i32>} : memref<80x128xf32, #tpu.memory_space<vmem>>, vector<16xf32>,
        %mul3A_613 = vector.broadcast %squeeze3A_565 : f32 to vector<16xf32>
        %mul3A_614 = arith.mulf %get3A_612, %mul3A_613 : vector<16xf32>
        %swap3A_615 = arith.index_cast %add3A_569 : i32 to index
        %swap3A_616 = arith.constant 80 : index
        %swap3A_617 = tpu.vector_load %arg15[%swap3A_615, %swap3A_616] {strides = array<i32>} : memref<80x128xf32, #tpu.memory_space<vmem>>, vector<16xf32>,
        tpu.vector_store %arg15[%swap3A_615, %swap3A_616], %mul3A_614 {strides = array<i32>} : memref<80x128xf32, #tpu.memory_space<vmem>>, vector<16xf32>,
        %get3A_618 = arith.index_cast %add3A_569 : i32 to index
        %get3A_619 = arith.constant 96 : index
        %get3A_620 = tpu.vector_load %arg15[%get3A_618, %get3A_619] {strides = array<i32>} : memref<80x128xf32, #tpu.memory_space<vmem>>, vector<16xf32>,
        %mul3A_621 = vector.broadcast %squeeze3A_565 : f32 to vector<16xf32>
        %mul3A_622 = arith.mulf %get3A_620, %mul3A_621 : vector<16xf32>
        %swap3A_623 = arith.index_cast %add3A_569 : i32 to index
        %swap3A_624 = arith.constant 96 : index
        %swap3A_625 = tpu.vector_load %arg15[%swap3A_623, %swap3A_624] {strides = array<i32>} : memref<80x128xf32, #tpu.memory_space<vmem>>, vector<16xf32>,
        tpu.vector_store %arg15[%swap3A_623, %swap3A_624], %mul3A_622 {strides = array<i32>} : memref<80x128xf32, #tpu.memory_space<vmem>>, vector<16xf32>,
        %get3A_626 = arith.index_cast %add3A_569 : i32 to index
        %get3A_627 = arith.constant 112 : index
        %get3A_628 = tpu.vector_load %arg15[%get3A_626, %get3A_627] {strides = array<i32>} : memref<80x128xf32, #tpu.memory_space<vmem>>, vector<16xf32>,
        %mul3A_629 = vector.broadcast %squeeze3A_565 : f32 to vector<16xf32>
        %mul3A_630 = arith.mulf %get3A_628, %mul3A_629 : vector<16xf32>
        %swap3A_631 = arith.index_cast %add3A_569 : i32 to index
        %swap3A_632 = arith.constant 112 : index
        %swap3A_633 = tpu.vector_load %arg15[%swap3A_631, %swap3A_632] {strides = array<i32>} : memref<80x128xf32, #tpu.memory_space<vmem>>, vector<16xf32>,
        tpu.vector_store %arg15[%swap3A_631, %swap3A_632], %mul3A_630 {strides = array<i32>} : memref<80x128xf32, #tpu.memory_space<vmem>>, vector<16xf32>,
        %slice3A_634 = vector.extract_strided_slice %get3A_145 {offsets = [7], sizes = [1], strides = [1]} : vector<16xf32> to vector<1xf32>
        %squeeze3A_635 = vector.extract %slice3A_634[0] : f32 from vector<1xf32>
        %mul3A_636 = arith.constant 16 : i32
        %mul3A_637 = arith.muli %scan3A_141, %mul3A_636 : i32
        %add3A_638 = arith.constant 7 : i32
        %add3A_639 = arith.addi %mul3A_637, %add3A_638 : i32
        %get3A_640 = arith.index_cast %add3A_639 : i32 to index
        %get3A_641 = arith.constant 0 : index
        %get3A_642 = tpu.vector_load %arg15[%get3A_640, %get3A_641] {strides = array<i32>} : memref<80x128xf32, #tpu.memory_space<vmem>>, vector<16xf32>,
        %mul3A_643 = vector.broadcast %squeeze3A_635 : f32 to vector<16xf32>
        %mul3A_644 = arith.mulf %get3A_642, %mul3A_643 : vector<16xf32>
        %swap3A_645 = arith.index_cast %add3A_639 : i32 to index
        %swap3A_646 = arith.constant 0 : index
        %swap3A_647 = tpu.vector_load %arg15[%swap3A_645, %swap3A_646] {strides = array<i32>} : memref<80x128xf32, #tpu.memory_space<vmem>>, vector<16xf32>,
        tpu.vector_store %arg15[%swap3A_645, %swap3A_646], %mul3A_644 {strides = array<i32>} : memref<80x128xf32, #tpu.memory_space<vmem>>, vector<16xf32>,
        %get3A_648 = arith.index_cast %add3A_639 : i32 to index
        %get3A_649 = arith.constant 16 : index
        %get3A_650 = tpu.vector_load %arg15[%get3A_648, %get3A_649] {strides = array<i32>} : memref<80x128xf32, #tpu.memory_space<vmem>>, vector<16xf32>,
        %mul3A_651 = vector.broadcast %squeeze3A_635 : f32 to vector<16xf32>
        %mul3A_652 = arith.mulf %get3A_650, %mul3A_651 : vector<16xf32>
        %swap3A_653 = arith.index_cast %add3A_639 : i32 to index
        %swap3A_654 = arith.constant 16 : index
        %swap3A_655 = tpu.vector_load %arg15[%swap3A_653, %swap3A_654] {strides = array<i32>} : memref<80x128xf32, #tpu.memory_space<vmem>>, vector<16xf32>,
        tpu.vector_store %arg15[%swap3A_653, %swap3A_654], %mul3A_652 {strides = array<i32>} : memref<80x128xf32, #tpu.memory_space<vmem>>, vector<16xf32>,
        %get3A_656 = arith.index_cast %add3A_639 : i32 to index
        %get3A_657 = arith.constant 32 : index
        %get3A_658 = tpu.vector_load %arg15[%get3A_656, %get3A_657] {strides = array<i32>} : memref<80x128xf32, #tpu.memory_space<vmem>>, vector<16xf32>,
        %mul3A_659 = vector.broadcast %squeeze3A_635 : f32 to vector<16xf32>
        %mul3A_660 = arith.mulf %get3A_658, %mul3A_659 : vector<16xf32>
        %swap3A_661 = arith.index_cast %add3A_639 : i32 to index
        %swap3A_662 = arith.constant 32 : index
        %swap3A_663 = tpu.vector_load %arg15[%swap3A_661, %swap3A_662] {strides = array<i32>} : memref<80x128xf32, #tpu.memory_space<vmem>>, vector<16xf32>,
        tpu.vector_store %arg15[%swap3A_661, %swap3A_662], %mul3A_660 {strides = array<i32>} : memref<80x128xf32, #tpu.memory_space<vmem>>, vector<16xf32>,
        %get3A_664 = arith.index_cast %add3A_639 : i32 to index
        %get3A_665 = arith.constant 48 : index
        %get3A_666 = tpu.vector_load %arg15[%get3A_664, %get3A_665] {strides = array<i32>} : memref<80x128xf32, #tpu.memory_space<vmem>>, vector<16xf32>,
        %mul3A_667 = vector.broadcast %squeeze3A_635 : f32 to vector<16xf32>
        %mul3A_668 = arith.mulf %get3A_666, %mul3A_667 : vector<16xf32>
        %swap3A_669 = arith.index_cast %add3A_639 : i32 to index
        %swap3A_670 = arith.constant 48 : index
        %swap3A_671 = tpu.vector_load %arg15[%swap3A_669, %swap3A_670] {strides = array<i32>} : memref<80x128xf32, #tpu.memory_space<vmem>>, vector<16xf32>,
        tpu.vector_store %arg15[%swap3A_669, %swap3A_670], %mul3A_668 {strides = array<i32>} : memref<80x128xf32, #tpu.memory_space<vmem>>, vector<16xf32>,
        %get3A_672 = arith.index_cast %add3A_639 : i32 to index
        %get3A_673 = arith.constant 64 : index
        %get3A_674 = tpu.vector_load %arg15[%get3A_672, %get3A_673] {strides = array<i32>} : memref<80x128xf32, #tpu.memory_space<vmem>>, vector<16xf32>,
        %mul3A_675 = vector.broadcast %squeeze3A_635 : f32 to vector<16xf32>
        %mul3A_676 = arith.mulf %get3A_674, %mul3A_675 : vector<16xf32>
        %swap3A_677 = arith.index_cast %add3A_639 : i32 to index
        %swap3A_678 = arith.constant 64 : index
        %swap3A_679 = tpu.vector_load %arg15[%swap3A_677, %swap3A_678] {strides = array<i32>} : memref<80x128xf32, #tpu.memory_space<vmem>>, vector<16xf32>,
        tpu.vector_store %arg15[%swap3A_677, %swap3A_678], %mul3A_676 {strides = array<i32>} : memref<80x128xf32, #tpu.memory_space<vmem>>, vector<16xf32>,
        %get3A_680 = arith.index_cast %add3A_639 : i32 to index
        %get3A_681 = arith.constant 80 : index
        %get3A_682 = tpu.vector_load %arg15[%get3A_680, %get3A_681] {strides = array<i32>} : memref<80x128xf32, #tpu.memory_space<vmem>>, vector<16xf32>,
        %mul3A_683 = vector.broadcast %squeeze3A_635 : f32 to vector<16xf32>
        %mul3A_684 = arith.mulf %get3A_682, %mul3A_683 : vector<16xf32>
        %swap3A_685 = arith.index_cast %add3A_639 : i32 to index
        %swap3A_686 = arith.constant 80 : index
        %swap3A_687 = tpu.vector_load %arg15[%swap3A_685, %swap3A_686] {strides = array<i32>} : memref<80x128xf32, #tpu.memory_space<vmem>>, vector<16xf32>,
        tpu.vector_store %arg15[%swap3A_685, %swap3A_686], %mul3A_684 {strides = array<i32>} : memref<80x128xf32, #tpu.memory_space<vmem>>, vector<16xf32>,
        %get3A_688 = arith.index_cast %add3A_639 : i32 to index
        %get3A_689 = arith.constant 96 : index
        %get3A_690 = tpu.vector_load %arg15[%get3A_688, %get3A_689] {strides = array<i32>} : memref<80x128xf32, #tpu.memory_space<vmem>>, vector<16xf32>,
        %mul3A_691 = vector.broadcast %squeeze3A_635 : f32 to vector<16xf32>
        %mul3A_692 = arith.mulf %get3A_690, %mul3A_691 : vector<16xf32>
        %swap3A_693 = arith.index_cast %add3A_639 : i32 to index
        %swap3A_694 = arith.constant 96 : index
        %swap3A_695 = tpu.vector_load %arg15[%swap3A_693, %swap3A_694] {strides = array<i32>} : memref<80x128xf32, #tpu.memory_space<vmem>>, vector<16xf32>,
        tpu.vector_store %arg15[%swap3A_693, %swap3A_694], %mul3A_692 {strides = array<i32>} : memref<80x128xf32, #tpu.memory_space<vmem>>, vector<16xf32>,
        %get3A_696 = arith.index_cast %add3A_639 : i32 to index
        %get3A_697 = arith.constant 112 : index
        %get3A_698 = tpu.vector_load %arg15[%get3A_696, %get3A_697] {strides = array<i32>} : memref<80x128xf32, #tpu.memory_space<vmem>>, vector<16xf32>,
        %mul3A_699 = vector.broadcast %squeeze3A_635 : f32 to vector<16xf32>
        %mul3A_700 = arith.mulf %get3A_698, %mul3A_699 : vector<16xf32>
        %swap3A_701 = arith.index_cast %add3A_639 : i32 to index
        %swap3A_702 = arith.constant 112 : index
        %swap3A_703 = tpu.vector_load %arg15[%swap3A_701, %swap3A_702] {strides = array<i32>} : memref<80x128xf32, #tpu.memory_space<vmem>>, vector<16xf32>,
        tpu.vector_store %arg15[%swap3A_701, %swap3A_702], %mul3A_700 {strides = array<i32>} : memref<80x128xf32, #tpu.memory_space<vmem>>, vector<16xf32>,
        %slice3A_704 = vector.extract_strided_slice %get3A_145 {offsets = [8], sizes = [1], strides = [1]} : vector<16xf32> to vector<1xf32>
        %squeeze3A_705 = vector.extract %slice3A_704[0] : f32 from vector<1xf32>
        %mul3A_706 = arith.constant 16 : i32
        %mul3A_707 = arith.muli %scan3A_141, %mul3A_706 : i32
        %add3A_708 = arith.constant 8 : i32
        %add3A_709 = arith.addi %mul3A_707, %add3A_708 : i32
        %get3A_710 = arith.index_cast %add3A_709 : i32 to index
        %get3A_711 = arith.constant 0 : index
        %get3A_712 = tpu.vector_load %arg15[%get3A_710, %get3A_711] {strides = array<i32>} : memref<80x128xf32, #tpu.memory_space<vmem>>, vector<16xf32>,
        %mul3A_713 = vector.broadcast %squeeze3A_705 : f32 to vector<16xf32>
        %mul3A_714 = arith.mulf %get3A_712, %mul3A_713 : vector<16xf32>
        %swap3A_715 = arith.index_cast %add3A_709 : i32 to index
        %swap3A_716 = arith.constant 0 : index
        %swap3A_717 = tpu.vector_load %arg15[%swap3A_715, %swap3A_716] {strides = array<i32>} : memref<80x128xf32, #tpu.memory_space<vmem>>, vector<16xf32>,
        tpu.vector_store %arg15[%swap3A_715, %swap3A_716], %mul3A_714 {strides = array<i32>} : memref<80x128xf32, #tpu.memory_space<vmem>>, vector<16xf32>,
        %get3A_718 = arith.index_cast %add3A_709 : i32 to index
        %get3A_719 = arith.constant 16 : index
        %get3A_720 = tpu.vector_load %arg15[%get3A_718, %get3A_719] {strides = array<i32>} : memref<80x128xf32, #tpu.memory_space<vmem>>, vector<16xf32>,
        %mul3A_721 = vector.broadcast %squeeze3A_705 : f32 to vector<16xf32>
        %mul3A_722 = arith.mulf %get3A_720, %mul3A_721 : vector<16xf32>
        %swap3A_723 = arith.index_cast %add3A_709 : i32 to index
        %swap3A_724 = arith.constant 16 : index
        %swap3A_725 = tpu.vector_load %arg15[%swap3A_723, %swap3A_724] {strides = array<i32>} : memref<80x128xf32, #tpu.memory_space<vmem>>, vector<16xf32>,
        tpu.vector_store %arg15[%swap3A_723, %swap3A_724], %mul3A_722 {strides = array<i32>} : memref<80x128xf32, #tpu.memory_space<vmem>>, vector<16xf32>,
        %get3A_726 = arith.index_cast %add3A_709 : i32 to index
        %get3A_727 = arith.constant 32 : index
        %get3A_728 = tpu.vector_load %arg15[%get3A_726, %get3A_727] {strides = array<i32>} : memref<80x128xf32, #tpu.memory_space<vmem>>, vector<16xf32>,
        %mul3A_729 = vector.broadcast %squeeze3A_705 : f32 to vector<16xf32>
        %mul3A_730 = arith.mulf %get3A_728, %mul3A_729 : vector<16xf32>
        %swap3A_731 = arith.index_cast %add3A_709 : i32 to index
        %swap3A_732 = arith.constant 32 : index
        %swap3A_733 = tpu.vector_load %arg15[%swap3A_731, %swap3A_732] {strides = array<i32>} : memref<80x128xf32, #tpu.memory_space<vmem>>, vector<16xf32>,
        tpu.vector_store %arg15[%swap3A_731, %swap3A_732], %mul3A_730 {strides = array<i32>} : memref<80x128xf32, #tpu.memory_space<vmem>>, vector<16xf32>,
        %get3A_734 = arith.index_cast %add3A_709 : i32 to index
        %get3A_735 = arith.constant 48 : index
        %get3A_736 = tpu.vector_load %arg15[%get3A_734, %get3A_735] {strides = array<i32>} : memref<80x128xf32, #tpu.memory_space<vmem>>, vector<16xf32>,
        %mul3A_737 = vector.broadcast %squeeze3A_705 : f32 to vector<16xf32>
        %mul3A_738 = arith.mulf %get3A_736, %mul3A_737 : vector<16xf32>
        %swap3A_739 = arith.index_cast %add3A_709 : i32 to index
        %swap3A_740 = arith.constant 48 : index
        %swap3A_741 = tpu.vector_load %arg15[%swap3A_739, %swap3A_740] {strides = array<i32>} : memref<80x128xf32, #tpu.memory_space<vmem>>, vector<16xf32>,
        tpu.vector_store %arg15[%swap3A_739, %swap3A_740], %mul3A_738 {strides = array<i32>} : memref<80x128xf32, #tpu.memory_space<vmem>>, vector<16xf32>,
        %get3A_742 = arith.index_cast %add3A_709 : i32 to index
        %get3A_743 = arith.constant 64 : index
        %get3A_744 = tpu.vector_load %arg15[%get3A_742, %get3A_743] {strides = array<i32>} : memref<80x128xf32, #tpu.memory_space<vmem>>, vector<16xf32>,
        %mul3A_745 = vector.broadcast %squeeze3A_705 : f32 to vector<16xf32>
        %mul3A_746 = arith.mulf %get3A_744, %mul3A_745 : vector<16xf32>
        %swap3A_747 = arith.index_cast %add3A_709 : i32 to index
        %swap3A_748 = arith.constant 64 : index
        %swap3A_749 = tpu.vector_load %arg15[%swap3A_747, %swap3A_748] {strides = array<i32>} : memref<80x128xf32, #tpu.memory_space<vmem>>, vector<16xf32>,
        tpu.vector_store %arg15[%swap3A_747, %swap3A_748], %mul3A_746 {strides = array<i32>} : memref<80x128xf32, #tpu.memory_space<vmem>>, vector<16xf32>,
        %get3A_750 = arith.index_cast %add3A_709 : i32 to index
        %get3A_751 = arith.constant 80 : index
        %get3A_752 = tpu.vector_load %arg15[%get3A_750, %get3A_751] {strides = array<i32>} : memref<80x128xf32, #tpu.memory_space<vmem>>, vector<16xf32>,
        %mul3A_753 = vector.broadcast %squeeze3A_705 : f32 to vector<16xf32>
        %mul3A_754 = arith.mulf %get3A_752, %mul3A_753 : vector<16xf32>
        %swap3A_755 = arith.index_cast %add3A_709 : i32 to index
        %swap3A_756 = arith.constant 80 : index
        %swap3A_757 = tpu.vector_load %arg15[%swap3A_755, %swap3A_756] {strides = array<i32>} : memref<80x128xf32, #tpu.memory_space<vmem>>, vector<16xf32>,
        tpu.vector_store %arg15[%swap3A_755, %swap3A_756], %mul3A_754 {strides = array<i32>} : memref<80x128xf32, #tpu.memory_space<vmem>>, vector<16xf32>,
        %get3A_758 = arith.index_cast %add3A_709 : i32 to index
        %get3A_759 = arith.constant 96 : index
        %get3A_760 = tpu.vector_load %arg15[%get3A_758, %get3A_759] {strides = array<i32>} : memref<80x128xf32, #tpu.memory_space<vmem>>, vector<16xf32>,
        %mul3A_761 = vector.broadcast %squeeze3A_705 : f32 to vector<16xf32>
        %mul3A_762 = arith.mulf %get3A_760, %mul3A_761 : vector<16xf32>
        %swap3A_763 = arith.index_cast %add3A_709 : i32 to index
        %swap3A_764 = arith.constant 96 : index
        %swap3A_765 = tpu.vector_load %arg15[%swap3A_763, %swap3A_764] {strides = array<i32>} : memref<80x128xf32, #tpu.memory_space<vmem>>, vector<16xf32>,
        tpu.vector_store %arg15[%swap3A_763, %swap3A_764], %mul3A_762 {strides = array<i32>} : memref<80x128xf32, #tpu.memory_space<vmem>>, vector<16xf32>,
        %get3A_766 = arith.index_cast %add3A_709 : i32 to index
        %get3A_767 = arith.constant 112 : index
        %get3A_768 = tpu.vector_load %arg15[%get3A_766, %get3A_767] {strides = array<i32>} : memref<80x128xf32, #tpu.memory_space<vmem>>, vector<16xf32>,
        %mul3A_769 = vector.broadcast %squeeze3A_705 : f32 to vector<16xf32>
        %mul3A_770 = arith.mulf %get3A_768, %mul3A_769 : vector<16xf32>
        %swap3A_771 = arith.index_cast %add3A_709 : i32 to index
        %swap3A_772 = arith.constant 112 : index
        %swap3A_773 = tpu.vector_load %arg15[%swap3A_771, %swap3A_772] {strides = array<i32>} : memref<80x128xf32, #tpu.memory_space<vmem>>, vector<16xf32>,
        tpu.vector_store %arg15[%swap3A_771, %swap3A_772], %mul3A_770 {strides = array<i32>} : memref<80x128xf32, #tpu.memory_space<vmem>>, vector<16xf32>,
        %slice3A_774 = vector.extract_strided_slice %get3A_145 {offsets = [9], sizes = [1], strides = [1]} : vector<16xf32> to vector<1xf32>
        %squeeze3A_775 = vector.extract %slice3A_774[0] : f32 from vector<1xf32>
        %mul3A_776 = arith.constant 16 : i32
        %mul3A_777 = arith.muli %scan3A_141, %mul3A_776 : i32
        %add3A_778 = arith.constant 9 : i32
        %add3A_779 = arith.addi %mul3A_777, %add3A_778 : i32
        %get3A_780 = arith.index_cast %add3A_779 : i32 to index
        %get3A_781 = arith.constant 0 : index
        %get3A_782 = tpu.vector_load %arg15[%get3A_780, %get3A_781] {strides = array<i32>} : memref<80x128xf32, #tpu.memory_space<vmem>>, vector<16xf32>,
        %mul3A_783 = vector.broadcast %squeeze3A_775 : f32 to vector<16xf32>
        %mul3A_784 = arith.mulf %get3A_782, %mul3A_783 : vector<16xf32>
        %swap3A_785 = arith.index_cast %add3A_779 : i32 to index
        %swap3A_786 = arith.constant 0 : index
        %swap3A_787 = tpu.vector_load %arg15[%swap3A_785, %swap3A_786] {strides = array<i32>} : memref<80x128xf32, #tpu.memory_space<vmem>>, vector<16xf32>,
        tpu.vector_store %arg15[%swap3A_785, %swap3A_786], %mul3A_784 {strides = array<i32>} : memref<80x128xf32, #tpu.memory_space<vmem>>, vector<16xf32>,
        %get3A_788 = arith.index_cast %add3A_779 : i32 to index
        %get3A_789 = arith.constant 16 : index
        %get3A_790 = tpu.vector_load %arg15[%get3A_788, %get3A_789] {strides = array<i32>} : memref<80x128xf32, #tpu.memory_space<vmem>>, vector<16xf32>,
        %mul3A_791 = vector.broadcast %squeeze3A_775 : f32 to vector<16xf32>
        %mul3A_792 = arith.mulf %get3A_790, %mul3A_791 : vector<16xf32>
        %swap3A_793 = arith.index_cast %add3A_779 : i32 to index
        %swap3A_794 = arith.constant 16 : index
        %swap3A_795 = tpu.vector_load %arg15[%swap3A_793, %swap3A_794] {strides = array<i32>} : memref<80x128xf32, #tpu.memory_space<vmem>>, vector<16xf32>,
        tpu.vector_store %arg15[%swap3A_793, %swap3A_794], %mul3A_792 {strides = array<i32>} : memref<80x128xf32, #tpu.memory_space<vmem>>, vector<16xf32>,
        %get3A_796 = arith.index_cast %add3A_779 : i32 to index
        %get3A_797 = arith.constant 32 : index
        %get3A_798 = tpu.vector_load %arg15[%get3A_796, %get3A_797] {strides = array<i32>} : memref<80x128xf32, #tpu.memory_space<vmem>>, vector<16xf32>,
        %mul3A_799 = vector.broadcast %squeeze3A_775 : f32 to vector<16xf32>
        %mul3A_800 = arith.mulf %get3A_798, %mul3A_799 : vector<16xf32>
        %swap3A_801 = arith.index_cast %add3A_779 : i32 to index
        %swap3A_802 = arith.constant 32 : index
        %swap3A_803 = tpu.vector_load %arg15[%swap3A_801, %swap3A_802] {strides = array<i32>} : memref<80x128xf32, #tpu.memory_space<vmem>>, vector<16xf32>,
        tpu.vector_store %arg15[%swap3A_801, %swap3A_802], %mul3A_800 {strides = array<i32>} : memref<80x128xf32, #tpu.memory_space<vmem>>, vector<16xf32>,
        %get3A_804 = arith.index_cast %add3A_779 : i32 to index
        %get3A_805 = arith.constant 48 : index
        %get3A_806 = tpu.vector_load %arg15[%get3A_804, %get3A_805] {strides = array<i32>} : memref<80x128xf32, #tpu.memory_space<vmem>>, vector<16xf32>,
        %mul3A_807 = vector.broadcast %squeeze3A_775 : f32 to vector<16xf32>
        %mul3A_808 = arith.mulf %get3A_806, %mul3A_807 : vector<16xf32>
        %swap3A_809 = arith.index_cast %add3A_779 : i32 to index
        %swap3A_810 = arith.constant 48 : index
        %swap3A_811 = tpu.vector_load %arg15[%swap3A_809, %swap3A_810] {strides = array<i32>} : memref<80x128xf32, #tpu.memory_space<vmem>>, vector<16xf32>,
        tpu.vector_store %arg15[%swap3A_809, %swap3A_810], %mul3A_808 {strides = array<i32>} : memref<80x128xf32, #tpu.memory_space<vmem>>, vector<16xf32>,
        %get3A_812 = arith.index_cast %add3A_779 : i32 to index
        %get3A_813 = arith.constant 64 : index
        %get3A_814 = tpu.vector_load %arg15[%get3A_812, %get3A_813] {strides = array<i32>} : memref<80x128xf32, #tpu.memory_space<vmem>>, vector<16xf32>,
        %mul3A_815 = vector.broadcast %squeeze3A_775 : f32 to vector<16xf32>
        %mul3A_816 = arith.mulf %get3A_814, %mul3A_815 : vector<16xf32>
        %swap3A_817 = arith.index_cast %add3A_779 : i32 to index
        %swap3A_818 = arith.constant 64 : index
        %swap3A_819 = tpu.vector_load %arg15[%swap3A_817, %swap3A_818] {strides = array<i32>} : memref<80x128xf32, #tpu.memory_space<vmem>>, vector<16xf32>,
        tpu.vector_store %arg15[%swap3A_817, %swap3A_818], %mul3A_816 {strides = array<i32>} : memref<80x128xf32, #tpu.memory_space<vmem>>, vector<16xf32>,
        %get3A_820 = arith.index_cast %add3A_779 : i32 to index
        %get3A_821 = arith.constant 80 : index
        %get3A_822 = tpu.vector_load %arg15[%get3A_820, %get3A_821] {strides = array<i32>} : memref<80x128xf32, #tpu.memory_space<vmem>>, vector<16xf32>,
        %mul3A_823 = vector.broadcast %squeeze3A_775 : f32 to vector<16xf32>
        %mul3A_824 = arith.mulf %get3A_822, %mul3A_823 : vector<16xf32>
        %swap3A_825 = arith.index_cast %add3A_779 : i32 to index
        %swap3A_826 = arith.constant 80 : index
        %swap3A_827 = tpu.vector_load %arg15[%swap3A_825, %swap3A_826] {strides = array<i32>} : memref<80x128xf32, #tpu.memory_space<vmem>>, vector<16xf32>,
        tpu.vector_store %arg15[%swap3A_825, %swap3A_826], %mul3A_824 {strides = array<i32>} : memref<80x128xf32, #tpu.memory_space<vmem>>, vector<16xf32>,
        %get3A_828 = arith.index_cast %add3A_779 : i32 to index
        %get3A_829 = arith.constant 96 : index
        %get3A_830 = tpu.vector_load %arg15[%get3A_828, %get3A_829] {strides = array<i32>} : memref<80x128xf32, #tpu.memory_space<vmem>>, vector<16xf32>,
        %mul3A_831 = vector.broadcast %squeeze3A_775 : f32 to vector<16xf32>
        %mul3A_832 = arith.mulf %get3A_830, %mul3A_831 : vector<16xf32>
        %swap3A_833 = arith.index_cast %add3A_779 : i32 to index
        %swap3A_834 = arith.constant 96 : index
        %swap3A_835 = tpu.vector_load %arg15[%swap3A_833, %swap3A_834] {strides = array<i32>} : memref<80x128xf32, #tpu.memory_space<vmem>>, vector<16xf32>,
        tpu.vector_store %arg15[%swap3A_833, %swap3A_834], %mul3A_832 {strides = array<i32>} : memref<80x128xf32, #tpu.memory_space<vmem>>, vector<16xf32>,
        %get3A_836 = arith.index_cast %add3A_779 : i32 to index
        %get3A_837 = arith.constant 112 : index
        %get3A_838 = tpu.vector_load %arg15[%get3A_836, %get3A_837] {strides = array<i32>} : memref<80x128xf32, #tpu.memory_space<vmem>>, vector<16xf32>,
        %mul3A_839 = vector.broadcast %squeeze3A_775 : f32 to vector<16xf32>
        %mul3A_840 = arith.mulf %get3A_838, %mul3A_839 : vector<16xf32>
        %swap3A_841 = arith.index_cast %add3A_779 : i32 to index
        %swap3A_842 = arith.constant 112 : index
        %swap3A_843 = tpu.vector_load %arg15[%swap3A_841, %swap3A_842] {strides = array<i32>} : memref<80x128xf32, #tpu.memory_space<vmem>>, vector<16xf32>,
        tpu.vector_store %arg15[%swap3A_841, %swap3A_842], %mul3A_840 {strides = array<i32>} : memref<80x128xf32, #tpu.memory_space<vmem>>, vector<16xf32>,
        %slice3A_844 = vector.extract_strided_slice %get3A_145 {offsets = [10], sizes = [1], strides = [1]} : vector<16xf32> to vector<1xf32>
        %squeeze3A_845 = vector.extract %slice3A_844[0] : f32 from vector<1xf32>
        %mul3A_846 = arith.constant 16 : i32
        %mul3A_847 = arith.muli %scan3A_141, %mul3A_846 : i32
        %add3A_848 = arith.constant 10 : i32
        %add3A_849 = arith.addi %mul3A_847, %add3A_848 : i32
        %get3A_850 = arith.index_cast %add3A_849 : i32 to index
        %get3A_851 = arith.constant 0 : index
        %get3A_852 = tpu.vector_load %arg15[%get3A_850, %get3A_851] {strides = array<i32>} : memref<80x128xf32, #tpu.memory_space<vmem>>, vector<16xf32>,
        %mul3A_853 = vector.broadcast %squeeze3A_845 : f32 to vector<16xf32>
        %mul3A_854 = arith.mulf %get3A_852, %mul3A_853 : vector<16xf32>
        %swap3A_855 = arith.index_cast %add3A_849 : i32 to index
        %swap3A_856 = arith.constant 0 : index
        %swap3A_857 = tpu.vector_load %arg15[%swap3A_855, %swap3A_856] {strides = array<i32>} : memref<80x128xf32, #tpu.memory_space<vmem>>, vector<16xf32>,
        tpu.vector_store %arg15[%swap3A_855, %swap3A_856], %mul3A_854 {strides = array<i32>} : memref<80x128xf32, #tpu.memory_space<vmem>>, vector<16xf32>,
        %get3A_858 = arith.index_cast %add3A_849 : i32 to index
        %get3A_859 = arith.constant 16 : index
        %get3A_860 = tpu.vector_load %arg15[%get3A_858, %get3A_859] {strides = array<i32>} : memref<80x128xf32, #tpu.memory_space<vmem>>, vector<16xf32>,
        %mul3A_861 = vector.broadcast %squeeze3A_845 : f32 to vector<16xf32>
        %mul3A_862 = arith.mulf %get3A_860, %mul3A_861 : vector<16xf32>
        %swap3A_863 = arith.index_cast %add3A_849 : i32 to index
        %swap3A_864 = arith.constant 16 : index
        %swap3A_865 = tpu.vector_load %arg15[%swap3A_863, %swap3A_864] {strides = array<i32>} : memref<80x128xf32, #tpu.memory_space<vmem>>, vector<16xf32>,
        tpu.vector_store %arg15[%swap3A_863, %swap3A_864], %mul3A_862 {strides = array<i32>} : memref<80x128xf32, #tpu.memory_space<vmem>>, vector<16xf32>,
        %get3A_866 = arith.index_cast %add3A_849 : i32 to index
        %get3A_867 = arith.constant 32 : index
        %get3A_868 = tpu.vector_load %arg15[%get3A_866, %get3A_867] {strides = array<i32>} : memref<80x128xf32, #tpu.memory_space<vmem>>, vector<16xf32>,
        %mul3A_869 = vector.broadcast %squeeze3A_845 : f32 to vector<16xf32>
        %mul3A_870 = arith.mulf %get3A_868, %mul3A_869 : vector<16xf32>
        %swap3A_871 = arith.index_cast %add3A_849 : i32 to index
        %swap3A_872 = arith.constant 32 : index
        %swap3A_873 = tpu.vector_load %arg15[%swap3A_871, %swap3A_872] {strides = array<i32>} : memref<80x128xf32, #tpu.memory_space<vmem>>, vector<16xf32>,
        tpu.vector_store %arg15[%swap3A_871, %swap3A_872], %mul3A_870 {strides = array<i32>} : memref<80x128xf32, #tpu.memory_space<vmem>>, vector<16xf32>,
        %get3A_874 = arith.index_cast %add3A_849 : i32 to index
        %get3A_875 = arith.constant 48 : index
        %get3A_876 = tpu.vector_load %arg15[%get3A_874, %get3A_875] {strides = array<i32>} : memref<80x128xf32, #tpu.memory_space<vmem>>, vector<16xf32>,
        %mul3A_877 = vector.broadcast %squeeze3A_845 : f32 to vector<16xf32>
        %mul3A_878 = arith.mulf %get3A_876, %mul3A_877 : vector<16xf32>
        %swap3A_879 = arith.index_cast %add3A_849 : i32 to index
        %swap3A_880 = arith.constant 48 : index
        %swap3A_881 = tpu.vector_load %arg15[%swap3A_879, %swap3A_880] {strides = array<i32>} : memref<80x128xf32, #tpu.memory_space<vmem>>, vector<16xf32>,
        tpu.vector_store %arg15[%swap3A_879, %swap3A_880], %mul3A_878 {strides = array<i32>} : memref<80x128xf32, #tpu.memory_space<vmem>>, vector<16xf32>,
        %get3A_882 = arith.index_cast %add3A_849 : i32 to index
        %get3A_883 = arith.constant 64 : index
        %get3A_884 = tpu.vector_load %arg15[%get3A_882, %get3A_883] {strides = array<i32>} : memref<80x128xf32, #tpu.memory_space<vmem>>, vector<16xf32>,
        %mul3A_885 = vector.broadcast %squeeze3A_845 : f32 to vector<16xf32>
        %mul3A_886 = arith.mulf %get3A_884, %mul3A_885 : vector<16xf32>
        %swap3A_887 = arith.index_cast %add3A_849 : i32 to index
        %swap3A_888 = arith.constant 64 : index
        %swap3A_889 = tpu.vector_load %arg15[%swap3A_887, %swap3A_888] {strides = array<i32>} : memref<80x128xf32, #tpu.memory_space<vmem>>, vector<16xf32>,
        tpu.vector_store %arg15[%swap3A_887, %swap3A_888], %mul3A_886 {strides = array<i32>} : memref<80x128xf32, #tpu.memory_space<vmem>>, vector<16xf32>,
        %get3A_890 = arith.index_cast %add3A_849 : i32 to index
        %get3A_891 = arith.constant 80 : index
        %get3A_892 = tpu.vector_load %arg15[%get3A_890, %get3A_891] {strides = array<i32>} : memref<80x128xf32, #tpu.memory_space<vmem>>, vector<16xf32>,
        %mul3A_893 = vector.broadcast %squeeze3A_845 : f32 to vector<16xf32>
        %mul3A_894 = arith.mulf %get3A_892, %mul3A_893 : vector<16xf32>
        %swap3A_895 = arith.index_cast %add3A_849 : i32 to index
        %swap3A_896 = arith.constant 80 : index
        %swap3A_897 = tpu.vector_load %arg15[%swap3A_895, %swap3A_896] {strides = array<i32>} : memref<80x128xf32, #tpu.memory_space<vmem>>, vector<16xf32>,
        tpu.vector_store %arg15[%swap3A_895, %swap3A_896], %mul3A_894 {strides = array<i32>} : memref<80x128xf32, #tpu.memory_space<vmem>>, vector<16xf32>,
        %get3A_898 = arith.index_cast %add3A_849 : i32 to index
        %get3A_899 = arith.constant 96 : index
        %get3A_900 = tpu.vector_load %arg15[%get3A_898, %get3A_899] {strides = array<i32>} : memref<80x128xf32, #tpu.memory_space<vmem>>, vector<16xf32>,
        %mul3A_901 = vector.broadcast %squeeze3A_845 : f32 to vector<16xf32>
        %mul3A_902 = arith.mulf %get3A_900, %mul3A_901 : vector<16xf32>
        %swap3A_903 = arith.index_cast %add3A_849 : i32 to index
        %swap3A_904 = arith.constant 96 : index
        %swap3A_905 = tpu.vector_load %arg15[%swap3A_903, %swap3A_904] {strides = array<i32>} : memref<80x128xf32, #tpu.memory_space<vmem>>, vector<16xf32>,
        tpu.vector_store %arg15[%swap3A_903, %swap3A_904], %mul3A_902 {strides = array<i32>} : memref<80x128xf32, #tpu.memory_space<vmem>>, vector<16xf32>,
        %get3A_906 = arith.index_cast %add3A_849 : i32 to index
        %get3A_907 = arith.constant 112 : index
        %get3A_908 = tpu.vector_load %arg15[%get3A_906, %get3A_907] {strides = array<i32>} : memref<80x128xf32, #tpu.memory_space<vmem>>, vector<16xf32>,
        %mul3A_909 = vector.broadcast %squeeze3A_845 : f32 to vector<16xf32>
        %mul3A_910 = arith.mulf %get3A_908, %mul3A_909 : vector<16xf32>
        %swap3A_911 = arith.index_cast %add3A_849 : i32 to index
        %swap3A_912 = arith.constant 112 : index
        %swap3A_913 = tpu.vector_load %arg15[%swap3A_911, %swap3A_912] {strides = array<i32>} : memref<80x128xf32, #tpu.memory_space<vmem>>, vector<16xf32>,
        tpu.vector_store %arg15[%swap3A_911, %swap3A_912], %mul3A_910 {strides = array<i32>} : memref<80x128xf32, #tpu.memory_space<vmem>>, vector<16xf32>,
        %slice3A_914 = vector.extract_strided_slice %get3A_145 {offsets = [11], sizes = [1], strides = [1]} : vector<16xf32> to vector<1xf32>
        %squeeze3A_915 = vector.extract %slice3A_914[0] : f32 from vector<1xf32>
        %mul3A_916 = arith.constant 16 : i32
        %mul3A_917 = arith.muli %scan3A_141, %mul3A_916 : i32
        %add3A_918 = arith.constant 11 : i32
        %add3A_919 = arith.addi %mul3A_917, %add3A_918 : i32
        %get3A_920 = arith.index_cast %add3A_919 : i32 to index
        %get3A_921 = arith.constant 0 : index
        %get3A_922 = tpu.vector_load %arg15[%get3A_920, %get3A_921] {strides = array<i32>} : memref<80x128xf32, #tpu.memory_space<vmem>>, vector<16xf32>,
        %mul3A_923 = vector.broadcast %squeeze3A_915 : f32 to vector<16xf32>
        %mul3A_924 = arith.mulf %get3A_922, %mul3A_923 : vector<16xf32>
        %swap3A_925 = arith.index_cast %add3A_919 : i32 to index
        %swap3A_926 = arith.constant 0 : index
        %swap3A_927 = tpu.vector_load %arg15[%swap3A_925, %swap3A_926] {strides = array<i32>} : memref<80x128xf32, #tpu.memory_space<vmem>>, vector<16xf32>,
        tpu.vector_store %arg15[%swap3A_925, %swap3A_926], %mul3A_924 {strides = array<i32>} : memref<80x128xf32, #tpu.memory_space<vmem>>, vector<16xf32>,
        %get3A_928 = arith.index_cast %add3A_919 : i32 to index
        %get3A_929 = arith.constant 16 : index
        %get3A_930 = tpu.vector_load %arg15[%get3A_928, %get3A_929] {strides = array<i32>} : memref<80x128xf32, #tpu.memory_space<vmem>>, vector<16xf32>,
        %mul3A_931 = vector.broadcast %squeeze3A_915 : f32 to vector<16xf32>
        %mul3A_932 = arith.mulf %get3A_930, %mul3A_931 : vector<16xf32>
        %swap3A_933 = arith.index_cast %add3A_919 : i32 to index
        %swap3A_934 = arith.constant 16 : index
        %swap3A_935 = tpu.vector_load %arg15[%swap3A_933, %swap3A_934] {strides = array<i32>} : memref<80x128xf32, #tpu.memory_space<vmem>>, vector<16xf32>,
        tpu.vector_store %arg15[%swap3A_933, %swap3A_934], %mul3A_932 {strides = array<i32>} : memref<80x128xf32, #tpu.memory_space<vmem>>, vector<16xf32>,
        %get3A_936 = arith.index_cast %add3A_919 : i32 to index
        %get3A_937 = arith.constant 32 : index
        %get3A_938 = tpu.vector_load %arg15[%get3A_936, %get3A_937] {strides = array<i32>} : memref<80x128xf32, #tpu.memory_space<vmem>>, vector<16xf32>,
        %mul3A_939 = vector.broadcast %squeeze3A_915 : f32 to vector<16xf32>
        %mul3A_940 = arith.mulf %get3A_938, %mul3A_939 : vector<16xf32>
        %swap3A_941 = arith.index_cast %add3A_919 : i32 to index
        %swap3A_942 = arith.constant 32 : index
        %swap3A_943 = tpu.vector_load %arg15[%swap3A_941, %swap3A_942] {strides = array<i32>} : memref<80x128xf32, #tpu.memory_space<vmem>>, vector<16xf32>,
        tpu.vector_store %arg15[%swap3A_941, %swap3A_942], %mul3A_940 {strides = array<i32>} : memref<80x128xf32, #tpu.memory_space<vmem>>, vector<16xf32>,
        %get3A_944 = arith.index_cast %add3A_919 : i32 to index
        %get3A_945 = arith.constant 48 : index
        %get3A_946 = tpu.vector_load %arg15[%get3A_944, %get3A_945] {strides = array<i32>} : memref<80x128xf32, #tpu.memory_space<vmem>>, vector<16xf32>,
        %mul3A_947 = vector.broadcast %squeeze3A_915 : f32 to vector<16xf32>
        %mul3A_948 = arith.mulf %get3A_946, %mul3A_947 : vector<16xf32>
        %swap3A_949 = arith.index_cast %add3A_919 : i32 to index
        %swap3A_950 = arith.constant 48 : index
        %swap3A_951 = tpu.vector_load %arg15[%swap3A_949, %swap3A_950] {strides = array<i32>} : memref<80x128xf32, #tpu.memory_space<vmem>>, vector<16xf32>,
        tpu.vector_store %arg15[%swap3A_949, %swap3A_950], %mul3A_948 {strides = array<i32>} : memref<80x128xf32, #tpu.memory_space<vmem>>, vector<16xf32>,
        %get3A_952 = arith.index_cast %add3A_919 : i32 to index
        %get3A_953 = arith.constant 64 : index
        %get3A_954 = tpu.vector_load %arg15[%get3A_952, %get3A_953] {strides = array<i32>} : memref<80x128xf32, #tpu.memory_space<vmem>>, vector<16xf32>,
        %mul3A_955 = vector.broadcast %squeeze3A_915 : f32 to vector<16xf32>
        %mul3A_956 = arith.mulf %get3A_954, %mul3A_955 : vector<16xf32>
        %swap3A_957 = arith.index_cast %add3A_919 : i32 to index
        %swap3A_958 = arith.constant 64 : index
        %swap3A_959 = tpu.vector_load %arg15[%swap3A_957, %swap3A_958] {strides = array<i32>} : memref<80x128xf32, #tpu.memory_space<vmem>>, vector<16xf32>,
        tpu.vector_store %arg15[%swap3A_957, %swap3A_958], %mul3A_956 {strides = array<i32>} : memref<80x128xf32, #tpu.memory_space<vmem>>, vector<16xf32>,
        %get3A_960 = arith.index_cast %add3A_919 : i32 to index
        %get3A_961 = arith.constant 80 : index
        %get3A_962 = tpu.vector_load %arg15[%get3A_960, %get3A_961] {strides = array<i32>} : memref<80x128xf32, #tpu.memory_space<vmem>>, vector<16xf32>,
        %mul3A_963 = vector.broadcast %squeeze3A_915 : f32 to vector<16xf32>
        %mul3A_964 = arith.mulf %get3A_962, %mul3A_963 : vector<16xf32>
        %swap3A_965 = arith.index_cast %add3A_919 : i32 to index
        %swap3A_966 = arith.constant 80 : index
        %swap3A_967 = tpu.vector_load %arg15[%swap3A_965, %swap3A_966] {strides = array<i32>} : memref<80x128xf32, #tpu.memory_space<vmem>>, vector<16xf32>,
        tpu.vector_store %arg15[%swap3A_965, %swap3A_966], %mul3A_964 {strides = array<i32>} : memref<80x128xf32, #tpu.memory_space<vmem>>, vector<16xf32>,
        %get3A_968 = arith.index_cast %add3A_919 : i32 to index
        %get3A_969 = arith.constant 96 : index
        %get3A_970 = tpu.vector_load %arg15[%get3A_968, %get3A_969] {strides = array<i32>} : memref<80x128xf32, #tpu.memory_space<vmem>>, vector<16xf32>,
        %mul3A_971 = vector.broadcast %squeeze3A_915 : f32 to vector<16xf32>
        %mul3A_972 = arith.mulf %get3A_970, %mul3A_971 : vector<16xf32>
        %swap3A_973 = arith.index_cast %add3A_919 : i32 to index
        %swap3A_974 = arith.constant 96 : index
        %swap3A_975 = tpu.vector_load %arg15[%swap3A_973, %swap3A_974] {strides = array<i32>} : memref<80x128xf32, #tpu.memory_space<vmem>>, vector<16xf32>,
        tpu.vector_store %arg15[%swap3A_973, %swap3A_974], %mul3A_972 {strides = array<i32>} : memref<80x128xf32, #tpu.memory_space<vmem>>, vector<16xf32>,
        %get3A_976 = arith.index_cast %add3A_919 : i32 to index
        %get3A_977 = arith.constant 112 : index
        %get3A_978 = tpu.vector_load %arg15[%get3A_976, %get3A_977] {strides = array<i32>} : memref<80x128xf32, #tpu.memory_space<vmem>>, vector<16xf32>,
        %mul3A_979 = vector.broadcast %squeeze3A_915 : f32 to vector<16xf32>
        %mul3A_980 = arith.mulf %get3A_978, %mul3A_979 : vector<16xf32>
        %swap3A_981 = arith.index_cast %add3A_919 : i32 to index
        %swap3A_982 = arith.constant 112 : index
        %swap3A_983 = tpu.vector_load %arg15[%swap3A_981, %swap3A_982] {strides = array<i32>} : memref<80x128xf32, #tpu.memory_space<vmem>>, vector<16xf32>,
        tpu.vector_store %arg15[%swap3A_981, %swap3A_982], %mul3A_980 {strides = array<i32>} : memref<80x128xf32, #tpu.memory_space<vmem>>, vector<16xf32>,
        %slice3A_984 = vector.extract_strided_slice %get3A_145 {offsets = [12], sizes = [1], strides = [1]} : vector<16xf32> to vector<1xf32>
        %squeeze3A_985 = vector.extract %slice3A_984[0] : f32 from vector<1xf32>
        %mul3A_986 = arith.constant 16 : i32
        %mul3A_987 = arith.muli %scan3A_141, %mul3A_986 : i32
        %add3A_988 = arith.constant 12 : i32
        %add3A_989 = arith.addi %mul3A_987, %add3A_988 : i32
        %get3A_990 = arith.index_cast %add3A_989 : i32 to index
        %get3A_991 = arith.constant 0 : index
        %get3A_992 = tpu.vector_load %arg15[%get3A_990, %get3A_991] {strides = array<i32>} : memref<80x128xf32, #tpu.memory_space<vmem>>, vector<16xf32>,
        %mul3A_993 = vector.broadcast %squeeze3A_985 : f32 to vector<16xf32>
        %mul3A_994 = arith.mulf %get3A_992, %mul3A_993 : vector<16xf32>
        %swap3A_995 = arith.index_cast %add3A_989 : i32 to index
        %swap3A_996 = arith.constant 0 : index
        %swap3A_997 = tpu.vector_load %arg15[%swap3A_995, %swap3A_996] {strides = array<i32>} : memref<80x128xf32, #tpu.memory_space<vmem>>, vector<16xf32>,
        tpu.vector_store %arg15[%swap3A_995, %swap3A_996], %mul3A_994 {strides = array<i32>} : memref<80x128xf32, #tpu.memory_space<vmem>>, vector<16xf32>,
        %get3A_998 = arith.index_cast %add3A_989 : i32 to index
        %get3A_999 = arith.constant 16 : index
        %get3A_1000 = tpu.vector_load %arg15[%get3A_998, %get3A_999] {strides = array<i32>} : memref<80x128xf32, #tpu.memory_space<vmem>>, vector<16xf32>,
        %mul3A_1001 = vector.broadcast %squeeze3A_985 : f32 to vector<16xf32>
        %mul3A_1002 = arith.mulf %get3A_1000, %mul3A_1001 : vector<16xf32>
        %swap3A_1003 = arith.index_cast %add3A_989 : i32 to index
        %swap3A_1004 = arith.constant 16 : index
        %swap3A_1005 = tpu.vector_load %arg15[%swap3A_1003, %swap3A_1004] {strides = array<i32>} : memref<80x128xf32, #tpu.memory_space<vmem>>, vector<16xf32>,
        tpu.vector_store %arg15[%swap3A_1003, %swap3A_1004], %mul3A_1002 {strides = array<i32>} : memref<80x128xf32, #tpu.memory_space<vmem>>, vector<16xf32>,
        %get3A_1006 = arith.index_cast %add3A_989 : i32 to index
        %get3A_1007 = arith.constant 32 : index
        %get3A_1008 = tpu.vector_load %arg15[%get3A_1006, %get3A_1007] {strides = array<i32>} : memref<80x128xf32, #tpu.memory_space<vmem>>, vector<16xf32>,
        %mul3A_1009 = vector.broadcast %squeeze3A_985 : f32 to vector<16xf32>
        %mul3A_1010 = arith.mulf %get3A_1008, %mul3A_1009 : vector<16xf32>
        %swap3A_1011 = arith.index_cast %add3A_989 : i32 to index
        %swap3A_1012 = arith.constant 32 : index
        %swap3A_1013 = tpu.vector_load %arg15[%swap3A_1011, %swap3A_1012] {strides = array<i32>} : memref<80x128xf32, #tpu.memory_space<vmem>>, vector<16xf32>,
        tpu.vector_store %arg15[%swap3A_1011, %swap3A_1012], %mul3A_1010 {strides = array<i32>} : memref<80x128xf32, #tpu.memory_space<vmem>>, vector<16xf32>,
        %get3A_1014 = arith.index_cast %add3A_989 : i32 to index
        %get3A_1015 = arith.constant 48 : index
        %get3A_1016 = tpu.vector_load %arg15[%get3A_1014, %get3A_1015] {strides = array<i32>} : memref<80x128xf32, #tpu.memory_space<vmem>>, vector<16xf32>,
        %mul3A_1017 = vector.broadcast %squeeze3A_985 : f32 to vector<16xf32>
        %mul3A_1018 = arith.mulf %get3A_1016, %mul3A_1017 : vector<16xf32>
        %swap3A_1019 = arith.index_cast %add3A_989 : i32 to index
        %swap3A_1020 = arith.constant 48 : index
        %swap3A_1021 = tpu.vector_load %arg15[%swap3A_1019, %swap3A_1020] {strides = array<i32>} : memref<80x128xf32, #tpu.memory_space<vmem>>, vector<16xf32>,
        tpu.vector_store %arg15[%swap3A_1019, %swap3A_1020], %mul3A_1018 {strides = array<i32>} : memref<80x128xf32, #tpu.memory_space<vmem>>, vector<16xf32>,
        %get3A_1022 = arith.index_cast %add3A_989 : i32 to index
        %get3A_1023 = arith.constant 64 : index
        %get3A_1024 = tpu.vector_load %arg15[%get3A_1022, %get3A_1023] {strides = array<i32>} : memref<80x128xf32, #tpu.memory_space<vmem>>, vector<16xf32>,
        %mul3A_1025 = vector.broadcast %squeeze3A_985 : f32 to vector<16xf32>
        %mul3A_1026 = arith.mulf %get3A_1024, %mul3A_1025 : vector<16xf32>
        %swap3A_1027 = arith.index_cast %add3A_989 : i32 to index
        %swap3A_1028 = arith.constant 64 : index
        %swap3A_1029 = tpu.vector_load %arg15[%swap3A_1027, %swap3A_1028] {strides = array<i32>} : memref<80x128xf32, #tpu.memory_space<vmem>>, vector<16xf32>,
        tpu.vector_store %arg15[%swap3A_1027, %swap3A_1028], %mul3A_1026 {strides = array<i32>} : memref<80x128xf32, #tpu.memory_space<vmem>>, vector<16xf32>,
        %get3A_1030 = arith.index_cast %add3A_989 : i32 to index
        %get3A_1031 = arith.constant 80 : index
        %get3A_1032 = tpu.vector_load %arg15[%get3A_1030, %get3A_1031] {strides = array<i32>} : memref<80x128xf32, #tpu.memory_space<vmem>>, vector<16xf32>,
        %mul3A_1033 = vector.broadcast %squeeze3A_985 : f32 to vector<16xf32>
        %mul3A_1034 = arith.mulf %get3A_1032, %mul3A_1033 : vector<16xf32>
        %swap3A_1035 = arith.index_cast %add3A_989 : i32 to index
        %swap3A_1036 = arith.constant 80 : index
        %swap3A_1037 = tpu.vector_load %arg15[%swap3A_1035, %swap3A_1036] {strides = array<i32>} : memref<80x128xf32, #tpu.memory_space<vmem>>, vector<16xf32>,
        tpu.vector_store %arg15[%swap3A_1035, %swap3A_1036], %mul3A_1034 {strides = array<i32>} : memref<80x128xf32, #tpu.memory_space<vmem>>, vector<16xf32>,
        %get3A_1038 = arith.index_cast %add3A_989 : i32 to index
        %get3A_1039 = arith.constant 96 : index
        %get3A_1040 = tpu.vector_load %arg15[%get3A_1038, %get3A_1039] {strides = array<i32>} : memref<80x128xf32, #tpu.memory_space<vmem>>, vector<16xf32>,
        %mul3A_1041 = vector.broadcast %squeeze3A_985 : f32 to vector<16xf32>
        %mul3A_1042 = arith.mulf %get3A_1040, %mul3A_1041 : vector<16xf32>
        %swap3A_1043 = arith.index_cast %add3A_989 : i32 to index
        %swap3A_1044 = arith.constant 96 : index
        %swap3A_1045 = tpu.vector_load %arg15[%swap3A_1043, %swap3A_1044] {strides = array<i32>} : memref<80x128xf32, #tpu.memory_space<vmem>>, vector<16xf32>,
        tpu.vector_store %arg15[%swap3A_1043, %swap3A_1044], %mul3A_1042 {strides = array<i32>} : memref<80x128xf32, #tpu.memory_space<vmem>>, vector<16xf32>,
        %get3A_1046 = arith.index_cast %add3A_989 : i32 to index
        %get3A_1047 = arith.constant 112 : index
        %get3A_1048 = tpu.vector_load %arg15[%get3A_1046, %get3A_1047] {strides = array<i32>} : memref<80x128xf32, #tpu.memory_space<vmem>>, vector<16xf32>,
        %mul3A_1049 = vector.broadcast %squeeze3A_985 : f32 to vector<16xf32>
        %mul3A_1050 = arith.mulf %get3A_1048, %mul3A_1049 : vector<16xf32>
        %swap3A_1051 = arith.index_cast %add3A_989 : i32 to index
        %swap3A_1052 = arith.constant 112 : index
        %swap3A_1053 = tpu.vector_load %arg15[%swap3A_1051, %swap3A_1052] {strides = array<i32>} : memref<80x128xf32, #tpu.memory_space<vmem>>, vector<16xf32>,
        tpu.vector_store %arg15[%swap3A_1051, %swap3A_1052], %mul3A_1050 {strides = array<i32>} : memref<80x128xf32, #tpu.memory_space<vmem>>, vector<16xf32>,
        %slice3A_1054 = vector.extract_strided_slice %get3A_145 {offsets = [13], sizes = [1], strides = [1]} : vector<16xf32> to vector<1xf32>
        %squeeze3A_1055 = vector.extract %slice3A_1054[0] : f32 from vector<1xf32>
        %mul3A_1056 = arith.constant 16 : i32
        %mul3A_1057 = arith.muli %scan3A_141, %mul3A_1056 : i32
        %add3A_1058 = arith.constant 13 : i32
        %add3A_1059 = arith.addi %mul3A_1057, %add3A_1058 : i32
        %get3A_1060 = arith.index_cast %add3A_1059 : i32 to index
        %get3A_1061 = arith.constant 0 : index
        %get3A_1062 = tpu.vector_load %arg15[%get3A_1060, %get3A_1061] {strides = array<i32>} : memref<80x128xf32, #tpu.memory_space<vmem>>, vector<16xf32>,
        %mul3A_1063 = vector.broadcast %squeeze3A_1055 : f32 to vector<16xf32>
        %mul3A_1064 = arith.mulf %get3A_1062, %mul3A_1063 : vector<16xf32>
        %swap3A_1065 = arith.index_cast %add3A_1059 : i32 to index
        %swap3A_1066 = arith.constant 0 : index
        %swap3A_1067 = tpu.vector_load %arg15[%swap3A_1065, %swap3A_1066] {strides = array<i32>} : memref<80x128xf32, #tpu.memory_space<vmem>>, vector<16xf32>,
        tpu.vector_store %arg15[%swap3A_1065, %swap3A_1066], %mul3A_1064 {strides = array<i32>} : memref<80x128xf32, #tpu.memory_space<vmem>>, vector<16xf32>,
        %get3A_1068 = arith.index_cast %add3A_1059 : i32 to index
        %get3A_1069 = arith.constant 16 : index
        %get3A_1070 = tpu.vector_load %arg15[%get3A_1068, %get3A_1069] {strides = array<i32>} : memref<80x128xf32, #tpu.memory_space<vmem>>, vector<16xf32>,
        %mul3A_1071 = vector.broadcast %squeeze3A_1055 : f32 to vector<16xf32>
        %mul3A_1072 = arith.mulf %get3A_1070, %mul3A_1071 : vector<16xf32>
        %swap3A_1073 = arith.index_cast %add3A_1059 : i32 to index
        %swap3A_1074 = arith.constant 16 : index
        %swap3A_1075 = tpu.vector_load %arg15[%swap3A_1073, %swap3A_1074] {strides = array<i32>} : memref<80x128xf32, #tpu.memory_space<vmem>>, vector<16xf32>,
        tpu.vector_store %arg15[%swap3A_1073, %swap3A_1074], %mul3A_1072 {strides = array<i32>} : memref<80x128xf32, #tpu.memory_space<vmem>>, vector<16xf32>,
        %get3A_1076 = arith.index_cast %add3A_1059 : i32 to index
        %get3A_1077 = arith.constant 32 : index
        %get3A_1078 = tpu.vector_load %arg15[%get3A_1076, %get3A_1077] {strides = array<i32>} : memref<80x128xf32, #tpu.memory_space<vmem>>, vector<16xf32>,
        %mul3A_1079 = vector.broadcast %squeeze3A_1055 : f32 to vector<16xf32>
        %mul3A_1080 = arith.mulf %get3A_1078, %mul3A_1079 : vector<16xf32>
        %swap3A_1081 = arith.index_cast %add3A_1059 : i32 to index
        %swap3A_1082 = arith.constant 32 : index
        %swap3A_1083 = tpu.vector_load %arg15[%swap3A_1081, %swap3A_1082] {strides = array<i32>} : memref<80x128xf32, #tpu.memory_space<vmem>>, vector<16xf32>,
        tpu.vector_store %arg15[%swap3A_1081, %swap3A_1082], %mul3A_1080 {strides = array<i32>} : memref<80x128xf32, #tpu.memory_space<vmem>>, vector<16xf32>,
        %get3A_1084 = arith.index_cast %add3A_1059 : i32 to index
        %get3A_1085 = arith.constant 48 : index
        %get3A_1086 = tpu.vector_load %arg15[%get3A_1084, %get3A_1085] {strides = array<i32>} : memref<80x128xf32, #tpu.memory_space<vmem>>, vector<16xf32>,
        %mul3A_1087 = vector.broadcast %squeeze3A_1055 : f32 to vector<16xf32>
        %mul3A_1088 = arith.mulf %get3A_1086, %mul3A_1087 : vector<16xf32>
        %swap3A_1089 = arith.index_cast %add3A_1059 : i32 to index
        %swap3A_1090 = arith.constant 48 : index
        %swap3A_1091 = tpu.vector_load %arg15[%swap3A_1089, %swap3A_1090] {strides = array<i32>} : memref<80x128xf32, #tpu.memory_space<vmem>>, vector<16xf32>,
        tpu.vector_store %arg15[%swap3A_1089, %swap3A_1090], %mul3A_1088 {strides = array<i32>} : memref<80x128xf32, #tpu.memory_space<vmem>>, vector<16xf32>,
        %get3A_1092 = arith.index_cast %add3A_1059 : i32 to index
        %get3A_1093 = arith.constant 64 : index
        %get3A_1094 = tpu.vector_load %arg15[%get3A_1092, %get3A_1093] {strides = array<i32>} : memref<80x128xf32, #tpu.memory_space<vmem>>, vector<16xf32>,
        %mul3A_1095 = vector.broadcast %squeeze3A_1055 : f32 to vector<16xf32>
        %mul3A_1096 = arith.mulf %get3A_1094, %mul3A_1095 : vector<16xf32>
        %swap3A_1097 = arith.index_cast %add3A_1059 : i32 to index
        %swap3A_1098 = arith.constant 64 : index
        %swap3A_1099 = tpu.vector_load %arg15[%swap3A_1097, %swap3A_1098] {strides = array<i32>} : memref<80x128xf32, #tpu.memory_space<vmem>>, vector<16xf32>,
        tpu.vector_store %arg15[%swap3A_1097, %swap3A_1098], %mul3A_1096 {strides = array<i32>} : memref<80x128xf32, #tpu.memory_space<vmem>>, vector<16xf32>,
        %get3A_1100 = arith.index_cast %add3A_1059 : i32 to index
        %get3A_1101 = arith.constant 80 : index
        %get3A_1102 = tpu.vector_load %arg15[%get3A_1100, %get3A_1101] {strides = array<i32>} : memref<80x128xf32, #tpu.memory_space<vmem>>, vector<16xf32>,
        %mul3A_1103 = vector.broadcast %squeeze3A_1055 : f32 to vector<16xf32>
        %mul3A_1104 = arith.mulf %get3A_1102, %mul3A_1103 : vector<16xf32>
        %swap3A_1105 = arith.index_cast %add3A_1059 : i32 to index
        %swap3A_1106 = arith.constant 80 : index
        %swap3A_1107 = tpu.vector_load %arg15[%swap3A_1105, %swap3A_1106] {strides = array<i32>} : memref<80x128xf32, #tpu.memory_space<vmem>>, vector<16xf32>,
        tpu.vector_store %arg15[%swap3A_1105, %swap3A_1106], %mul3A_1104 {strides = array<i32>} : memref<80x128xf32, #tpu.memory_space<vmem>>, vector<16xf32>,
        %get3A_1108 = arith.index_cast %add3A_1059 : i32 to index
        %get3A_1109 = arith.constant 96 : index
        %get3A_1110 = tpu.vector_load %arg15[%get3A_1108, %get3A_1109] {strides = array<i32>} : memref<80x128xf32, #tpu.memory_space<vmem>>, vector<16xf32>,
        %mul3A_1111 = vector.broadcast %squeeze3A_1055 : f32 to vector<16xf32>
        %mul3A_1112 = arith.mulf %get3A_1110, %mul3A_1111 : vector<16xf32>
        %swap3A_1113 = arith.index_cast %add3A_1059 : i32 to index
        %swap3A_1114 = arith.constant 96 : index
        %swap3A_1115 = tpu.vector_load %arg15[%swap3A_1113, %swap3A_1114] {strides = array<i32>} : memref<80x128xf32, #tpu.memory_space<vmem>>, vector<16xf32>,
        tpu.vector_store %arg15[%swap3A_1113, %swap3A_1114], %mul3A_1112 {strides = array<i32>} : memref<80x128xf32, #tpu.memory_space<vmem>>, vector<16xf32>,
        %get3A_1116 = arith.index_cast %add3A_1059 : i32 to index
        %get3A_1117 = arith.constant 112 : index
        %get3A_1118 = tpu.vector_load %arg15[%get3A_1116, %get3A_1117] {strides = array<i32>} : memref<80x128xf32, #tpu.memory_space<vmem>>, vector<16xf32>,
        %mul3A_1119 = vector.broadcast %squeeze3A_1055 : f32 to vector<16xf32>
        %mul3A_1120 = arith.mulf %get3A_1118, %mul3A_1119 : vector<16xf32>
        %swap3A_1121 = arith.index_cast %add3A_1059 : i32 to index
        %swap3A_1122 = arith.constant 112 : index
        %swap3A_1123 = tpu.vector_load %arg15[%swap3A_1121, %swap3A_1122] {strides = array<i32>} : memref<80x128xf32, #tpu.memory_space<vmem>>, vector<16xf32>,
        tpu.vector_store %arg15[%swap3A_1121, %swap3A_1122], %mul3A_1120 {strides = array<i32>} : memref<80x128xf32, #tpu.memory_space<vmem>>, vector<16xf32>,
        %slice3A_1124 = vector.extract_strided_slice %get3A_145 {offsets = [14], sizes = [1], strides = [1]} : vector<16xf32> to vector<1xf32>
        %squeeze3A_1125 = vector.extract %slice3A_1124[0] : f32 from vector<1xf32>
        %mul3A_1126 = arith.constant 16 : i32
        %mul3A_1127 = arith.muli %scan3A_141, %mul3A_1126 : i32
        %add3A_1128 = arith.constant 14 : i32
        %add3A_1129 = arith.addi %mul3A_1127, %add3A_1128 : i32
        %get3A_1130 = arith.index_cast %add3A_1129 : i32 to index
        %get3A_1131 = arith.constant 0 : index
        %get3A_1132 = tpu.vector_load %arg15[%get3A_1130, %get3A_1131] {strides = array<i32>} : memref<80x128xf32, #tpu.memory_space<vmem>>, vector<16xf32>,
        %mul3A_1133 = vector.broadcast %squeeze3A_1125 : f32 to vector<16xf32>
        %mul3A_1134 = arith.mulf %get3A_1132, %mul3A_1133 : vector<16xf32>
        %swap3A_1135 = arith.index_cast %add3A_1129 : i32 to index
        %swap3A_1136 = arith.constant 0 : index
        %swap3A_1137 = tpu.vector_load %arg15[%swap3A_1135, %swap3A_1136] {strides = array<i32>} : memref<80x128xf32, #tpu.memory_space<vmem>>, vector<16xf32>,
        tpu.vector_store %arg15[%swap3A_1135, %swap3A_1136], %mul3A_1134 {strides = array<i32>} : memref<80x128xf32, #tpu.memory_space<vmem>>, vector<16xf32>,
        %get3A_1138 = arith.index_cast %add3A_1129 : i32 to index
        %get3A_1139 = arith.constant 16 : index
        %get3A_1140 = tpu.vector_load %arg15[%get3A_1138, %get3A_1139] {strides = array<i32>} : memref<80x128xf32, #tpu.memory_space<vmem>>, vector<16xf32>,
        %mul3A_1141 = vector.broadcast %squeeze3A_1125 : f32 to vector<16xf32>
        %mul3A_1142 = arith.mulf %get3A_1140, %mul3A_1141 : vector<16xf32>
        %swap3A_1143 = arith.index_cast %add3A_1129 : i32 to index
        %swap3A_1144 = arith.constant 16 : index
        %swap3A_1145 = tpu.vector_load %arg15[%swap3A_1143, %swap3A_1144] {strides = array<i32>} : memref<80x128xf32, #tpu.memory_space<vmem>>, vector<16xf32>,
        tpu.vector_store %arg15[%swap3A_1143, %swap3A_1144], %mul3A_1142 {strides = array<i32>} : memref<80x128xf32, #tpu.memory_space<vmem>>, vector<16xf32>,
        %get3A_1146 = arith.index_cast %add3A_1129 : i32 to index
        %get3A_1147 = arith.constant 32 : index
        %get3A_1148 = tpu.vector_load %arg15[%get3A_1146, %get3A_1147] {strides = array<i32>} : memref<80x128xf32, #tpu.memory_space<vmem>>, vector<16xf32>,
        %mul3A_1149 = vector.broadcast %squeeze3A_1125 : f32 to vector<16xf32>
        %mul3A_1150 = arith.mulf %get3A_1148, %mul3A_1149 : vector<16xf32>
        %swap3A_1151 = arith.index_cast %add3A_1129 : i32 to index
        %swap3A_1152 = arith.constant 32 : index
        %swap3A_1153 = tpu.vector_load %arg15[%swap3A_1151, %swap3A_1152] {strides = array<i32>} : memref<80x128xf32, #tpu.memory_space<vmem>>, vector<16xf32>,
        tpu.vector_store %arg15[%swap3A_1151, %swap3A_1152], %mul3A_1150 {strides = array<i32>} : memref<80x128xf32, #tpu.memory_space<vmem>>, vector<16xf32>,
        %get3A_1154 = arith.index_cast %add3A_1129 : i32 to index
        %get3A_1155 = arith.constant 48 : index
        %get3A_1156 = tpu.vector_load %arg15[%get3A_1154, %get3A_1155] {strides = array<i32>} : memref<80x128xf32, #tpu.memory_space<vmem>>, vector<16xf32>,
        %mul3A_1157 = vector.broadcast %squeeze3A_1125 : f32 to vector<16xf32>
        %mul3A_1158 = arith.mulf %get3A_1156, %mul3A_1157 : vector<16xf32>
        %swap3A_1159 = arith.index_cast %add3A_1129 : i32 to index
        %swap3A_1160 = arith.constant 48 : index
        %swap3A_1161 = tpu.vector_load %arg15[%swap3A_1159, %swap3A_1160] {strides = array<i32>} : memref<80x128xf32, #tpu.memory_space<vmem>>, vector<16xf32>,
        tpu.vector_store %arg15[%swap3A_1159, %swap3A_1160], %mul3A_1158 {strides = array<i32>} : memref<80x128xf32, #tpu.memory_space<vmem>>, vector<16xf32>,
        %get3A_1162 = arith.index_cast %add3A_1129 : i32 to index
        %get3A_1163 = arith.constant 64 : index
        %get3A_1164 = tpu.vector_load %arg15[%get3A_1162, %get3A_1163] {strides = array<i32>} : memref<80x128xf32, #tpu.memory_space<vmem>>, vector<16xf32>,
        %mul3A_1165 = vector.broadcast %squeeze3A_1125 : f32 to vector<16xf32>
        %mul3A_1166 = arith.mulf %get3A_1164, %mul3A_1165 : vector<16xf32>
        %swap3A_1167 = arith.index_cast %add3A_1129 : i32 to index
        %swap3A_1168 = arith.constant 64 : index
        %swap3A_1169 = tpu.vector_load %arg15[%swap3A_1167, %swap3A_1168] {strides = array<i32>} : memref<80x128xf32, #tpu.memory_space<vmem>>, vector<16xf32>,
        tpu.vector_store %arg15[%swap3A_1167, %swap3A_1168], %mul3A_1166 {strides = array<i32>} : memref<80x128xf32, #tpu.memory_space<vmem>>, vector<16xf32>,
        %get3A_1170 = arith.index_cast %add3A_1129 : i32 to index
        %get3A_1171 = arith.constant 80 : index
        %get3A_1172 = tpu.vector_load %arg15[%get3A_1170, %get3A_1171] {strides = array<i32>} : memref<80x128xf32, #tpu.memory_space<vmem>>, vector<16xf32>,
        %mul3A_1173 = vector.broadcast %squeeze3A_1125 : f32 to vector<16xf32>
        %mul3A_1174 = arith.mulf %get3A_1172, %mul3A_1173 : vector<16xf32>
        %swap3A_1175 = arith.index_cast %add3A_1129 : i32 to index
        %swap3A_1176 = arith.constant 80 : index
        %swap3A_1177 = tpu.vector_load %arg15[%swap3A_1175, %swap3A_1176] {strides = array<i32>} : memref<80x128xf32, #tpu.memory_space<vmem>>, vector<16xf32>,
        tpu.vector_store %arg15[%swap3A_1175, %swap3A_1176], %mul3A_1174 {strides = array<i32>} : memref<80x128xf32, #tpu.memory_space<vmem>>, vector<16xf32>,
        %get3A_1178 = arith.index_cast %add3A_1129 : i32 to index
        %get3A_1179 = arith.constant 96 : index
        %get3A_1180 = tpu.vector_load %arg15[%get3A_1178, %get3A_1179] {strides = array<i32>} : memref<80x128xf32, #tpu.memory_space<vmem>>, vector<16xf32>,
        %mul3A_1181 = vector.broadcast %squeeze3A_1125 : f32 to vector<16xf32>
        %mul3A_1182 = arith.mulf %get3A_1180, %mul3A_1181 : vector<16xf32>
        %swap3A_1183 = arith.index_cast %add3A_1129 : i32 to index
        %swap3A_1184 = arith.constant 96 : index
        %swap3A_1185 = tpu.vector_load %arg15[%swap3A_1183, %swap3A_1184] {strides = array<i32>} : memref<80x128xf32, #tpu.memory_space<vmem>>, vector<16xf32>,
        tpu.vector_store %arg15[%swap3A_1183, %swap3A_1184], %mul3A_1182 {strides = array<i32>} : memref<80x128xf32, #tpu.memory_space<vmem>>, vector<16xf32>,
        %get3A_1186 = arith.index_cast %add3A_1129 : i32 to index
        %get3A_1187 = arith.constant 112 : index
        %get3A_1188 = tpu.vector_load %arg15[%get3A_1186, %get3A_1187] {strides = array<i32>} : memref<80x128xf32, #tpu.memory_space<vmem>>, vector<16xf32>,
        %mul3A_1189 = vector.broadcast %squeeze3A_1125 : f32 to vector<16xf32>
        %mul3A_1190 = arith.mulf %get3A_1188, %mul3A_1189 : vector<16xf32>
        %swap3A_1191 = arith.index_cast %add3A_1129 : i32 to index
        %swap3A_1192 = arith.constant 112 : index
        %swap3A_1193 = tpu.vector_load %arg15[%swap3A_1191, %swap3A_1192] {strides = array<i32>} : memref<80x128xf32, #tpu.memory_space<vmem>>, vector<16xf32>,
        tpu.vector_store %arg15[%swap3A_1191, %swap3A_1192], %mul3A_1190 {strides = array<i32>} : memref<80x128xf32, #tpu.memory_space<vmem>>, vector<16xf32>,
        %slice3A_1194 = vector.extract_strided_slice %get3A_145 {offsets = [15], sizes = [1], strides = [1]} : vector<16xf32> to vector<1xf32>
        %squeeze3A_1195 = vector.extract %slice3A_1194[0] : f32 from vector<1xf32>
        %mul3A_1196 = arith.constant 16 : i32
        %mul3A_1197 = arith.muli %scan3A_141, %mul3A_1196 : i32
        %add3A_1198 = arith.constant 15 : i32
        %add3A_1199 = arith.addi %mul3A_1197, %add3A_1198 : i32
        %get3A_1200 = arith.index_cast %add3A_1199 : i32 to index
        %get3A_1201 = arith.constant 0 : index
        %get3A_1202 = tpu.vector_load %arg15[%get3A_1200, %get3A_1201] {strides = array<i32>} : memref<80x128xf32, #tpu.memory_space<vmem>>, vector<16xf32>,
        %mul3A_1203 = vector.broadcast %squeeze3A_1195 : f32 to vector<16xf32>
        %mul3A_1204 = arith.mulf %get3A_1202, %mul3A_1203 : vector<16xf32>
        %swap3A_1205 = arith.index_cast %add3A_1199 : i32 to index
        %swap3A_1206 = arith.constant 0 : index
        %swap3A_1207 = tpu.vector_load %arg15[%swap3A_1205, %swap3A_1206] {strides = array<i32>} : memref<80x128xf32, #tpu.memory_space<vmem>>, vector<16xf32>,
        tpu.vector_store %arg15[%swap3A_1205, %swap3A_1206], %mul3A_1204 {strides = array<i32>} : memref<80x128xf32, #tpu.memory_space<vmem>>, vector<16xf32>,
        %get3A_1208 = arith.index_cast %add3A_1199 : i32 to index
        %get3A_1209 = arith.constant 16 : index
        %get3A_1210 = tpu.vector_load %arg15[%get3A_1208, %get3A_1209] {strides = array<i32>} : memref<80x128xf32, #tpu.memory_space<vmem>>, vector<16xf32>,
        %mul3A_1211 = vector.broadcast %squeeze3A_1195 : f32 to vector<16xf32>
        %mul3A_1212 = arith.mulf %get3A_1210, %mul3A_1211 : vector<16xf32>
        %swap3A_1213 = arith.index_cast %add3A_1199 : i32 to index
        %swap3A_1214 = arith.constant 16 : index
        %swap3A_1215 = tpu.vector_load %arg15[%swap3A_1213, %swap3A_1214] {strides = array<i32>} : memref<80x128xf32, #tpu.memory_space<vmem>>, vector<16xf32>,
        tpu.vector_store %arg15[%swap3A_1213, %swap3A_1214], %mul3A_1212 {strides = array<i32>} : memref<80x128xf32, #tpu.memory_space<vmem>>, vector<16xf32>,
        %get3A_1216 = arith.index_cast %add3A_1199 : i32 to index
        %get3A_1217 = arith.constant 32 : index
        %get3A_1218 = tpu.vector_load %arg15[%get3A_1216, %get3A_1217] {strides = array<i32>} : memref<80x128xf32, #tpu.memory_space<vmem>>, vector<16xf32>,
        %mul3A_1219 = vector.broadcast %squeeze3A_1195 : f32 to vector<16xf32>
        %mul3A_1220 = arith.mulf %get3A_1218, %mul3A_1219 : vector<16xf32>
        %swap3A_1221 = arith.index_cast %add3A_1199 : i32 to index
        %swap3A_1222 = arith.constant 32 : index
        %swap3A_1223 = tpu.vector_load %arg15[%swap3A_1221, %swap3A_1222] {strides = array<i32>} : memref<80x128xf32, #tpu.memory_space<vmem>>, vector<16xf32>,
        tpu.vector_store %arg15[%swap3A_1221, %swap3A_1222], %mul3A_1220 {strides = array<i32>} : memref<80x128xf32, #tpu.memory_space<vmem>>, vector<16xf32>,
        %get3A_1224 = arith.index_cast %add3A_1199 : i32 to index
        %get3A_1225 = arith.constant 48 : index
        %get3A_1226 = tpu.vector_load %arg15[%get3A_1224, %get3A_1225] {strides = array<i32>} : memref<80x128xf32, #tpu.memory_space<vmem>>, vector<16xf32>,
        %mul3A_1227 = vector.broadcast %squeeze3A_1195 : f32 to vector<16xf32>
        %mul3A_1228 = arith.mulf %get3A_1226, %mul3A_1227 : vector<16xf32>
        %swap3A_1229 = arith.index_cast %add3A_1199 : i32 to index
        %swap3A_1230 = arith.constant 48 : index
        %swap3A_1231 = tpu.vector_load %arg15[%swap3A_1229, %swap3A_1230] {strides = array<i32>} : memref<80x128xf32, #tpu.memory_space<vmem>>, vector<16xf32>,
        tpu.vector_store %arg15[%swap3A_1229, %swap3A_1230], %mul3A_1228 {strides = array<i32>} : memref<80x128xf32, #tpu.memory_space<vmem>>, vector<16xf32>,
        %get3A_1232 = arith.index_cast %add3A_1199 : i32 to index
        %get3A_1233 = arith.constant 64 : index
        %get3A_1234 = tpu.vector_load %arg15[%get3A_1232, %get3A_1233] {strides = array<i32>} : memref<80x128xf32, #tpu.memory_space<vmem>>, vector<16xf32>,
        %mul3A_1235 = vector.broadcast %squeeze3A_1195 : f32 to vector<16xf32>
        %mul3A_1236 = arith.mulf %get3A_1234, %mul3A_1235 : vector<16xf32>
        %swap3A_1237 = arith.index_cast %add3A_1199 : i32 to index
        %swap3A_1238 = arith.constant 64 : index
        %swap3A_1239 = tpu.vector_load %arg15[%swap3A_1237, %swap3A_1238] {strides = array<i32>} : memref<80x128xf32, #tpu.memory_space<vmem>>, vector<16xf32>,
        tpu.vector_store %arg15[%swap3A_1237, %swap3A_1238], %mul3A_1236 {strides = array<i32>} : memref<80x128xf32, #tpu.memory_space<vmem>>, vector<16xf32>,
        %get3A_1240 = arith.index_cast %add3A_1199 : i32 to index
        %get3A_1241 = arith.constant 80 : index
        %get3A_1242 = tpu.vector_load %arg15[%get3A_1240, %get3A_1241] {strides = array<i32>} : memref<80x128xf32, #tpu.memory_space<vmem>>, vector<16xf32>,
        %mul3A_1243 = vector.broadcast %squeeze3A_1195 : f32 to vector<16xf32>
        %mul3A_1244 = arith.mulf %get3A_1242, %mul3A_1243 : vector<16xf32>
        %swap3A_1245 = arith.index_cast %add3A_1199 : i32 to index
        %swap3A_1246 = arith.constant 80 : index
        %swap3A_1247 = tpu.vector_load %arg15[%swap3A_1245, %swap3A_1246] {strides = array<i32>} : memref<80x128xf32, #tpu.memory_space<vmem>>, vector<16xf32>,
        tpu.vector_store %arg15[%swap3A_1245, %swap3A_1246], %mul3A_1244 {strides = array<i32>} : memref<80x128xf32, #tpu.memory_space<vmem>>, vector<16xf32>,
        %get3A_1248 = arith.index_cast %add3A_1199 : i32 to index
        %get3A_1249 = arith.constant 96 : index
        %get3A_1250 = tpu.vector_load %arg15[%get3A_1248, %get3A_1249] {strides = array<i32>} : memref<80x128xf32, #tpu.memory_space<vmem>>, vector<16xf32>,
        %mul3A_1251 = vector.broadcast %squeeze3A_1195 : f32 to vector<16xf32>
        %mul3A_1252 = arith.mulf %get3A_1250, %mul3A_1251 : vector<16xf32>
        %swap3A_1253 = arith.index_cast %add3A_1199 : i32 to index
        %swap3A_1254 = arith.constant 96 : index
        %swap3A_1255 = tpu.vector_load %arg15[%swap3A_1253, %swap3A_1254] {strides = array<i32>} : memref<80x128xf32, #tpu.memory_space<vmem>>, vector<16xf32>,
        tpu.vector_store %arg15[%swap3A_1253, %swap3A_1254], %mul3A_1252 {strides = array<i32>} : memref<80x128xf32, #tpu.memory_space<vmem>>, vector<16xf32>,
        %get3A_1256 = arith.index_cast %add3A_1199 : i32 to index
        %get3A_1257 = arith.constant 112 : index
        %get3A_1258 = tpu.vector_load %arg15[%get3A_1256, %get3A_1257] {strides = array<i32>} : memref<80x128xf32, #tpu.memory_space<vmem>>, vector<16xf32>,
        %mul3A_1259 = vector.broadcast %squeeze3A_1195 : f32 to vector<16xf32>
        %mul3A_1260 = arith.mulf %get3A_1258, %mul3A_1259 : vector<16xf32>
        %swap3A_1261 = arith.index_cast %add3A_1199 : i32 to index
        %swap3A_1262 = arith.constant 112 : index
        %swap3A_1263 = tpu.vector_load %arg15[%swap3A_1261, %swap3A_1262] {strides = array<i32>} : memref<80x128xf32, #tpu.memory_space<vmem>>, vector<16xf32>,
        tpu.vector_store %arg15[%swap3A_1261, %swap3A_1262], %mul3A_1260 {strides = array<i32>} : memref<80x128xf32, #tpu.memory_space<vmem>>, vector<16xf32>,
      }
      %scan3A_140 = arith.constant 5 : i32
      "tpu.region"() ({
        %run_scoped3A = tpu.sem_alloc : memref<!tpu.dma_semaphore, #tpu.memory_space<semaphore_mem>>
        %dma_start3A_141 = arith.constant 0 : i32
        %dma_start3A_142 = arith.constant 0 : i32
        %dma_start3A_143 = tpu.memref_slice %arg9[%dma_start3A_141, %dma_start3A_142] : memref<10240x128xf32, #tpu.memory_space<vmem_shared>> -> memref<10240x128xf32, #tpu.memory_space<vmem_shared>>
        tpu.enqueue_indirect_dma source(%arg15 : memref<80x128xf32, #tpu.memory_space<vmem>>) target(%dma_start3A_143 : memref<10240x128xf32, #tpu.memory_space<vmem_shared>>) offsets(%arg14 : memref<80xi32, #tpu.memory_space<vmem>>) semaphore(%run_scoped3A : memref<!tpu.dma_semaphore, #tpu.memory_space<semaphore_mem>>) {add = true}
        %dma_wait3A_144 = arith.constant 0 : i32
        %dma_wait3A_145 = arith.constant 0 : i32
        %dma_wait3A_146 = tpu.memref_slice %arg9[%dma_wait3A_144, %dma_wait3A_145] : memref<10240x128xf32, #tpu.memory_space<vmem_shared>> -> memref<10240x128xf32, #tpu.memory_space<vmem_shared>>
        tpu.wait_indirect_dma semaphore(%run_scoped3A : memref<!tpu.dma_semaphore, #tpu.memory_space<semaphore_mem>>) src(%arg15 : memref<80x128xf32, #tpu.memory_space<vmem>>) dst(%dma_wait3A_146 : memref<10240x128xf32, #tpu.memory_space<vmem_shared>>)
        tpu.yield
      }) : () -> ()
      "tpu.region"() ({
        %run_scoped3A = tpu.sem_alloc : memref<!tpu.dma_semaphore, #tpu.memory_space<semaphore_mem>>
        %dma_start3A_141 = arith.constant 0 : i32
        %dma_start3A_142 = tpu.memref_slice %arg10[%dma_start3A_141] : memref<10240xf32, #tpu.memory_space<vmem_shared>> -> memref<10240xf32, #tpu.memory_space<vmem_shared>>
        tpu.enqueue_indirect_dma source(%arg16 : memref<80xf32, #tpu.memory_space<vmem>>) target(%dma_start3A_142 : memref<10240xf32, #tpu.memory_space<vmem_shared>>) offsets(%arg14 : memref<80xi32, #tpu.memory_space<vmem>>) semaphore(%run_scoped3A : memref<!tpu.dma_semaphore, #tpu.memory_space<semaphore_mem>>) {add = true}
        %dma_wait3A_143 = arith.constant 0 : i32
        %dma_wait3A_144 = tpu.memref_slice %arg10[%dma_wait3A_143] : memref<10240xf32, #tpu.memory_space<vmem_shared>> -> memref<10240xf32, #tpu.memory_space<vmem_shared>>
        tpu.wait_indirect_dma semaphore(%run_scoped3A : memref<!tpu.dma_semaphore, #tpu.memory_space<semaphore_mem>>) src(%arg16 : memref<80xf32, #tpu.memory_space<vmem>>) dst(%dma_wait3A_144 : memref<10240xf32, #tpu.memory_space<vmem_shared>>)
        tpu.yield
      }) : () -> ()
    }
    %scan3A_40 = arith.constant 125 : i32
    %barrier3A_41 = arith.constant 0 : index
    tpu.barrier barrier_id(%barrier3A_41)
    %mul3A_42 = arith.constant 640 : i32
    %mul3A_43 = arith.muli %arg1, %mul3A_42 : i32
    "tpu.region"() ({
      %run_scoped3A = tpu.sem_alloc : memref<!tpu.dma_semaphore, #tpu.memory_space<semaphore_mem>>
      %dma_start3A = arith.constant 0 : i32
      %dma_start3A_46 = tpu.memref_slice %arg7[%arg0, %mul3A_43, %dma_start3A] : memref<2x10240x128xf32, #tpu.memory_space<hbm>> -> memref<1x640x128xf32, #tpu.memory_space<hbm>>
      %dma_start3A_47 = tpu.memref_squeeze %dma_start3A_46 : memref<1x640x128xf32, #tpu.memory_space<hbm>> -> memref<640x128xf32, #tpu.memory_space<hbm>>
      %dma_start3A_48 = arith.constant 0 : i32
      %dma_start3A_49 = tpu.memref_slice %arg9[%mul3A_43, %dma_start3A_48] : memref<10240x128xf32, #tpu.memory_space<vmem_shared>> -> memref<640x128xf32, #tpu.memory_space<vmem_shared>>
      tpu.enqueue_dma source(%dma_start3A_49 : memref<640x128xf32, #tpu.memory_space<vmem_shared>>) target(%dma_start3A_47 : memref<640x128xf32, #tpu.memory_space<hbm>>) target_semaphore(%run_scoped3A : memref<!tpu.dma_semaphore, #tpu.memory_space<semaphore_mem>>)
      %dma_wait3A = arith.constant 0 : i32
      %dma_wait3A_50 = tpu.memref_slice %arg7[%arg0, %mul3A_43, %dma_wait3A] : memref<2x10240x128xf32, #tpu.memory_space<hbm>> -> memref<1x640x128xf32, #tpu.memory_space<hbm>>
      %dma_wait3A_51 = tpu.memref_squeeze %dma_wait3A_50 : memref<1x640x128xf32, #tpu.memory_space<hbm>> -> memref<640x128xf32, #tpu.memory_space<hbm>>
      %dma_wait3A_52 = arith.constant 0 : i32
      %dma_wait3A_53 = tpu.memref_slice %arg9[%mul3A_43, %dma_wait3A_52] : memref<10240x128xf32, #tpu.memory_space<vmem_shared>> -> memref<640x128xf32, #tpu.memory_space<vmem_shared>>
      tpu.wait_dma2 semaphore(%run_scoped3A : memref<!tpu.dma_semaphore, #tpu.memory_space<semaphore_mem>>) src(%dma_wait3A_53 : memref<640x128xf32, #tpu.memory_space<vmem_shared>>) dst(%dma_wait3A_51 : memref<640x128xf32, #tpu.memory_space<hbm>>)
      tpu.yield
    }) : () -> ()
    %mul3A_44 = arith.constant 640 : i32
    %mul3A_45 = arith.muli %arg1, %mul3A_44 : i32
    "tpu.region"() ({
      %run_scoped3A = tpu.sem_alloc : memref<!tpu.dma_semaphore, #tpu.memory_space<semaphore_mem>>
      %dma_start3A = arith.constant 0 : i32
      %dma_start3A_46 = tpu.memref_slice %arg8[%arg0, %arg1, %dma_start3A] : memref<2x16x640xf32, #tpu.memory_space<hbm>> -> memref<1x1x640xf32, #tpu.memory_space<hbm>>
      %dma_start3A_47 = tpu.memref_squeeze %dma_start3A_46 : memref<1x1x640xf32, #tpu.memory_space<hbm>> -> memref<640xf32, #tpu.memory_space<hbm>>
      %dma_start3A_48 = tpu.memref_slice %arg10[%mul3A_45] : memref<10240xf32, #tpu.memory_space<vmem_shared>> -> memref<640xf32, #tpu.memory_space<vmem_shared>>
      tpu.enqueue_dma source(%dma_start3A_48 : memref<640xf32, #tpu.memory_space<vmem_shared>>) target(%dma_start3A_47 : memref<640xf32, #tpu.memory_space<hbm>>) target_semaphore(%run_scoped3A : memref<!tpu.dma_semaphore, #tpu.memory_space<semaphore_mem>>)
      %dma_wait3A = arith.constant 0 : i32
      %dma_wait3A_49 = tpu.memref_slice %arg8[%arg0, %arg1, %dma_wait3A] : memref<2x16x640xf32, #tpu.memory_space<hbm>> -> memref<1x1x640xf32, #tpu.memory_space<hbm>>
      %dma_wait3A_50 = tpu.memref_squeeze %dma_wait3A_49 : memref<1x1x640xf32, #tpu.memory_space<hbm>> -> memref<640xf32, #tpu.memory_space<hbm>>
      %dma_wait3A_51 = tpu.memref_slice %arg10[%mul3A_45] : memref<10240xf32, #tpu.memory_space<vmem_shared>> -> memref<640xf32, #tpu.memory_space<vmem_shared>>
      tpu.wait_dma2 semaphore(%run_scoped3A : memref<!tpu.dma_semaphore, #tpu.memory_space<semaphore_mem>>) src(%dma_wait3A_51 : memref<640xf32, #tpu.memory_space<vmem_shared>>) dst(%dma_wait3A_50 : memref<640xf32, #tpu.memory_space<hbm>>)
      tpu.yield
    }) : () -> ()
    return
  }
}

#map = affine_map<(d0, d1) -> (0, 0)>
#map1 = affine_map<(d0, d1) -> (0)>
#map2 = affine_map<(d0, d1) -> (0, 0, 0)>
module attributes {stable_mosaic.version = 14 : i64} {
  func.func @_edge_body(%arg0: i32, %arg1: i32, %arg2: memref<10000x128xf32, #tpu.memory_space<hbm>>, %arg3: memref<10000xf32, #tpu.memory_space<hbm>>, %arg4: memref<10000xf32, #tpu.memory_space<hbm>>, %arg5: memref<320000xi32, #tpu.memory_space<hbm>>, %arg6: memref<320000xi32, #tpu.memory_space<hbm>>, %arg7: memref<2x10240x128xf32, #tpu.memory_space<hbm>>, %arg8: memref<2x16x640xf32, #tpu.memory_space<hbm>>, %arg9: memref<10240x128xf32, #tpu.memory_space<vmem_shared>>, %arg10: memref<10240xf32, #tpu.memory_space<vmem_shared>>, %arg11: memref<10000xf32, #tpu.memory_space<vmem>>, %arg12: memref<10000xf32, #tpu.memory_space<vmem>>, %arg13: memref<80xi32, #tpu.memory_space<vmem>>, %arg14: memref<80xi32, #tpu.memory_space<vmem>>, %arg15: memref<80x128xf32, #tpu.memory_space<vmem>>, %arg16: memref<80xf32, #tpu.memory_space<vmem>>, %arg17: memref<128x128xf32, #tpu.memory_space<vmem>>, %arg18: memref<640xf32, #tpu.memory_space<vmem>>, %arg19: memref<!tpu.dma_semaphore, #tpu.memory_space<semaphore_mem>>) attributes {dimension_semantics = [#tpu.dimension_semantics<core_parallel>, #tpu.dimension_semantics<subcore_parallel>], iteration_bounds = array<i64: 2, 16>, scalar_prefetch = 0 : i64, scratch_operands = 11 : i64, tpu.core_type = #tpu.core_type<sc_vector_subcore>, window_params = [{transform_indices = #map}, {transform_indices = #map1}, {transform_indices = #map1}, {transform_indices = #map1}, {transform_indices = #map1}, {transform_indices = #map2}, {transform_indices = #map2}]} {
    %mul3A = arith.constant 2 : i32
    %mul3A_0 = arith.muli %arg1, %mul3A : i32
    %add3A = arith.addi %mul3A_0, %arg0 : i32
    "tpu.region"() ({
      %run_scoped3A = tpu.sem_alloc : memref<!tpu.dma_semaphore, #tpu.memory_space<semaphore_mem>>
      tpu.enqueue_dma source(%arg3 : memref<10000xf32, #tpu.memory_space<hbm>>) target(%arg11 : memref<10000xf32, #tpu.memory_space<vmem>>) target_semaphore(%run_scoped3A : memref<!tpu.dma_semaphore, #tpu.memory_space<semaphore_mem>>)
      tpu.wait_dma2 semaphore(%run_scoped3A : memref<!tpu.dma_semaphore, #tpu.memory_space<semaphore_mem>>) src(%arg3 : memref<10000xf32, #tpu.memory_space<hbm>>) dst(%arg11 : memref<10000xf32, #tpu.memory_space<vmem>>)
      tpu.yield
    }) : () -> ()
    "tpu.region"() ({
      %run_scoped3A = tpu.sem_alloc : memref<!tpu.dma_semaphore, #tpu.memory_space<semaphore_mem>>
      tpu.enqueue_dma source(%arg4 : memref<10000xf32, #tpu.memory_space<hbm>>) target(%arg12 : memref<10000xf32, #tpu.memory_space<vmem>>) target_semaphore(%run_scoped3A : memref<!tpu.dma_semaphore, #tpu.memory_space<semaphore_mem>>)
      tpu.wait_dma2 semaphore(%run_scoped3A : memref<!tpu.dma_semaphore, #tpu.memory_space<semaphore_mem>>) src(%arg4 : memref<10000xf32, #tpu.memory_space<hbm>>) dst(%arg12 : memref<10000xf32, #tpu.memory_space<vmem>>)
      tpu.yield
    }) : () -> ()
    %broadcast_in_dim3A = arith.constant 0.000000e+00 : f32
    %broadcast_in_dim3A_1 = vector.broadcast %broadcast_in_dim3A : f32 to vector<16xf32>
    %scan3A = arith.constant 0 : i32
    %scan3A_2 = arith.constant 0 : i32
    %scan3A_3 = arith.constant 128 : i32
    %scan3A_4 = arith.addi %scan3A_2, %scan3A_3 : i32
    %scan3A_5 = arith.constant 1 : i32
    scf.for %scan3A_46 = %scan3A_2 to %scan3A_4 step %scan3A_5  : i32 {
      %swap3A = arith.index_cast %scan3A_46 : i32 to index
      %swap3A_47 = arith.constant 0 : index
      %swap3A_48 = tpu.vector_load %arg17[%swap3A, %swap3A_47] {strides = array<i32>} : memref<128x128xf32, #tpu.memory_space<vmem>>, vector<16xf32>,
      tpu.vector_store %arg17[%swap3A, %swap3A_47], %broadcast_in_dim3A_1 {strides = array<i32>} : memref<128x128xf32, #tpu.memory_space<vmem>>, vector<16xf32>,
      %swap3A_49 = arith.index_cast %scan3A_46 : i32 to index
      %swap3A_50 = arith.constant 16 : index
      %swap3A_51 = tpu.vector_load %arg17[%swap3A_49, %swap3A_50] {strides = array<i32>} : memref<128x128xf32, #tpu.memory_space<vmem>>, vector<16xf32>,
      tpu.vector_store %arg17[%swap3A_49, %swap3A_50], %broadcast_in_dim3A_1 {strides = array<i32>} : memref<128x128xf32, #tpu.memory_space<vmem>>, vector<16xf32>,
      %swap3A_52 = arith.index_cast %scan3A_46 : i32 to index
      %swap3A_53 = arith.constant 32 : index
      %swap3A_54 = tpu.vector_load %arg17[%swap3A_52, %swap3A_53] {strides = array<i32>} : memref<128x128xf32, #tpu.memory_space<vmem>>, vector<16xf32>,
      tpu.vector_store %arg17[%swap3A_52, %swap3A_53], %broadcast_in_dim3A_1 {strides = array<i32>} : memref<128x128xf32, #tpu.memory_space<vmem>>, vector<16xf32>,
      %swap3A_55 = arith.index_cast %scan3A_46 : i32 to index
      %swap3A_56 = arith.constant 48 : index
      %swap3A_57 = tpu.vector_load %arg17[%swap3A_55, %swap3A_56] {strides = array<i32>} : memref<128x128xf32, #tpu.memory_space<vmem>>, vector<16xf32>,
      tpu.vector_store %arg17[%swap3A_55, %swap3A_56], %broadcast_in_dim3A_1 {strides = array<i32>} : memref<128x128xf32, #tpu.memory_space<vmem>>, vector<16xf32>,
      %swap3A_58 = arith.index_cast %scan3A_46 : i32 to index
      %swap3A_59 = arith.constant 64 : index
      %swap3A_60 = tpu.vector_load %arg17[%swap3A_58, %swap3A_59] {strides = array<i32>} : memref<128x128xf32, #tpu.memory_space<vmem>>, vector<16xf32>,
      tpu.vector_store %arg17[%swap3A_58, %swap3A_59], %broadcast_in_dim3A_1 {strides = array<i32>} : memref<128x128xf32, #tpu.memory_space<vmem>>, vector<16xf32>,
      %swap3A_61 = arith.index_cast %scan3A_46 : i32 to index
      %swap3A_62 = arith.constant 80 : index
      %swap3A_63 = tpu.vector_load %arg17[%swap3A_61, %swap3A_62] {strides = array<i32>} : memref<128x128xf32, #tpu.memory_space<vmem>>, vector<16xf32>,
      tpu.vector_store %arg17[%swap3A_61, %swap3A_62], %broadcast_in_dim3A_1 {strides = array<i32>} : memref<128x128xf32, #tpu.memory_space<vmem>>, vector<16xf32>,
      %swap3A_64 = arith.index_cast %scan3A_46 : i32 to index
      %swap3A_65 = arith.constant 96 : index
      %swap3A_66 = tpu.vector_load %arg17[%swap3A_64, %swap3A_65] {strides = array<i32>} : memref<128x128xf32, #tpu.memory_space<vmem>>, vector<16xf32>,
      tpu.vector_store %arg17[%swap3A_64, %swap3A_65], %broadcast_in_dim3A_1 {strides = array<i32>} : memref<128x128xf32, #tpu.memory_space<vmem>>, vector<16xf32>,
      %swap3A_67 = arith.index_cast %scan3A_46 : i32 to index
      %swap3A_68 = arith.constant 112 : index
      %swap3A_69 = tpu.vector_load %arg17[%swap3A_67, %swap3A_68] {strides = array<i32>} : memref<128x128xf32, #tpu.memory_space<vmem>>, vector<16xf32>,
      tpu.vector_store %arg17[%swap3A_67, %swap3A_68], %broadcast_in_dim3A_1 {strides = array<i32>} : memref<128x128xf32, #tpu.memory_space<vmem>>, vector<16xf32>,
    }
    %scan3A_6 = arith.constant 128 : i32
    %scan3A_7 = arith.constant 0 : i32
    %scan3A_8 = arith.constant 0 : i32
    %scan3A_9 = arith.constant 40 : i32
    %scan3A_10 = arith.addi %scan3A_8, %scan3A_9 : i32
    %scan3A_11 = arith.constant 1 : i32
    scf.for %scan3A_46 = %scan3A_8 to %scan3A_10 step %scan3A_11  : i32 {
      %mul3A_47 = arith.constant 16 : i32
      %mul3A_48 = arith.muli %scan3A_46, %mul3A_47 : i32
      %swap3A = arith.index_cast %mul3A_48 : i32 to index
      %swap3A_49 = tpu.vector_load %arg18[%swap3A] {strides = array<i32>} : memref<640xf32, #tpu.memory_space<vmem>>, vector<16xf32>,
      tpu.vector_store %arg18[%swap3A], %broadcast_in_dim3A_1 {strides = array<i32>} : memref<640xf32, #tpu.memory_space<vmem>>, vector<16xf32>,
    }
    %scan3A_12 = arith.constant 40 : i32
    %mul3A_13 = arith.constant 640 : i32
    %mul3A_14 = arith.muli %arg1, %mul3A_13 : i32
    %add3A_15 = arith.constant 0 : i32
    %add3A_16 = arith.addi %mul3A_14, %add3A_15 : i32
    "tpu.region"() ({
      %run_scoped3A = tpu.sem_alloc : memref<!tpu.dma_semaphore, #tpu.memory_space<semaphore_mem>>
      %dma_start3A = arith.constant 0 : i32
      %dma_start3A_46 = tpu.memref_slice %arg9[%add3A_16, %dma_start3A] : memref<10240x128xf32, #tpu.memory_space<vmem_shared>> -> memref<128x128xf32, #tpu.memory_space<vmem_shared>>
      %dma_start3A_47 = arith.constant 0 : i32
      %dma_start3A_48 = tpu.memref_slice %arg9[%add3A_16, %dma_start3A_47] : memref<10240x128xf32, #tpu.memory_space<vmem_shared>> -> memref<128x128xf32, #tpu.memory_space<vmem_shared>>
      tpu.enqueue_dma source(%arg17 : memref<128x128xf32, #tpu.memory_space<vmem>>) target(%dma_start3A_48 : memref<128x128xf32, #tpu.memory_space<vmem_shared>>) target_semaphore(%run_scoped3A : memref<!tpu.dma_semaphore, #tpu.memory_space<semaphore_mem>>)
      %dma_wait3A = arith.constant 0 : i32
      %dma_wait3A_49 = tpu.memref_slice %arg9[%add3A_16, %dma_wait3A] : memref<10240x128xf32, #tpu.memory_space<vmem_shared>> -> memref<128x128xf32, #tpu.memory_space<vmem_shared>>
      %dma_wait3A_50 = arith.constant 0 : i32
      %dma_wait3A_51 = tpu.memref_slice %arg9[%add3A_16, %dma_wait3A_50] : memref<10240x128xf32, #tpu.memory_space<vmem_shared>> -> memref<128x128xf32, #tpu.memory_space<vmem_shared>>
      tpu.wait_dma2 semaphore(%run_scoped3A : memref<!tpu.dma_semaphore, #tpu.memory_space<semaphore_mem>>) src(%arg17 : memref<128x128xf32, #tpu.memory_space<vmem>>) dst(%dma_wait3A_51 : memref<128x128xf32, #tpu.memory_space<vmem_shared>>)
      tpu.yield
    }) : () -> ()
    %mul3A_17 = arith.constant 640 : i32
    %mul3A_18 = arith.muli %arg1, %mul3A_17 : i32
    %add3A_19 = arith.constant 128 : i32
    %add3A_20 = arith.addi %mul3A_18, %add3A_19 : i32
    "tpu.region"() ({
      %run_scoped3A = tpu.sem_alloc : memref<!tpu.dma_semaphore, #tpu.memory_space<semaphore_mem>>
      %dma_start3A = arith.constant 0 : i32
      %dma_start3A_46 = tpu.memref_slice %arg9[%add3A_20, %dma_start3A] : memref<10240x128xf32, #tpu.memory_space<vmem_shared>> -> memref<128x128xf32, #tpu.memory_space<vmem_shared>>
      %dma_start3A_47 = arith.constant 0 : i32
      %dma_start3A_48 = tpu.memref_slice %arg9[%add3A_20, %dma_start3A_47] : memref<10240x128xf32, #tpu.memory_space<vmem_shared>> -> memref<128x128xf32, #tpu.memory_space<vmem_shared>>
      tpu.enqueue_dma source(%arg17 : memref<128x128xf32, #tpu.memory_space<vmem>>) target(%dma_start3A_48 : memref<128x128xf32, #tpu.memory_space<vmem_shared>>) target_semaphore(%run_scoped3A : memref<!tpu.dma_semaphore, #tpu.memory_space<semaphore_mem>>)
      %dma_wait3A = arith.constant 0 : i32
      %dma_wait3A_49 = tpu.memref_slice %arg9[%add3A_20, %dma_wait3A] : memref<10240x128xf32, #tpu.memory_space<vmem_shared>> -> memref<128x128xf32, #tpu.memory_space<vmem_shared>>
      %dma_wait3A_50 = arith.constant 0 : i32
      %dma_wait3A_51 = tpu.memref_slice %arg9[%add3A_20, %dma_wait3A_50] : memref<10240x128xf32, #tpu.memory_space<vmem_shared>> -> memref<128x128xf32, #tpu.memory_space<vmem_shared>>
      tpu.wait_dma2 semaphore(%run_scoped3A : memref<!tpu.dma_semaphore, #tpu.memory_space<semaphore_mem>>) src(%arg17 : memref<128x128xf32, #tpu.memory_space<vmem>>) dst(%dma_wait3A_51 : memref<128x128xf32, #tpu.memory_space<vmem_shared>>)
      tpu.yield
    }) : () -> ()
    %mul3A_21 = arith.constant 640 : i32
    %mul3A_22 = arith.muli %arg1, %mul3A_21 : i32
    %add3A_23 = arith.constant 256 : i32
    %add3A_24 = arith.addi %mul3A_22, %add3A_23 : i32
    "tpu.region"() ({
      %run_scoped3A = tpu.sem_alloc : memref<!tpu.dma_semaphore, #tpu.memory_space<semaphore_mem>>
      %dma_start3A = arith.constant 0 : i32
      %dma_start3A_46 = tpu.memref_slice %arg9[%add3A_24, %dma_start3A] : memref<10240x128xf32, #tpu.memory_space<vmem_shared>> -> memref<128x128xf32, #tpu.memory_space<vmem_shared>>
      %dma_start3A_47 = arith.constant 0 : i32
      %dma_start3A_48 = tpu.memref_slice %arg9[%add3A_24, %dma_start3A_47] : memref<10240x128xf32, #tpu.memory_space<vmem_shared>> -> memref<128x128xf32, #tpu.memory_space<vmem_shared>>
      tpu.enqueue_dma source(%arg17 : memref<128x128xf32, #tpu.memory_space<vmem>>) target(%dma_start3A_48 : memref<128x128xf32, #tpu.memory_space<vmem_shared>>) target_semaphore(%run_scoped3A : memref<!tpu.dma_semaphore, #tpu.memory_space<semaphore_mem>>)
      %dma_wait3A = arith.constant 0 : i32
      %dma_wait3A_49 = tpu.memref_slice %arg9[%add3A_24, %dma_wait3A] : memref<10240x128xf32, #tpu.memory_space<vmem_shared>> -> memref<128x128xf32, #tpu.memory_space<vmem_shared>>
      %dma_wait3A_50 = arith.constant 0 : i32
      %dma_wait3A_51 = tpu.memref_slice %arg9[%add3A_24, %dma_wait3A_50] : memref<10240x128xf32, #tpu.memory_space<vmem_shared>> -> memref<128x128xf32, #tpu.memory_space<vmem_shared>>
      tpu.wait_dma2 semaphore(%run_scoped3A : memref<!tpu.dma_semaphore, #tpu.memory_space<semaphore_mem>>) src(%arg17 : memref<128x128xf32, #tpu.memory_space<vmem>>) dst(%dma_wait3A_51 : memref<128x128xf32, #tpu.memory_space<vmem_shared>>)
      tpu.yield
    }) : () -> ()
    %mul3A_25 = arith.constant 640 : i32
    %mul3A_26 = arith.muli %arg1, %mul3A_25 : i32
    %add3A_27 = arith.constant 384 : i32
    %add3A_28 = arith.addi %mul3A_26, %add3A_27 : i32
    "tpu.region"() ({
      %run_scoped3A = tpu.sem_alloc : memref<!tpu.dma_semaphore, #tpu.memory_space<semaphore_mem>>
      %dma_start3A = arith.constant 0 : i32
      %dma_start3A_46 = tpu.memref_slice %arg9[%add3A_28, %dma_start3A] : memref<10240x128xf32, #tpu.memory_space<vmem_shared>> -> memref<128x128xf32, #tpu.memory_space<vmem_shared>>
      %dma_start3A_47 = arith.constant 0 : i32
      %dma_start3A_48 = tpu.memref_slice %arg9[%add3A_28, %dma_start3A_47] : memref<10240x128xf32, #tpu.memory_space<vmem_shared>> -> memref<128x128xf32, #tpu.memory_space<vmem_shared>>
      tpu.enqueue_dma source(%arg17 : memref<128x128xf32, #tpu.memory_space<vmem>>) target(%dma_start3A_48 : memref<128x128xf32, #tpu.memory_space<vmem_shared>>) target_semaphore(%run_scoped3A : memref<!tpu.dma_semaphore, #tpu.memory_space<semaphore_mem>>)
      %dma_wait3A = arith.constant 0 : i32
      %dma_wait3A_49 = tpu.memref_slice %arg9[%add3A_28, %dma_wait3A] : memref<10240x128xf32, #tpu.memory_space<vmem_shared>> -> memref<128x128xf32, #tpu.memory_space<vmem_shared>>
      %dma_wait3A_50 = arith.constant 0 : i32
      %dma_wait3A_51 = tpu.memref_slice %arg9[%add3A_28, %dma_wait3A_50] : memref<10240x128xf32, #tpu.memory_space<vmem_shared>> -> memref<128x128xf32, #tpu.memory_space<vmem_shared>>
      tpu.wait_dma2 semaphore(%run_scoped3A : memref<!tpu.dma_semaphore, #tpu.memory_space<semaphore_mem>>) src(%arg17 : memref<128x128xf32, #tpu.memory_space<vmem>>) dst(%dma_wait3A_51 : memref<128x128xf32, #tpu.memory_space<vmem_shared>>)
      tpu.yield
    }) : () -> ()
    %mul3A_29 = arith.constant 640 : i32
    %mul3A_30 = arith.muli %arg1, %mul3A_29 : i32
    %add3A_31 = arith.constant 512 : i32
    %add3A_32 = arith.addi %mul3A_30, %add3A_31 : i32
    "tpu.region"() ({
      %run_scoped3A = tpu.sem_alloc : memref<!tpu.dma_semaphore, #tpu.memory_space<semaphore_mem>>
      %dma_start3A = arith.constant 0 : i32
      %dma_start3A_46 = tpu.memref_slice %arg9[%add3A_32, %dma_start3A] : memref<10240x128xf32, #tpu.memory_space<vmem_shared>> -> memref<128x128xf32, #tpu.memory_space<vmem_shared>>
      %dma_start3A_47 = arith.constant 0 : i32
      %dma_start3A_48 = tpu.memref_slice %arg9[%add3A_32, %dma_start3A_47] : memref<10240x128xf32, #tpu.memory_space<vmem_shared>> -> memref<128x128xf32, #tpu.memory_space<vmem_shared>>
      tpu.enqueue_dma source(%arg17 : memref<128x128xf32, #tpu.memory_space<vmem>>) target(%dma_start3A_48 : memref<128x128xf32, #tpu.memory_space<vmem_shared>>) target_semaphore(%run_scoped3A : memref<!tpu.dma_semaphore, #tpu.memory_space<semaphore_mem>>)
      %dma_wait3A = arith.constant 0 : i32
      %dma_wait3A_49 = tpu.memref_slice %arg9[%add3A_32, %dma_wait3A] : memref<10240x128xf32, #tpu.memory_space<vmem_shared>> -> memref<128x128xf32, #tpu.memory_space<vmem_shared>>
      %dma_wait3A_50 = arith.constant 0 : i32
      %dma_wait3A_51 = tpu.memref_slice %arg9[%add3A_32, %dma_wait3A_50] : memref<10240x128xf32, #tpu.memory_space<vmem_shared>> -> memref<128x128xf32, #tpu.memory_space<vmem_shared>>
      tpu.wait_dma2 semaphore(%run_scoped3A : memref<!tpu.dma_semaphore, #tpu.memory_space<semaphore_mem>>) src(%arg17 : memref<128x128xf32, #tpu.memory_space<vmem>>) dst(%dma_wait3A_51 : memref<128x128xf32, #tpu.memory_space<vmem_shared>>)
      tpu.yield
    }) : () -> ()
    %mul3A_33 = arith.constant 640 : i32
    %mul3A_34 = arith.muli %arg1, %mul3A_33 : i32
    "tpu.region"() ({
      %run_scoped3A = tpu.sem_alloc : memref<!tpu.dma_semaphore, #tpu.memory_space<semaphore_mem>>
      %dma_start3A = tpu.memref_slice %arg10[%mul3A_34] : memref<10240xf32, #tpu.memory_space<vmem_shared>> -> memref<640xf32, #tpu.memory_space<vmem_shared>>
      %dma_start3A_46 = tpu.memref_slice %arg10[%mul3A_34] : memref<10240xf32, #tpu.memory_space<vmem_shared>> -> memref<640xf32, #tpu.memory_space<vmem_shared>>
      tpu.enqueue_dma source(%arg18 : memref<640xf32, #tpu.memory_space<vmem>>) target(%dma_start3A_46 : memref<640xf32, #tpu.memory_space<vmem_shared>>) target_semaphore(%run_scoped3A : memref<!tpu.dma_semaphore, #tpu.memory_space<semaphore_mem>>)
      %dma_wait3A = tpu.memref_slice %arg10[%mul3A_34] : memref<10240xf32, #tpu.memory_space<vmem_shared>> -> memref<640xf32, #tpu.memory_space<vmem_shared>>
      %dma_wait3A_47 = tpu.memref_slice %arg10[%mul3A_34] : memref<10240xf32, #tpu.memory_space<vmem_shared>> -> memref<640xf32, #tpu.memory_space<vmem_shared>>
      tpu.wait_dma2 semaphore(%run_scoped3A : memref<!tpu.dma_semaphore, #tpu.memory_space<semaphore_mem>>) src(%arg18 : memref<640xf32, #tpu.memory_space<vmem>>) dst(%dma_wait3A_47 : memref<640xf32, #tpu.memory_space<vmem_shared>>)
      tpu.yield
    }) : () -> ()
    %barrier3A = arith.constant 0 : index
    tpu.barrier barrier_id(%barrier3A)
    %scan3A_35 = arith.constant 0 : i32
    %scan3A_36 = arith.constant 0 : i32
    %scan3A_37 = arith.constant 125 : i32
    %scan3A_38 = arith.addi %scan3A_36, %scan3A_37 : i32
    %scan3A_39 = arith.constant 1 : i32
    scf.for %scan3A_46 = %scan3A_36 to %scan3A_38 step %scan3A_39  : i32 {
      %mul3A_47 = arith.constant 10000 : i32
      %mul3A_48 = arith.muli %add3A, %mul3A_47 : i32
      %mul3A_49 = arith.constant 80 : i32
      %mul3A_50 = arith.muli %scan3A_46, %mul3A_49 : i32
      %add3A_51 = arith.addi %mul3A_48, %mul3A_50 : i32
      %multiple_of3A = tpu.assume_multiple %add3A_51, 80 : i32
      "tpu.region"() ({
        %run_scoped3A = tpu.sem_alloc : memref<!tpu.dma_semaphore, #tpu.memory_space<semaphore_mem>>
        %dma_start3A_141 = tpu.memref_slice %arg5[%multiple_of3A] : memref<320000xi32, #tpu.memory_space<hbm>> -> memref<80xi32, #tpu.memory_space<hbm>>
        %dma_start3A_142 = tpu.memref_slice %arg5[%multiple_of3A] : memref<320000xi32, #tpu.memory_space<hbm>> -> memref<80xi32, #tpu.memory_space<hbm>>
        tpu.enqueue_dma source(%dma_start3A_142 : memref<80xi32, #tpu.memory_space<hbm>>) target(%arg13 : memref<80xi32, #tpu.memory_space<vmem>>) target_semaphore(%run_scoped3A : memref<!tpu.dma_semaphore, #tpu.memory_space<semaphore_mem>>)
        %dma_wait3A_143 = tpu.memref_slice %arg5[%multiple_of3A] : memref<320000xi32, #tpu.memory_space<hbm>> -> memref<80xi32, #tpu.memory_space<hbm>>
        %dma_wait3A_144 = tpu.memref_slice %arg5[%multiple_of3A] : memref<320000xi32, #tpu.memory_space<hbm>> -> memref<80xi32, #tpu.memory_space<hbm>>
        tpu.wait_dma2 semaphore(%run_scoped3A : memref<!tpu.dma_semaphore, #tpu.memory_space<semaphore_mem>>) src(%dma_wait3A_144 : memref<80xi32, #tpu.memory_space<hbm>>) dst(%arg13 : memref<80xi32, #tpu.memory_space<vmem>>)
        tpu.yield
      }) : () -> ()
      "tpu.region"() ({
        %run_scoped3A = tpu.sem_alloc : memref<!tpu.dma_semaphore, #tpu.memory_space<semaphore_mem>>
        %dma_start3A_141 = tpu.memref_slice %arg6[%multiple_of3A] : memref<320000xi32, #tpu.memory_space<hbm>> -> memref<80xi32, #tpu.memory_space<hbm>>
        %dma_start3A_142 = tpu.memref_slice %arg6[%multiple_of3A] : memref<320000xi32, #tpu.memory_space<hbm>> -> memref<80xi32, #tpu.memory_space<hbm>>
        tpu.enqueue_dma source(%dma_start3A_142 : memref<80xi32, #tpu.memory_space<hbm>>) target(%arg14 : memref<80xi32, #tpu.memory_space<vmem>>) target_semaphore(%run_scoped3A : memref<!tpu.dma_semaphore, #tpu.memory_space<semaphore_mem>>)
        %dma_wait3A_143 = tpu.memref_slice %arg6[%multiple_of3A] : memref<320000xi32, #tpu.memory_space<hbm>> -> memref<80xi32, #tpu.memory_space<hbm>>
        %dma_wait3A_144 = tpu.memref_slice %arg6[%multiple_of3A] : memref<320000xi32, #tpu.memory_space<hbm>> -> memref<80xi32, #tpu.memory_space<hbm>>
        tpu.wait_dma2 semaphore(%run_scoped3A : memref<!tpu.dma_semaphore, #tpu.memory_space<semaphore_mem>>) src(%dma_wait3A_144 : memref<80xi32, #tpu.memory_space<hbm>>) dst(%arg14 : memref<80xi32, #tpu.memory_space<vmem>>)
        tpu.yield
      }) : () -> ()
      %dma_start3A = arith.constant 0 : i32
      %dma_start3A_52 = arith.constant 0 : i32
      %dma_start3A_53 = tpu.memref_slice %arg2[%dma_start3A, %dma_start3A_52] : memref<10000x128xf32, #tpu.memory_space<hbm>> -> memref<10000x128xf32, #tpu.memory_space<hbm>>
      tpu.enqueue_indirect_dma source(%dma_start3A_53 : memref<10000x128xf32, #tpu.memory_space<hbm>>) target(%arg15 : memref<80x128xf32, #tpu.memory_space<vmem>>) offsets(%arg13 : memref<80xi32, #tpu.memory_space<vmem>>) semaphore(%arg19 : memref<!tpu.dma_semaphore, #tpu.memory_space<semaphore_mem>>)
      %dma_wait3A = arith.constant 0 : i32
      %dma_wait3A_54 = arith.constant 0 : i32
      %dma_wait3A_55 = tpu.memref_slice %arg2[%dma_wait3A, %dma_wait3A_54] : memref<10000x128xf32, #tpu.memory_space<hbm>> -> memref<10000x128xf32, #tpu.memory_space<hbm>>
      tpu.wait_indirect_dma semaphore(%arg19 : memref<!tpu.dma_semaphore, #tpu.memory_space<semaphore_mem>>) src(%dma_wait3A_55 : memref<10000x128xf32, #tpu.memory_space<hbm>>) dst(%arg15 : memref<80x128xf32, #tpu.memory_space<vmem>>)
      %get3A = arith.constant 0 : index
      %get3A_56 = tpu.vector_load %arg13[%get3A] {strides = array<i32>} : memref<80xi32, #tpu.memory_space<vmem>>, vector<16xi32>,
      %get3A_57 = arith.constant 0 : index
      %get3A_58 = tpu.vector_load %arg14[%get3A_57] {strides = array<i32>} : memref<80xi32, #tpu.memory_space<vmem>>, vector<16xi32>,
      %gather3A = tpu.vector_load_idx %arg11[%get3A_56] : memref<10000xf32, #tpu.memory_space<vmem>>[vector<16xi32>], vector<16xf32>,
      %gather3A_59 = tpu.vector_load_idx %arg12[%get3A_58] : memref<10000xf32, #tpu.memory_space<vmem>>[vector<16xi32>], vector<16xf32>,
      %add3A_60 = arith.addf %gather3A, %gather3A_59 : vector<16xf32>
      %ge3A = arith.constant 0.000000e+00 : f32
      %ge3A_61 = vector.broadcast %ge3A : f32 to vector<16xf32>
      %ge3A_62 = arith.cmpf oge, %add3A_60, %ge3A_61 : vector<16xf32>
      %mul3A_63 = arith.constant 2.000000e-01 : f32
      %mul3A_64 = vector.broadcast %mul3A_63 : f32 to vector<16xf32>
      %mul3A_65 = arith.mulf %add3A_60, %mul3A_64 : vector<16xf32>
      %select_n3A = arith.select %ge3A_62, %add3A_60, %mul3A_65 : vector<16xi1>, vector<16xf32>
      %exp3A = math.exp %select_n3A : vector<16xf32>
      %swap3A = arith.constant 0 : index
      %swap3A_66 = tpu.vector_load %arg16[%swap3A] {strides = array<i32>} : memref<80xf32, #tpu.memory_space<vmem>>, vector<16xf32>,
      tpu.vector_store %arg16[%swap3A], %exp3A {strides = array<i32>} : memref<80xf32, #tpu.memory_space<vmem>>, vector<16xf32>,
      %get3A_67 = arith.constant 16 : index
      %get3A_68 = tpu.vector_load %arg13[%get3A_67] {strides = array<i32>} : memref<80xi32, #tpu.memory_space<vmem>>, vector<16xi32>,
      %get3A_69 = arith.constant 16 : index
      %get3A_70 = tpu.vector_load %arg14[%get3A_69] {strides = array<i32>} : memref<80xi32, #tpu.memory_space<vmem>>, vector<16xi32>,
      %gather3A_71 = tpu.vector_load_idx %arg11[%get3A_68] : memref<10000xf32, #tpu.memory_space<vmem>>[vector<16xi32>], vector<16xf32>,
      %gather3A_72 = tpu.vector_load_idx %arg12[%get3A_70] : memref<10000xf32, #tpu.memory_space<vmem>>[vector<16xi32>], vector<16xf32>,
      %add3A_73 = arith.addf %gather3A_71, %gather3A_72 : vector<16xf32>
      %ge3A_74 = arith.constant 0.000000e+00 : f32
      %ge3A_75 = vector.broadcast %ge3A_74 : f32 to vector<16xf32>
      %ge3A_76 = arith.cmpf oge, %add3A_73, %ge3A_75 : vector<16xf32>
      %mul3A_77 = arith.constant 2.000000e-01 : f32
      %mul3A_78 = vector.broadcast %mul3A_77 : f32 to vector<16xf32>
      %mul3A_79 = arith.mulf %add3A_73, %mul3A_78 : vector<16xf32>
      %select_n3A_80 = arith.select %ge3A_76, %add3A_73, %mul3A_79 : vector<16xi1>, vector<16xf32>
      %exp3A_81 = math.exp %select_n3A_80 : vector<16xf32>
      %swap3A_82 = arith.constant 16 : index
      %swap3A_83 = tpu.vector_load %arg16[%swap3A_82] {strides = array<i32>} : memref<80xf32, #tpu.memory_space<vmem>>, vector<16xf32>,
      tpu.vector_store %arg16[%swap3A_82], %exp3A_81 {strides = array<i32>} : memref<80xf32, #tpu.memory_space<vmem>>, vector<16xf32>,
      %get3A_84 = arith.constant 32 : index
      %get3A_85 = tpu.vector_load %arg13[%get3A_84] {strides = array<i32>} : memref<80xi32, #tpu.memory_space<vmem>>, vector<16xi32>,
      %get3A_86 = arith.constant 32 : index
      %get3A_87 = tpu.vector_load %arg14[%get3A_86] {strides = array<i32>} : memref<80xi32, #tpu.memory_space<vmem>>, vector<16xi32>,
      %gather3A_88 = tpu.vector_load_idx %arg11[%get3A_85] : memref<10000xf32, #tpu.memory_space<vmem>>[vector<16xi32>], vector<16xf32>,
      %gather3A_89 = tpu.vector_load_idx %arg12[%get3A_87] : memref<10000xf32, #tpu.memory_space<vmem>>[vector<16xi32>], vector<16xf32>,
      %add3A_90 = arith.addf %gather3A_88, %gather3A_89 : vector<16xf32>
      %ge3A_91 = arith.constant 0.000000e+00 : f32
      %ge3A_92 = vector.broadcast %ge3A_91 : f32 to vector<16xf32>
      %ge3A_93 = arith.cmpf oge, %add3A_90, %ge3A_92 : vector<16xf32>
      %mul3A_94 = arith.constant 2.000000e-01 : f32
      %mul3A_95 = vector.broadcast %mul3A_94 : f32 to vector<16xf32>
      %mul3A_96 = arith.mulf %add3A_90, %mul3A_95 : vector<16xf32>
      %select_n3A_97 = arith.select %ge3A_93, %add3A_90, %mul3A_96 : vector<16xi1>, vector<16xf32>
      %exp3A_98 = math.exp %select_n3A_97 : vector<16xf32>
      %swap3A_99 = arith.constant 32 : index
      %swap3A_100 = tpu.vector_load %arg16[%swap3A_99] {strides = array<i32>} : memref<80xf32, #tpu.memory_space<vmem>>, vector<16xf32>,
      tpu.vector_store %arg16[%swap3A_99], %exp3A_98 {strides = array<i32>} : memref<80xf32, #tpu.memory_space<vmem>>, vector<16xf32>,
      %get3A_101 = arith.constant 48 : index
      %get3A_102 = tpu.vector_load %arg13[%get3A_101] {strides = array<i32>} : memref<80xi32, #tpu.memory_space<vmem>>, vector<16xi32>,
      %get3A_103 = arith.constant 48 : index
      %get3A_104 = tpu.vector_load %arg14[%get3A_103] {strides = array<i32>} : memref<80xi32, #tpu.memory_space<vmem>>, vector<16xi32>,
      %gather3A_105 = tpu.vector_load_idx %arg11[%get3A_102] : memref<10000xf32, #tpu.memory_space<vmem>>[vector<16xi32>], vector<16xf32>,
      %gather3A_106 = tpu.vector_load_idx %arg12[%get3A_104] : memref<10000xf32, #tpu.memory_space<vmem>>[vector<16xi32>], vector<16xf32>,
      %add3A_107 = arith.addf %gather3A_105, %gather3A_106 : vector<16xf32>
      %ge3A_108 = arith.constant 0.000000e+00 : f32
      %ge3A_109 = vector.broadcast %ge3A_108 : f32 to vector<16xf32>
      %ge3A_110 = arith.cmpf oge, %add3A_107, %ge3A_109 : vector<16xf32>
      %mul3A_111 = arith.constant 2.000000e-01 : f32
      %mul3A_112 = vector.broadcast %mul3A_111 : f32 to vector<16xf32>
      %mul3A_113 = arith.mulf %add3A_107, %mul3A_112 : vector<16xf32>
      %select_n3A_114 = arith.select %ge3A_110, %add3A_107, %mul3A_113 : vector<16xi1>, vector<16xf32>
      %exp3A_115 = math.exp %select_n3A_114 : vector<16xf32>
      %swap3A_116 = arith.constant 48 : index
      %swap3A_117 = tpu.vector_load %arg16[%swap3A_116] {strides = array<i32>} : memref<80xf32, #tpu.memory_space<vmem>>, vector<16xf32>,
      tpu.vector_store %arg16[%swap3A_116], %exp3A_115 {strides = array<i32>} : memref<80xf32, #tpu.memory_space<vmem>>, vector<16xf32>,
      %get3A_118 = arith.constant 64 : index
      %get3A_119 = tpu.vector_load %arg13[%get3A_118] {strides = array<i32>} : memref<80xi32, #tpu.memory_space<vmem>>, vector<16xi32>,
      %get3A_120 = arith.constant 64 : index
      %get3A_121 = tpu.vector_load %arg14[%get3A_120] {strides = array<i32>} : memref<80xi32, #tpu.memory_space<vmem>>, vector<16xi32>,
      %gather3A_122 = tpu.vector_load_idx %arg11[%get3A_119] : memref<10000xf32, #tpu.memory_space<vmem>>[vector<16xi32>], vector<16xf32>,
      %gather3A_123 = tpu.vector_load_idx %arg12[%get3A_121] : memref<10000xf32, #tpu.memory_space<vmem>>[vector<16xi32>], vector<16xf32>,
      %add3A_124 = arith.addf %gather3A_122, %gather3A_123 : vector<16xf32>
      %ge3A_125 = arith.constant 0.000000e+00 : f32
      %ge3A_126 = vector.broadcast %ge3A_125 : f32 to vector<16xf32>
      %ge3A_127 = arith.cmpf oge, %add3A_124, %ge3A_126 : vector<16xf32>
      %mul3A_128 = arith.constant 2.000000e-01 : f32
      %mul3A_129 = vector.broadcast %mul3A_128 : f32 to vector<16xf32>
      %mul3A_130 = arith.mulf %add3A_124, %mul3A_129 : vector<16xf32>
      %select_n3A_131 = arith.select %ge3A_127, %add3A_124, %mul3A_130 : vector<16xi1>, vector<16xf32>
      %exp3A_132 = math.exp %select_n3A_131 : vector<16xf32>
      %swap3A_133 = arith.constant 64 : index
      %swap3A_134 = tpu.vector_load %arg16[%swap3A_133] {strides = array<i32>} : memref<80xf32, #tpu.memory_space<vmem>>, vector<16xf32>,
      tpu.vector_store %arg16[%swap3A_133], %exp3A_132 {strides = array<i32>} : memref<80xf32, #tpu.memory_space<vmem>>, vector<16xf32>,
      %scan3A_135 = arith.constant 0 : i32
      %scan3A_136 = arith.constant 0 : i32
      %scan3A_137 = arith.constant 5 : i32
      %scan3A_138 = arith.addi %scan3A_136, %scan3A_137 : i32
      %scan3A_139 = arith.constant 1 : i32
      scf.for %scan3A_141 = %scan3A_136 to %scan3A_138 step %scan3A_139  : i32 {
        %mul3A_142 = arith.constant 16 : i32
        %mul3A_143 = arith.muli %scan3A_141, %mul3A_142 : i32
        %get3A_144 = arith.index_cast %mul3A_143 : i32 to index
        %get3A_145 = tpu.vector_load %arg16[%get3A_144] {strides = array<i32>} : memref<80xf32, #tpu.memory_space<vmem>>, vector<16xf32>,
        %slice3A = vector.extract_strided_slice %get3A_145 {offsets = [0], sizes = [1], strides = [1]} : vector<16xf32> to vector<1xf32>
        %squeeze3A = vector.extract %slice3A[0] : f32 from vector<1xf32>
        %mul3A_146 = arith.constant 16 : i32
        %mul3A_147 = arith.muli %scan3A_141, %mul3A_146 : i32
        %add3A_148 = arith.constant 0 : i32
        %add3A_149 = arith.addi %mul3A_147, %add3A_148 : i32
        %get3A_150 = arith.index_cast %add3A_149 : i32 to index
        %get3A_151 = arith.constant 0 : index
        %get3A_152 = tpu.vector_load %arg15[%get3A_150, %get3A_151] {strides = array<i32>} : memref<80x128xf32, #tpu.memory_space<vmem>>, vector<16xf32>,
        %mul3A_153 = vector.broadcast %squeeze3A : f32 to vector<16xf32>
        %mul3A_154 = arith.mulf %get3A_152, %mul3A_153 : vector<16xf32>
        %swap3A_155 = arith.index_cast %add3A_149 : i32 to index
        %swap3A_156 = arith.constant 0 : index
        %swap3A_157 = tpu.vector_load %arg15[%swap3A_155, %swap3A_156] {strides = array<i32>} : memref<80x128xf32, #tpu.memory_space<vmem>>, vector<16xf32>,
        tpu.vector_store %arg15[%swap3A_155, %swap3A_156], %mul3A_154 {strides = array<i32>} : memref<80x128xf32, #tpu.memory_space<vmem>>, vector<16xf32>,
        %get3A_158 = arith.index_cast %add3A_149 : i32 to index
        %get3A_159 = arith.constant 16 : index
        %get3A_160 = tpu.vector_load %arg15[%get3A_158, %get3A_159] {strides = array<i32>} : memref<80x128xf32, #tpu.memory_space<vmem>>, vector<16xf32>,
        %mul3A_161 = vector.broadcast %squeeze3A : f32 to vector<16xf32>
        %mul3A_162 = arith.mulf %get3A_160, %mul3A_161 : vector<16xf32>
        %swap3A_163 = arith.index_cast %add3A_149 : i32 to index
        %swap3A_164 = arith.constant 16 : index
        %swap3A_165 = tpu.vector_load %arg15[%swap3A_163, %swap3A_164] {strides = array<i32>} : memref<80x128xf32, #tpu.memory_space<vmem>>, vector<16xf32>,
        tpu.vector_store %arg15[%swap3A_163, %swap3A_164], %mul3A_162 {strides = array<i32>} : memref<80x128xf32, #tpu.memory_space<vmem>>, vector<16xf32>,
        %get3A_166 = arith.index_cast %add3A_149 : i32 to index
        %get3A_167 = arith.constant 32 : index
        %get3A_168 = tpu.vector_load %arg15[%get3A_166, %get3A_167] {strides = array<i32>} : memref<80x128xf32, #tpu.memory_space<vmem>>, vector<16xf32>,
        %mul3A_169 = vector.broadcast %squeeze3A : f32 to vector<16xf32>
        %mul3A_170 = arith.mulf %get3A_168, %mul3A_169 : vector<16xf32>
        %swap3A_171 = arith.index_cast %add3A_149 : i32 to index
        %swap3A_172 = arith.constant 32 : index
        %swap3A_173 = tpu.vector_load %arg15[%swap3A_171, %swap3A_172] {strides = array<i32>} : memref<80x128xf32, #tpu.memory_space<vmem>>, vector<16xf32>,
        tpu.vector_store %arg15[%swap3A_171, %swap3A_172], %mul3A_170 {strides = array<i32>} : memref<80x128xf32, #tpu.memory_space<vmem>>, vector<16xf32>,
        %get3A_174 = arith.index_cast %add3A_149 : i32 to index
        %get3A_175 = arith.constant 48 : index
        %get3A_176 = tpu.vector_load %arg15[%get3A_174, %get3A_175] {strides = array<i32>} : memref<80x128xf32, #tpu.memory_space<vmem>>, vector<16xf32>,
        %mul3A_177 = vector.broadcast %squeeze3A : f32 to vector<16xf32>
        %mul3A_178 = arith.mulf %get3A_176, %mul3A_177 : vector<16xf32>
        %swap3A_179 = arith.index_cast %add3A_149 : i32 to index
        %swap3A_180 = arith.constant 48 : index
        %swap3A_181 = tpu.vector_load %arg15[%swap3A_179, %swap3A_180] {strides = array<i32>} : memref<80x128xf32, #tpu.memory_space<vmem>>, vector<16xf32>,
        tpu.vector_store %arg15[%swap3A_179, %swap3A_180], %mul3A_178 {strides = array<i32>} : memref<80x128xf32, #tpu.memory_space<vmem>>, vector<16xf32>,
        %get3A_182 = arith.index_cast %add3A_149 : i32 to index
        %get3A_183 = arith.constant 64 : index
        %get3A_184 = tpu.vector_load %arg15[%get3A_182, %get3A_183] {strides = array<i32>} : memref<80x128xf32, #tpu.memory_space<vmem>>, vector<16xf32>,
        %mul3A_185 = vector.broadcast %squeeze3A : f32 to vector<16xf32>
        %mul3A_186 = arith.mulf %get3A_184, %mul3A_185 : vector<16xf32>
        %swap3A_187 = arith.index_cast %add3A_149 : i32 to index
        %swap3A_188 = arith.constant 64 : index
        %swap3A_189 = tpu.vector_load %arg15[%swap3A_187, %swap3A_188] {strides = array<i32>} : memref<80x128xf32, #tpu.memory_space<vmem>>, vector<16xf32>,
        tpu.vector_store %arg15[%swap3A_187, %swap3A_188], %mul3A_186 {strides = array<i32>} : memref<80x128xf32, #tpu.memory_space<vmem>>, vector<16xf32>,
        %get3A_190 = arith.index_cast %add3A_149 : i32 to index
        %get3A_191 = arith.constant 80 : index
        %get3A_192 = tpu.vector_load %arg15[%get3A_190, %get3A_191] {strides = array<i32>} : memref<80x128xf32, #tpu.memory_space<vmem>>, vector<16xf32>,
        %mul3A_193 = vector.broadcast %squeeze3A : f32 to vector<16xf32>
        %mul3A_194 = arith.mulf %get3A_192, %mul3A_193 : vector<16xf32>
        %swap3A_195 = arith.index_cast %add3A_149 : i32 to index
        %swap3A_196 = arith.constant 80 : index
        %swap3A_197 = tpu.vector_load %arg15[%swap3A_195, %swap3A_196] {strides = array<i32>} : memref<80x128xf32, #tpu.memory_space<vmem>>, vector<16xf32>,
        tpu.vector_store %arg15[%swap3A_195, %swap3A_196], %mul3A_194 {strides = array<i32>} : memref<80x128xf32, #tpu.memory_space<vmem>>, vector<16xf32>,
        %get3A_198 = arith.index_cast %add3A_149 : i32 to index
        %get3A_199 = arith.constant 96 : index
        %get3A_200 = tpu.vector_load %arg15[%get3A_198, %get3A_199] {strides = array<i32>} : memref<80x128xf32, #tpu.memory_space<vmem>>, vector<16xf32>,
        %mul3A_201 = vector.broadcast %squeeze3A : f32 to vector<16xf32>
        %mul3A_202 = arith.mulf %get3A_200, %mul3A_201 : vector<16xf32>
        %swap3A_203 = arith.index_cast %add3A_149 : i32 to index
        %swap3A_204 = arith.constant 96 : index
        %swap3A_205 = tpu.vector_load %arg15[%swap3A_203, %swap3A_204] {strides = array<i32>} : memref<80x128xf32, #tpu.memory_space<vmem>>, vector<16xf32>,
        tpu.vector_store %arg15[%swap3A_203, %swap3A_204], %mul3A_202 {strides = array<i32>} : memref<80x128xf32, #tpu.memory_space<vmem>>, vector<16xf32>,
        %get3A_206 = arith.index_cast %add3A_149 : i32 to index
        %get3A_207 = arith.constant 112 : index
        %get3A_208 = tpu.vector_load %arg15[%get3A_206, %get3A_207] {strides = array<i32>} : memref<80x128xf32, #tpu.memory_space<vmem>>, vector<16xf32>,
        %mul3A_209 = vector.broadcast %squeeze3A : f32 to vector<16xf32>
        %mul3A_210 = arith.mulf %get3A_208, %mul3A_209 : vector<16xf32>
        %swap3A_211 = arith.index_cast %add3A_149 : i32 to index
        %swap3A_212 = arith.constant 112 : index
        %swap3A_213 = tpu.vector_load %arg15[%swap3A_211, %swap3A_212] {strides = array<i32>} : memref<80x128xf32, #tpu.memory_space<vmem>>, vector<16xf32>,
        tpu.vector_store %arg15[%swap3A_211, %swap3A_212], %mul3A_210 {strides = array<i32>} : memref<80x128xf32, #tpu.memory_space<vmem>>, vector<16xf32>,
        %slice3A_214 = vector.extract_strided_slice %get3A_145 {offsets = [1], sizes = [1], strides = [1]} : vector<16xf32> to vector<1xf32>
        %squeeze3A_215 = vector.extract %slice3A_214[0] : f32 from vector<1xf32>
        %mul3A_216 = arith.constant 16 : i32
        %mul3A_217 = arith.muli %scan3A_141, %mul3A_216 : i32
        %add3A_218 = arith.constant 1 : i32
        %add3A_219 = arith.addi %mul3A_217, %add3A_218 : i32
        %get3A_220 = arith.index_cast %add3A_219 : i32 to index
        %get3A_221 = arith.constant 0 : index
        %get3A_222 = tpu.vector_load %arg15[%get3A_220, %get3A_221] {strides = array<i32>} : memref<80x128xf32, #tpu.memory_space<vmem>>, vector<16xf32>,
        %mul3A_223 = vector.broadcast %squeeze3A_215 : f32 to vector<16xf32>
        %mul3A_224 = arith.mulf %get3A_222, %mul3A_223 : vector<16xf32>
        %swap3A_225 = arith.index_cast %add3A_219 : i32 to index
        %swap3A_226 = arith.constant 0 : index
        %swap3A_227 = tpu.vector_load %arg15[%swap3A_225, %swap3A_226] {strides = array<i32>} : memref<80x128xf32, #tpu.memory_space<vmem>>, vector<16xf32>,
        tpu.vector_store %arg15[%swap3A_225, %swap3A_226], %mul3A_224 {strides = array<i32>} : memref<80x128xf32, #tpu.memory_space<vmem>>, vector<16xf32>,
        %get3A_228 = arith.index_cast %add3A_219 : i32 to index
        %get3A_229 = arith.constant 16 : index
        %get3A_230 = tpu.vector_load %arg15[%get3A_228, %get3A_229] {strides = array<i32>} : memref<80x128xf32, #tpu.memory_space<vmem>>, vector<16xf32>,
        %mul3A_231 = vector.broadcast %squeeze3A_215 : f32 to vector<16xf32>
        %mul3A_232 = arith.mulf %get3A_230, %mul3A_231 : vector<16xf32>
        %swap3A_233 = arith.index_cast %add3A_219 : i32 to index
        %swap3A_234 = arith.constant 16 : index
        %swap3A_235 = tpu.vector_load %arg15[%swap3A_233, %swap3A_234] {strides = array<i32>} : memref<80x128xf32, #tpu.memory_space<vmem>>, vector<16xf32>,
        tpu.vector_store %arg15[%swap3A_233, %swap3A_234], %mul3A_232 {strides = array<i32>} : memref<80x128xf32, #tpu.memory_space<vmem>>, vector<16xf32>,
        %get3A_236 = arith.index_cast %add3A_219 : i32 to index
        %get3A_237 = arith.constant 32 : index
        %get3A_238 = tpu.vector_load %arg15[%get3A_236, %get3A_237] {strides = array<i32>} : memref<80x128xf32, #tpu.memory_space<vmem>>, vector<16xf32>,
        %mul3A_239 = vector.broadcast %squeeze3A_215 : f32 to vector<16xf32>
        %mul3A_240 = arith.mulf %get3A_238, %mul3A_239 : vector<16xf32>
        %swap3A_241 = arith.index_cast %add3A_219 : i32 to index
        %swap3A_242 = arith.constant 32 : index
        %swap3A_243 = tpu.vector_load %arg15[%swap3A_241, %swap3A_242] {strides = array<i32>} : memref<80x128xf32, #tpu.memory_space<vmem>>, vector<16xf32>,
        tpu.vector_store %arg15[%swap3A_241, %swap3A_242], %mul3A_240 {strides = array<i32>} : memref<80x128xf32, #tpu.memory_space<vmem>>, vector<16xf32>,
        %get3A_244 = arith.index_cast %add3A_219 : i32 to index
        %get3A_245 = arith.constant 48 : index
        %get3A_246 = tpu.vector_load %arg15[%get3A_244, %get3A_245] {strides = array<i32>} : memref<80x128xf32, #tpu.memory_space<vmem>>, vector<16xf32>,
        %mul3A_247 = vector.broadcast %squeeze3A_215 : f32 to vector<16xf32>
        %mul3A_248 = arith.mulf %get3A_246, %mul3A_247 : vector<16xf32>
        %swap3A_249 = arith.index_cast %add3A_219 : i32 to index
        %swap3A_250 = arith.constant 48 : index
        %swap3A_251 = tpu.vector_load %arg15[%swap3A_249, %swap3A_250] {strides = array<i32>} : memref<80x128xf32, #tpu.memory_space<vmem>>, vector<16xf32>,
        tpu.vector_store %arg15[%swap3A_249, %swap3A_250], %mul3A_248 {strides = array<i32>} : memref<80x128xf32, #tpu.memory_space<vmem>>, vector<16xf32>,
        %get3A_252 = arith.index_cast %add3A_219 : i32 to index
        %get3A_253 = arith.constant 64 : index
        %get3A_254 = tpu.vector_load %arg15[%get3A_252, %get3A_253] {strides = array<i32>} : memref<80x128xf32, #tpu.memory_space<vmem>>, vector<16xf32>,
        %mul3A_255 = vector.broadcast %squeeze3A_215 : f32 to vector<16xf32>
        %mul3A_256 = arith.mulf %get3A_254, %mul3A_255 : vector<16xf32>
        %swap3A_257 = arith.index_cast %add3A_219 : i32 to index
        %swap3A_258 = arith.constant 64 : index
        %swap3A_259 = tpu.vector_load %arg15[%swap3A_257, %swap3A_258] {strides = array<i32>} : memref<80x128xf32, #tpu.memory_space<vmem>>, vector<16xf32>,
        tpu.vector_store %arg15[%swap3A_257, %swap3A_258], %mul3A_256 {strides = array<i32>} : memref<80x128xf32, #tpu.memory_space<vmem>>, vector<16xf32>,
        %get3A_260 = arith.index_cast %add3A_219 : i32 to index
        %get3A_261 = arith.constant 80 : index
        %get3A_262 = tpu.vector_load %arg15[%get3A_260, %get3A_261] {strides = array<i32>} : memref<80x128xf32, #tpu.memory_space<vmem>>, vector<16xf32>,
        %mul3A_263 = vector.broadcast %squeeze3A_215 : f32 to vector<16xf32>
        %mul3A_264 = arith.mulf %get3A_262, %mul3A_263 : vector<16xf32>
        %swap3A_265 = arith.index_cast %add3A_219 : i32 to index
        %swap3A_266 = arith.constant 80 : index
        %swap3A_267 = tpu.vector_load %arg15[%swap3A_265, %swap3A_266] {strides = array<i32>} : memref<80x128xf32, #tpu.memory_space<vmem>>, vector<16xf32>,
        tpu.vector_store %arg15[%swap3A_265, %swap3A_266], %mul3A_264 {strides = array<i32>} : memref<80x128xf32, #tpu.memory_space<vmem>>, vector<16xf32>,
        %get3A_268 = arith.index_cast %add3A_219 : i32 to index
        %get3A_269 = arith.constant 96 : index
        %get3A_270 = tpu.vector_load %arg15[%get3A_268, %get3A_269] {strides = array<i32>} : memref<80x128xf32, #tpu.memory_space<vmem>>, vector<16xf32>,
        %mul3A_271 = vector.broadcast %squeeze3A_215 : f32 to vector<16xf32>
        %mul3A_272 = arith.mulf %get3A_270, %mul3A_271 : vector<16xf32>
        %swap3A_273 = arith.index_cast %add3A_219 : i32 to index
        %swap3A_274 = arith.constant 96 : index
        %swap3A_275 = tpu.vector_load %arg15[%swap3A_273, %swap3A_274] {strides = array<i32>} : memref<80x128xf32, #tpu.memory_space<vmem>>, vector<16xf32>,
        tpu.vector_store %arg15[%swap3A_273, %swap3A_274], %mul3A_272 {strides = array<i32>} : memref<80x128xf32, #tpu.memory_space<vmem>>, vector<16xf32>,
        %get3A_276 = arith.index_cast %add3A_219 : i32 to index
        %get3A_277 = arith.constant 112 : index
        %get3A_278 = tpu.vector_load %arg15[%get3A_276, %get3A_277] {strides = array<i32>} : memref<80x128xf32, #tpu.memory_space<vmem>>, vector<16xf32>,
        %mul3A_279 = vector.broadcast %squeeze3A_215 : f32 to vector<16xf32>
        %mul3A_280 = arith.mulf %get3A_278, %mul3A_279 : vector<16xf32>
        %swap3A_281 = arith.index_cast %add3A_219 : i32 to index
        %swap3A_282 = arith.constant 112 : index
        %swap3A_283 = tpu.vector_load %arg15[%swap3A_281, %swap3A_282] {strides = array<i32>} : memref<80x128xf32, #tpu.memory_space<vmem>>, vector<16xf32>,
        tpu.vector_store %arg15[%swap3A_281, %swap3A_282], %mul3A_280 {strides = array<i32>} : memref<80x128xf32, #tpu.memory_space<vmem>>, vector<16xf32>,
        %slice3A_284 = vector.extract_strided_slice %get3A_145 {offsets = [2], sizes = [1], strides = [1]} : vector<16xf32> to vector<1xf32>
        %squeeze3A_285 = vector.extract %slice3A_284[0] : f32 from vector<1xf32>
        %mul3A_286 = arith.constant 16 : i32
        %mul3A_287 = arith.muli %scan3A_141, %mul3A_286 : i32
        %add3A_288 = arith.constant 2 : i32
        %add3A_289 = arith.addi %mul3A_287, %add3A_288 : i32
        %get3A_290 = arith.index_cast %add3A_289 : i32 to index
        %get3A_291 = arith.constant 0 : index
        %get3A_292 = tpu.vector_load %arg15[%get3A_290, %get3A_291] {strides = array<i32>} : memref<80x128xf32, #tpu.memory_space<vmem>>, vector<16xf32>,
        %mul3A_293 = vector.broadcast %squeeze3A_285 : f32 to vector<16xf32>
        %mul3A_294 = arith.mulf %get3A_292, %mul3A_293 : vector<16xf32>
        %swap3A_295 = arith.index_cast %add3A_289 : i32 to index
        %swap3A_296 = arith.constant 0 : index
        %swap3A_297 = tpu.vector_load %arg15[%swap3A_295, %swap3A_296] {strides = array<i32>} : memref<80x128xf32, #tpu.memory_space<vmem>>, vector<16xf32>,
        tpu.vector_store %arg15[%swap3A_295, %swap3A_296], %mul3A_294 {strides = array<i32>} : memref<80x128xf32, #tpu.memory_space<vmem>>, vector<16xf32>,
        %get3A_298 = arith.index_cast %add3A_289 : i32 to index
        %get3A_299 = arith.constant 16 : index
        %get3A_300 = tpu.vector_load %arg15[%get3A_298, %get3A_299] {strides = array<i32>} : memref<80x128xf32, #tpu.memory_space<vmem>>, vector<16xf32>,
        %mul3A_301 = vector.broadcast %squeeze3A_285 : f32 to vector<16xf32>
        %mul3A_302 = arith.mulf %get3A_300, %mul3A_301 : vector<16xf32>
        %swap3A_303 = arith.index_cast %add3A_289 : i32 to index
        %swap3A_304 = arith.constant 16 : index
        %swap3A_305 = tpu.vector_load %arg15[%swap3A_303, %swap3A_304] {strides = array<i32>} : memref<80x128xf32, #tpu.memory_space<vmem>>, vector<16xf32>,
        tpu.vector_store %arg15[%swap3A_303, %swap3A_304], %mul3A_302 {strides = array<i32>} : memref<80x128xf32, #tpu.memory_space<vmem>>, vector<16xf32>,
        %get3A_306 = arith.index_cast %add3A_289 : i32 to index
        %get3A_307 = arith.constant 32 : index
        %get3A_308 = tpu.vector_load %arg15[%get3A_306, %get3A_307] {strides = array<i32>} : memref<80x128xf32, #tpu.memory_space<vmem>>, vector<16xf32>,
        %mul3A_309 = vector.broadcast %squeeze3A_285 : f32 to vector<16xf32>
        %mul3A_310 = arith.mulf %get3A_308, %mul3A_309 : vector<16xf32>
        %swap3A_311 = arith.index_cast %add3A_289 : i32 to index
        %swap3A_312 = arith.constant 32 : index
        %swap3A_313 = tpu.vector_load %arg15[%swap3A_311, %swap3A_312] {strides = array<i32>} : memref<80x128xf32, #tpu.memory_space<vmem>>, vector<16xf32>,
        tpu.vector_store %arg15[%swap3A_311, %swap3A_312], %mul3A_310 {strides = array<i32>} : memref<80x128xf32, #tpu.memory_space<vmem>>, vector<16xf32>,
        %get3A_314 = arith.index_cast %add3A_289 : i32 to index
        %get3A_315 = arith.constant 48 : index
        %get3A_316 = tpu.vector_load %arg15[%get3A_314, %get3A_315] {strides = array<i32>} : memref<80x128xf32, #tpu.memory_space<vmem>>, vector<16xf32>,
        %mul3A_317 = vector.broadcast %squeeze3A_285 : f32 to vector<16xf32>
        %mul3A_318 = arith.mulf %get3A_316, %mul3A_317 : vector<16xf32>
        %swap3A_319 = arith.index_cast %add3A_289 : i32 to index
        %swap3A_320 = arith.constant 48 : index
        %swap3A_321 = tpu.vector_load %arg15[%swap3A_319, %swap3A_320] {strides = array<i32>} : memref<80x128xf32, #tpu.memory_space<vmem>>, vector<16xf32>,
        tpu.vector_store %arg15[%swap3A_319, %swap3A_320], %mul3A_318 {strides = array<i32>} : memref<80x128xf32, #tpu.memory_space<vmem>>, vector<16xf32>,
        %get3A_322 = arith.index_cast %add3A_289 : i32 to index
        %get3A_323 = arith.constant 64 : index
        %get3A_324 = tpu.vector_load %arg15[%get3A_322, %get3A_323] {strides = array<i32>} : memref<80x128xf32, #tpu.memory_space<vmem>>, vector<16xf32>,
        %mul3A_325 = vector.broadcast %squeeze3A_285 : f32 to vector<16xf32>
        %mul3A_326 = arith.mulf %get3A_324, %mul3A_325 : vector<16xf32>
        %swap3A_327 = arith.index_cast %add3A_289 : i32 to index
        %swap3A_328 = arith.constant 64 : index
        %swap3A_329 = tpu.vector_load %arg15[%swap3A_327, %swap3A_328] {strides = array<i32>} : memref<80x128xf32, #tpu.memory_space<vmem>>, vector<16xf32>,
        tpu.vector_store %arg15[%swap3A_327, %swap3A_328], %mul3A_326 {strides = array<i32>} : memref<80x128xf32, #tpu.memory_space<vmem>>, vector<16xf32>,
        %get3A_330 = arith.index_cast %add3A_289 : i32 to index
        %get3A_331 = arith.constant 80 : index
        %get3A_332 = tpu.vector_load %arg15[%get3A_330, %get3A_331] {strides = array<i32>} : memref<80x128xf32, #tpu.memory_space<vmem>>, vector<16xf32>,
        %mul3A_333 = vector.broadcast %squeeze3A_285 : f32 to vector<16xf32>
        %mul3A_334 = arith.mulf %get3A_332, %mul3A_333 : vector<16xf32>
        %swap3A_335 = arith.index_cast %add3A_289 : i32 to index
        %swap3A_336 = arith.constant 80 : index
        %swap3A_337 = tpu.vector_load %arg15[%swap3A_335, %swap3A_336] {strides = array<i32>} : memref<80x128xf32, #tpu.memory_space<vmem>>, vector<16xf32>,
        tpu.vector_store %arg15[%swap3A_335, %swap3A_336], %mul3A_334 {strides = array<i32>} : memref<80x128xf32, #tpu.memory_space<vmem>>, vector<16xf32>,
        %get3A_338 = arith.index_cast %add3A_289 : i32 to index
        %get3A_339 = arith.constant 96 : index
        %get3A_340 = tpu.vector_load %arg15[%get3A_338, %get3A_339] {strides = array<i32>} : memref<80x128xf32, #tpu.memory_space<vmem>>, vector<16xf32>,
        %mul3A_341 = vector.broadcast %squeeze3A_285 : f32 to vector<16xf32>
        %mul3A_342 = arith.mulf %get3A_340, %mul3A_341 : vector<16xf32>
        %swap3A_343 = arith.index_cast %add3A_289 : i32 to index
        %swap3A_344 = arith.constant 96 : index
        %swap3A_345 = tpu.vector_load %arg15[%swap3A_343, %swap3A_344] {strides = array<i32>} : memref<80x128xf32, #tpu.memory_space<vmem>>, vector<16xf32>,
        tpu.vector_store %arg15[%swap3A_343, %swap3A_344], %mul3A_342 {strides = array<i32>} : memref<80x128xf32, #tpu.memory_space<vmem>>, vector<16xf32>,
        %get3A_346 = arith.index_cast %add3A_289 : i32 to index
        %get3A_347 = arith.constant 112 : index
        %get3A_348 = tpu.vector_load %arg15[%get3A_346, %get3A_347] {strides = array<i32>} : memref<80x128xf32, #tpu.memory_space<vmem>>, vector<16xf32>,
        %mul3A_349 = vector.broadcast %squeeze3A_285 : f32 to vector<16xf32>
        %mul3A_350 = arith.mulf %get3A_348, %mul3A_349 : vector<16xf32>
        %swap3A_351 = arith.index_cast %add3A_289 : i32 to index
        %swap3A_352 = arith.constant 112 : index
        %swap3A_353 = tpu.vector_load %arg15[%swap3A_351, %swap3A_352] {strides = array<i32>} : memref<80x128xf32, #tpu.memory_space<vmem>>, vector<16xf32>,
        tpu.vector_store %arg15[%swap3A_351, %swap3A_352], %mul3A_350 {strides = array<i32>} : memref<80x128xf32, #tpu.memory_space<vmem>>, vector<16xf32>,
        %slice3A_354 = vector.extract_strided_slice %get3A_145 {offsets = [3], sizes = [1], strides = [1]} : vector<16xf32> to vector<1xf32>
        %squeeze3A_355 = vector.extract %slice3A_354[0] : f32 from vector<1xf32>
        %mul3A_356 = arith.constant 16 : i32
        %mul3A_357 = arith.muli %scan3A_141, %mul3A_356 : i32
        %add3A_358 = arith.constant 3 : i32
        %add3A_359 = arith.addi %mul3A_357, %add3A_358 : i32
        %get3A_360 = arith.index_cast %add3A_359 : i32 to index
        %get3A_361 = arith.constant 0 : index
        %get3A_362 = tpu.vector_load %arg15[%get3A_360, %get3A_361] {strides = array<i32>} : memref<80x128xf32, #tpu.memory_space<vmem>>, vector<16xf32>,
        %mul3A_363 = vector.broadcast %squeeze3A_355 : f32 to vector<16xf32>
        %mul3A_364 = arith.mulf %get3A_362, %mul3A_363 : vector<16xf32>
        %swap3A_365 = arith.index_cast %add3A_359 : i32 to index
        %swap3A_366 = arith.constant 0 : index
        %swap3A_367 = tpu.vector_load %arg15[%swap3A_365, %swap3A_366] {strides = array<i32>} : memref<80x128xf32, #tpu.memory_space<vmem>>, vector<16xf32>,
        tpu.vector_store %arg15[%swap3A_365, %swap3A_366], %mul3A_364 {strides = array<i32>} : memref<80x128xf32, #tpu.memory_space<vmem>>, vector<16xf32>,
        %get3A_368 = arith.index_cast %add3A_359 : i32 to index
        %get3A_369 = arith.constant 16 : index
        %get3A_370 = tpu.vector_load %arg15[%get3A_368, %get3A_369] {strides = array<i32>} : memref<80x128xf32, #tpu.memory_space<vmem>>, vector<16xf32>,
        %mul3A_371 = vector.broadcast %squeeze3A_355 : f32 to vector<16xf32>
        %mul3A_372 = arith.mulf %get3A_370, %mul3A_371 : vector<16xf32>
        %swap3A_373 = arith.index_cast %add3A_359 : i32 to index
        %swap3A_374 = arith.constant 16 : index
        %swap3A_375 = tpu.vector_load %arg15[%swap3A_373, %swap3A_374] {strides = array<i32>} : memref<80x128xf32, #tpu.memory_space<vmem>>, vector<16xf32>,
        tpu.vector_store %arg15[%swap3A_373, %swap3A_374], %mul3A_372 {strides = array<i32>} : memref<80x128xf32, #tpu.memory_space<vmem>>, vector<16xf32>,
        %get3A_376 = arith.index_cast %add3A_359 : i32 to index
        %get3A_377 = arith.constant 32 : index
        %get3A_378 = tpu.vector_load %arg15[%get3A_376, %get3A_377] {strides = array<i32>} : memref<80x128xf32, #tpu.memory_space<vmem>>, vector<16xf32>,
        %mul3A_379 = vector.broadcast %squeeze3A_355 : f32 to vector<16xf32>
        %mul3A_380 = arith.mulf %get3A_378, %mul3A_379 : vector<16xf32>
        %swap3A_381 = arith.index_cast %add3A_359 : i32 to index
        %swap3A_382 = arith.constant 32 : index
        %swap3A_383 = tpu.vector_load %arg15[%swap3A_381, %swap3A_382] {strides = array<i32>} : memref<80x128xf32, #tpu.memory_space<vmem>>, vector<16xf32>,
        tpu.vector_store %arg15[%swap3A_381, %swap3A_382], %mul3A_380 {strides = array<i32>} : memref<80x128xf32, #tpu.memory_space<vmem>>, vector<16xf32>,
        %get3A_384 = arith.index_cast %add3A_359 : i32 to index
        %get3A_385 = arith.constant 48 : index
        %get3A_386 = tpu.vector_load %arg15[%get3A_384, %get3A_385] {strides = array<i32>} : memref<80x128xf32, #tpu.memory_space<vmem>>, vector<16xf32>,
        %mul3A_387 = vector.broadcast %squeeze3A_355 : f32 to vector<16xf32>
        %mul3A_388 = arith.mulf %get3A_386, %mul3A_387 : vector<16xf32>
        %swap3A_389 = arith.index_cast %add3A_359 : i32 to index
        %swap3A_390 = arith.constant 48 : index
        %swap3A_391 = tpu.vector_load %arg15[%swap3A_389, %swap3A_390] {strides = array<i32>} : memref<80x128xf32, #tpu.memory_space<vmem>>, vector<16xf32>,
        tpu.vector_store %arg15[%swap3A_389, %swap3A_390], %mul3A_388 {strides = array<i32>} : memref<80x128xf32, #tpu.memory_space<vmem>>, vector<16xf32>,
        %get3A_392 = arith.index_cast %add3A_359 : i32 to index
        %get3A_393 = arith.constant 64 : index
        %get3A_394 = tpu.vector_load %arg15[%get3A_392, %get3A_393] {strides = array<i32>} : memref<80x128xf32, #tpu.memory_space<vmem>>, vector<16xf32>,
        %mul3A_395 = vector.broadcast %squeeze3A_355 : f32 to vector<16xf32>
        %mul3A_396 = arith.mulf %get3A_394, %mul3A_395 : vector<16xf32>
        %swap3A_397 = arith.index_cast %add3A_359 : i32 to index
        %swap3A_398 = arith.constant 64 : index
        %swap3A_399 = tpu.vector_load %arg15[%swap3A_397, %swap3A_398] {strides = array<i32>} : memref<80x128xf32, #tpu.memory_space<vmem>>, vector<16xf32>,
        tpu.vector_store %arg15[%swap3A_397, %swap3A_398], %mul3A_396 {strides = array<i32>} : memref<80x128xf32, #tpu.memory_space<vmem>>, vector<16xf32>,
        %get3A_400 = arith.index_cast %add3A_359 : i32 to index
        %get3A_401 = arith.constant 80 : index
        %get3A_402 = tpu.vector_load %arg15[%get3A_400, %get3A_401] {strides = array<i32>} : memref<80x128xf32, #tpu.memory_space<vmem>>, vector<16xf32>,
        %mul3A_403 = vector.broadcast %squeeze3A_355 : f32 to vector<16xf32>
        %mul3A_404 = arith.mulf %get3A_402, %mul3A_403 : vector<16xf32>
        %swap3A_405 = arith.index_cast %add3A_359 : i32 to index
        %swap3A_406 = arith.constant 80 : index
        %swap3A_407 = tpu.vector_load %arg15[%swap3A_405, %swap3A_406] {strides = array<i32>} : memref<80x128xf32, #tpu.memory_space<vmem>>, vector<16xf32>,
        tpu.vector_store %arg15[%swap3A_405, %swap3A_406], %mul3A_404 {strides = array<i32>} : memref<80x128xf32, #tpu.memory_space<vmem>>, vector<16xf32>,
        %get3A_408 = arith.index_cast %add3A_359 : i32 to index
        %get3A_409 = arith.constant 96 : index
        %get3A_410 = tpu.vector_load %arg15[%get3A_408, %get3A_409] {strides = array<i32>} : memref<80x128xf32, #tpu.memory_space<vmem>>, vector<16xf32>,
        %mul3A_411 = vector.broadcast %squeeze3A_355 : f32 to vector<16xf32>
        %mul3A_412 = arith.mulf %get3A_410, %mul3A_411 : vector<16xf32>
        %swap3A_413 = arith.index_cast %add3A_359 : i32 to index
        %swap3A_414 = arith.constant 96 : index
        %swap3A_415 = tpu.vector_load %arg15[%swap3A_413, %swap3A_414] {strides = array<i32>} : memref<80x128xf32, #tpu.memory_space<vmem>>, vector<16xf32>,
        tpu.vector_store %arg15[%swap3A_413, %swap3A_414], %mul3A_412 {strides = array<i32>} : memref<80x128xf32, #tpu.memory_space<vmem>>, vector<16xf32>,
        %get3A_416 = arith.index_cast %add3A_359 : i32 to index
        %get3A_417 = arith.constant 112 : index
        %get3A_418 = tpu.vector_load %arg15[%get3A_416, %get3A_417] {strides = array<i32>} : memref<80x128xf32, #tpu.memory_space<vmem>>, vector<16xf32>,
        %mul3A_419 = vector.broadcast %squeeze3A_355 : f32 to vector<16xf32>
        %mul3A_420 = arith.mulf %get3A_418, %mul3A_419 : vector<16xf32>
        %swap3A_421 = arith.index_cast %add3A_359 : i32 to index
        %swap3A_422 = arith.constant 112 : index
        %swap3A_423 = tpu.vector_load %arg15[%swap3A_421, %swap3A_422] {strides = array<i32>} : memref<80x128xf32, #tpu.memory_space<vmem>>, vector<16xf32>,
        tpu.vector_store %arg15[%swap3A_421, %swap3A_422], %mul3A_420 {strides = array<i32>} : memref<80x128xf32, #tpu.memory_space<vmem>>, vector<16xf32>,
        %slice3A_424 = vector.extract_strided_slice %get3A_145 {offsets = [4], sizes = [1], strides = [1]} : vector<16xf32> to vector<1xf32>
        %squeeze3A_425 = vector.extract %slice3A_424[0] : f32 from vector<1xf32>
        %mul3A_426 = arith.constant 16 : i32
        %mul3A_427 = arith.muli %scan3A_141, %mul3A_426 : i32
        %add3A_428 = arith.constant 4 : i32
        %add3A_429 = arith.addi %mul3A_427, %add3A_428 : i32
        %get3A_430 = arith.index_cast %add3A_429 : i32 to index
        %get3A_431 = arith.constant 0 : index
        %get3A_432 = tpu.vector_load %arg15[%get3A_430, %get3A_431] {strides = array<i32>} : memref<80x128xf32, #tpu.memory_space<vmem>>, vector<16xf32>,
        %mul3A_433 = vector.broadcast %squeeze3A_425 : f32 to vector<16xf32>
        %mul3A_434 = arith.mulf %get3A_432, %mul3A_433 : vector<16xf32>
        %swap3A_435 = arith.index_cast %add3A_429 : i32 to index
        %swap3A_436 = arith.constant 0 : index
        %swap3A_437 = tpu.vector_load %arg15[%swap3A_435, %swap3A_436] {strides = array<i32>} : memref<80x128xf32, #tpu.memory_space<vmem>>, vector<16xf32>,
        tpu.vector_store %arg15[%swap3A_435, %swap3A_436], %mul3A_434 {strides = array<i32>} : memref<80x128xf32, #tpu.memory_space<vmem>>, vector<16xf32>,
        %get3A_438 = arith.index_cast %add3A_429 : i32 to index
        %get3A_439 = arith.constant 16 : index
        %get3A_440 = tpu.vector_load %arg15[%get3A_438, %get3A_439] {strides = array<i32>} : memref<80x128xf32, #tpu.memory_space<vmem>>, vector<16xf32>,
        %mul3A_441 = vector.broadcast %squeeze3A_425 : f32 to vector<16xf32>
        %mul3A_442 = arith.mulf %get3A_440, %mul3A_441 : vector<16xf32>
        %swap3A_443 = arith.index_cast %add3A_429 : i32 to index
        %swap3A_444 = arith.constant 16 : index
        %swap3A_445 = tpu.vector_load %arg15[%swap3A_443, %swap3A_444] {strides = array<i32>} : memref<80x128xf32, #tpu.memory_space<vmem>>, vector<16xf32>,
        tpu.vector_store %arg15[%swap3A_443, %swap3A_444], %mul3A_442 {strides = array<i32>} : memref<80x128xf32, #tpu.memory_space<vmem>>, vector<16xf32>,
        %get3A_446 = arith.index_cast %add3A_429 : i32 to index
        %get3A_447 = arith.constant 32 : index
        %get3A_448 = tpu.vector_load %arg15[%get3A_446, %get3A_447] {strides = array<i32>} : memref<80x128xf32, #tpu.memory_space<vmem>>, vector<16xf32>,
        %mul3A_449 = vector.broadcast %squeeze3A_425 : f32 to vector<16xf32>
        %mul3A_450 = arith.mulf %get3A_448, %mul3A_449 : vector<16xf32>
        %swap3A_451 = arith.index_cast %add3A_429 : i32 to index
        %swap3A_452 = arith.constant 32 : index
        %swap3A_453 = tpu.vector_load %arg15[%swap3A_451, %swap3A_452] {strides = array<i32>} : memref<80x128xf32, #tpu.memory_space<vmem>>, vector<16xf32>,
        tpu.vector_store %arg15[%swap3A_451, %swap3A_452], %mul3A_450 {strides = array<i32>} : memref<80x128xf32, #tpu.memory_space<vmem>>, vector<16xf32>,
        %get3A_454 = arith.index_cast %add3A_429 : i32 to index
        %get3A_455 = arith.constant 48 : index
        %get3A_456 = tpu.vector_load %arg15[%get3A_454, %get3A_455] {strides = array<i32>} : memref<80x128xf32, #tpu.memory_space<vmem>>, vector<16xf32>,
        %mul3A_457 = vector.broadcast %squeeze3A_425 : f32 to vector<16xf32>
        %mul3A_458 = arith.mulf %get3A_456, %mul3A_457 : vector<16xf32>
        %swap3A_459 = arith.index_cast %add3A_429 : i32 to index
        %swap3A_460 = arith.constant 48 : index
        %swap3A_461 = tpu.vector_load %arg15[%swap3A_459, %swap3A_460] {strides = array<i32>} : memref<80x128xf32, #tpu.memory_space<vmem>>, vector<16xf32>,
        tpu.vector_store %arg15[%swap3A_459, %swap3A_460], %mul3A_458 {strides = array<i32>} : memref<80x128xf32, #tpu.memory_space<vmem>>, vector<16xf32>,
        %get3A_462 = arith.index_cast %add3A_429 : i32 to index
        %get3A_463 = arith.constant 64 : index
        %get3A_464 = tpu.vector_load %arg15[%get3A_462, %get3A_463] {strides = array<i32>} : memref<80x128xf32, #tpu.memory_space<vmem>>, vector<16xf32>,
        %mul3A_465 = vector.broadcast %squeeze3A_425 : f32 to vector<16xf32>
        %mul3A_466 = arith.mulf %get3A_464, %mul3A_465 : vector<16xf32>
        %swap3A_467 = arith.index_cast %add3A_429 : i32 to index
        %swap3A_468 = arith.constant 64 : index
        %swap3A_469 = tpu.vector_load %arg15[%swap3A_467, %swap3A_468] {strides = array<i32>} : memref<80x128xf32, #tpu.memory_space<vmem>>, vector<16xf32>,
        tpu.vector_store %arg15[%swap3A_467, %swap3A_468], %mul3A_466 {strides = array<i32>} : memref<80x128xf32, #tpu.memory_space<vmem>>, vector<16xf32>,
        %get3A_470 = arith.index_cast %add3A_429 : i32 to index
        %get3A_471 = arith.constant 80 : index
        %get3A_472 = tpu.vector_load %arg15[%get3A_470, %get3A_471] {strides = array<i32>} : memref<80x128xf32, #tpu.memory_space<vmem>>, vector<16xf32>,
        %mul3A_473 = vector.broadcast %squeeze3A_425 : f32 to vector<16xf32>
        %mul3A_474 = arith.mulf %get3A_472, %mul3A_473 : vector<16xf32>
        %swap3A_475 = arith.index_cast %add3A_429 : i32 to index
        %swap3A_476 = arith.constant 80 : index
        %swap3A_477 = tpu.vector_load %arg15[%swap3A_475, %swap3A_476] {strides = array<i32>} : memref<80x128xf32, #tpu.memory_space<vmem>>, vector<16xf32>,
        tpu.vector_store %arg15[%swap3A_475, %swap3A_476], %mul3A_474 {strides = array<i32>} : memref<80x128xf32, #tpu.memory_space<vmem>>, vector<16xf32>,
        %get3A_478 = arith.index_cast %add3A_429 : i32 to index
        %get3A_479 = arith.constant 96 : index
        %get3A_480 = tpu.vector_load %arg15[%get3A_478, %get3A_479] {strides = array<i32>} : memref<80x128xf32, #tpu.memory_space<vmem>>, vector<16xf32>,
        %mul3A_481 = vector.broadcast %squeeze3A_425 : f32 to vector<16xf32>
        %mul3A_482 = arith.mulf %get3A_480, %mul3A_481 : vector<16xf32>
        %swap3A_483 = arith.index_cast %add3A_429 : i32 to index
        %swap3A_484 = arith.constant 96 : index
        %swap3A_485 = tpu.vector_load %arg15[%swap3A_483, %swap3A_484] {strides = array<i32>} : memref<80x128xf32, #tpu.memory_space<vmem>>, vector<16xf32>,
        tpu.vector_store %arg15[%swap3A_483, %swap3A_484], %mul3A_482 {strides = array<i32>} : memref<80x128xf32, #tpu.memory_space<vmem>>, vector<16xf32>,
        %get3A_486 = arith.index_cast %add3A_429 : i32 to index
        %get3A_487 = arith.constant 112 : index
        %get3A_488 = tpu.vector_load %arg15[%get3A_486, %get3A_487] {strides = array<i32>} : memref<80x128xf32, #tpu.memory_space<vmem>>, vector<16xf32>,
        %mul3A_489 = vector.broadcast %squeeze3A_425 : f32 to vector<16xf32>
        %mul3A_490 = arith.mulf %get3A_488, %mul3A_489 : vector<16xf32>
        %swap3A_491 = arith.index_cast %add3A_429 : i32 to index
        %swap3A_492 = arith.constant 112 : index
        %swap3A_493 = tpu.vector_load %arg15[%swap3A_491, %swap3A_492] {strides = array<i32>} : memref<80x128xf32, #tpu.memory_space<vmem>>, vector<16xf32>,
        tpu.vector_store %arg15[%swap3A_491, %swap3A_492], %mul3A_490 {strides = array<i32>} : memref<80x128xf32, #tpu.memory_space<vmem>>, vector<16xf32>,
        %slice3A_494 = vector.extract_strided_slice %get3A_145 {offsets = [5], sizes = [1], strides = [1]} : vector<16xf32> to vector<1xf32>
        %squeeze3A_495 = vector.extract %slice3A_494[0] : f32 from vector<1xf32>
        %mul3A_496 = arith.constant 16 : i32
        %mul3A_497 = arith.muli %scan3A_141, %mul3A_496 : i32
        %add3A_498 = arith.constant 5 : i32
        %add3A_499 = arith.addi %mul3A_497, %add3A_498 : i32
        %get3A_500 = arith.index_cast %add3A_499 : i32 to index
        %get3A_501 = arith.constant 0 : index
        %get3A_502 = tpu.vector_load %arg15[%get3A_500, %get3A_501] {strides = array<i32>} : memref<80x128xf32, #tpu.memory_space<vmem>>, vector<16xf32>,
        %mul3A_503 = vector.broadcast %squeeze3A_495 : f32 to vector<16xf32>
        %mul3A_504 = arith.mulf %get3A_502, %mul3A_503 : vector<16xf32>
        %swap3A_505 = arith.index_cast %add3A_499 : i32 to index
        %swap3A_506 = arith.constant 0 : index
        %swap3A_507 = tpu.vector_load %arg15[%swap3A_505, %swap3A_506] {strides = array<i32>} : memref<80x128xf32, #tpu.memory_space<vmem>>, vector<16xf32>,
        tpu.vector_store %arg15[%swap3A_505, %swap3A_506], %mul3A_504 {strides = array<i32>} : memref<80x128xf32, #tpu.memory_space<vmem>>, vector<16xf32>,
        %get3A_508 = arith.index_cast %add3A_499 : i32 to index
        %get3A_509 = arith.constant 16 : index
        %get3A_510 = tpu.vector_load %arg15[%get3A_508, %get3A_509] {strides = array<i32>} : memref<80x128xf32, #tpu.memory_space<vmem>>, vector<16xf32>,
        %mul3A_511 = vector.broadcast %squeeze3A_495 : f32 to vector<16xf32>
        %mul3A_512 = arith.mulf %get3A_510, %mul3A_511 : vector<16xf32>
        %swap3A_513 = arith.index_cast %add3A_499 : i32 to index
        %swap3A_514 = arith.constant 16 : index
        %swap3A_515 = tpu.vector_load %arg15[%swap3A_513, %swap3A_514] {strides = array<i32>} : memref<80x128xf32, #tpu.memory_space<vmem>>, vector<16xf32>,
        tpu.vector_store %arg15[%swap3A_513, %swap3A_514], %mul3A_512 {strides = array<i32>} : memref<80x128xf32, #tpu.memory_space<vmem>>, vector<16xf32>,
        %get3A_516 = arith.index_cast %add3A_499 : i32 to index
        %get3A_517 = arith.constant 32 : index
        %get3A_518 = tpu.vector_load %arg15[%get3A_516, %get3A_517] {strides = array<i32>} : memref<80x128xf32, #tpu.memory_space<vmem>>, vector<16xf32>,
        %mul3A_519 = vector.broadcast %squeeze3A_495 : f32 to vector<16xf32>
        %mul3A_520 = arith.mulf %get3A_518, %mul3A_519 : vector<16xf32>
        %swap3A_521 = arith.index_cast %add3A_499 : i32 to index
        %swap3A_522 = arith.constant 32 : index
        %swap3A_523 = tpu.vector_load %arg15[%swap3A_521, %swap3A_522] {strides = array<i32>} : memref<80x128xf32, #tpu.memory_space<vmem>>, vector<16xf32>,
        tpu.vector_store %arg15[%swap3A_521, %swap3A_522], %mul3A_520 {strides = array<i32>} : memref<80x128xf32, #tpu.memory_space<vmem>>, vector<16xf32>,
        %get3A_524 = arith.index_cast %add3A_499 : i32 to index
        %get3A_525 = arith.constant 48 : index
        %get3A_526 = tpu.vector_load %arg15[%get3A_524, %get3A_525] {strides = array<i32>} : memref<80x128xf32, #tpu.memory_space<vmem>>, vector<16xf32>,
        %mul3A_527 = vector.broadcast %squeeze3A_495 : f32 to vector<16xf32>
        %mul3A_528 = arith.mulf %get3A_526, %mul3A_527 : vector<16xf32>
        %swap3A_529 = arith.index_cast %add3A_499 : i32 to index
        %swap3A_530 = arith.constant 48 : index
        %swap3A_531 = tpu.vector_load %arg15[%swap3A_529, %swap3A_530] {strides = array<i32>} : memref<80x128xf32, #tpu.memory_space<vmem>>, vector<16xf32>,
        tpu.vector_store %arg15[%swap3A_529, %swap3A_530], %mul3A_528 {strides = array<i32>} : memref<80x128xf32, #tpu.memory_space<vmem>>, vector<16xf32>,
        %get3A_532 = arith.index_cast %add3A_499 : i32 to index
        %get3A_533 = arith.constant 64 : index
        %get3A_534 = tpu.vector_load %arg15[%get3A_532, %get3A_533] {strides = array<i32>} : memref<80x128xf32, #tpu.memory_space<vmem>>, vector<16xf32>,
        %mul3A_535 = vector.broadcast %squeeze3A_495 : f32 to vector<16xf32>
        %mul3A_536 = arith.mulf %get3A_534, %mul3A_535 : vector<16xf32>
        %swap3A_537 = arith.index_cast %add3A_499 : i32 to index
        %swap3A_538 = arith.constant 64 : index
        %swap3A_539 = tpu.vector_load %arg15[%swap3A_537, %swap3A_538] {strides = array<i32>} : memref<80x128xf32, #tpu.memory_space<vmem>>, vector<16xf32>,
        tpu.vector_store %arg15[%swap3A_537, %swap3A_538], %mul3A_536 {strides = array<i32>} : memref<80x128xf32, #tpu.memory_space<vmem>>, vector<16xf32>,
        %get3A_540 = arith.index_cast %add3A_499 : i32 to index
        %get3A_541 = arith.constant 80 : index
        %get3A_542 = tpu.vector_load %arg15[%get3A_540, %get3A_541] {strides = array<i32>} : memref<80x128xf32, #tpu.memory_space<vmem>>, vector<16xf32>,
        %mul3A_543 = vector.broadcast %squeeze3A_495 : f32 to vector<16xf32>
        %mul3A_544 = arith.mulf %get3A_542, %mul3A_543 : vector<16xf32>
        %swap3A_545 = arith.index_cast %add3A_499 : i32 to index
        %swap3A_546 = arith.constant 80 : index
        %swap3A_547 = tpu.vector_load %arg15[%swap3A_545, %swap3A_546] {strides = array<i32>} : memref<80x128xf32, #tpu.memory_space<vmem>>, vector<16xf32>,
        tpu.vector_store %arg15[%swap3A_545, %swap3A_546], %mul3A_544 {strides = array<i32>} : memref<80x128xf32, #tpu.memory_space<vmem>>, vector<16xf32>,
        %get3A_548 = arith.index_cast %add3A_499 : i32 to index
        %get3A_549 = arith.constant 96 : index
        %get3A_550 = tpu.vector_load %arg15[%get3A_548, %get3A_549] {strides = array<i32>} : memref<80x128xf32, #tpu.memory_space<vmem>>, vector<16xf32>,
        %mul3A_551 = vector.broadcast %squeeze3A_495 : f32 to vector<16xf32>
        %mul3A_552 = arith.mulf %get3A_550, %mul3A_551 : vector<16xf32>
        %swap3A_553 = arith.index_cast %add3A_499 : i32 to index
        %swap3A_554 = arith.constant 96 : index
        %swap3A_555 = tpu.vector_load %arg15[%swap3A_553, %swap3A_554] {strides = array<i32>} : memref<80x128xf32, #tpu.memory_space<vmem>>, vector<16xf32>,
        tpu.vector_store %arg15[%swap3A_553, %swap3A_554], %mul3A_552 {strides = array<i32>} : memref<80x128xf32, #tpu.memory_space<vmem>>, vector<16xf32>,
        %get3A_556 = arith.index_cast %add3A_499 : i32 to index
        %get3A_557 = arith.constant 112 : index
        %get3A_558 = tpu.vector_load %arg15[%get3A_556, %get3A_557] {strides = array<i32>} : memref<80x128xf32, #tpu.memory_space<vmem>>, vector<16xf32>,
        %mul3A_559 = vector.broadcast %squeeze3A_495 : f32 to vector<16xf32>
        %mul3A_560 = arith.mulf %get3A_558, %mul3A_559 : vector<16xf32>
        %swap3A_561 = arith.index_cast %add3A_499 : i32 to index
        %swap3A_562 = arith.constant 112 : index
        %swap3A_563 = tpu.vector_load %arg15[%swap3A_561, %swap3A_562] {strides = array<i32>} : memref<80x128xf32, #tpu.memory_space<vmem>>, vector<16xf32>,
        tpu.vector_store %arg15[%swap3A_561, %swap3A_562], %mul3A_560 {strides = array<i32>} : memref<80x128xf32, #tpu.memory_space<vmem>>, vector<16xf32>,
        %slice3A_564 = vector.extract_strided_slice %get3A_145 {offsets = [6], sizes = [1], strides = [1]} : vector<16xf32> to vector<1xf32>
        %squeeze3A_565 = vector.extract %slice3A_564[0] : f32 from vector<1xf32>
        %mul3A_566 = arith.constant 16 : i32
        %mul3A_567 = arith.muli %scan3A_141, %mul3A_566 : i32
        %add3A_568 = arith.constant 6 : i32
        %add3A_569 = arith.addi %mul3A_567, %add3A_568 : i32
        %get3A_570 = arith.index_cast %add3A_569 : i32 to index
        %get3A_571 = arith.constant 0 : index
        %get3A_572 = tpu.vector_load %arg15[%get3A_570, %get3A_571] {strides = array<i32>} : memref<80x128xf32, #tpu.memory_space<vmem>>, vector<16xf32>,
        %mul3A_573 = vector.broadcast %squeeze3A_565 : f32 to vector<16xf32>
        %mul3A_574 = arith.mulf %get3A_572, %mul3A_573 : vector<16xf32>
        %swap3A_575 = arith.index_cast %add3A_569 : i32 to index
        %swap3A_576 = arith.constant 0 : index
        %swap3A_577 = tpu.vector_load %arg15[%swap3A_575, %swap3A_576] {strides = array<i32>} : memref<80x128xf32, #tpu.memory_space<vmem>>, vector<16xf32>,
        tpu.vector_store %arg15[%swap3A_575, %swap3A_576], %mul3A_574 {strides = array<i32>} : memref<80x128xf32, #tpu.memory_space<vmem>>, vector<16xf32>,
        %get3A_578 = arith.index_cast %add3A_569 : i32 to index
        %get3A_579 = arith.constant 16 : index
        %get3A_580 = tpu.vector_load %arg15[%get3A_578, %get3A_579] {strides = array<i32>} : memref<80x128xf32, #tpu.memory_space<vmem>>, vector<16xf32>,
        %mul3A_581 = vector.broadcast %squeeze3A_565 : f32 to vector<16xf32>
        %mul3A_582 = arith.mulf %get3A_580, %mul3A_581 : vector<16xf32>
        %swap3A_583 = arith.index_cast %add3A_569 : i32 to index
        %swap3A_584 = arith.constant 16 : index
        %swap3A_585 = tpu.vector_load %arg15[%swap3A_583, %swap3A_584] {strides = array<i32>} : memref<80x128xf32, #tpu.memory_space<vmem>>, vector<16xf32>,
        tpu.vector_store %arg15[%swap3A_583, %swap3A_584], %mul3A_582 {strides = array<i32>} : memref<80x128xf32, #tpu.memory_space<vmem>>, vector<16xf32>,
        %get3A_586 = arith.index_cast %add3A_569 : i32 to index
        %get3A_587 = arith.constant 32 : index
        %get3A_588 = tpu.vector_load %arg15[%get3A_586, %get3A_587] {strides = array<i32>} : memref<80x128xf32, #tpu.memory_space<vmem>>, vector<16xf32>,
        %mul3A_589 = vector.broadcast %squeeze3A_565 : f32 to vector<16xf32>
        %mul3A_590 = arith.mulf %get3A_588, %mul3A_589 : vector<16xf32>
        %swap3A_591 = arith.index_cast %add3A_569 : i32 to index
        %swap3A_592 = arith.constant 32 : index
        %swap3A_593 = tpu.vector_load %arg15[%swap3A_591, %swap3A_592] {strides = array<i32>} : memref<80x128xf32, #tpu.memory_space<vmem>>, vector<16xf32>,
        tpu.vector_store %arg15[%swap3A_591, %swap3A_592], %mul3A_590 {strides = array<i32>} : memref<80x128xf32, #tpu.memory_space<vmem>>, vector<16xf32>,
        %get3A_594 = arith.index_cast %add3A_569 : i32 to index
        %get3A_595 = arith.constant 48 : index
        %get3A_596 = tpu.vector_load %arg15[%get3A_594, %get3A_595] {strides = array<i32>} : memref<80x128xf32, #tpu.memory_space<vmem>>, vector<16xf32>,
        %mul3A_597 = vector.broadcast %squeeze3A_565 : f32 to vector<16xf32>
        %mul3A_598 = arith.mulf %get3A_596, %mul3A_597 : vector<16xf32>
        %swap3A_599 = arith.index_cast %add3A_569 : i32 to index
        %swap3A_600 = arith.constant 48 : index
        %swap3A_601 = tpu.vector_load %arg15[%swap3A_599, %swap3A_600] {strides = array<i32>} : memref<80x128xf32, #tpu.memory_space<vmem>>, vector<16xf32>,
        tpu.vector_store %arg15[%swap3A_599, %swap3A_600], %mul3A_598 {strides = array<i32>} : memref<80x128xf32, #tpu.memory_space<vmem>>, vector<16xf32>,
        %get3A_602 = arith.index_cast %add3A_569 : i32 to index
        %get3A_603 = arith.constant 64 : index
        %get3A_604 = tpu.vector_load %arg15[%get3A_602, %get3A_603] {strides = array<i32>} : memref<80x128xf32, #tpu.memory_space<vmem>>, vector<16xf32>,
        %mul3A_605 = vector.broadcast %squeeze3A_565 : f32 to vector<16xf32>
        %mul3A_606 = arith.mulf %get3A_604, %mul3A_605 : vector<16xf32>
        %swap3A_607 = arith.index_cast %add3A_569 : i32 to index
        %swap3A_608 = arith.constant 64 : index
        %swap3A_609 = tpu.vector_load %arg15[%swap3A_607, %swap3A_608] {strides = array<i32>} : memref<80x128xf32, #tpu.memory_space<vmem>>, vector<16xf32>,
        tpu.vector_store %arg15[%swap3A_607, %swap3A_608], %mul3A_606 {strides = array<i32>} : memref<80x128xf32, #tpu.memory_space<vmem>>, vector<16xf32>,
        %get3A_610 = arith.index_cast %add3A_569 : i32 to index
        %get3A_611 = arith.constant 80 : index
        %get3A_612 = tpu.vector_load %arg15[%get3A_610, %get3A_611] {strides = array<i32>} : memref<80x128xf32, #tpu.memory_space<vmem>>, vector<16xf32>,
        %mul3A_613 = vector.broadcast %squeeze3A_565 : f32 to vector<16xf32>
        %mul3A_614 = arith.mulf %get3A_612, %mul3A_613 : vector<16xf32>
        %swap3A_615 = arith.index_cast %add3A_569 : i32 to index
        %swap3A_616 = arith.constant 80 : index
        %swap3A_617 = tpu.vector_load %arg15[%swap3A_615, %swap3A_616] {strides = array<i32>} : memref<80x128xf32, #tpu.memory_space<vmem>>, vector<16xf32>,
        tpu.vector_store %arg15[%swap3A_615, %swap3A_616], %mul3A_614 {strides = array<i32>} : memref<80x128xf32, #tpu.memory_space<vmem>>, vector<16xf32>,
        %get3A_618 = arith.index_cast %add3A_569 : i32 to index
        %get3A_619 = arith.constant 96 : index
        %get3A_620 = tpu.vector_load %arg15[%get3A_618, %get3A_619] {strides = array<i32>} : memref<80x128xf32, #tpu.memory_space<vmem>>, vector<16xf32>,
        %mul3A_621 = vector.broadcast %squeeze3A_565 : f32 to vector<16xf32>
        %mul3A_622 = arith.mulf %get3A_620, %mul3A_621 : vector<16xf32>
        %swap3A_623 = arith.index_cast %add3A_569 : i32 to index
        %swap3A_624 = arith.constant 96 : index
        %swap3A_625 = tpu.vector_load %arg15[%swap3A_623, %swap3A_624] {strides = array<i32>} : memref<80x128xf32, #tpu.memory_space<vmem>>, vector<16xf32>,
        tpu.vector_store %arg15[%swap3A_623, %swap3A_624], %mul3A_622 {strides = array<i32>} : memref<80x128xf32, #tpu.memory_space<vmem>>, vector<16xf32>,
        %get3A_626 = arith.index_cast %add3A_569 : i32 to index
        %get3A_627 = arith.constant 112 : index
        %get3A_628 = tpu.vector_load %arg15[%get3A_626, %get3A_627] {strides = array<i32>} : memref<80x128xf32, #tpu.memory_space<vmem>>, vector<16xf32>,
        %mul3A_629 = vector.broadcast %squeeze3A_565 : f32 to vector<16xf32>
        %mul3A_630 = arith.mulf %get3A_628, %mul3A_629 : vector<16xf32>
        %swap3A_631 = arith.index_cast %add3A_569 : i32 to index
        %swap3A_632 = arith.constant 112 : index
        %swap3A_633 = tpu.vector_load %arg15[%swap3A_631, %swap3A_632] {strides = array<i32>} : memref<80x128xf32, #tpu.memory_space<vmem>>, vector<16xf32>,
        tpu.vector_store %arg15[%swap3A_631, %swap3A_632], %mul3A_630 {strides = array<i32>} : memref<80x128xf32, #tpu.memory_space<vmem>>, vector<16xf32>,
        %slice3A_634 = vector.extract_strided_slice %get3A_145 {offsets = [7], sizes = [1], strides = [1]} : vector<16xf32> to vector<1xf32>
        %squeeze3A_635 = vector.extract %slice3A_634[0] : f32 from vector<1xf32>
        %mul3A_636 = arith.constant 16 : i32
        %mul3A_637 = arith.muli %scan3A_141, %mul3A_636 : i32
        %add3A_638 = arith.constant 7 : i32
        %add3A_639 = arith.addi %mul3A_637, %add3A_638 : i32
        %get3A_640 = arith.index_cast %add3A_639 : i32 to index
        %get3A_641 = arith.constant 0 : index
        %get3A_642 = tpu.vector_load %arg15[%get3A_640, %get3A_641] {strides = array<i32>} : memref<80x128xf32, #tpu.memory_space<vmem>>, vector<16xf32>,
        %mul3A_643 = vector.broadcast %squeeze3A_635 : f32 to vector<16xf32>
        %mul3A_644 = arith.mulf %get3A_642, %mul3A_643 : vector<16xf32>
        %swap3A_645 = arith.index_cast %add3A_639 : i32 to index
        %swap3A_646 = arith.constant 0 : index
        %swap3A_647 = tpu.vector_load %arg15[%swap3A_645, %swap3A_646] {strides = array<i32>} : memref<80x128xf32, #tpu.memory_space<vmem>>, vector<16xf32>,
        tpu.vector_store %arg15[%swap3A_645, %swap3A_646], %mul3A_644 {strides = array<i32>} : memref<80x128xf32, #tpu.memory_space<vmem>>, vector<16xf32>,
        %get3A_648 = arith.index_cast %add3A_639 : i32 to index
        %get3A_649 = arith.constant 16 : index
        %get3A_650 = tpu.vector_load %arg15[%get3A_648, %get3A_649] {strides = array<i32>} : memref<80x128xf32, #tpu.memory_space<vmem>>, vector<16xf32>,
        %mul3A_651 = vector.broadcast %squeeze3A_635 : f32 to vector<16xf32>
        %mul3A_652 = arith.mulf %get3A_650, %mul3A_651 : vector<16xf32>
        %swap3A_653 = arith.index_cast %add3A_639 : i32 to index
        %swap3A_654 = arith.constant 16 : index
        %swap3A_655 = tpu.vector_load %arg15[%swap3A_653, %swap3A_654] {strides = array<i32>} : memref<80x128xf32, #tpu.memory_space<vmem>>, vector<16xf32>,
        tpu.vector_store %arg15[%swap3A_653, %swap3A_654], %mul3A_652 {strides = array<i32>} : memref<80x128xf32, #tpu.memory_space<vmem>>, vector<16xf32>,
        %get3A_656 = arith.index_cast %add3A_639 : i32 to index
        %get3A_657 = arith.constant 32 : index
        %get3A_658 = tpu.vector_load %arg15[%get3A_656, %get3A_657] {strides = array<i32>} : memref<80x128xf32, #tpu.memory_space<vmem>>, vector<16xf32>,
        %mul3A_659 = vector.broadcast %squeeze3A_635 : f32 to vector<16xf32>
        %mul3A_660 = arith.mulf %get3A_658, %mul3A_659 : vector<16xf32>
        %swap3A_661 = arith.index_cast %add3A_639 : i32 to index
        %swap3A_662 = arith.constant 32 : index
        %swap3A_663 = tpu.vector_load %arg15[%swap3A_661, %swap3A_662] {strides = array<i32>} : memref<80x128xf32, #tpu.memory_space<vmem>>, vector<16xf32>,
        tpu.vector_store %arg15[%swap3A_661, %swap3A_662], %mul3A_660 {strides = array<i32>} : memref<80x128xf32, #tpu.memory_space<vmem>>, vector<16xf32>,
        %get3A_664 = arith.index_cast %add3A_639 : i32 to index
        %get3A_665 = arith.constant 48 : index
        %get3A_666 = tpu.vector_load %arg15[%get3A_664, %get3A_665] {strides = array<i32>} : memref<80x128xf32, #tpu.memory_space<vmem>>, vector<16xf32>,
        %mul3A_667 = vector.broadcast %squeeze3A_635 : f32 to vector<16xf32>
        %mul3A_668 = arith.mulf %get3A_666, %mul3A_667 : vector<16xf32>
        %swap3A_669 = arith.index_cast %add3A_639 : i32 to index
        %swap3A_670 = arith.constant 48 : index
        %swap3A_671 = tpu.vector_load %arg15[%swap3A_669, %swap3A_670] {strides = array<i32>} : memref<80x128xf32, #tpu.memory_space<vmem>>, vector<16xf32>,
        tpu.vector_store %arg15[%swap3A_669, %swap3A_670], %mul3A_668 {strides = array<i32>} : memref<80x128xf32, #tpu.memory_space<vmem>>, vector<16xf32>,
        %get3A_672 = arith.index_cast %add3A_639 : i32 to index
        %get3A_673 = arith.constant 64 : index
        %get3A_674 = tpu.vector_load %arg15[%get3A_672, %get3A_673] {strides = array<i32>} : memref<80x128xf32, #tpu.memory_space<vmem>>, vector<16xf32>,
        %mul3A_675 = vector.broadcast %squeeze3A_635 : f32 to vector<16xf32>
        %mul3A_676 = arith.mulf %get3A_674, %mul3A_675 : vector<16xf32>
        %swap3A_677 = arith.index_cast %add3A_639 : i32 to index
        %swap3A_678 = arith.constant 64 : index
        %swap3A_679 = tpu.vector_load %arg15[%swap3A_677, %swap3A_678] {strides = array<i32>} : memref<80x128xf32, #tpu.memory_space<vmem>>, vector<16xf32>,
        tpu.vector_store %arg15[%swap3A_677, %swap3A_678], %mul3A_676 {strides = array<i32>} : memref<80x128xf32, #tpu.memory_space<vmem>>, vector<16xf32>,
        %get3A_680 = arith.index_cast %add3A_639 : i32 to index
        %get3A_681 = arith.constant 80 : index
        %get3A_682 = tpu.vector_load %arg15[%get3A_680, %get3A_681] {strides = array<i32>} : memref<80x128xf32, #tpu.memory_space<vmem>>, vector<16xf32>,
        %mul3A_683 = vector.broadcast %squeeze3A_635 : f32 to vector<16xf32>
        %mul3A_684 = arith.mulf %get3A_682, %mul3A_683 : vector<16xf32>
        %swap3A_685 = arith.index_cast %add3A_639 : i32 to index
        %swap3A_686 = arith.constant 80 : index
        %swap3A_687 = tpu.vector_load %arg15[%swap3A_685, %swap3A_686] {strides = array<i32>} : memref<80x128xf32, #tpu.memory_space<vmem>>, vector<16xf32>,
        tpu.vector_store %arg15[%swap3A_685, %swap3A_686], %mul3A_684 {strides = array<i32>} : memref<80x128xf32, #tpu.memory_space<vmem>>, vector<16xf32>,
        %get3A_688 = arith.index_cast %add3A_639 : i32 to index
        %get3A_689 = arith.constant 96 : index
        %get3A_690 = tpu.vector_load %arg15[%get3A_688, %get3A_689] {strides = array<i32>} : memref<80x128xf32, #tpu.memory_space<vmem>>, vector<16xf32>,
        %mul3A_691 = vector.broadcast %squeeze3A_635 : f32 to vector<16xf32>
        %mul3A_692 = arith.mulf %get3A_690, %mul3A_691 : vector<16xf32>
        %swap3A_693 = arith.index_cast %add3A_639 : i32 to index
        %swap3A_694 = arith.constant 96 : index
        %swap3A_695 = tpu.vector_load %arg15[%swap3A_693, %swap3A_694] {strides = array<i32>} : memref<80x128xf32, #tpu.memory_space<vmem>>, vector<16xf32>,
        tpu.vector_store %arg15[%swap3A_693, %swap3A_694], %mul3A_692 {strides = array<i32>} : memref<80x128xf32, #tpu.memory_space<vmem>>, vector<16xf32>,
        %get3A_696 = arith.index_cast %add3A_639 : i32 to index
        %get3A_697 = arith.constant 112 : index
        %get3A_698 = tpu.vector_load %arg15[%get3A_696, %get3A_697] {strides = array<i32>} : memref<80x128xf32, #tpu.memory_space<vmem>>, vector<16xf32>,
        %mul3A_699 = vector.broadcast %squeeze3A_635 : f32 to vector<16xf32>
        %mul3A_700 = arith.mulf %get3A_698, %mul3A_699 : vector<16xf32>
        %swap3A_701 = arith.index_cast %add3A_639 : i32 to index
        %swap3A_702 = arith.constant 112 : index
        %swap3A_703 = tpu.vector_load %arg15[%swap3A_701, %swap3A_702] {strides = array<i32>} : memref<80x128xf32, #tpu.memory_space<vmem>>, vector<16xf32>,
        tpu.vector_store %arg15[%swap3A_701, %swap3A_702], %mul3A_700 {strides = array<i32>} : memref<80x128xf32, #tpu.memory_space<vmem>>, vector<16xf32>,
        %slice3A_704 = vector.extract_strided_slice %get3A_145 {offsets = [8], sizes = [1], strides = [1]} : vector<16xf32> to vector<1xf32>
        %squeeze3A_705 = vector.extract %slice3A_704[0] : f32 from vector<1xf32>
        %mul3A_706 = arith.constant 16 : i32
        %mul3A_707 = arith.muli %scan3A_141, %mul3A_706 : i32
        %add3A_708 = arith.constant 8 : i32
        %add3A_709 = arith.addi %mul3A_707, %add3A_708 : i32
        %get3A_710 = arith.index_cast %add3A_709 : i32 to index
        %get3A_711 = arith.constant 0 : index
        %get3A_712 = tpu.vector_load %arg15[%get3A_710, %get3A_711] {strides = array<i32>} : memref<80x128xf32, #tpu.memory_space<vmem>>, vector<16xf32>,
        %mul3A_713 = vector.broadcast %squeeze3A_705 : f32 to vector<16xf32>
        %mul3A_714 = arith.mulf %get3A_712, %mul3A_713 : vector<16xf32>
        %swap3A_715 = arith.index_cast %add3A_709 : i32 to index
        %swap3A_716 = arith.constant 0 : index
        %swap3A_717 = tpu.vector_load %arg15[%swap3A_715, %swap3A_716] {strides = array<i32>} : memref<80x128xf32, #tpu.memory_space<vmem>>, vector<16xf32>,
        tpu.vector_store %arg15[%swap3A_715, %swap3A_716], %mul3A_714 {strides = array<i32>} : memref<80x128xf32, #tpu.memory_space<vmem>>, vector<16xf32>,
        %get3A_718 = arith.index_cast %add3A_709 : i32 to index
        %get3A_719 = arith.constant 16 : index
        %get3A_720 = tpu.vector_load %arg15[%get3A_718, %get3A_719] {strides = array<i32>} : memref<80x128xf32, #tpu.memory_space<vmem>>, vector<16xf32>,
        %mul3A_721 = vector.broadcast %squeeze3A_705 : f32 to vector<16xf32>
        %mul3A_722 = arith.mulf %get3A_720, %mul3A_721 : vector<16xf32>
        %swap3A_723 = arith.index_cast %add3A_709 : i32 to index
        %swap3A_724 = arith.constant 16 : index
        %swap3A_725 = tpu.vector_load %arg15[%swap3A_723, %swap3A_724] {strides = array<i32>} : memref<80x128xf32, #tpu.memory_space<vmem>>, vector<16xf32>,
        tpu.vector_store %arg15[%swap3A_723, %swap3A_724], %mul3A_722 {strides = array<i32>} : memref<80x128xf32, #tpu.memory_space<vmem>>, vector<16xf32>,
        %get3A_726 = arith.index_cast %add3A_709 : i32 to index
        %get3A_727 = arith.constant 32 : index
        %get3A_728 = tpu.vector_load %arg15[%get3A_726, %get3A_727] {strides = array<i32>} : memref<80x128xf32, #tpu.memory_space<vmem>>, vector<16xf32>,
        %mul3A_729 = vector.broadcast %squeeze3A_705 : f32 to vector<16xf32>
        %mul3A_730 = arith.mulf %get3A_728, %mul3A_729 : vector<16xf32>
        %swap3A_731 = arith.index_cast %add3A_709 : i32 to index
        %swap3A_732 = arith.constant 32 : index
        %swap3A_733 = tpu.vector_load %arg15[%swap3A_731, %swap3A_732] {strides = array<i32>} : memref<80x128xf32, #tpu.memory_space<vmem>>, vector<16xf32>,
        tpu.vector_store %arg15[%swap3A_731, %swap3A_732], %mul3A_730 {strides = array<i32>} : memref<80x128xf32, #tpu.memory_space<vmem>>, vector<16xf32>,
        %get3A_734 = arith.index_cast %add3A_709 : i32 to index
        %get3A_735 = arith.constant 48 : index
        %get3A_736 = tpu.vector_load %arg15[%get3A_734, %get3A_735] {strides = array<i32>} : memref<80x128xf32, #tpu.memory_space<vmem>>, vector<16xf32>,
        %mul3A_737 = vector.broadcast %squeeze3A_705 : f32 to vector<16xf32>
        %mul3A_738 = arith.mulf %get3A_736, %mul3A_737 : vector<16xf32>
        %swap3A_739 = arith.index_cast %add3A_709 : i32 to index
        %swap3A_740 = arith.constant 48 : index
        %swap3A_741 = tpu.vector_load %arg15[%swap3A_739, %swap3A_740] {strides = array<i32>} : memref<80x128xf32, #tpu.memory_space<vmem>>, vector<16xf32>,
        tpu.vector_store %arg15[%swap3A_739, %swap3A_740], %mul3A_738 {strides = array<i32>} : memref<80x128xf32, #tpu.memory_space<vmem>>, vector<16xf32>,
        %get3A_742 = arith.index_cast %add3A_709 : i32 to index
        %get3A_743 = arith.constant 64 : index
        %get3A_744 = tpu.vector_load %arg15[%get3A_742, %get3A_743] {strides = array<i32>} : memref<80x128xf32, #tpu.memory_space<vmem>>, vector<16xf32>,
        %mul3A_745 = vector.broadcast %squeeze3A_705 : f32 to vector<16xf32>
        %mul3A_746 = arith.mulf %get3A_744, %mul3A_745 : vector<16xf32>
        %swap3A_747 = arith.index_cast %add3A_709 : i32 to index
        %swap3A_748 = arith.constant 64 : index
        %swap3A_749 = tpu.vector_load %arg15[%swap3A_747, %swap3A_748] {strides = array<i32>} : memref<80x128xf32, #tpu.memory_space<vmem>>, vector<16xf32>,
        tpu.vector_store %arg15[%swap3A_747, %swap3A_748], %mul3A_746 {strides = array<i32>} : memref<80x128xf32, #tpu.memory_space<vmem>>, vector<16xf32>,
        %get3A_750 = arith.index_cast %add3A_709 : i32 to index
        %get3A_751 = arith.constant 80 : index
        %get3A_752 = tpu.vector_load %arg15[%get3A_750, %get3A_751] {strides = array<i32>} : memref<80x128xf32, #tpu.memory_space<vmem>>, vector<16xf32>,
        %mul3A_753 = vector.broadcast %squeeze3A_705 : f32 to vector<16xf32>
        %mul3A_754 = arith.mulf %get3A_752, %mul3A_753 : vector<16xf32>
        %swap3A_755 = arith.index_cast %add3A_709 : i32 to index
        %swap3A_756 = arith.constant 80 : index
        %swap3A_757 = tpu.vector_load %arg15[%swap3A_755, %swap3A_756] {strides = array<i32>} : memref<80x128xf32, #tpu.memory_space<vmem>>, vector<16xf32>,
        tpu.vector_store %arg15[%swap3A_755, %swap3A_756], %mul3A_754 {strides = array<i32>} : memref<80x128xf32, #tpu.memory_space<vmem>>, vector<16xf32>,
        %get3A_758 = arith.index_cast %add3A_709 : i32 to index
        %get3A_759 = arith.constant 96 : index
        %get3A_760 = tpu.vector_load %arg15[%get3A_758, %get3A_759] {strides = array<i32>} : memref<80x128xf32, #tpu.memory_space<vmem>>, vector<16xf32>,
        %mul3A_761 = vector.broadcast %squeeze3A_705 : f32 to vector<16xf32>
        %mul3A_762 = arith.mulf %get3A_760, %mul3A_761 : vector<16xf32>
        %swap3A_763 = arith.index_cast %add3A_709 : i32 to index
        %swap3A_764 = arith.constant 96 : index
        %swap3A_765 = tpu.vector_load %arg15[%swap3A_763, %swap3A_764] {strides = array<i32>} : memref<80x128xf32, #tpu.memory_space<vmem>>, vector<16xf32>,
        tpu.vector_store %arg15[%swap3A_763, %swap3A_764], %mul3A_762 {strides = array<i32>} : memref<80x128xf32, #tpu.memory_space<vmem>>, vector<16xf32>,
        %get3A_766 = arith.index_cast %add3A_709 : i32 to index
        %get3A_767 = arith.constant 112 : index
        %get3A_768 = tpu.vector_load %arg15[%get3A_766, %get3A_767] {strides = array<i32>} : memref<80x128xf32, #tpu.memory_space<vmem>>, vector<16xf32>,
        %mul3A_769 = vector.broadcast %squeeze3A_705 : f32 to vector<16xf32>
        %mul3A_770 = arith.mulf %get3A_768, %mul3A_769 : vector<16xf32>
        %swap3A_771 = arith.index_cast %add3A_709 : i32 to index
        %swap3A_772 = arith.constant 112 : index
        %swap3A_773 = tpu.vector_load %arg15[%swap3A_771, %swap3A_772] {strides = array<i32>} : memref<80x128xf32, #tpu.memory_space<vmem>>, vector<16xf32>,
        tpu.vector_store %arg15[%swap3A_771, %swap3A_772], %mul3A_770 {strides = array<i32>} : memref<80x128xf32, #tpu.memory_space<vmem>>, vector<16xf32>,
        %slice3A_774 = vector.extract_strided_slice %get3A_145 {offsets = [9], sizes = [1], strides = [1]} : vector<16xf32> to vector<1xf32>
        %squeeze3A_775 = vector.extract %slice3A_774[0] : f32 from vector<1xf32>
        %mul3A_776 = arith.constant 16 : i32
        %mul3A_777 = arith.muli %scan3A_141, %mul3A_776 : i32
        %add3A_778 = arith.constant 9 : i32
        %add3A_779 = arith.addi %mul3A_777, %add3A_778 : i32
        %get3A_780 = arith.index_cast %add3A_779 : i32 to index
        %get3A_781 = arith.constant 0 : index
        %get3A_782 = tpu.vector_load %arg15[%get3A_780, %get3A_781] {strides = array<i32>} : memref<80x128xf32, #tpu.memory_space<vmem>>, vector<16xf32>,
        %mul3A_783 = vector.broadcast %squeeze3A_775 : f32 to vector<16xf32>
        %mul3A_784 = arith.mulf %get3A_782, %mul3A_783 : vector<16xf32>
        %swap3A_785 = arith.index_cast %add3A_779 : i32 to index
        %swap3A_786 = arith.constant 0 : index
        %swap3A_787 = tpu.vector_load %arg15[%swap3A_785, %swap3A_786] {strides = array<i32>} : memref<80x128xf32, #tpu.memory_space<vmem>>, vector<16xf32>,
        tpu.vector_store %arg15[%swap3A_785, %swap3A_786], %mul3A_784 {strides = array<i32>} : memref<80x128xf32, #tpu.memory_space<vmem>>, vector<16xf32>,
        %get3A_788 = arith.index_cast %add3A_779 : i32 to index
        %get3A_789 = arith.constant 16 : index
        %get3A_790 = tpu.vector_load %arg15[%get3A_788, %get3A_789] {strides = array<i32>} : memref<80x128xf32, #tpu.memory_space<vmem>>, vector<16xf32>,
        %mul3A_791 = vector.broadcast %squeeze3A_775 : f32 to vector<16xf32>
        %mul3A_792 = arith.mulf %get3A_790, %mul3A_791 : vector<16xf32>
        %swap3A_793 = arith.index_cast %add3A_779 : i32 to index
        %swap3A_794 = arith.constant 16 : index
        %swap3A_795 = tpu.vector_load %arg15[%swap3A_793, %swap3A_794] {strides = array<i32>} : memref<80x128xf32, #tpu.memory_space<vmem>>, vector<16xf32>,
        tpu.vector_store %arg15[%swap3A_793, %swap3A_794], %mul3A_792 {strides = array<i32>} : memref<80x128xf32, #tpu.memory_space<vmem>>, vector<16xf32>,
        %get3A_796 = arith.index_cast %add3A_779 : i32 to index
        %get3A_797 = arith.constant 32 : index
        %get3A_798 = tpu.vector_load %arg15[%get3A_796, %get3A_797] {strides = array<i32>} : memref<80x128xf32, #tpu.memory_space<vmem>>, vector<16xf32>,
        %mul3A_799 = vector.broadcast %squeeze3A_775 : f32 to vector<16xf32>
        %mul3A_800 = arith.mulf %get3A_798, %mul3A_799 : vector<16xf32>
        %swap3A_801 = arith.index_cast %add3A_779 : i32 to index
        %swap3A_802 = arith.constant 32 : index
        %swap3A_803 = tpu.vector_load %arg15[%swap3A_801, %swap3A_802] {strides = array<i32>} : memref<80x128xf32, #tpu.memory_space<vmem>>, vector<16xf32>,
        tpu.vector_store %arg15[%swap3A_801, %swap3A_802], %mul3A_800 {strides = array<i32>} : memref<80x128xf32, #tpu.memory_space<vmem>>, vector<16xf32>,
        %get3A_804 = arith.index_cast %add3A_779 : i32 to index
        %get3A_805 = arith.constant 48 : index
        %get3A_806 = tpu.vector_load %arg15[%get3A_804, %get3A_805] {strides = array<i32>} : memref<80x128xf32, #tpu.memory_space<vmem>>, vector<16xf32>,
        %mul3A_807 = vector.broadcast %squeeze3A_775 : f32 to vector<16xf32>
        %mul3A_808 = arith.mulf %get3A_806, %mul3A_807 : vector<16xf32>
        %swap3A_809 = arith.index_cast %add3A_779 : i32 to index
        %swap3A_810 = arith.constant 48 : index
        %swap3A_811 = tpu.vector_load %arg15[%swap3A_809, %swap3A_810] {strides = array<i32>} : memref<80x128xf32, #tpu.memory_space<vmem>>, vector<16xf32>,
        tpu.vector_store %arg15[%swap3A_809, %swap3A_810], %mul3A_808 {strides = array<i32>} : memref<80x128xf32, #tpu.memory_space<vmem>>, vector<16xf32>,
        %get3A_812 = arith.index_cast %add3A_779 : i32 to index
        %get3A_813 = arith.constant 64 : index
        %get3A_814 = tpu.vector_load %arg15[%get3A_812, %get3A_813] {strides = array<i32>} : memref<80x128xf32, #tpu.memory_space<vmem>>, vector<16xf32>,
        %mul3A_815 = vector.broadcast %squeeze3A_775 : f32 to vector<16xf32>
        %mul3A_816 = arith.mulf %get3A_814, %mul3A_815 : vector<16xf32>
        %swap3A_817 = arith.index_cast %add3A_779 : i32 to index
        %swap3A_818 = arith.constant 64 : index
        %swap3A_819 = tpu.vector_load %arg15[%swap3A_817, %swap3A_818] {strides = array<i32>} : memref<80x128xf32, #tpu.memory_space<vmem>>, vector<16xf32>,
        tpu.vector_store %arg15[%swap3A_817, %swap3A_818], %mul3A_816 {strides = array<i32>} : memref<80x128xf32, #tpu.memory_space<vmem>>, vector<16xf32>,
        %get3A_820 = arith.index_cast %add3A_779 : i32 to index
        %get3A_821 = arith.constant 80 : index
        %get3A_822 = tpu.vector_load %arg15[%get3A_820, %get3A_821] {strides = array<i32>} : memref<80x128xf32, #tpu.memory_space<vmem>>, vector<16xf32>,
        %mul3A_823 = vector.broadcast %squeeze3A_775 : f32 to vector<16xf32>
        %mul3A_824 = arith.mulf %get3A_822, %mul3A_823 : vector<16xf32>
        %swap3A_825 = arith.index_cast %add3A_779 : i32 to index
        %swap3A_826 = arith.constant 80 : index
        %swap3A_827 = tpu.vector_load %arg15[%swap3A_825, %swap3A_826] {strides = array<i32>} : memref<80x128xf32, #tpu.memory_space<vmem>>, vector<16xf32>,
        tpu.vector_store %arg15[%swap3A_825, %swap3A_826], %mul3A_824 {strides = array<i32>} : memref<80x128xf32, #tpu.memory_space<vmem>>, vector<16xf32>,
        %get3A_828 = arith.index_cast %add3A_779 : i32 to index
        %get3A_829 = arith.constant 96 : index
        %get3A_830 = tpu.vector_load %arg15[%get3A_828, %get3A_829] {strides = array<i32>} : memref<80x128xf32, #tpu.memory_space<vmem>>, vector<16xf32>,
        %mul3A_831 = vector.broadcast %squeeze3A_775 : f32 to vector<16xf32>
        %mul3A_832 = arith.mulf %get3A_830, %mul3A_831 : vector<16xf32>
        %swap3A_833 = arith.index_cast %add3A_779 : i32 to index
        %swap3A_834 = arith.constant 96 : index
        %swap3A_835 = tpu.vector_load %arg15[%swap3A_833, %swap3A_834] {strides = array<i32>} : memref<80x128xf32, #tpu.memory_space<vmem>>, vector<16xf32>,
        tpu.vector_store %arg15[%swap3A_833, %swap3A_834], %mul3A_832 {strides = array<i32>} : memref<80x128xf32, #tpu.memory_space<vmem>>, vector<16xf32>,
        %get3A_836 = arith.index_cast %add3A_779 : i32 to index
        %get3A_837 = arith.constant 112 : index
        %get3A_838 = tpu.vector_load %arg15[%get3A_836, %get3A_837] {strides = array<i32>} : memref<80x128xf32, #tpu.memory_space<vmem>>, vector<16xf32>,
        %mul3A_839 = vector.broadcast %squeeze3A_775 : f32 to vector<16xf32>
        %mul3A_840 = arith.mulf %get3A_838, %mul3A_839 : vector<16xf32>
        %swap3A_841 = arith.index_cast %add3A_779 : i32 to index
        %swap3A_842 = arith.constant 112 : index
        %swap3A_843 = tpu.vector_load %arg15[%swap3A_841, %swap3A_842] {strides = array<i32>} : memref<80x128xf32, #tpu.memory_space<vmem>>, vector<16xf32>,
        tpu.vector_store %arg15[%swap3A_841, %swap3A_842], %mul3A_840 {strides = array<i32>} : memref<80x128xf32, #tpu.memory_space<vmem>>, vector<16xf32>,
        %slice3A_844 = vector.extract_strided_slice %get3A_145 {offsets = [10], sizes = [1], strides = [1]} : vector<16xf32> to vector<1xf32>
        %squeeze3A_845 = vector.extract %slice3A_844[0] : f32 from vector<1xf32>
        %mul3A_846 = arith.constant 16 : i32
        %mul3A_847 = arith.muli %scan3A_141, %mul3A_846 : i32
        %add3A_848 = arith.constant 10 : i32
        %add3A_849 = arith.addi %mul3A_847, %add3A_848 : i32
        %get3A_850 = arith.index_cast %add3A_849 : i32 to index
        %get3A_851 = arith.constant 0 : index
        %get3A_852 = tpu.vector_load %arg15[%get3A_850, %get3A_851] {strides = array<i32>} : memref<80x128xf32, #tpu.memory_space<vmem>>, vector<16xf32>,
        %mul3A_853 = vector.broadcast %squeeze3A_845 : f32 to vector<16xf32>
        %mul3A_854 = arith.mulf %get3A_852, %mul3A_853 : vector<16xf32>
        %swap3A_855 = arith.index_cast %add3A_849 : i32 to index
        %swap3A_856 = arith.constant 0 : index
        %swap3A_857 = tpu.vector_load %arg15[%swap3A_855, %swap3A_856] {strides = array<i32>} : memref<80x128xf32, #tpu.memory_space<vmem>>, vector<16xf32>,
        tpu.vector_store %arg15[%swap3A_855, %swap3A_856], %mul3A_854 {strides = array<i32>} : memref<80x128xf32, #tpu.memory_space<vmem>>, vector<16xf32>,
        %get3A_858 = arith.index_cast %add3A_849 : i32 to index
        %get3A_859 = arith.constant 16 : index
        %get3A_860 = tpu.vector_load %arg15[%get3A_858, %get3A_859] {strides = array<i32>} : memref<80x128xf32, #tpu.memory_space<vmem>>, vector<16xf32>,
        %mul3A_861 = vector.broadcast %squeeze3A_845 : f32 to vector<16xf32>
        %mul3A_862 = arith.mulf %get3A_860, %mul3A_861 : vector<16xf32>
        %swap3A_863 = arith.index_cast %add3A_849 : i32 to index
        %swap3A_864 = arith.constant 16 : index
        %swap3A_865 = tpu.vector_load %arg15[%swap3A_863, %swap3A_864] {strides = array<i32>} : memref<80x128xf32, #tpu.memory_space<vmem>>, vector<16xf32>,
        tpu.vector_store %arg15[%swap3A_863, %swap3A_864], %mul3A_862 {strides = array<i32>} : memref<80x128xf32, #tpu.memory_space<vmem>>, vector<16xf32>,
        %get3A_866 = arith.index_cast %add3A_849 : i32 to index
        %get3A_867 = arith.constant 32 : index
        %get3A_868 = tpu.vector_load %arg15[%get3A_866, %get3A_867] {strides = array<i32>} : memref<80x128xf32, #tpu.memory_space<vmem>>, vector<16xf32>,
        %mul3A_869 = vector.broadcast %squeeze3A_845 : f32 to vector<16xf32>
        %mul3A_870 = arith.mulf %get3A_868, %mul3A_869 : vector<16xf32>
        %swap3A_871 = arith.index_cast %add3A_849 : i32 to index
        %swap3A_872 = arith.constant 32 : index
        %swap3A_873 = tpu.vector_load %arg15[%swap3A_871, %swap3A_872] {strides = array<i32>} : memref<80x128xf32, #tpu.memory_space<vmem>>, vector<16xf32>,
        tpu.vector_store %arg15[%swap3A_871, %swap3A_872], %mul3A_870 {strides = array<i32>} : memref<80x128xf32, #tpu.memory_space<vmem>>, vector<16xf32>,
        %get3A_874 = arith.index_cast %add3A_849 : i32 to index
        %get3A_875 = arith.constant 48 : index
        %get3A_876 = tpu.vector_load %arg15[%get3A_874, %get3A_875] {strides = array<i32>} : memref<80x128xf32, #tpu.memory_space<vmem>>, vector<16xf32>,
        %mul3A_877 = vector.broadcast %squeeze3A_845 : f32 to vector<16xf32>
        %mul3A_878 = arith.mulf %get3A_876, %mul3A_877 : vector<16xf32>
        %swap3A_879 = arith.index_cast %add3A_849 : i32 to index
        %swap3A_880 = arith.constant 48 : index
        %swap3A_881 = tpu.vector_load %arg15[%swap3A_879, %swap3A_880] {strides = array<i32>} : memref<80x128xf32, #tpu.memory_space<vmem>>, vector<16xf32>,
        tpu.vector_store %arg15[%swap3A_879, %swap3A_880], %mul3A_878 {strides = array<i32>} : memref<80x128xf32, #tpu.memory_space<vmem>>, vector<16xf32>,
        %get3A_882 = arith.index_cast %add3A_849 : i32 to index
        %get3A_883 = arith.constant 64 : index
        %get3A_884 = tpu.vector_load %arg15[%get3A_882, %get3A_883] {strides = array<i32>} : memref<80x128xf32, #tpu.memory_space<vmem>>, vector<16xf32>,
        %mul3A_885 = vector.broadcast %squeeze3A_845 : f32 to vector<16xf32>
        %mul3A_886 = arith.mulf %get3A_884, %mul3A_885 : vector<16xf32>
        %swap3A_887 = arith.index_cast %add3A_849 : i32 to index
        %swap3A_888 = arith.constant 64 : index
        %swap3A_889 = tpu.vector_load %arg15[%swap3A_887, %swap3A_888] {strides = array<i32>} : memref<80x128xf32, #tpu.memory_space<vmem>>, vector<16xf32>,
        tpu.vector_store %arg15[%swap3A_887, %swap3A_888], %mul3A_886 {strides = array<i32>} : memref<80x128xf32, #tpu.memory_space<vmem>>, vector<16xf32>,
        %get3A_890 = arith.index_cast %add3A_849 : i32 to index
        %get3A_891 = arith.constant 80 : index
        %get3A_892 = tpu.vector_load %arg15[%get3A_890, %get3A_891] {strides = array<i32>} : memref<80x128xf32, #tpu.memory_space<vmem>>, vector<16xf32>,
        %mul3A_893 = vector.broadcast %squeeze3A_845 : f32 to vector<16xf32>
        %mul3A_894 = arith.mulf %get3A_892, %mul3A_893 : vector<16xf32>
        %swap3A_895 = arith.index_cast %add3A_849 : i32 to index
        %swap3A_896 = arith.constant 80 : index
        %swap3A_897 = tpu.vector_load %arg15[%swap3A_895, %swap3A_896] {strides = array<i32>} : memref<80x128xf32, #tpu.memory_space<vmem>>, vector<16xf32>,
        tpu.vector_store %arg15[%swap3A_895, %swap3A_896], %mul3A_894 {strides = array<i32>} : memref<80x128xf32, #tpu.memory_space<vmem>>, vector<16xf32>,
        %get3A_898 = arith.index_cast %add3A_849 : i32 to index
        %get3A_899 = arith.constant 96 : index
        %get3A_900 = tpu.vector_load %arg15[%get3A_898, %get3A_899] {strides = array<i32>} : memref<80x128xf32, #tpu.memory_space<vmem>>, vector<16xf32>,
        %mul3A_901 = vector.broadcast %squeeze3A_845 : f32 to vector<16xf32>
        %mul3A_902 = arith.mulf %get3A_900, %mul3A_901 : vector<16xf32>
        %swap3A_903 = arith.index_cast %add3A_849 : i32 to index
        %swap3A_904 = arith.constant 96 : index
        %swap3A_905 = tpu.vector_load %arg15[%swap3A_903, %swap3A_904] {strides = array<i32>} : memref<80x128xf32, #tpu.memory_space<vmem>>, vector<16xf32>,
        tpu.vector_store %arg15[%swap3A_903, %swap3A_904], %mul3A_902 {strides = array<i32>} : memref<80x128xf32, #tpu.memory_space<vmem>>, vector<16xf32>,
        %get3A_906 = arith.index_cast %add3A_849 : i32 to index
        %get3A_907 = arith.constant 112 : index
        %get3A_908 = tpu.vector_load %arg15[%get3A_906, %get3A_907] {strides = array<i32>} : memref<80x128xf32, #tpu.memory_space<vmem>>, vector<16xf32>,
        %mul3A_909 = vector.broadcast %squeeze3A_845 : f32 to vector<16xf32>
        %mul3A_910 = arith.mulf %get3A_908, %mul3A_909 : vector<16xf32>
        %swap3A_911 = arith.index_cast %add3A_849 : i32 to index
        %swap3A_912 = arith.constant 112 : index
        %swap3A_913 = tpu.vector_load %arg15[%swap3A_911, %swap3A_912] {strides = array<i32>} : memref<80x128xf32, #tpu.memory_space<vmem>>, vector<16xf32>,
        tpu.vector_store %arg15[%swap3A_911, %swap3A_912], %mul3A_910 {strides = array<i32>} : memref<80x128xf32, #tpu.memory_space<vmem>>, vector<16xf32>,
        %slice3A_914 = vector.extract_strided_slice %get3A_145 {offsets = [11], sizes = [1], strides = [1]} : vector<16xf32> to vector<1xf32>
        %squeeze3A_915 = vector.extract %slice3A_914[0] : f32 from vector<1xf32>
        %mul3A_916 = arith.constant 16 : i32
        %mul3A_917 = arith.muli %scan3A_141, %mul3A_916 : i32
        %add3A_918 = arith.constant 11 : i32
        %add3A_919 = arith.addi %mul3A_917, %add3A_918 : i32
        %get3A_920 = arith.index_cast %add3A_919 : i32 to index
        %get3A_921 = arith.constant 0 : index
        %get3A_922 = tpu.vector_load %arg15[%get3A_920, %get3A_921] {strides = array<i32>} : memref<80x128xf32, #tpu.memory_space<vmem>>, vector<16xf32>,
        %mul3A_923 = vector.broadcast %squeeze3A_915 : f32 to vector<16xf32>
        %mul3A_924 = arith.mulf %get3A_922, %mul3A_923 : vector<16xf32>
        %swap3A_925 = arith.index_cast %add3A_919 : i32 to index
        %swap3A_926 = arith.constant 0 : index
        %swap3A_927 = tpu.vector_load %arg15[%swap3A_925, %swap3A_926] {strides = array<i32>} : memref<80x128xf32, #tpu.memory_space<vmem>>, vector<16xf32>,
        tpu.vector_store %arg15[%swap3A_925, %swap3A_926], %mul3A_924 {strides = array<i32>} : memref<80x128xf32, #tpu.memory_space<vmem>>, vector<16xf32>,
        %get3A_928 = arith.index_cast %add3A_919 : i32 to index
        %get3A_929 = arith.constant 16 : index
        %get3A_930 = tpu.vector_load %arg15[%get3A_928, %get3A_929] {strides = array<i32>} : memref<80x128xf32, #tpu.memory_space<vmem>>, vector<16xf32>,
        %mul3A_931 = vector.broadcast %squeeze3A_915 : f32 to vector<16xf32>
        %mul3A_932 = arith.mulf %get3A_930, %mul3A_931 : vector<16xf32>
        %swap3A_933 = arith.index_cast %add3A_919 : i32 to index
        %swap3A_934 = arith.constant 16 : index
        %swap3A_935 = tpu.vector_load %arg15[%swap3A_933, %swap3A_934] {strides = array<i32>} : memref<80x128xf32, #tpu.memory_space<vmem>>, vector<16xf32>,
        tpu.vector_store %arg15[%swap3A_933, %swap3A_934], %mul3A_932 {strides = array<i32>} : memref<80x128xf32, #tpu.memory_space<vmem>>, vector<16xf32>,
        %get3A_936 = arith.index_cast %add3A_919 : i32 to index
        %get3A_937 = arith.constant 32 : index
        %get3A_938 = tpu.vector_load %arg15[%get3A_936, %get3A_937] {strides = array<i32>} : memref<80x128xf32, #tpu.memory_space<vmem>>, vector<16xf32>,
        %mul3A_939 = vector.broadcast %squeeze3A_915 : f32 to vector<16xf32>
        %mul3A_940 = arith.mulf %get3A_938, %mul3A_939 : vector<16xf32>
        %swap3A_941 = arith.index_cast %add3A_919 : i32 to index
        %swap3A_942 = arith.constant 32 : index
        %swap3A_943 = tpu.vector_load %arg15[%swap3A_941, %swap3A_942] {strides = array<i32>} : memref<80x128xf32, #tpu.memory_space<vmem>>, vector<16xf32>,
        tpu.vector_store %arg15[%swap3A_941, %swap3A_942], %mul3A_940 {strides = array<i32>} : memref<80x128xf32, #tpu.memory_space<vmem>>, vector<16xf32>,
        %get3A_944 = arith.index_cast %add3A_919 : i32 to index
        %get3A_945 = arith.constant 48 : index
        %get3A_946 = tpu.vector_load %arg15[%get3A_944, %get3A_945] {strides = array<i32>} : memref<80x128xf32, #tpu.memory_space<vmem>>, vector<16xf32>,
        %mul3A_947 = vector.broadcast %squeeze3A_915 : f32 to vector<16xf32>
        %mul3A_948 = arith.mulf %get3A_946, %mul3A_947 : vector<16xf32>
        %swap3A_949 = arith.index_cast %add3A_919 : i32 to index
        %swap3A_950 = arith.constant 48 : index
        %swap3A_951 = tpu.vector_load %arg15[%swap3A_949, %swap3A_950] {strides = array<i32>} : memref<80x128xf32, #tpu.memory_space<vmem>>, vector<16xf32>,
        tpu.vector_store %arg15[%swap3A_949, %swap3A_950], %mul3A_948 {strides = array<i32>} : memref<80x128xf32, #tpu.memory_space<vmem>>, vector<16xf32>,
        %get3A_952 = arith.index_cast %add3A_919 : i32 to index
        %get3A_953 = arith.constant 64 : index
        %get3A_954 = tpu.vector_load %arg15[%get3A_952, %get3A_953] {strides = array<i32>} : memref<80x128xf32, #tpu.memory_space<vmem>>, vector<16xf32>,
        %mul3A_955 = vector.broadcast %squeeze3A_915 : f32 to vector<16xf32>
        %mul3A_956 = arith.mulf %get3A_954, %mul3A_955 : vector<16xf32>
        %swap3A_957 = arith.index_cast %add3A_919 : i32 to index
        %swap3A_958 = arith.constant 64 : index
        %swap3A_959 = tpu.vector_load %arg15[%swap3A_957, %swap3A_958] {strides = array<i32>} : memref<80x128xf32, #tpu.memory_space<vmem>>, vector<16xf32>,
        tpu.vector_store %arg15[%swap3A_957, %swap3A_958], %mul3A_956 {strides = array<i32>} : memref<80x128xf32, #tpu.memory_space<vmem>>, vector<16xf32>,
        %get3A_960 = arith.index_cast %add3A_919 : i32 to index
        %get3A_961 = arith.constant 80 : index
        %get3A_962 = tpu.vector_load %arg15[%get3A_960, %get3A_961] {strides = array<i32>} : memref<80x128xf32, #tpu.memory_space<vmem>>, vector<16xf32>,
        %mul3A_963 = vector.broadcast %squeeze3A_915 : f32 to vector<16xf32>
        %mul3A_964 = arith.mulf %get3A_962, %mul3A_963 : vector<16xf32>
        %swap3A_965 = arith.index_cast %add3A_919 : i32 to index
        %swap3A_966 = arith.constant 80 : index
        %swap3A_967 = tpu.vector_load %arg15[%swap3A_965, %swap3A_966] {strides = array<i32>} : memref<80x128xf32, #tpu.memory_space<vmem>>, vector<16xf32>,
        tpu.vector_store %arg15[%swap3A_965, %swap3A_966], %mul3A_964 {strides = array<i32>} : memref<80x128xf32, #tpu.memory_space<vmem>>, vector<16xf32>,
        %get3A_968 = arith.index_cast %add3A_919 : i32 to index
        %get3A_969 = arith.constant 96 : index
        %get3A_970 = tpu.vector_load %arg15[%get3A_968, %get3A_969] {strides = array<i32>} : memref<80x128xf32, #tpu.memory_space<vmem>>, vector<16xf32>,
        %mul3A_971 = vector.broadcast %squeeze3A_915 : f32 to vector<16xf32>
        %mul3A_972 = arith.mulf %get3A_970, %mul3A_971 : vector<16xf32>
        %swap3A_973 = arith.index_cast %add3A_919 : i32 to index
        %swap3A_974 = arith.constant 96 : index
        %swap3A_975 = tpu.vector_load %arg15[%swap3A_973, %swap3A_974] {strides = array<i32>} : memref<80x128xf32, #tpu.memory_space<vmem>>, vector<16xf32>,
        tpu.vector_store %arg15[%swap3A_973, %swap3A_974], %mul3A_972 {strides = array<i32>} : memref<80x128xf32, #tpu.memory_space<vmem>>, vector<16xf32>,
        %get3A_976 = arith.index_cast %add3A_919 : i32 to index
        %get3A_977 = arith.constant 112 : index
        %get3A_978 = tpu.vector_load %arg15[%get3A_976, %get3A_977] {strides = array<i32>} : memref<80x128xf32, #tpu.memory_space<vmem>>, vector<16xf32>,
        %mul3A_979 = vector.broadcast %squeeze3A_915 : f32 to vector<16xf32>
        %mul3A_980 = arith.mulf %get3A_978, %mul3A_979 : vector<16xf32>
        %swap3A_981 = arith.index_cast %add3A_919 : i32 to index
        %swap3A_982 = arith.constant 112 : index
        %swap3A_983 = tpu.vector_load %arg15[%swap3A_981, %swap3A_982] {strides = array<i32>} : memref<80x128xf32, #tpu.memory_space<vmem>>, vector<16xf32>,
        tpu.vector_store %arg15[%swap3A_981, %swap3A_982], %mul3A_980 {strides = array<i32>} : memref<80x128xf32, #tpu.memory_space<vmem>>, vector<16xf32>,
        %slice3A_984 = vector.extract_strided_slice %get3A_145 {offsets = [12], sizes = [1], strides = [1]} : vector<16xf32> to vector<1xf32>
        %squeeze3A_985 = vector.extract %slice3A_984[0] : f32 from vector<1xf32>
        %mul3A_986 = arith.constant 16 : i32
        %mul3A_987 = arith.muli %scan3A_141, %mul3A_986 : i32
        %add3A_988 = arith.constant 12 : i32
        %add3A_989 = arith.addi %mul3A_987, %add3A_988 : i32
        %get3A_990 = arith.index_cast %add3A_989 : i32 to index
        %get3A_991 = arith.constant 0 : index
        %get3A_992 = tpu.vector_load %arg15[%get3A_990, %get3A_991] {strides = array<i32>} : memref<80x128xf32, #tpu.memory_space<vmem>>, vector<16xf32>,
        %mul3A_993 = vector.broadcast %squeeze3A_985 : f32 to vector<16xf32>
        %mul3A_994 = arith.mulf %get3A_992, %mul3A_993 : vector<16xf32>
        %swap3A_995 = arith.index_cast %add3A_989 : i32 to index
        %swap3A_996 = arith.constant 0 : index
        %swap3A_997 = tpu.vector_load %arg15[%swap3A_995, %swap3A_996] {strides = array<i32>} : memref<80x128xf32, #tpu.memory_space<vmem>>, vector<16xf32>,
        tpu.vector_store %arg15[%swap3A_995, %swap3A_996], %mul3A_994 {strides = array<i32>} : memref<80x128xf32, #tpu.memory_space<vmem>>, vector<16xf32>,
        %get3A_998 = arith.index_cast %add3A_989 : i32 to index
        %get3A_999 = arith.constant 16 : index
        %get3A_1000 = tpu.vector_load %arg15[%get3A_998, %get3A_999] {strides = array<i32>} : memref<80x128xf32, #tpu.memory_space<vmem>>, vector<16xf32>,
        %mul3A_1001 = vector.broadcast %squeeze3A_985 : f32 to vector<16xf32>
        %mul3A_1002 = arith.mulf %get3A_1000, %mul3A_1001 : vector<16xf32>
        %swap3A_1003 = arith.index_cast %add3A_989 : i32 to index
        %swap3A_1004 = arith.constant 16 : index
        %swap3A_1005 = tpu.vector_load %arg15[%swap3A_1003, %swap3A_1004] {strides = array<i32>} : memref<80x128xf32, #tpu.memory_space<vmem>>, vector<16xf32>,
        tpu.vector_store %arg15[%swap3A_1003, %swap3A_1004], %mul3A_1002 {strides = array<i32>} : memref<80x128xf32, #tpu.memory_space<vmem>>, vector<16xf32>,
        %get3A_1006 = arith.index_cast %add3A_989 : i32 to index
        %get3A_1007 = arith.constant 32 : index
        %get3A_1008 = tpu.vector_load %arg15[%get3A_1006, %get3A_1007] {strides = array<i32>} : memref<80x128xf32, #tpu.memory_space<vmem>>, vector<16xf32>,
        %mul3A_1009 = vector.broadcast %squeeze3A_985 : f32 to vector<16xf32>
        %mul3A_1010 = arith.mulf %get3A_1008, %mul3A_1009 : vector<16xf32>
        %swap3A_1011 = arith.index_cast %add3A_989 : i32 to index
        %swap3A_1012 = arith.constant 32 : index
        %swap3A_1013 = tpu.vector_load %arg15[%swap3A_1011, %swap3A_1012] {strides = array<i32>} : memref<80x128xf32, #tpu.memory_space<vmem>>, vector<16xf32>,
        tpu.vector_store %arg15[%swap3A_1011, %swap3A_1012], %mul3A_1010 {strides = array<i32>} : memref<80x128xf32, #tpu.memory_space<vmem>>, vector<16xf32>,
        %get3A_1014 = arith.index_cast %add3A_989 : i32 to index
        %get3A_1015 = arith.constant 48 : index
        %get3A_1016 = tpu.vector_load %arg15[%get3A_1014, %get3A_1015] {strides = array<i32>} : memref<80x128xf32, #tpu.memory_space<vmem>>, vector<16xf32>,
        %mul3A_1017 = vector.broadcast %squeeze3A_985 : f32 to vector<16xf32>
        %mul3A_1018 = arith.mulf %get3A_1016, %mul3A_1017 : vector<16xf32>
        %swap3A_1019 = arith.index_cast %add3A_989 : i32 to index
        %swap3A_1020 = arith.constant 48 : index
        %swap3A_1021 = tpu.vector_load %arg15[%swap3A_1019, %swap3A_1020] {strides = array<i32>} : memref<80x128xf32, #tpu.memory_space<vmem>>, vector<16xf32>,
        tpu.vector_store %arg15[%swap3A_1019, %swap3A_1020], %mul3A_1018 {strides = array<i32>} : memref<80x128xf32, #tpu.memory_space<vmem>>, vector<16xf32>,
        %get3A_1022 = arith.index_cast %add3A_989 : i32 to index
        %get3A_1023 = arith.constant 64 : index
        %get3A_1024 = tpu.vector_load %arg15[%get3A_1022, %get3A_1023] {strides = array<i32>} : memref<80x128xf32, #tpu.memory_space<vmem>>, vector<16xf32>,
        %mul3A_1025 = vector.broadcast %squeeze3A_985 : f32 to vector<16xf32>
        %mul3A_1026 = arith.mulf %get3A_1024, %mul3A_1025 : vector<16xf32>
        %swap3A_1027 = arith.index_cast %add3A_989 : i32 to index
        %swap3A_1028 = arith.constant 64 : index
        %swap3A_1029 = tpu.vector_load %arg15[%swap3A_1027, %swap3A_1028] {strides = array<i32>} : memref<80x128xf32, #tpu.memory_space<vmem>>, vector<16xf32>,
        tpu.vector_store %arg15[%swap3A_1027, %swap3A_1028], %mul3A_1026 {strides = array<i32>} : memref<80x128xf32, #tpu.memory_space<vmem>>, vector<16xf32>,
        %get3A_1030 = arith.index_cast %add3A_989 : i32 to index
        %get3A_1031 = arith.constant 80 : index
        %get3A_1032 = tpu.vector_load %arg15[%get3A_1030, %get3A_1031] {strides = array<i32>} : memref<80x128xf32, #tpu.memory_space<vmem>>, vector<16xf32>,
        %mul3A_1033 = vector.broadcast %squeeze3A_985 : f32 to vector<16xf32>
        %mul3A_1034 = arith.mulf %get3A_1032, %mul3A_1033 : vector<16xf32>
        %swap3A_1035 = arith.index_cast %add3A_989 : i32 to index
        %swap3A_1036 = arith.constant 80 : index
        %swap3A_1037 = tpu.vector_load %arg15[%swap3A_1035, %swap3A_1036] {strides = array<i32>} : memref<80x128xf32, #tpu.memory_space<vmem>>, vector<16xf32>,
        tpu.vector_store %arg15[%swap3A_1035, %swap3A_1036], %mul3A_1034 {strides = array<i32>} : memref<80x128xf32, #tpu.memory_space<vmem>>, vector<16xf32>,
        %get3A_1038 = arith.index_cast %add3A_989 : i32 to index
        %get3A_1039 = arith.constant 96 : index
        %get3A_1040 = tpu.vector_load %arg15[%get3A_1038, %get3A_1039] {strides = array<i32>} : memref<80x128xf32, #tpu.memory_space<vmem>>, vector<16xf32>,
        %mul3A_1041 = vector.broadcast %squeeze3A_985 : f32 to vector<16xf32>
        %mul3A_1042 = arith.mulf %get3A_1040, %mul3A_1041 : vector<16xf32>
        %swap3A_1043 = arith.index_cast %add3A_989 : i32 to index
        %swap3A_1044 = arith.constant 96 : index
        %swap3A_1045 = tpu.vector_load %arg15[%swap3A_1043, %swap3A_1044] {strides = array<i32>} : memref<80x128xf32, #tpu.memory_space<vmem>>, vector<16xf32>,
        tpu.vector_store %arg15[%swap3A_1043, %swap3A_1044], %mul3A_1042 {strides = array<i32>} : memref<80x128xf32, #tpu.memory_space<vmem>>, vector<16xf32>,
        %get3A_1046 = arith.index_cast %add3A_989 : i32 to index
        %get3A_1047 = arith.constant 112 : index
        %get3A_1048 = tpu.vector_load %arg15[%get3A_1046, %get3A_1047] {strides = array<i32>} : memref<80x128xf32, #tpu.memory_space<vmem>>, vector<16xf32>,
        %mul3A_1049 = vector.broadcast %squeeze3A_985 : f32 to vector<16xf32>
        %mul3A_1050 = arith.mulf %get3A_1048, %mul3A_1049 : vector<16xf32>
        %swap3A_1051 = arith.index_cast %add3A_989 : i32 to index
        %swap3A_1052 = arith.constant 112 : index
        %swap3A_1053 = tpu.vector_load %arg15[%swap3A_1051, %swap3A_1052] {strides = array<i32>} : memref<80x128xf32, #tpu.memory_space<vmem>>, vector<16xf32>,
        tpu.vector_store %arg15[%swap3A_1051, %swap3A_1052], %mul3A_1050 {strides = array<i32>} : memref<80x128xf32, #tpu.memory_space<vmem>>, vector<16xf32>,
        %slice3A_1054 = vector.extract_strided_slice %get3A_145 {offsets = [13], sizes = [1], strides = [1]} : vector<16xf32> to vector<1xf32>
        %squeeze3A_1055 = vector.extract %slice3A_1054[0] : f32 from vector<1xf32>
        %mul3A_1056 = arith.constant 16 : i32
        %mul3A_1057 = arith.muli %scan3A_141, %mul3A_1056 : i32
        %add3A_1058 = arith.constant 13 : i32
        %add3A_1059 = arith.addi %mul3A_1057, %add3A_1058 : i32
        %get3A_1060 = arith.index_cast %add3A_1059 : i32 to index
        %get3A_1061 = arith.constant 0 : index
        %get3A_1062 = tpu.vector_load %arg15[%get3A_1060, %get3A_1061] {strides = array<i32>} : memref<80x128xf32, #tpu.memory_space<vmem>>, vector<16xf32>,
        %mul3A_1063 = vector.broadcast %squeeze3A_1055 : f32 to vector<16xf32>
        %mul3A_1064 = arith.mulf %get3A_1062, %mul3A_1063 : vector<16xf32>
        %swap3A_1065 = arith.index_cast %add3A_1059 : i32 to index
        %swap3A_1066 = arith.constant 0 : index
        %swap3A_1067 = tpu.vector_load %arg15[%swap3A_1065, %swap3A_1066] {strides = array<i32>} : memref<80x128xf32, #tpu.memory_space<vmem>>, vector<16xf32>,
        tpu.vector_store %arg15[%swap3A_1065, %swap3A_1066], %mul3A_1064 {strides = array<i32>} : memref<80x128xf32, #tpu.memory_space<vmem>>, vector<16xf32>,
        %get3A_1068 = arith.index_cast %add3A_1059 : i32 to index
        %get3A_1069 = arith.constant 16 : index
        %get3A_1070 = tpu.vector_load %arg15[%get3A_1068, %get3A_1069] {strides = array<i32>} : memref<80x128xf32, #tpu.memory_space<vmem>>, vector<16xf32>,
        %mul3A_1071 = vector.broadcast %squeeze3A_1055 : f32 to vector<16xf32>
        %mul3A_1072 = arith.mulf %get3A_1070, %mul3A_1071 : vector<16xf32>
        %swap3A_1073 = arith.index_cast %add3A_1059 : i32 to index
        %swap3A_1074 = arith.constant 16 : index
        %swap3A_1075 = tpu.vector_load %arg15[%swap3A_1073, %swap3A_1074] {strides = array<i32>} : memref<80x128xf32, #tpu.memory_space<vmem>>, vector<16xf32>,
        tpu.vector_store %arg15[%swap3A_1073, %swap3A_1074], %mul3A_1072 {strides = array<i32>} : memref<80x128xf32, #tpu.memory_space<vmem>>, vector<16xf32>,
        %get3A_1076 = arith.index_cast %add3A_1059 : i32 to index
        %get3A_1077 = arith.constant 32 : index
        %get3A_1078 = tpu.vector_load %arg15[%get3A_1076, %get3A_1077] {strides = array<i32>} : memref<80x128xf32, #tpu.memory_space<vmem>>, vector<16xf32>,
        %mul3A_1079 = vector.broadcast %squeeze3A_1055 : f32 to vector<16xf32>
        %mul3A_1080 = arith.mulf %get3A_1078, %mul3A_1079 : vector<16xf32>
        %swap3A_1081 = arith.index_cast %add3A_1059 : i32 to index
        %swap3A_1082 = arith.constant 32 : index
        %swap3A_1083 = tpu.vector_load %arg15[%swap3A_1081, %swap3A_1082] {strides = array<i32>} : memref<80x128xf32, #tpu.memory_space<vmem>>, vector<16xf32>,
        tpu.vector_store %arg15[%swap3A_1081, %swap3A_1082], %mul3A_1080 {strides = array<i32>} : memref<80x128xf32, #tpu.memory_space<vmem>>, vector<16xf32>,
        %get3A_1084 = arith.index_cast %add3A_1059 : i32 to index
        %get3A_1085 = arith.constant 48 : index
        %get3A_1086 = tpu.vector_load %arg15[%get3A_1084, %get3A_1085] {strides = array<i32>} : memref<80x128xf32, #tpu.memory_space<vmem>>, vector<16xf32>,
        %mul3A_1087 = vector.broadcast %squeeze3A_1055 : f32 to vector<16xf32>
        %mul3A_1088 = arith.mulf %get3A_1086, %mul3A_1087 : vector<16xf32>
        %swap3A_1089 = arith.index_cast %add3A_1059 : i32 to index
        %swap3A_1090 = arith.constant 48 : index
        %swap3A_1091 = tpu.vector_load %arg15[%swap3A_1089, %swap3A_1090] {strides = array<i32>} : memref<80x128xf32, #tpu.memory_space<vmem>>, vector<16xf32>,
        tpu.vector_store %arg15[%swap3A_1089, %swap3A_1090], %mul3A_1088 {strides = array<i32>} : memref<80x128xf32, #tpu.memory_space<vmem>>, vector<16xf32>,
        %get3A_1092 = arith.index_cast %add3A_1059 : i32 to index
        %get3A_1093 = arith.constant 64 : index
        %get3A_1094 = tpu.vector_load %arg15[%get3A_1092, %get3A_1093] {strides = array<i32>} : memref<80x128xf32, #tpu.memory_space<vmem>>, vector<16xf32>,
        %mul3A_1095 = vector.broadcast %squeeze3A_1055 : f32 to vector<16xf32>
        %mul3A_1096 = arith.mulf %get3A_1094, %mul3A_1095 : vector<16xf32>
        %swap3A_1097 = arith.index_cast %add3A_1059 : i32 to index
        %swap3A_1098 = arith.constant 64 : index
        %swap3A_1099 = tpu.vector_load %arg15[%swap3A_1097, %swap3A_1098] {strides = array<i32>} : memref<80x128xf32, #tpu.memory_space<vmem>>, vector<16xf32>,
        tpu.vector_store %arg15[%swap3A_1097, %swap3A_1098], %mul3A_1096 {strides = array<i32>} : memref<80x128xf32, #tpu.memory_space<vmem>>, vector<16xf32>,
        %get3A_1100 = arith.index_cast %add3A_1059 : i32 to index
        %get3A_1101 = arith.constant 80 : index
        %get3A_1102 = tpu.vector_load %arg15[%get3A_1100, %get3A_1101] {strides = array<i32>} : memref<80x128xf32, #tpu.memory_space<vmem>>, vector<16xf32>,
        %mul3A_1103 = vector.broadcast %squeeze3A_1055 : f32 to vector<16xf32>
        %mul3A_1104 = arith.mulf %get3A_1102, %mul3A_1103 : vector<16xf32>
        %swap3A_1105 = arith.index_cast %add3A_1059 : i32 to index
        %swap3A_1106 = arith.constant 80 : index
        %swap3A_1107 = tpu.vector_load %arg15[%swap3A_1105, %swap3A_1106] {strides = array<i32>} : memref<80x128xf32, #tpu.memory_space<vmem>>, vector<16xf32>,
        tpu.vector_store %arg15[%swap3A_1105, %swap3A_1106], %mul3A_1104 {strides = array<i32>} : memref<80x128xf32, #tpu.memory_space<vmem>>, vector<16xf32>,
        %get3A_1108 = arith.index_cast %add3A_1059 : i32 to index
        %get3A_1109 = arith.constant 96 : index
        %get3A_1110 = tpu.vector_load %arg15[%get3A_1108, %get3A_1109] {strides = array<i32>} : memref<80x128xf32, #tpu.memory_space<vmem>>, vector<16xf32>,
        %mul3A_1111 = vector.broadcast %squeeze3A_1055 : f32 to vector<16xf32>
        %mul3A_1112 = arith.mulf %get3A_1110, %mul3A_1111 : vector<16xf32>
        %swap3A_1113 = arith.index_cast %add3A_1059 : i32 to index
        %swap3A_1114 = arith.constant 96 : index
        %swap3A_1115 = tpu.vector_load %arg15[%swap3A_1113, %swap3A_1114] {strides = array<i32>} : memref<80x128xf32, #tpu.memory_space<vmem>>, vector<16xf32>,
        tpu.vector_store %arg15[%swap3A_1113, %swap3A_1114], %mul3A_1112 {strides = array<i32>} : memref<80x128xf32, #tpu.memory_space<vmem>>, vector<16xf32>,
        %get3A_1116 = arith.index_cast %add3A_1059 : i32 to index
        %get3A_1117 = arith.constant 112 : index
        %get3A_1118 = tpu.vector_load %arg15[%get3A_1116, %get3A_1117] {strides = array<i32>} : memref<80x128xf32, #tpu.memory_space<vmem>>, vector<16xf32>,
        %mul3A_1119 = vector.broadcast %squeeze3A_1055 : f32 to vector<16xf32>
        %mul3A_1120 = arith.mulf %get3A_1118, %mul3A_1119 : vector<16xf32>
        %swap3A_1121 = arith.index_cast %add3A_1059 : i32 to index
        %swap3A_1122 = arith.constant 112 : index
        %swap3A_1123 = tpu.vector_load %arg15[%swap3A_1121, %swap3A_1122] {strides = array<i32>} : memref<80x128xf32, #tpu.memory_space<vmem>>, vector<16xf32>,
        tpu.vector_store %arg15[%swap3A_1121, %swap3A_1122], %mul3A_1120 {strides = array<i32>} : memref<80x128xf32, #tpu.memory_space<vmem>>, vector<16xf32>,
        %slice3A_1124 = vector.extract_strided_slice %get3A_145 {offsets = [14], sizes = [1], strides = [1]} : vector<16xf32> to vector<1xf32>
        %squeeze3A_1125 = vector.extract %slice3A_1124[0] : f32 from vector<1xf32>
        %mul3A_1126 = arith.constant 16 : i32
        %mul3A_1127 = arith.muli %scan3A_141, %mul3A_1126 : i32
        %add3A_1128 = arith.constant 14 : i32
        %add3A_1129 = arith.addi %mul3A_1127, %add3A_1128 : i32
        %get3A_1130 = arith.index_cast %add3A_1129 : i32 to index
        %get3A_1131 = arith.constant 0 : index
        %get3A_1132 = tpu.vector_load %arg15[%get3A_1130, %get3A_1131] {strides = array<i32>} : memref<80x128xf32, #tpu.memory_space<vmem>>, vector<16xf32>,
        %mul3A_1133 = vector.broadcast %squeeze3A_1125 : f32 to vector<16xf32>
        %mul3A_1134 = arith.mulf %get3A_1132, %mul3A_1133 : vector<16xf32>
        %swap3A_1135 = arith.index_cast %add3A_1129 : i32 to index
        %swap3A_1136 = arith.constant 0 : index
        %swap3A_1137 = tpu.vector_load %arg15[%swap3A_1135, %swap3A_1136] {strides = array<i32>} : memref<80x128xf32, #tpu.memory_space<vmem>>, vector<16xf32>,
        tpu.vector_store %arg15[%swap3A_1135, %swap3A_1136], %mul3A_1134 {strides = array<i32>} : memref<80x128xf32, #tpu.memory_space<vmem>>, vector<16xf32>,
        %get3A_1138 = arith.index_cast %add3A_1129 : i32 to index
        %get3A_1139 = arith.constant 16 : index
        %get3A_1140 = tpu.vector_load %arg15[%get3A_1138, %get3A_1139] {strides = array<i32>} : memref<80x128xf32, #tpu.memory_space<vmem>>, vector<16xf32>,
        %mul3A_1141 = vector.broadcast %squeeze3A_1125 : f32 to vector<16xf32>
        %mul3A_1142 = arith.mulf %get3A_1140, %mul3A_1141 : vector<16xf32>
        %swap3A_1143 = arith.index_cast %add3A_1129 : i32 to index
        %swap3A_1144 = arith.constant 16 : index
        %swap3A_1145 = tpu.vector_load %arg15[%swap3A_1143, %swap3A_1144] {strides = array<i32>} : memref<80x128xf32, #tpu.memory_space<vmem>>, vector<16xf32>,
        tpu.vector_store %arg15[%swap3A_1143, %swap3A_1144], %mul3A_1142 {strides = array<i32>} : memref<80x128xf32, #tpu.memory_space<vmem>>, vector<16xf32>,
        %get3A_1146 = arith.index_cast %add3A_1129 : i32 to index
        %get3A_1147 = arith.constant 32 : index
        %get3A_1148 = tpu.vector_load %arg15[%get3A_1146, %get3A_1147] {strides = array<i32>} : memref<80x128xf32, #tpu.memory_space<vmem>>, vector<16xf32>,
        %mul3A_1149 = vector.broadcast %squeeze3A_1125 : f32 to vector<16xf32>
        %mul3A_1150 = arith.mulf %get3A_1148, %mul3A_1149 : vector<16xf32>
        %swap3A_1151 = arith.index_cast %add3A_1129 : i32 to index
        %swap3A_1152 = arith.constant 32 : index
        %swap3A_1153 = tpu.vector_load %arg15[%swap3A_1151, %swap3A_1152] {strides = array<i32>} : memref<80x128xf32, #tpu.memory_space<vmem>>, vector<16xf32>,
        tpu.vector_store %arg15[%swap3A_1151, %swap3A_1152], %mul3A_1150 {strides = array<i32>} : memref<80x128xf32, #tpu.memory_space<vmem>>, vector<16xf32>,
        %get3A_1154 = arith.index_cast %add3A_1129 : i32 to index
        %get3A_1155 = arith.constant 48 : index
        %get3A_1156 = tpu.vector_load %arg15[%get3A_1154, %get3A_1155] {strides = array<i32>} : memref<80x128xf32, #tpu.memory_space<vmem>>, vector<16xf32>,
        %mul3A_1157 = vector.broadcast %squeeze3A_1125 : f32 to vector<16xf32>
        %mul3A_1158 = arith.mulf %get3A_1156, %mul3A_1157 : vector<16xf32>
        %swap3A_1159 = arith.index_cast %add3A_1129 : i32 to index
        %swap3A_1160 = arith.constant 48 : index
        %swap3A_1161 = tpu.vector_load %arg15[%swap3A_1159, %swap3A_1160] {strides = array<i32>} : memref<80x128xf32, #tpu.memory_space<vmem>>, vector<16xf32>,
        tpu.vector_store %arg15[%swap3A_1159, %swap3A_1160], %mul3A_1158 {strides = array<i32>} : memref<80x128xf32, #tpu.memory_space<vmem>>, vector<16xf32>,
        %get3A_1162 = arith.index_cast %add3A_1129 : i32 to index
        %get3A_1163 = arith.constant 64 : index
        %get3A_1164 = tpu.vector_load %arg15[%get3A_1162, %get3A_1163] {strides = array<i32>} : memref<80x128xf32, #tpu.memory_space<vmem>>, vector<16xf32>,
        %mul3A_1165 = vector.broadcast %squeeze3A_1125 : f32 to vector<16xf32>
        %mul3A_1166 = arith.mulf %get3A_1164, %mul3A_1165 : vector<16xf32>
        %swap3A_1167 = arith.index_cast %add3A_1129 : i32 to index
        %swap3A_1168 = arith.constant 64 : index
        %swap3A_1169 = tpu.vector_load %arg15[%swap3A_1167, %swap3A_1168] {strides = array<i32>} : memref<80x128xf32, #tpu.memory_space<vmem>>, vector<16xf32>,
        tpu.vector_store %arg15[%swap3A_1167, %swap3A_1168], %mul3A_1166 {strides = array<i32>} : memref<80x128xf32, #tpu.memory_space<vmem>>, vector<16xf32>,
        %get3A_1170 = arith.index_cast %add3A_1129 : i32 to index
        %get3A_1171 = arith.constant 80 : index
        %get3A_1172 = tpu.vector_load %arg15[%get3A_1170, %get3A_1171] {strides = array<i32>} : memref<80x128xf32, #tpu.memory_space<vmem>>, vector<16xf32>,
        %mul3A_1173 = vector.broadcast %squeeze3A_1125 : f32 to vector<16xf32>
        %mul3A_1174 = arith.mulf %get3A_1172, %mul3A_1173 : vector<16xf32>
        %swap3A_1175 = arith.index_cast %add3A_1129 : i32 to index
        %swap3A_1176 = arith.constant 80 : index
        %swap3A_1177 = tpu.vector_load %arg15[%swap3A_1175, %swap3A_1176] {strides = array<i32>} : memref<80x128xf32, #tpu.memory_space<vmem>>, vector<16xf32>,
        tpu.vector_store %arg15[%swap3A_1175, %swap3A_1176], %mul3A_1174 {strides = array<i32>} : memref<80x128xf32, #tpu.memory_space<vmem>>, vector<16xf32>,
        %get3A_1178 = arith.index_cast %add3A_1129 : i32 to index
        %get3A_1179 = arith.constant 96 : index
        %get3A_1180 = tpu.vector_load %arg15[%get3A_1178, %get3A_1179] {strides = array<i32>} : memref<80x128xf32, #tpu.memory_space<vmem>>, vector<16xf32>,
        %mul3A_1181 = vector.broadcast %squeeze3A_1125 : f32 to vector<16xf32>
        %mul3A_1182 = arith.mulf %get3A_1180, %mul3A_1181 : vector<16xf32>
        %swap3A_1183 = arith.index_cast %add3A_1129 : i32 to index
        %swap3A_1184 = arith.constant 96 : index
        %swap3A_1185 = tpu.vector_load %arg15[%swap3A_1183, %swap3A_1184] {strides = array<i32>} : memref<80x128xf32, #tpu.memory_space<vmem>>, vector<16xf32>,
        tpu.vector_store %arg15[%swap3A_1183, %swap3A_1184], %mul3A_1182 {strides = array<i32>} : memref<80x128xf32, #tpu.memory_space<vmem>>, vector<16xf32>,
        %get3A_1186 = arith.index_cast %add3A_1129 : i32 to index
        %get3A_1187 = arith.constant 112 : index
        %get3A_1188 = tpu.vector_load %arg15[%get3A_1186, %get3A_1187] {strides = array<i32>} : memref<80x128xf32, #tpu.memory_space<vmem>>, vector<16xf32>,
        %mul3A_1189 = vector.broadcast %squeeze3A_1125 : f32 to vector<16xf32>
        %mul3A_1190 = arith.mulf %get3A_1188, %mul3A_1189 : vector<16xf32>
        %swap3A_1191 = arith.index_cast %add3A_1129 : i32 to index
        %swap3A_1192 = arith.constant 112 : index
        %swap3A_1193 = tpu.vector_load %arg15[%swap3A_1191, %swap3A_1192] {strides = array<i32>} : memref<80x128xf32, #tpu.memory_space<vmem>>, vector<16xf32>,
        tpu.vector_store %arg15[%swap3A_1191, %swap3A_1192], %mul3A_1190 {strides = array<i32>} : memref<80x128xf32, #tpu.memory_space<vmem>>, vector<16xf32>,
        %slice3A_1194 = vector.extract_strided_slice %get3A_145 {offsets = [15], sizes = [1], strides = [1]} : vector<16xf32> to vector<1xf32>
        %squeeze3A_1195 = vector.extract %slice3A_1194[0] : f32 from vector<1xf32>
        %mul3A_1196 = arith.constant 16 : i32
        %mul3A_1197 = arith.muli %scan3A_141, %mul3A_1196 : i32
        %add3A_1198 = arith.constant 15 : i32
        %add3A_1199 = arith.addi %mul3A_1197, %add3A_1198 : i32
        %get3A_1200 = arith.index_cast %add3A_1199 : i32 to index
        %get3A_1201 = arith.constant 0 : index
        %get3A_1202 = tpu.vector_load %arg15[%get3A_1200, %get3A_1201] {strides = array<i32>} : memref<80x128xf32, #tpu.memory_space<vmem>>, vector<16xf32>,
        %mul3A_1203 = vector.broadcast %squeeze3A_1195 : f32 to vector<16xf32>
        %mul3A_1204 = arith.mulf %get3A_1202, %mul3A_1203 : vector<16xf32>
        %swap3A_1205 = arith.index_cast %add3A_1199 : i32 to index
        %swap3A_1206 = arith.constant 0 : index
        %swap3A_1207 = tpu.vector_load %arg15[%swap3A_1205, %swap3A_1206] {strides = array<i32>} : memref<80x128xf32, #tpu.memory_space<vmem>>, vector<16xf32>,
        tpu.vector_store %arg15[%swap3A_1205, %swap3A_1206], %mul3A_1204 {strides = array<i32>} : memref<80x128xf32, #tpu.memory_space<vmem>>, vector<16xf32>,
        %get3A_1208 = arith.index_cast %add3A_1199 : i32 to index
        %get3A_1209 = arith.constant 16 : index
        %get3A_1210 = tpu.vector_load %arg15[%get3A_1208, %get3A_1209] {strides = array<i32>} : memref<80x128xf32, #tpu.memory_space<vmem>>, vector<16xf32>,
        %mul3A_1211 = vector.broadcast %squeeze3A_1195 : f32 to vector<16xf32>
        %mul3A_1212 = arith.mulf %get3A_1210, %mul3A_1211 : vector<16xf32>
        %swap3A_1213 = arith.index_cast %add3A_1199 : i32 to index
        %swap3A_1214 = arith.constant 16 : index
        %swap3A_1215 = tpu.vector_load %arg15[%swap3A_1213, %swap3A_1214] {strides = array<i32>} : memref<80x128xf32, #tpu.memory_space<vmem>>, vector<16xf32>,
        tpu.vector_store %arg15[%swap3A_1213, %swap3A_1214], %mul3A_1212 {strides = array<i32>} : memref<80x128xf32, #tpu.memory_space<vmem>>, vector<16xf32>,
        %get3A_1216 = arith.index_cast %add3A_1199 : i32 to index
        %get3A_1217 = arith.constant 32 : index
        %get3A_1218 = tpu.vector_load %arg15[%get3A_1216, %get3A_1217] {strides = array<i32>} : memref<80x128xf32, #tpu.memory_space<vmem>>, vector<16xf32>,
        %mul3A_1219 = vector.broadcast %squeeze3A_1195 : f32 to vector<16xf32>
        %mul3A_1220 = arith.mulf %get3A_1218, %mul3A_1219 : vector<16xf32>
        %swap3A_1221 = arith.index_cast %add3A_1199 : i32 to index
        %swap3A_1222 = arith.constant 32 : index
        %swap3A_1223 = tpu.vector_load %arg15[%swap3A_1221, %swap3A_1222] {strides = array<i32>} : memref<80x128xf32, #tpu.memory_space<vmem>>, vector<16xf32>,
        tpu.vector_store %arg15[%swap3A_1221, %swap3A_1222], %mul3A_1220 {strides = array<i32>} : memref<80x128xf32, #tpu.memory_space<vmem>>, vector<16xf32>,
        %get3A_1224 = arith.index_cast %add3A_1199 : i32 to index
        %get3A_1225 = arith.constant 48 : index
        %get3A_1226 = tpu.vector_load %arg15[%get3A_1224, %get3A_1225] {strides = array<i32>} : memref<80x128xf32, #tpu.memory_space<vmem>>, vector<16xf32>,
        %mul3A_1227 = vector.broadcast %squeeze3A_1195 : f32 to vector<16xf32>
        %mul3A_1228 = arith.mulf %get3A_1226, %mul3A_1227 : vector<16xf32>
        %swap3A_1229 = arith.index_cast %add3A_1199 : i32 to index
        %swap3A_1230 = arith.constant 48 : index
        %swap3A_1231 = tpu.vector_load %arg15[%swap3A_1229, %swap3A_1230] {strides = array<i32>} : memref<80x128xf32, #tpu.memory_space<vmem>>, vector<16xf32>,
        tpu.vector_store %arg15[%swap3A_1229, %swap3A_1230], %mul3A_1228 {strides = array<i32>} : memref<80x128xf32, #tpu.memory_space<vmem>>, vector<16xf32>,
        %get3A_1232 = arith.index_cast %add3A_1199 : i32 to index
        %get3A_1233 = arith.constant 64 : index
        %get3A_1234 = tpu.vector_load %arg15[%get3A_1232, %get3A_1233] {strides = array<i32>} : memref<80x128xf32, #tpu.memory_space<vmem>>, vector<16xf32>,
        %mul3A_1235 = vector.broadcast %squeeze3A_1195 : f32 to vector<16xf32>
        %mul3A_1236 = arith.mulf %get3A_1234, %mul3A_1235 : vector<16xf32>
        %swap3A_1237 = arith.index_cast %add3A_1199 : i32 to index
        %swap3A_1238 = arith.constant 64 : index
        %swap3A_1239 = tpu.vector_load %arg15[%swap3A_1237, %swap3A_1238] {strides = array<i32>} : memref<80x128xf32, #tpu.memory_space<vmem>>, vector<16xf32>,
        tpu.vector_store %arg15[%swap3A_1237, %swap3A_1238], %mul3A_1236 {strides = array<i32>} : memref<80x128xf32, #tpu.memory_space<vmem>>, vector<16xf32>,
        %get3A_1240 = arith.index_cast %add3A_1199 : i32 to index
        %get3A_1241 = arith.constant 80 : index
        %get3A_1242 = tpu.vector_load %arg15[%get3A_1240, %get3A_1241] {strides = array<i32>} : memref<80x128xf32, #tpu.memory_space<vmem>>, vector<16xf32>,
        %mul3A_1243 = vector.broadcast %squeeze3A_1195 : f32 to vector<16xf32>
        %mul3A_1244 = arith.mulf %get3A_1242, %mul3A_1243 : vector<16xf32>
        %swap3A_1245 = arith.index_cast %add3A_1199 : i32 to index
        %swap3A_1246 = arith.constant 80 : index
        %swap3A_1247 = tpu.vector_load %arg15[%swap3A_1245, %swap3A_1246] {strides = array<i32>} : memref<80x128xf32, #tpu.memory_space<vmem>>, vector<16xf32>,
        tpu.vector_store %arg15[%swap3A_1245, %swap3A_1246], %mul3A_1244 {strides = array<i32>} : memref<80x128xf32, #tpu.memory_space<vmem>>, vector<16xf32>,
        %get3A_1248 = arith.index_cast %add3A_1199 : i32 to index
        %get3A_1249 = arith.constant 96 : index
        %get3A_1250 = tpu.vector_load %arg15[%get3A_1248, %get3A_1249] {strides = array<i32>} : memref<80x128xf32, #tpu.memory_space<vmem>>, vector<16xf32>,
        %mul3A_1251 = vector.broadcast %squeeze3A_1195 : f32 to vector<16xf32>
        %mul3A_1252 = arith.mulf %get3A_1250, %mul3A_1251 : vector<16xf32>
        %swap3A_1253 = arith.index_cast %add3A_1199 : i32 to index
        %swap3A_1254 = arith.constant 96 : index
        %swap3A_1255 = tpu.vector_load %arg15[%swap3A_1253, %swap3A_1254] {strides = array<i32>} : memref<80x128xf32, #tpu.memory_space<vmem>>, vector<16xf32>,
        tpu.vector_store %arg15[%swap3A_1253, %swap3A_1254], %mul3A_1252 {strides = array<i32>} : memref<80x128xf32, #tpu.memory_space<vmem>>, vector<16xf32>,
        %get3A_1256 = arith.index_cast %add3A_1199 : i32 to index
        %get3A_1257 = arith.constant 112 : index
        %get3A_1258 = tpu.vector_load %arg15[%get3A_1256, %get3A_1257] {strides = array<i32>} : memref<80x128xf32, #tpu.memory_space<vmem>>, vector<16xf32>,
        %mul3A_1259 = vector.broadcast %squeeze3A_1195 : f32 to vector<16xf32>
        %mul3A_1260 = arith.mulf %get3A_1258, %mul3A_1259 : vector<16xf32>
        %swap3A_1261 = arith.index_cast %add3A_1199 : i32 to index
        %swap3A_1262 = arith.constant 112 : index
        %swap3A_1263 = tpu.vector_load %arg15[%swap3A_1261, %swap3A_1262] {strides = array<i32>} : memref<80x128xf32, #tpu.memory_space<vmem>>, vector<16xf32>,
        tpu.vector_store %arg15[%swap3A_1261, %swap3A_1262], %mul3A_1260 {strides = array<i32>} : memref<80x128xf32, #tpu.memory_space<vmem>>, vector<16xf32>,
      }
      %scan3A_140 = arith.constant 5 : i32
      "tpu.region"() ({
        %run_scoped3A = tpu.sem_alloc : memref<!tpu.dma_semaphore, #tpu.memory_space<semaphore_mem>>
        %dma_start3A_141 = arith.constant 0 : i32
        %dma_start3A_142 = arith.constant 0 : i32
        %dma_start3A_143 = tpu.memref_slice %arg9[%dma_start3A_141, %dma_start3A_142] : memref<10240x128xf32, #tpu.memory_space<vmem_shared>> -> memref<10240x128xf32, #tpu.memory_space<vmem_shared>>
        tpu.enqueue_indirect_dma source(%arg15 : memref<80x128xf32, #tpu.memory_space<vmem>>) target(%dma_start3A_143 : memref<10240x128xf32, #tpu.memory_space<vmem_shared>>) offsets(%arg14 : memref<80xi32, #tpu.memory_space<vmem>>) semaphore(%run_scoped3A : memref<!tpu.dma_semaphore, #tpu.memory_space<semaphore_mem>>) {add = true}
        %dma_wait3A_144 = arith.constant 0 : i32
        %dma_wait3A_145 = arith.constant 0 : i32
        %dma_wait3A_146 = tpu.memref_slice %arg9[%dma_wait3A_144, %dma_wait3A_145] : memref<10240x128xf32, #tpu.memory_space<vmem_shared>> -> memref<10240x128xf32, #tpu.memory_space<vmem_shared>>
        tpu.wait_indirect_dma semaphore(%run_scoped3A : memref<!tpu.dma_semaphore, #tpu.memory_space<semaphore_mem>>) src(%arg15 : memref<80x128xf32, #tpu.memory_space<vmem>>) dst(%dma_wait3A_146 : memref<10240x128xf32, #tpu.memory_space<vmem_shared>>)
        tpu.yield
      }) : () -> ()
      "tpu.region"() ({
        %run_scoped3A = tpu.sem_alloc : memref<!tpu.dma_semaphore, #tpu.memory_space<semaphore_mem>>
        %dma_start3A_141 = arith.constant 0 : i32
        %dma_start3A_142 = tpu.memref_slice %arg10[%dma_start3A_141] : memref<10240xf32, #tpu.memory_space<vmem_shared>> -> memref<10240xf32, #tpu.memory_space<vmem_shared>>
        tpu.enqueue_indirect_dma source(%arg16 : memref<80xf32, #tpu.memory_space<vmem>>) target(%dma_start3A_142 : memref<10240xf32, #tpu.memory_space<vmem_shared>>) offsets(%arg14 : memref<80xi32, #tpu.memory_space<vmem>>) semaphore(%run_scoped3A : memref<!tpu.dma_semaphore, #tpu.memory_space<semaphore_mem>>) {add = true}
        %dma_wait3A_143 = arith.constant 0 : i32
        %dma_wait3A_144 = tpu.memref_slice %arg10[%dma_wait3A_143] : memref<10240xf32, #tpu.memory_space<vmem_shared>> -> memref<10240xf32, #tpu.memory_space<vmem_shared>>
        tpu.wait_indirect_dma semaphore(%run_scoped3A : memref<!tpu.dma_semaphore, #tpu.memory_space<semaphore_mem>>) src(%arg16 : memref<80xf32, #tpu.memory_space<vmem>>) dst(%dma_wait3A_144 : memref<10240xf32, #tpu.memory_space<vmem_shared>>)
        tpu.yield
      }) : () -> ()
    }
    %scan3A_40 = arith.constant 125 : i32
    %barrier3A_41 = arith.constant 0 : index
    tpu.barrier barrier_id(%barrier3A_41)
    %mul3A_42 = arith.constant 640 : i32
    %mul3A_43 = arith.muli %arg1, %mul3A_42 : i32
    "tpu.region"() ({
      %run_scoped3A = tpu.sem_alloc : memref<!tpu.dma_semaphore, #tpu.memory_space<semaphore_mem>>
      %dma_start3A = arith.constant 0 : i32
      %dma_start3A_46 = tpu.memref_slice %arg7[%arg0, %mul3A_43, %dma_start3A] : memref<2x10240x128xf32, #tpu.memory_space<hbm>> -> memref<1x640x128xf32, #tpu.memory_space<hbm>>
      %dma_start3A_47 = tpu.memref_squeeze %dma_start3A_46 : memref<1x640x128xf32, #tpu.memory_space<hbm>> -> memref<640x128xf32, #tpu.memory_space<hbm>>
      %dma_start3A_48 = arith.constant 0 : i32
      %dma_start3A_49 = tpu.memref_slice %arg9[%mul3A_43, %dma_start3A_48] : memref<10240x128xf32, #tpu.memory_space<vmem_shared>> -> memref<640x128xf32, #tpu.memory_space<vmem_shared>>
      tpu.enqueue_dma source(%dma_start3A_49 : memref<640x128xf32, #tpu.memory_space<vmem_shared>>) target(%dma_start3A_47 : memref<640x128xf32, #tpu.memory_space<hbm>>) target_semaphore(%run_scoped3A : memref<!tpu.dma_semaphore, #tpu.memory_space<semaphore_mem>>)
      %dma_wait3A = arith.constant 0 : i32
      %dma_wait3A_50 = tpu.memref_slice %arg7[%arg0, %mul3A_43, %dma_wait3A] : memref<2x10240x128xf32, #tpu.memory_space<hbm>> -> memref<1x640x128xf32, #tpu.memory_space<hbm>>
      %dma_wait3A_51 = tpu.memref_squeeze %dma_wait3A_50 : memref<1x640x128xf32, #tpu.memory_space<hbm>> -> memref<640x128xf32, #tpu.memory_space<hbm>>
      %dma_wait3A_52 = arith.constant 0 : i32
      %dma_wait3A_53 = tpu.memref_slice %arg9[%mul3A_43, %dma_wait3A_52] : memref<10240x128xf32, #tpu.memory_space<vmem_shared>> -> memref<640x128xf32, #tpu.memory_space<vmem_shared>>
      tpu.wait_dma2 semaphore(%run_scoped3A : memref<!tpu.dma_semaphore, #tpu.memory_space<semaphore_mem>>) src(%dma_wait3A_53 : memref<640x128xf32, #tpu.memory_space<vmem_shared>>) dst(%dma_wait3A_51 : memref<640x128xf32, #tpu.memory_space<hbm>>)
      tpu.yield
    }) : () -> ()
    %mul3A_44 = arith.constant 640 : i32
    %mul3A_45 = arith.muli %arg1, %mul3A_44 : i32
    "tpu.region"() ({
      %run_scoped3A = tpu.sem_alloc : memref<!tpu.dma_semaphore, #tpu.memory_space<semaphore_mem>>
      %dma_start3A = arith.constant 0 : i32
      %dma_start3A_46 = tpu.memref_slice %arg8[%arg0, %arg1, %dma_start3A] : memref<2x16x640xf32, #tpu.memory_space<hbm>> -> memref<1x1x640xf32, #tpu.memory_space<hbm>>
      %dma_start3A_47 = tpu.memref_squeeze %dma_start3A_46 : memref<1x1x640xf32, #tpu.memory_space<hbm>> -> memref<640xf32, #tpu.memory_space<hbm>>
      %dma_start3A_48 = tpu.memref_slice %arg10[%mul3A_45] : memref<10240xf32, #tpu.memory_space<vmem_shared>> -> memref<640xf32, #tpu.memory_space<vmem_shared>>
      tpu.enqueue_dma source(%dma_start3A_48 : memref<640xf32, #tpu.memory_space<vmem_shared>>) target(%dma_start3A_47 : memref<640xf32, #tpu.memory_space<hbm>>) target_semaphore(%run_scoped3A : memref<!tpu.dma_semaphore, #tpu.memory_space<semaphore_mem>>)
      %dma_wait3A = arith.constant 0 : i32
      %dma_wait3A_49 = tpu.memref_slice %arg8[%arg0, %arg1, %dma_wait3A] : memref<2x16x640xf32, #tpu.memory_space<hbm>> -> memref<1x1x640xf32, #tpu.memory_space<hbm>>
      %dma_wait3A_50 = tpu.memref_squeeze %dma_wait3A_49 : memref<1x1x640xf32, #tpu.memory_space<hbm>> -> memref<640xf32, #tpu.memory_space<hbm>>
      %dma_wait3A_51 = tpu.memref_slice %arg10[%mul3A_45] : memref<10240xf32, #tpu.memory_space<vmem_shared>> -> memref<640xf32, #tpu.memory_space<vmem_shared>>
      tpu.wait_dma2 semaphore(%run_scoped3A : memref<!tpu.dma_semaphore, #tpu.memory_space<semaphore_mem>>) src(%dma_wait3A_51 : memref<640xf32, #tpu.memory_space<vmem_shared>>) dst(%dma_wait3A_50 : memref<640xf32, #tpu.memory_space<hbm>>)
      tpu.yield
    }) : () -> ()
    return
  }
}

module attributes {stable_mosaic.version = 14 : i64} {
  func.func @_proj_body(%arg0: i32, %arg1: memref<1000x128xf32, #tpu.memory_space<vmem>>, %arg2: memref<128x128xf32, #tpu.memory_space<vmem>>, %arg3: memref<128x128xf32, #tpu.memory_space<vmem>>, %arg4: memref<1000x128xf32, #tpu.memory_space<vmem>>, %arg5: memref<1000x128xf32, #tpu.memory_space<vmem>>) attributes {dimension_semantics = [#tpu.dimension_semantics<arbitrary>], iteration_bounds = array<i64: 10>, scalar_prefetch = 0 : i64, scratch_operands = 0 : i64, tpu.core_type = #tpu.core_type<tc>, window_params = [{transform_indices = @transform_0, window_bounds = array<i64: 1000, 128>}, {pipeline_mode = #tpu.pipeline_mode<synchronous>, transform_indices = @transform_1, window_bounds = array<i64: 128, 128>}, {pipeline_mode = #tpu.pipeline_mode<synchronous>, transform_indices = @transform_2, window_bounds = array<i64: 128, 128>}, {transform_indices = @transform_3, window_bounds = array<i64: 1000, 128>}, {transform_indices = @transform_4, window_bounds = array<i64: 1000, 128>}]} {
    %get3A = arith.constant 0 : index
    %get3A_0 = arith.constant 0 : index
    %get3A_1 = vector.load %arg1[%get3A, %get3A_0] : memref<1000x128xf32, #tpu.memory_space<vmem>>, vector<1000x128xf32>
    %get3A_2 = arith.constant 0 : index
    %get3A_3 = arith.constant 0 : index
    %get3A_4 = vector.load %arg2[%get3A_2, %get3A_3] : memref<128x128xf32, #tpu.memory_space<vmem>>, vector<128x128xf32>
    %dot_general3A = arith.constant dense<0.000000e+00> : vector<1000x128xf32>
    %dot_general3A_5 = tpu.matmul %get3A_1, %get3A_4, %dot_general3A {dimension_numbers = #tpu.dot_dimension_numbers<[1], [0], [0], [1], [0, 0, 1, 1], [], []>, transpose_lhs_hint = false} : vector<1000x128xf32>, vector<128x128xf32>, vector<1000x128xf32> -> vector<1000x128xf32>
    %swap3A = arith.constant 0 : index
    %swap3A_6 = arith.constant 0 : index
    %swap3A_7 = vector.load %arg4[%swap3A, %swap3A_6] : memref<1000x128xf32, #tpu.memory_space<vmem>>, vector<1000x128xf32>
    tpu.vector_store %arg4[%swap3A, %swap3A_6], %dot_general3A_5 {strides = array<i32>} : memref<1000x128xf32, #tpu.memory_space<vmem>>, vector<1000x128xf32>,
    %get3A_8 = arith.constant 0 : index
    %get3A_9 = arith.constant 0 : index
    %get3A_10 = vector.load %arg3[%get3A_8, %get3A_9] : memref<128x128xf32, #tpu.memory_space<vmem>>, vector<128x128xf32>
    %dot_general3A_11 = arith.constant dense<0.000000e+00> : vector<1000x128xf32>
    %dot_general3A_12 = tpu.matmul %dot_general3A_5, %get3A_10, %dot_general3A_11 {dimension_numbers = #tpu.dot_dimension_numbers<[1], [0], [0], [1], [0, 0, 1, 1], [], []>, transpose_lhs_hint = false} : vector<1000x128xf32>, vector<128x128xf32>, vector<1000x128xf32> -> vector<1000x128xf32>
    %swap3A_13 = arith.constant 0 : index
    %swap3A_14 = arith.constant 0 : index
    %swap3A_15 = vector.load %arg5[%swap3A_13, %swap3A_14] : memref<1000x128xf32, #tpu.memory_space<vmem>>, vector<1000x128xf32>
    tpu.vector_store %arg5[%swap3A_13, %swap3A_14], %dot_general3A_12 {strides = array<i32>} : memref<1000x128xf32, #tpu.memory_space<vmem>>, vector<1000x128xf32>,
    return
  }
  func.func @transform_0(%arg0: i32) -> (i32, i32) {
    %c0_i32 = arith.constant 0 : i32
    %c0_i32_0 = arith.constant 0 : i32
    return %arg0, %c0_i32 : i32, i32
  }
  func.func @transform_1(%arg0: i32) -> (i32, i32) {
    %c0_i32 = arith.constant 0 : i32
    %c0_i32_0 = arith.constant 0 : i32
    %c0_i32_1 = arith.constant 0 : i32
    return %c0_i32, %c0_i32_0 : i32, i32
  }
  func.func @transform_2(%arg0: i32) -> (i32, i32) {
    %c0_i32 = arith.constant 0 : i32
    %c0_i32_0 = arith.constant 0 : i32
    %c0_i32_1 = arith.constant 0 : i32
    return %c0_i32, %c0_i32_0 : i32, i32
  }
  func.func @transform_3(%arg0: i32) -> (i32, i32) {
    %c0_i32 = arith.constant 0 : i32
    %c0_i32_0 = arith.constant 0 : i32
    return %arg0, %c0_i32 : i32, i32
  }
  func.func @transform_4(%arg0: i32) -> (i32, i32) {
    %c0_i32 = arith.constant 0 : i32
    %c0_i32_0 = arith.constant 0 : i32
    return %arg0, %c0_i32 : i32, i32
  }
}

module attributes {stable_mosaic.version = 14 : i64} {
  func.func @_combine_body(%arg0: i32, %arg1: memref<1000x128xf32, #tpu.memory_space<vmem>>, %arg2: memref<1000x128xf32, #tpu.memory_space<vmem>>, %arg3: memref<2x1000x128xf32, #tpu.memory_space<vmem>>, %arg4: memref<2x1x1x1000xf32, #tpu.memory_space<vmem>>, %arg5: memref<1x128xf32, #tpu.memory_space<vmem>>, %arg6: memref<1000x128xf32, #tpu.memory_space<vmem>>) attributes {dimension_semantics = [#tpu.dimension_semantics<arbitrary>], iteration_bounds = array<i64: 10>, scalar_prefetch = 0 : i64, scratch_operands = 0 : i64, tpu.core_type = #tpu.core_type<tc>, window_params = [{transform_indices = @transform_0, window_bounds = array<i64: 1000, 128>}, {transform_indices = @transform_1, window_bounds = array<i64: 1000, 128>}, {transform_indices = @transform_2, window_bounds = array<i64: 2, 1000, 128>}, {transform_indices = @transform_3, window_bounds = array<i64: 2, 1, 1, 1000>}, {pipeline_mode = #tpu.pipeline_mode<synchronous>, transform_indices = @transform_4, window_bounds = array<i64: 1, 128>}, {transform_indices = @transform_5, window_bounds = array<i64: 1000, 128>}]} {
    %get3A = arith.constant 0 : index
    %get3A_0 = arith.constant 0 : index
    %get3A_1 = vector.load %arg1[%get3A, %get3A_0] : memref<1000x128xf32, #tpu.memory_space<vmem>>, vector<1000x128xf32>
    %get3A_2 = arith.constant 0 : index
    %get3A_3 = arith.constant 0 : index
    %get3A_4 = vector.load %arg2[%get3A_2, %get3A_3] : memref<1000x128xf32, #tpu.memory_space<vmem>>, vector<1000x128xf32>
    %slice3A = vector.extract_strided_slice %get3A_4 {offsets = [0, 0], sizes = [1000, 1], strides = [1, 1]} : vector<1000x128xf32> to vector<1000x1xf32>
    %squeeze3A = vector.shape_cast %slice3A : vector<1000x1xf32> to vector<1000xf32>
    %slice3A_5 = vector.extract_strided_slice %get3A_4 {offsets = [0, 1], sizes = [1000, 1], strides = [1, 1]} : vector<1000x128xf32> to vector<1000x1xf32>
    %squeeze3A_6 = vector.shape_cast %slice3A_5 : vector<1000x1xf32> to vector<1000xf32>
    %add3A = arith.addf %squeeze3A, %squeeze3A_6 : vector<1000xf32>
    %ge3A = arith.constant 0.000000e+00 : f32
    %ge3A_7 = vector.broadcast %ge3A : f32 to vector<1000xf32>
    %ge3A_8 = arith.cmpf oge, %add3A, %ge3A_7 : vector<1000xf32>
    %mul3A = arith.constant 2.000000e-01 : f32
    %mul3A_9 = vector.broadcast %mul3A : f32 to vector<1000xf32>
    %mul3A_10 = arith.mulf %add3A, %mul3A_9 : vector<1000xf32>
    %select_n3A = arith.select %ge3A_8, %add3A, %mul3A_10 : vector<1000xi1>, vector<1000xf32>
    %exp3A = math.exp %select_n3A : vector<1000xf32>
    %get3A_11 = arith.constant 0 : index
    %get3A_12 = arith.constant 0 : index
    %get3A_13 = arith.constant 0 : index
    %get3A_14 = vector.load %arg3[%get3A_11, %get3A_12, %get3A_13] : memref<2x1000x128xf32, #tpu.memory_space<vmem>>, vector<1x1000x128xf32>
    %get3A_15 = vector.shape_cast %get3A_14 : vector<1x1000x128xf32> to vector<1000x128xf32>
    %get3A_16 = arith.constant 1 : index
    %get3A_17 = arith.constant 0 : index
    %get3A_18 = arith.constant 0 : index
    %get3A_19 = vector.load %arg3[%get3A_16, %get3A_17, %get3A_18] : memref<2x1000x128xf32, #tpu.memory_space<vmem>>, vector<1x1000x128xf32>
    %get3A_20 = vector.shape_cast %get3A_19 : vector<1x1000x128xf32> to vector<1000x128xf32>
    %add3A_21 = arith.addf %get3A_15, %get3A_20 : vector<1000x128xf32>
    %broadcast_in_dim3A = vector.shape_cast %exp3A : vector<1000xf32> to vector<1000x1xf32>
    %mul3A_22 = vector.broadcast %broadcast_in_dim3A : vector<1000x1xf32> to vector<1000x128xf32>
    %mul3A_23 = arith.mulf %mul3A_22, %get3A_1 : vector<1000x128xf32>
    %add3A_24 = arith.addf %add3A_21, %mul3A_23 : vector<1000x128xf32>
    %get3A_25 = arith.constant 0 : index
    %get3A_26 = arith.constant 0 : index
    %get3A_27 = arith.constant 0 : index
    %get3A_28 = arith.constant 0 : index
    %get3A_29 = vector.load %arg4[%get3A_25, %get3A_26, %get3A_27, %get3A_28] : memref<2x1x1x1000xf32, #tpu.memory_space<vmem>>, vector<1x1x1x1000xf32>
    %get3A_30 = vector.shape_cast %get3A_29 : vector<1x1x1x1000xf32> to vector<1000xf32>
    %get3A_31 = arith.constant 1 : index
    %get3A_32 = arith.constant 0 : index
    %get3A_33 = arith.constant 0 : index
    %get3A_34 = arith.constant 0 : index
    %get3A_35 = vector.load %arg4[%get3A_31, %get3A_32, %get3A_33, %get3A_34] : memref<2x1x1x1000xf32, #tpu.memory_space<vmem>>, vector<1x1x1x1000xf32>
    %get3A_36 = vector.shape_cast %get3A_35 : vector<1x1x1x1000xf32> to vector<1000xf32>
    %add3A_37 = arith.addf %get3A_30, %get3A_36 : vector<1000xf32>
    %add3A_38 = arith.addf %add3A_37, %exp3A : vector<1000xf32>
    %add3A_39 = arith.constant 1.000000e-16 : f32
    %add3A_40 = vector.broadcast %add3A_39 : f32 to vector<1000xf32>
    %add3A_41 = arith.addf %add3A_38, %add3A_40 : vector<1000xf32>
    %broadcast_in_dim3A_42 = vector.shape_cast %add3A_41 : vector<1000xf32> to vector<1000x1xf32>
    %div3A = vector.broadcast %broadcast_in_dim3A_42 : vector<1000x1xf32> to vector<1000x128xf32>
    %div3A_43 = arith.divf %add3A_24, %div3A : vector<1000x128xf32>
    %get3A_44 = arith.constant 0 : index
    %get3A_45 = arith.constant 0 : index
    %get3A_46 = vector.load %arg5[%get3A_44, %get3A_45] : memref<1x128xf32, #tpu.memory_space<vmem>>, vector<1x128xf32>
    %get3A_47 = vector.shape_cast %get3A_46 : vector<1x128xf32> to vector<128xf32>
    %broadcast_in_dim3A_48 = vector.shape_cast %get3A_47 : vector<128xf32> to vector<1x128xf32>
    %add3A_49 = vector.broadcast %broadcast_in_dim3A_48 : vector<1x128xf32> to vector<1000x128xf32>
    %add3A_50 = arith.addf %div3A_43, %add3A_49 : vector<1000x128xf32>
    %gt3A = arith.constant 0.000000e+00 : f32
    %gt3A_51 = vector.broadcast %gt3A : f32 to vector<1000x128xf32>
    %gt3A_52 = arith.cmpf ogt, %add3A_50, %gt3A_51 : vector<1000x128xf32>
    %exp3A_53 = math.exp %add3A_50 : vector<1000x128xf32>
    %sub3A = arith.constant 1.000000e+00 : f32
    %sub3A_54 = vector.broadcast %sub3A : f32 to vector<1000x128xf32>
    %sub3A_55 = arith.subf %exp3A_53, %sub3A_54 : vector<1000x128xf32>
    %mul3A_56 = arith.constant 1.67326319 : f32
    %mul3A_57 = vector.broadcast %mul3A_56 : f32 to vector<1000x128xf32>
    %mul3A_58 = arith.mulf %mul3A_57, %sub3A_55 : vector<1000x128xf32>
    %select_n3A_59 = arith.select %gt3A_52, %add3A_50, %mul3A_58 : vector<1000x128xi1>, vector<1000x128xf32>
    %mul3A_60 = arith.constant 1.05070102 : f32
    %mul3A_61 = vector.broadcast %mul3A_60 : f32 to vector<1000x128xf32>
    %mul3A_62 = arith.mulf %mul3A_61, %select_n3A_59 : vector<1000x128xf32>
    %swap3A = arith.constant 0 : index
    %swap3A_63 = arith.constant 0 : index
    %swap3A_64 = vector.load %arg6[%swap3A, %swap3A_63] : memref<1000x128xf32, #tpu.memory_space<vmem>>, vector<1000x128xf32>
    tpu.vector_store %arg6[%swap3A, %swap3A_63], %mul3A_62 {strides = array<i32>} : memref<1000x128xf32, #tpu.memory_space<vmem>>, vector<1000x128xf32>,
    return
  }
  func.func @transform_0(%arg0: i32) -> (i32, i32) {
    %c0_i32 = arith.constant 0 : i32
    %c0_i32_0 = arith.constant 0 : i32
    return %arg0, %c0_i32 : i32, i32
  }
  func.func @transform_1(%arg0: i32) -> (i32, i32) {
    %c0_i32 = arith.constant 0 : i32
    %c0_i32_0 = arith.constant 0 : i32
    return %arg0, %c0_i32 : i32, i32
  }
  func.func @transform_2(%arg0: i32) -> (i32, i32, i32) {
    %c0_i32 = arith.constant 0 : i32
    %c0_i32_0 = arith.constant 0 : i32
    %c0_i32_1 = arith.constant 0 : i32
    return %c0_i32, %arg0, %c0_i32_0 : i32, i32, i32
  }
  func.func @transform_3(%arg0: i32) -> (i32, i32, i32, i32) {
    %c0_i32 = arith.constant 0 : i32
    %c0_i32_0 = arith.constant 0 : i32
    %c0_i32_1 = arith.constant 0 : i32
    %c0_i32_2 = arith.constant 0 : i32
    return %c0_i32, %arg0, %c0_i32_0, %c0_i32_1 : i32, i32, i32, i32
  }
  func.func @transform_4(%arg0: i32) -> (i32, i32) {
    %c0_i32 = arith.constant 0 : i32
    %c0_i32_0 = arith.constant 0 : i32
    %c0_i32_1 = arith.constant 0 : i32
    return %c0_i32, %c0_i32_0 : i32, i32
  }
  func.func @transform_5(%arg0: i32) -> (i32, i32) {
    %c0_i32 = arith.constant 0 : i32
    %c0_i32_0 = arith.constant 0 : i32
    return %arg0, %c0_i32 : i32, i32
  }
}

module attributes {stable_mosaic.version = 14 : i64} {
  func.func @_mlp_body(%arg0: memref<64x128xf32, #tpu.memory_space<vmem>>, %arg1: memref<64x128xf32, #tpu.memory_space<vmem>>, %arg2: memref<128x128xf32, #tpu.memory_space<vmem>>, %arg3: memref<1x128xf32, #tpu.memory_space<vmem>>, %arg4: memref<128x128xf32, #tpu.memory_space<vmem>>, %arg5: memref<1x128xf32, #tpu.memory_space<vmem>>, %arg6: memref<64x128xf32, #tpu.memory_space<vmem>>) attributes {dimension_semantics = [], scalar_prefetch = 0 : i64, scratch_operands = 0 : i64, tpu.core_type = #tpu.core_type<tc>} {
    %get3A = arith.constant 0 : index
    %get3A_0 = arith.constant 0 : index
    %get3A_1 = vector.load %arg0[%get3A, %get3A_0] : memref<64x128xf32, #tpu.memory_space<vmem>>, vector<64x128xf32>
    %get3A_2 = arith.constant 0 : index
    %get3A_3 = arith.constant 0 : index
    %get3A_4 = vector.load %arg1[%get3A_2, %get3A_3] : memref<64x128xf32, #tpu.memory_space<vmem>>, vector<64x128xf32>
    %max3A = arith.constant 1.000000e+00 : f32
    %max3A_5 = vector.broadcast %max3A : f32 to vector<64x128xf32>
    %max3A_6 = arith.maximumf %get3A_4, %max3A_5 : vector<64x128xf32>
    %div3A = arith.divf %get3A_1, %max3A_6 : vector<64x128xf32>
    %gt3A = arith.constant 0.000000e+00 : f32
    %gt3A_7 = vector.broadcast %gt3A : f32 to vector<64x128xf32>
    %gt3A_8 = arith.cmpf ogt, %div3A, %gt3A_7 : vector<64x128xf32>
    %exp3A = math.exp %div3A : vector<64x128xf32>
    %sub3A = arith.constant 1.000000e+00 : f32
    %sub3A_9 = vector.broadcast %sub3A : f32 to vector<64x128xf32>
    %sub3A_10 = arith.subf %exp3A, %sub3A_9 : vector<64x128xf32>
    %mul3A = arith.constant 1.67326319 : f32
    %mul3A_11 = vector.broadcast %mul3A : f32 to vector<64x128xf32>
    %mul3A_12 = arith.mulf %mul3A_11, %sub3A_10 : vector<64x128xf32>
    %select_n3A = arith.select %gt3A_8, %div3A, %mul3A_12 : vector<64x128xi1>, vector<64x128xf32>
    %mul3A_13 = arith.constant 1.05070102 : f32
    %mul3A_14 = vector.broadcast %mul3A_13 : f32 to vector<64x128xf32>
    %mul3A_15 = arith.mulf %mul3A_14, %select_n3A : vector<64x128xf32>
    %get3A_16 = arith.constant 0 : index
    %get3A_17 = arith.constant 0 : index
    %get3A_18 = vector.load %arg2[%get3A_16, %get3A_17] : memref<128x128xf32, #tpu.memory_space<vmem>>, vector<128x128xf32>
    %dot_general3A = arith.constant dense<0.000000e+00> : vector<64x128xf32>
    %dot_general3A_19 = tpu.matmul %mul3A_15, %get3A_18, %dot_general3A {dimension_numbers = #tpu.dot_dimension_numbers<[1], [0], [0], [1], [0, 0, 1, 1], [], []>, transpose_lhs_hint = false} : vector<64x128xf32>, vector<128x128xf32>, vector<64x128xf32> -> vector<64x128xf32>
    %get3A_20 = arith.constant 0 : index
    %get3A_21 = arith.constant 0 : index
    %get3A_22 = vector.load %arg3[%get3A_20, %get3A_21] : memref<1x128xf32, #tpu.memory_space<vmem>>, vector<1x128xf32>
    %get3A_23 = vector.shape_cast %get3A_22 : vector<1x128xf32> to vector<128xf32>
    %broadcast_in_dim3A = vector.shape_cast %get3A_23 : vector<128xf32> to vector<1x128xf32>
    %add3A = vector.broadcast %broadcast_in_dim3A : vector<1x128xf32> to vector<64x128xf32>
    %add3A_24 = arith.addf %dot_general3A_19, %add3A : vector<64x128xf32>
    %gt3A_25 = arith.constant 0.000000e+00 : f32
    %gt3A_26 = vector.broadcast %gt3A_25 : f32 to vector<64x128xf32>
    %gt3A_27 = arith.cmpf ogt, %add3A_24, %gt3A_26 : vector<64x128xf32>
    %exp3A_28 = math.exp %add3A_24 : vector<64x128xf32>
    %sub3A_29 = arith.constant 1.000000e+00 : f32
    %sub3A_30 = vector.broadcast %sub3A_29 : f32 to vector<64x128xf32>
    %sub3A_31 = arith.subf %exp3A_28, %sub3A_30 : vector<64x128xf32>
    %mul3A_32 = arith.constant 1.67326319 : f32
    %mul3A_33 = vector.broadcast %mul3A_32 : f32 to vector<64x128xf32>
    %mul3A_34 = arith.mulf %mul3A_33, %sub3A_31 : vector<64x128xf32>
    %select_n3A_35 = arith.select %gt3A_27, %add3A_24, %mul3A_34 : vector<64x128xi1>, vector<64x128xf32>
    %mul3A_36 = arith.constant 1.05070102 : f32
    %mul3A_37 = vector.broadcast %mul3A_36 : f32 to vector<64x128xf32>
    %mul3A_38 = arith.mulf %mul3A_37, %select_n3A_35 : vector<64x128xf32>
    %get3A_39 = arith.constant 0 : index
    %get3A_40 = arith.constant 0 : index
    %get3A_41 = vector.load %arg4[%get3A_39, %get3A_40] : memref<128x128xf32, #tpu.memory_space<vmem>>, vector<128x128xf32>
    %dot_general3A_42 = arith.constant dense<0.000000e+00> : vector<64x128xf32>
    %dot_general3A_43 = tpu.matmul %mul3A_38, %get3A_41, %dot_general3A_42 {dimension_numbers = #tpu.dot_dimension_numbers<[1], [0], [0], [1], [0, 0, 1, 1], [], []>, transpose_lhs_hint = false} : vector<64x128xf32>, vector<128x128xf32>, vector<64x128xf32> -> vector<64x128xf32>
    %get3A_44 = arith.constant 0 : index
    %get3A_45 = arith.constant 0 : index
    %get3A_46 = vector.load %arg5[%get3A_44, %get3A_45] : memref<1x128xf32, #tpu.memory_space<vmem>>, vector<1x128xf32>
    %get3A_47 = vector.shape_cast %get3A_46 : vector<1x128xf32> to vector<128xf32>
    %broadcast_in_dim3A_48 = vector.shape_cast %get3A_47 : vector<128xf32> to vector<1x128xf32>
    %add3A_49 = vector.broadcast %broadcast_in_dim3A_48 : vector<1x128xf32> to vector<64x128xf32>
    %add3A_50 = arith.addf %dot_general3A_43, %add3A_49 : vector<64x128xf32>
    %iota3A = tpu.iota {dimensions = array<i32: 1>} : vector<64x128xi32>
    %lt3A = arith.constant 10 : i32
    %lt3A_51 = vector.broadcast %lt3A : i32 to vector<64x128xi32>
    %lt3A_52 = arith.cmpi slt, %iota3A, %lt3A_51 : vector<64x128xi32>
    %jit3A = arith.constant -1.000000e+30 : f32
    %broadcast_in_dim3A_53 = vector.broadcast %jit3A : f32 to vector<64x128xf32>
    %select_n3A_54 = arith.select %lt3A_52, %add3A_50, %broadcast_in_dim3A_53 : vector<64x128xi1>, vector<64x128xf32>
    %reduce_max3A = arith.constant dense<0xFF800000> : vector<64xf32>
    %reduce_max3A_55 = vector.multi_reduction <maximumf>, %select_n3A_54, %reduce_max3A [1] : vector<64x128xf32> to vector<64xf32>
    %broadcast_in_dim3A_56 = vector.shape_cast %reduce_max3A_55 : vector<64xf32> to vector<64x1xf32>
    %sub3A_57 = vector.broadcast %broadcast_in_dim3A_56 : vector<64x1xf32> to vector<64x128xf32>
    %sub3A_58 = arith.subf %select_n3A_54, %sub3A_57 : vector<64x128xf32>
    %exp3A_59 = math.exp %sub3A_58 : vector<64x128xf32>
    %reduce_sum3A = arith.constant dense<0.000000e+00> : vector<64xf32>
    %reduce_sum3A_60 = vector.multi_reduction <add>, %exp3A_59, %reduce_sum3A [1] : vector<64x128xf32> to vector<64xf32>
    %broadcast_in_dim3A_61 = vector.shape_cast %reduce_sum3A_60 : vector<64xf32> to vector<64x1xf32>
    %log3A = math.log %broadcast_in_dim3A_61 : vector<64x1xf32>
    %add3A_62 = arith.addf %log3A, %broadcast_in_dim3A_56 : vector<64x1xf32>
    %sub3A_63 = vector.broadcast %add3A_62 : vector<64x1xf32> to vector<64x128xf32>
    %sub3A_64 = arith.subf %select_n3A_54, %sub3A_63 : vector<64x128xf32>
    %swap3A = arith.constant 0 : index
    %swap3A_65 = arith.constant 0 : index
    %swap3A_66 = vector.load %arg6[%swap3A, %swap3A_65] : memref<64x128xf32, #tpu.memory_space<vmem>>, vector<64x128xf32>
    tpu.vector_store %arg6[%swap3A, %swap3A_65], %sub3A_64 {strides = array<i32>} : memref<64x128xf32, #tpu.memory_space<vmem>>, vector<64x128xf32>,
    return
  }
}

module attributes {stable_mosaic.version = 14 : i64} {
  func.func @_pool_body(%arg0: i32, %arg1: memref<400x128xf32, #tpu.memory_space<vmem>>, %arg2: memref<1x1x400xi32, #tpu.memory_space<vmem>>, %arg3: memref<64x128xf32, #tpu.memory_space<vmem>>, %arg4: memref<64x128xf32, #tpu.memory_space<vmem>>) attributes {dimension_semantics = [#tpu.dimension_semantics<arbitrary>], iteration_bounds = array<i64: 25>, scalar_prefetch = 0 : i64, scratch_operands = 0 : i64, tpu.core_type = #tpu.core_type<tc>, window_params = [{transform_indices = @transform_0, window_bounds = array<i64: 400, 128>}, {transform_indices = @transform_1, window_bounds = array<i64: 1, 1, 400>}, {pipeline_mode = #tpu.pipeline_mode<synchronous>, transform_indices = @transform_2, window_bounds = array<i64: 64, 128>}, {pipeline_mode = #tpu.pipeline_mode<synchronous>, transform_indices = @transform_3, window_bounds = array<i64: 64, 128>}]} {
    %eq3A = arith.constant 0 : i32
    %eq3A_0 = arith.cmpi eq, %arg0, %eq3A : i32
    %convert_element_type3A = arith.extui %eq3A_0 : i1 to i32
    %cond3A = arith.constant 0 : i32
    %cond3A_1 = arith.cmpi ne, %convert_element_type3A, %cond3A : i32
    scf.if %cond3A_1 {
      %broadcast_in_dim3A_30 = arith.constant 0.000000e+00 : f32
      %broadcast_in_dim3A_31 = vector.broadcast %broadcast_in_dim3A_30 : f32 to vector<64x128xf32>
      %swap3A_32 = arith.constant 0 : index
      %swap3A_33 = arith.constant 0 : index
      %swap3A_34 = vector.load %arg3[%swap3A_32, %swap3A_33] : memref<64x128xf32, #tpu.memory_space<vmem>>, vector<64x128xf32>
      tpu.vector_store %arg3[%swap3A_32, %swap3A_33], %broadcast_in_dim3A_31 {strides = array<i32>} : memref<64x128xf32, #tpu.memory_space<vmem>>, vector<64x128xf32>,
      %broadcast_in_dim3A_35 = arith.constant 0.000000e+00 : f32
      %broadcast_in_dim3A_36 = vector.broadcast %broadcast_in_dim3A_35 : f32 to vector<64x128xf32>
      %swap3A_37 = arith.constant 0 : index
      %swap3A_38 = arith.constant 0 : index
      %swap3A_39 = vector.load %arg4[%swap3A_37, %swap3A_38] : memref<64x128xf32, #tpu.memory_space<vmem>>, vector<64x128xf32>
      tpu.vector_store %arg4[%swap3A_37, %swap3A_38], %broadcast_in_dim3A_36 {strides = array<i32>} : memref<64x128xf32, #tpu.memory_space<vmem>>, vector<64x128xf32>,
    } else {
    }
    %get3A = arith.constant 0 : index
    %get3A_2 = arith.constant 0 : index
    %get3A_3 = arith.constant 0 : index
    %get3A_4 = vector.load %arg2[%get3A, %get3A_2, %get3A_3] : memref<1x1x400xi32, #tpu.memory_space<vmem>>, vector<1x1x400xi32>
    %get3A_5 = vector.shape_cast %get3A_4 : vector<1x1x400xi32> to vector<400xi32>
    %iota3A = tpu.iota {dimensions = array<i32: 1>} : vector<1x64xi32>
    %broadcast_in_dim3A = vector.shape_cast %get3A_5 : vector<400xi32> to vector<400x1xi32>
    %eq3A_6 = vector.broadcast %broadcast_in_dim3A : vector<400x1xi32> to vector<400x64xi32>
    %eq3A_7 = vector.broadcast %iota3A : vector<1x64xi32> to vector<400x64xi32>
    %eq3A_8 = arith.cmpi eq, %eq3A_6, %eq3A_7 : vector<400x64xi32>
    %convert_element_type3A_9 = arith.extui %eq3A_8 : vector<400x64xi1> to vector<400x64xi32>
    %convert_element_type3A_10 = arith.sitofp %convert_element_type3A_9 : vector<400x64xi32> to vector<400x64xf32>
    %get3A_11 = arith.constant 0 : index
    %get3A_12 = arith.constant 0 : index
    %get3A_13 = vector.load %arg3[%get3A_11, %get3A_12] : memref<64x128xf32, #tpu.memory_space<vmem>>, vector<64x128xf32>
    %get3A_14 = arith.constant 0 : index
    %get3A_15 = arith.constant 0 : index
    %get3A_16 = vector.load %arg1[%get3A_14, %get3A_15] : memref<400x128xf32, #tpu.memory_space<vmem>>, vector<400x128xf32>
    %dot_general3A = arith.constant dense<0.000000e+00> : vector<64x128xf32>
    %dot_general3A_17 = tpu.matmul %convert_element_type3A_10, %get3A_16, %dot_general3A {dimension_numbers = #tpu.dot_dimension_numbers<[0], [0], [1], [1], [0, 1, 1, 1], [], []>, transpose_lhs_hint = false} : vector<400x64xf32>, vector<400x128xf32>, vector<64x128xf32> -> vector<64x128xf32>
    %add3A = arith.addf %get3A_13, %dot_general3A_17 : vector<64x128xf32>
    %swap3A = arith.constant 0 : index
    %swap3A_18 = arith.constant 0 : index
    %swap3A_19 = vector.load %arg3[%swap3A, %swap3A_18] : memref<64x128xf32, #tpu.memory_space<vmem>>, vector<64x128xf32>
    tpu.vector_store %arg3[%swap3A, %swap3A_18], %add3A {strides = array<i32>} : memref<64x128xf32, #tpu.memory_space<vmem>>, vector<64x128xf32>,
    %get3A_20 = arith.constant 0 : index
    %get3A_21 = arith.constant 0 : index
    %get3A_22 = vector.load %arg4[%get3A_20, %get3A_21] : memref<64x128xf32, #tpu.memory_space<vmem>>, vector<64x128xf32>
    %reduce_sum3A = arith.constant dense<0.000000e+00> : vector<64xf32>
    %reduce_sum3A_23 = vector.multi_reduction <add>, %convert_element_type3A_10, %reduce_sum3A [0] : vector<400x64xf32> to vector<64xf32>
    %broadcast_in_dim3A_24 = vector.shape_cast %reduce_sum3A_23 : vector<64xf32> to vector<64x1xf32>
    %add3A_25 = vector.broadcast %broadcast_in_dim3A_24 : vector<64x1xf32> to vector<64x128xf32>
    %add3A_26 = arith.addf %get3A_22, %add3A_25 : vector<64x128xf32>
    %swap3A_27 = arith.constant 0 : index
    %swap3A_28 = arith.constant 0 : index
    %swap3A_29 = vector.load %arg4[%swap3A_27, %swap3A_28] : memref<64x128xf32, #tpu.memory_space<vmem>>, vector<64x128xf32>
    tpu.vector_store %arg4[%swap3A_27, %swap3A_28], %add3A_26 {strides = array<i32>} : memref<64x128xf32, #tpu.memory_space<vmem>>, vector<64x128xf32>,
    return
  }
  func.func @transform_0(%arg0: i32) -> (i32, i32) {
    %c0_i32 = arith.constant 0 : i32
    %c0_i32_0 = arith.constant 0 : i32
    return %arg0, %c0_i32 : i32, i32
  }
  func.func @transform_1(%arg0: i32) -> (i32, i32, i32) {
    %c0_i32 = arith.constant 0 : i32
    %c0_i32_0 = arith.constant 0 : i32
    %c0_i32_1 = arith.constant 0 : i32
    return %arg0, %c0_i32, %c0_i32_0 : i32, i32, i32
  }
  func.func @transform_2(%arg0: i32) -> (i32, i32) {
    %c0_i32 = arith.constant 0 : i32
    %c0_i32_0 = arith.constant 0 : i32
    %c0_i32_1 = arith.constant 0 : i32
    return %c0_i32, %c0_i32_0 : i32, i32
  }
  func.func @transform_3(%arg0: i32) -> (i32, i32) {
    %c0_i32 = arith.constant 0 : i32
    %c0_i32_0 = arith.constant 0 : i32
    %c0_i32_1 = arith.constant 0 : i32
    return %c0_i32, %c0_i32_0 : i32, i32
  }
}

</mosaic_0001>

<sc_bundles>
// kernel: kernel.10.cloned.1.call-start
scs
__scs_entry_jumppad:
0x0: {  	(pc) =	sbr.rel $0x88, $3  }
0x1: {  	(tag) =	ssettag $0x0;
	lr =	simm.s32 $0x1  }
0x2: {  	[smem:$0x3F92] =	sst lr;
	_ =	strace $0xD0000000  }
0x3: {  	_ = 	snop  }
0x4: {  	_ = 	snop  }
0x5: {  	_ = 	snop  }
0x6: {  	_ = 	snop  }
0x7: {  	_ = 	snop  }
__scs_overlays_trampoline_lowered:
0x8: {  	[smem:$0x3FA1] =	sst s0  }
0x9: {  	[smem:$0x3FA2] =	sst s1  }
0xa: {  	[smem:$0x3FA3] =	sst s2  }
0xb: {  	[smem:$0x3FA4] =	sst s3  }
0xc: {  	[smem:$0x3FA5] =	sst s4  }
0xd: {  	[smem:$0x3FA6] =	sst s5  }
0xe: {  	[smem:$0x3FA7] =	sst s6  }
0xf: {  	[smem:$0x3FA8] =	sst s7  }
0x10: {  	[smem:$0x3FA9] =	sst s8  }
0x11: {  	[smem:$0x3FAA] =	sst s9;
	s0 =	simm.s32 @!p0 $0x0  }
0x12: {  	s1 =	sld [smem:$0x3F90];
	s0 =	simm.s32 @p0 $0x1  }
0x13: {  	[smem:$0x3FAB] =	sst s0;
	s0 =	simm.s32 @!p1 $0x0  }
0x14: {  	s2 =	sld [smem:$0x3F8F];
	s0 =	simm.s32 @p1 $0x1  }
0x15: {  	[smem:$0x3FAC] =	sst s0;
	s0 =	simm.s32 @!p2 $0x0  }
0x16: {  	s3 =	sld [smem:$0x3FDB];
	s0 =	simm.s32 @p2 $0x1  }
0x17: {  	s4 =	simm.s32 $0x1BF5;
	[smem:$0x3FAE] =	sst s0  }
0x18: {  	s0 =	sld [smem:$0x3F91];
	_ =	swait.ge [sflag:s4], $0x0  }
0x19: {  	s7 =	sld [smem:$0x3F92]  }
0x1a: {  	s8 =	sadd.s32 $0xFFFFE003, lr  }
0x1b: {  	s9 =	sadd.s32 $0xFFFFFEF7, lr;
	s5 =	simm.s32 $0xFFFFFFFF;
	p2 =	slt.u32 s8, $0xFFFFF086  }
0x1c: {  	p1 =	slt.u32 s9, $0xF7A;
	s5 =	simm.s32 @!p2 $0x0  }
0x1d: {  	s5 =	simm.s32 @p1 $0x1;
	p0 =	seq.s32 s7, s2  }
0x1e: {  	s7 =	smul.u32 @!p0 $0xF7A, s2;
	p2 =	seq.s32 @!p0 s5, $0x0  }
0x1f: {  	s9 =	smul.u32 $0xF7A, s1;
	s8 =	simm.s32 @!p0 $0x1BF5;
	p2 =	por !p2, p0  }
0x20: {  	[sflag:s8] =	ssyncset.s32 @!p0 $0xFFFFF086;
	s6 =	sadd.s32 @!p0 s3, s7;
	s7 =	simm.s32 @!p0 $0x108  }
0x21: {  	s3 =	sadd.s32 s3, s9;
	s6 =	sadd.s32 @!p0 $0x88, s6;
	s7 =	simm.s32 @p2 $0x1082  }
0x22: {  	[simem:s7], [sflag:s8] =	dma.local @!p0 [hbm:s6], $0xF7A  }
0x23: {  	s9 =	sor.u32 $0xD0000000, s2;
	s6 =	simm.s32 $0x108;
	_ =	swait.ge @!p0 [sflag:s8], $0x0  }
0x24: {  	s3 =	sadd.s32 $0x88, s3;
	s6 =	simm.s32 @!p1 $0x1082;
	[sflag:s4] =	ssyncset.s32 $0xFFFFF086  }
0x25: {  	[simem:s6], [sflag:s4] =	dma.local [hbm:s3], $0xF7A  }
0x26: {  	[smem:$0x3F92] =	sst s1;
	(tag) =	ssettag s2;
	_ =	strace s9  }
0x27: {  	s1 =	sld [smem:$0x3FA2]  }
0x28: {  	s2 =	sld [smem:$0x3FA3]  }
0x29: {  	s4 =	sld [smem:$0x3FA5]  }
0x2a: {  	p0 =	seq.s32 s5, $0x0;
	s5 =	sld [smem:$0x3FA6]  }
0x2b: {  	s6 =	sld [smem:$0x3FA7]  }
0x2c: {  	s7 =	sld [smem:$0x3FA8]  }
0x2d: {  	s3 =	simm.s32 $0x108;
	s8 =	sld [smem:$0x3FA9]  }
0x2e: {  	s3 =	simm.s32 @!p0 $0x1082;
	s9 =	sld [smem:$0x3FAA]  }
0x2f: {  	lr =	sadd.s32 s0, s3;
	s0 =	sld [smem:$0x3FA1]  }
0x30: {  	s3 =	sld [smem:$0x3FA4]  }
0x31: {  	[smem:$0x3FAD] =	sst s10  }
0x32: {  	s10 =	sld [smem:$0x3FAB];
	_ =	sdelay $0x3  }
0x33: {  	p0 =	seq.s32 s10, $0x1;
	s10 =	sld [smem:$0x3FAD];
	_ =	sdelay $0x3  }
0x34: {  	[smem:$0x3FAD] =	sst s10  }
0x35: {  	s10 =	sld [smem:$0x3FAC];
	_ =	sdelay $0x3  }
0x36: {  	p1 =	seq.s32 s10, $0x1;
	s10 =	sld [smem:$0x3FAD];
	_ =	sdelay $0x3  }
0x37: {  	[smem:$0x3FAD] =	sst s10  }
0x38: {  	s10 =	sld [smem:$0x3FAE]  }
0x39: {  	_ = 	snop;
	(pc) =	sbr.ind lr, $3  }
0x3a: {  	_ = 	snop  }
0x3b: {  	_ = 	snop  }
0x3c: {  	p2 =	seq.s32 s10, $0x1;
	s10 =	sld [smem:$0x3FAD]  }
0x3d: {  	_ =	shalt  }
0x3e: {  	_ =	shalt  }
0x3f: {  	_ =	shalt  }
0x40: {  	_ =	shalt  }
0x41: {  	_ =	shalt  }
0x42: {  	_ =	shalt  }
0x43: {  	_ =	shalt  }
0x44: {  	_ =	shalt  }
0x45: {  	_ =	shalt  }
0x46: {  	_ =	shalt  }
0x47: {  	_ =	shalt  }
0x48: {  	_ =	shalt  }
0x49: {  	_ =	shalt  }
0x4a: {  	_ =	shalt  }
0x4b: {  	_ =	shalt  }
0x4c: {  	_ =	shalt  }
0x4d: {  	_ =	shalt  }
0x4e: {  	_ =	shalt  }
0x4f: {  	_ =	shalt  }
0x50: {  	_ =	shalt  }
0x51: {  	_ =	shalt  }
0x52: {  	_ =	shalt  }
0x53: {  	_ =	shalt  }
0x54: {  	_ =	shalt  }
0x55: {  	_ =	shalt  }
0x56: {  	_ =	shalt  }
0x57: {  	_ =	shalt  }
0x58: {  	_ =	shalt  }
0x59: {  	_ =	shalt  }
0x5a: {  	_ =	shalt  }
0x5b: {  	_ =	shalt  }
0x5c: {  	_ =	shalt  }
0x5d: {  	_ =	shalt  }
0x5e: {  	_ =	shalt  }
0x5f: {  	_ =	shalt  }
0x60: {  	_ =	shalt  }
0x61: {  	_ =	shalt  }
0x62: {  	_ =	shalt  }
0x63: {  	_ =	shalt  }
0x64: {  	_ =	shalt  }
0x65: {  	_ =	shalt  }
0x66: {  	_ =	shalt  }
0x67: {  	_ =	shalt  }
0x68: {  	_ =	shalt  }
0x69: {  	_ =	shalt  }
0x6a: {  	_ =	shalt  }
0x6b: {  	_ =	shalt  }
0x6c: {  	_ =	shalt  }
0x6d: {  	_ =	shalt  }
0x6e: {  	_ =	shalt  }
0x6f: {  	_ =	shalt  }
0x70: {  	_ =	shalt  }
0x71: {  	_ =	shalt  }
0x72: {  	_ =	shalt  }
0x73: {  	_ =	shalt  }
0x74: {  	_ =	shalt  }
0x75: {  	_ =	shalt  }
0x76: {  	_ =	shalt  }
0x77: {  	_ =	shalt  }
0x78: {  	_ =	shalt  }
0x79: {  	_ =	shalt  }
0x7a: {  	_ =	shalt  }
0x7b: {  	_ =	shalt  }
0x7c: {  	_ =	shalt  }
0x7d: {  	_ =	shalt  }
0x7e: {  	_ =	shalt  }
0x7f: {  	_ =	shalt  }
0x80: {  	_ =	shalt  }
0x81: {  	_ =	shalt  }
0x82: {  	_ =	shalt  }
0x83: {  	_ =	shalt  }
0x84: {  	_ =	shalt  }
0x85: {  	_ =	shalt  }
0x86: {  	_ =	shalt  }
0x87: {  	_ =	shalt  }
.Lfunc_end0:
.L_simem_size_0:
called_computation_lowered:
.L_overlay_start_0:
0x88: {  	s2 =	sld [smem:$0x3FD9]  }
0x89: {  	s3 =	sld [smem:$0x3FFE];
	_ =	sdelay $0x1  }
0x8a: {  	s1 =	srdreg.scid  }
0x8b: {  	s0 =	sand.u32 $0x1, s1  }
0x8c: {  	s16 =	sshll.u32 s0, $0xA;
	s2 =	sadd.s32 s3, s2  }
0x8d: {  	s2 =	sadd.s32 s2, s16  }
0x8e: {  	[smem:$0x3FB9] =	sst s2  }
0x8f: {  	_ = 	snop  }
0x90: {  	(tm) =	ssettm $0x1  }
0x91: {  	s17 =	sld [smem:$0x3FFB];
	_ =	sdelay $0x3  }
0x92: {  	_ =	strace s17  }
0x93: {  	s2 =	sld [smem:$0x3FFC];
	_ =	sdelay $0x3  }
0x94: {  	_ =	strace s2  }
0x95: {  	s2 =	sld [smem:$0x3FFD];
	_ =	sdelay $0x3  }
0x96: {  	_ =	strace s2  }
0x97: {  	_ =	strace $0x8FFFFFFF  }
0x98: {  	s18 =	sld [smem:$0x3FDB];
	_ =	sdelay $0x1  }
0x99: {  	s19 =	simm.s32 $_scs_section_size  }
0x9a: {  	s4 =	simm.s32 $_size__tile_overlayer_lowered;
	s5 =	simm.s32 $_tile_overlayer_lowered  }
0x9b: {  	s22 =	simm.s32 $0x1BFF;
	s21 =	sshll.u32 s5, $0x1;
	s2 =	sadd.s32 s19, s18  }
0x9c: {  	s6 =	simm.s32 $0x0;
	s20 =	sshll.u32 s4, $0x1;
	s4 =	sadd.s32 s21, s2  }
0x9d: {  	[timem:s6], [sflag:s22] =	dma.local [hbm:s4], s20  }
0x9e: {  	_ =	swait.ge [sflag:s22], s20  }
0x9f: {  	s3 =	ssub.s32 $0x0, s20;
	[sflag:s22] =	ssyncset.done $0x0  }
0xa0: {  	[sflag:s22] =	ssyncadd.s32 s3;
	_ =	sdelay $0x1  }
0xa1: {  	s23 =	simm.s32 $0x1B8B  }
0xa2: {  	_ =	swait.ge [sflag:s23], $0x1  }
0xa3: {  	[sflag:s23] =	ssyncset.done $0x0  }
0xa4: {  	s25 =	simm.s32 $0x1B8E;
	s24 =	sld [smem:$0x3FFE];
	[sflag:s23] =	ssyncadd.s32 $0xFFFFFFFF  }
0xa5: {  	s26 =	simm.s32 $execute0_lowered;
	[smem:$0x3FD2] =	sst s25  }
0xa6: {  	s4 =	sshll.u32 s26, $0x1;
	_ =	strace $0x80000046;
	[dreg:$0x1] =	wrdreg $0xFFFFFFFF  }
0xa7: {  	s28 =	simm.s32 $_size_execute0_lowered;
	s2 =	sadd.s32 s2, s4;
	[dreg:$0x0] =	wrdreg $0x0  }
0xa8: {  	s4 =	sshll.u32 s28, $0x1;
	[dreg:$0x2] =	wrdreg s2  }
0xa9: {  	[dreg:$0x3] =	wrdreg s4  }
0xaa: {  	[dreg:$0x4] =	wrdreg $0xC0  }
0xab: {  	_ =	task [dreg:s6], $0x5FFFF  }
0xac: {  	[dreg:$0x1] =	wrdreg $0xFFFFFFFF  }
0xad: {  	[dreg:$0x0] =	wrdreg $0x60  }
0xae: {  	[dreg:$0x2] =	wrdreg s24  }
0xaf: {  	[dreg:$0x3] =	wrdreg $0x0  }
0xb0: {  	[dreg:$0x4] =	wrdreg $0x140000  }
0xb1: {  	[dreg:$0x5] =	wrdreg $0x9  }
0xb2: {  	_ =	task.clear_ibuf [dreg:s6], $0x6FFFF;
	_ =	strace $0x90000046  }
0xb3: {  	s29 =	simm.s32 $0x9;
	_ =	strace $0x80000048  }
0xb4: {  	_ =	swait.ge [sflag:s29], $0x1  }
0xb5: {  	[sflag:s29] =	ssyncadd.s32 $0xFFFFFFFF  }
0xb6: {  	_ =	strace $0x90000048  }
0xb7: {  	_ =	sfence  }
0xb8: {  	s30 =	sld [smem:$0x0];
	_ =	sdelay $0x2  }
0xb9: {  	s31 =	sshll.u32 s1, $0xD;
	s1 =	sshrl.u32 s1, $0x2  }
0xba: {  	s3 =	sand.u32 $0x4000, s31;
	s1 =	sadd.s32 s1, s30  }
0xbb: {  	s0 =	sor.u32 s3, s0;
	s1 =	sshll.u32 s1, $0x11  }
0xbc: {  	s0 =	sor.u32 s1, s0  }
0xbd: {  	s0 =	sadd.s32 $0x8F2B, s0  }
0xbe: {  	[sflag:s0] =	ssyncadd.remote.s32 $0x1  }
0xbf: {  	_ =	sfence.sel $0xFFFF  }
0xc0: {  	[dreg:$0x0] =	wrdreg $0xFFFFFFFF;
	(pc) =	sbr.abs _section_cstart, $3  }
0xc1: {  	[dreg:$0x1] =	wrdreg $0xFFFFFFFF  }
0xc2: {  	_ =	task.clear_ibuf [dreg:s6], $0x2FFFF;
	_ =	strace $0x9FFFFFFF  }
0xc3: {  	(tm) =	ssettm $0x7FFFFFFF  }
tec
execute0_lowered:
.L_overlay_start_1:
0x0: {  	(tag) =	ssettag $0x1  }
0x1: {  	s0 =	rddreg [dreg:$0x0]  }
0x2: {  	s1 =	rddreg [dreg:$0x1]  }
0x3: {  	s2 =	rddreg [dreg:$0x2];
	s3 =	srdreg.scid  }
0x4: {  	s5 =	simm.s32 $0x0;
	s13 =	stileid.u32;
	s20 =	simm.s32 $0x14280  }
0x5: {  	s28 =	simm.s32 $0x50;
	s29 =	simm.s32 $0x19280;
	s30 =	simm.s32 $0x1  }
0x6: {  	s31 =	simm.s32 $0x1BA80;
	s3 =	sand.u32 $0x1, s3;
	s6 =	smul.u32 $0x14000, s13  }
0x7: {  	[smem:$0x7FF] =	sst s5;
	s7 =	sshrl.u32 s13, $0x3;
	s25 =	smul.u32 $0x50000, s13  }
0x8: {  	s11 =	sshll.u32 s13, $0x7;
	s12 =	sshll.u32 s13, $0x1;
	s13 =	smul.u32 $0xA00, s13  }
0x9: {  	s8 =	sadd.s32 $0x29400, s0;
	s21 =	sadd.s32 $0x28E00, s0;
	s4 =	smul.u32 $0x140000, s3  }
0xa: {  	_ =	strace $0x80000047;
	s9 =	smul.u32 $0x2800, s3;
	[dreg:$0x4] =	wrdreg s8  }
0xb: {  	s5 =	sadd.s32 $0x1C00, s0;
	s10 =	smul.u32 $0x1400, s7;
	[dreg:$0x5] =	wrdreg s21  }
0xc: {  	s8 =	sadd.s32 $0x33800, s0;
	s23 =	sand.u32 $0x380, s11;
	s24 =	ssub.s32 $0x2, s3  }
0xd: {  	s3 =	sor.u32 s3, s12;
	s21 =	simm.s32 $0x2;
	s26 =	sshrl.u32 s24, $0x1  }
0xe: {  	s11 =	sshrl.u32 s25, $0x2;
	s15 =	sshrl.u32 s13, $0x2;
	s16 =	smul.u32 $0x2710, s3  }
0xf: {  	s25 =	simm.s32 $0x19180;
	s4 =	sadd.s32 s6, s4;
	s22 =	sadd.s32 s9, s10  }
0x10: {  	s9 =	sadd.s32 $0x29A00, s0;
	s10 =	sadd.s32 s11, s1;
	s15 =	sadd.s32 s15, s2  }
0x11: {  	s4 =	sshrl.u32 s4, $0x3;
	s6 =	sor.u32 s23, s22;
	s11 =	sadd.s32 $0x4000, s10  }
0x12: {  	s12 =	sadd.s32 $0x8000, s10;
	s13 =	sadd.s32 $0xC000, s10;
	s14 =	sadd.s32 $0x10000, s10  }
0x13: {  	s22 =	simm.s32 $0x16A00;
	s23 =	simm.s32 $0x1BB00;
	s6 =	sshrl.u32 s6, $0x3  }
0x14: {  	s4 =	sadd.s32 s4, s0;
	s0 =	sadd.s32 s6, s0;
	s6 =	ssub.s32 s24, s26  }
0x15: {  	s17 =	sadd.s32 $0x3E000, s4;
	s26 =	simm.s32 $0x19200;
	s24 =	simm.s32 $0x0  }
0x16: {  	v0 =	vimm.f32 $0.0e+00;
	s18 =	sadd.s32 $0x3D600, s0;
	s19 =	smax.u32 s6, $0x1;
	s0 =	simm.s32 $0x0  }
.LBB2_1:
0x17: {  	s3 =	simm.s32 $0x0;
	s4 =	rddreg [dreg:$0x4]  }
0x18: {  	[tilespmem:s20], [sflag:$0x2] =	stream.linear.gather [hbm4b:s4+s3], $0x2780, $0x38;
	[tilespmem:$0x1FD80] =	vst v63  }
0x19: {  	_ =	swait.ge [sflag:s21], $0x2780  }
0x1a: {  	[sflag:s21] =	ssyncset.done $0x0  }
0x1b: {  	s7 =	rddreg [dreg:$0x5];
	[sflag:s21] =	ssyncadd.s32 $0xFFFFD880  }
0x1c: {  	[tilespmem:s22], [sflag:$0x2] =	stream.linear.gather [hbm4b:s7+s3], $0x2780, $0x38;
	[tilespmem:$0x1FD80] =	vst v63  }
0x1d: {  	_ =	swait.ge [sflag:s21], $0x2780  }
0x1e: {  	[sflag:s21] =	ssyncset.done $0x0  }
0x1f: {  	s4 =	simm.s32 $0x200;
	s3 =	simm.s32 $0x0;
	[sflag:s21] =	ssyncadd.s32 $0xFFFFD880  }
.LBB2_2:
0x20: {  	p0 =	sne.s32 s4, $0xFE00;
	[tilespmem:s3+$0x1BB70] =	vst v0  }
0x21: {  	[tilespmem:s3+$0x1BB00] =	vst v0  }
0x22: {  	[tilespmem:s3+$0x1BB10] =	vst v0  }
.Ltmp0:
0x23: {  	[tilespmem:s3+$0x1BB20] =	vst v0;
	(pc) =	sbr.rel @p0 .LBB2_2-.Ltmp0, $4  }
0x24: {  	[tilespmem:s3+$0x1BB30] =	vst v0  }
0x25: {  	[tilespmem:s3+$0x1BB40] =	vst v0  }
0x26: {  	[tilespmem:s3+$0x1BB50] =	vst v0  }
0x27: {  	[tilespmem:s3+$0x1BB60] =	vst v0;
	s3 =	sshra.s32 s4, $0x2;
	s4 =	sadd.s32 $0x200, s4  }
0x28: {  	[tilespmem:s3+$0x1BB70] =	vst v0  }
0x29: {  	[tilespmem:s3+$0x1BB00] =	vst v0  }
0x2a: {  	[tilespmem:s3+$0x1BB10] =	vst v0  }
0x2b: {  	[tilespmem:s3+$0x1BB20] =	vst v0  }
0x2c: {  	[tilespmem:s3+$0x1BB30] =	vst v0  }
0x2d: {  	[tilespmem:s3+$0x1BB40] =	vst v0  }
0x2e: {  	[tilespmem:s3+$0x1BB50] =	vst v0  }
0x2f: {  	[tilespmem:s3+$0x1BB60] =	vst v0  }
0x30: {  	[tilespmem:$0x1FB00] =	vst v0  }
0x31: {  	[tilespmem:$0x1FB10] =	vst v0  }
0x32: {  	[tilespmem:$0x1FB20] =	vst v0  }
0x33: {  	[tilespmem:$0x1FB30] =	vst v0  }
0x34: {  	[tilespmem:$0x1FB40] =	vst v0  }
0x35: {  	[tilespmem:$0x1FB50] =	vst v0  }
0x36: {  	[tilespmem:$0x1FB60] =	vst v0  }
0x37: {  	[tilespmem:$0x1FB70] =	vst v0  }
0x38: {  	[tilespmem:$0x1FB80] =	vst v0  }
0x39: {  	[tilespmem:$0x1FB90] =	vst v0  }
0x3a: {  	[tilespmem:$0x1FBA0] =	vst v0  }
0x3b: {  	[tilespmem:$0x1FBB0] =	vst v0  }
0x3c: {  	[tilespmem:$0x1FBC0] =	vst v0  }
0x3d: {  	[tilespmem:$0x1FBD0] =	vst v0  }
0x3e: {  	[tilespmem:$0x1FBE0] =	vst v0  }
0x3f: {  	[tilespmem:$0x1FBF0] =	vst v0  }
0x40: {  	[tilespmem:$0x1FC00] =	vst v0  }
0x41: {  	[tilespmem:$0x1FC10] =	vst v0  }
0x42: {  	[tilespmem:$0x1FC20] =	vst v0  }
0x43: {  	[tilespmem:$0x1FC30] =	vst v0  }
0x44: {  	[tilespmem:$0x1FC40] =	vst v0  }
0x45: {  	[tilespmem:$0x1FC50] =	vst v0  }
0x46: {  	[tilespmem:$0x1FC60] =	vst v0  }
0x47: {  	[tilespmem:$0x1FC70] =	vst v0  }
0x48: {  	[tilespmem:$0x1FC80] =	vst v0  }
0x49: {  	[tilespmem:$0x1FC90] =	vst v0  }
0x4a: {  	[tilespmem:$0x1FCA0] =	vst v0  }
0x4b: {  	[tilespmem:$0x1FCB0] =	vst v0  }
0x4c: {  	[tilespmem:$0x1FCC0] =	vst v0  }
0x4d: {  	[tilespmem:$0x1FCD0] =	vst v0  }
0x4e: {  	[tilespmem:$0x1FCE0] =	vst v0  }
0x4f: {  	[tilespmem:$0x1FCF0] =	vst v0  }
0x50: {  	[tilespmem:$0x1FD00] =	vst v0  }
0x51: {  	[tilespmem:$0x1FD10] =	vst v0  }
0x52: {  	[tilespmem:$0x1FD20] =	vst v0  }
0x53: {  	[tilespmem:$0x1FD30] =	vst v0  }
0x54: {  	[tilespmem:$0x1FD40] =	vst v0  }
0x55: {  	[tilespmem:$0x1FD50] =	vst v0  }
0x56: {  	[tilespmem:$0x1FD60] =	vst v0  }
0x57: {  	[tilespmem:$0x1FD70] =	vst v0  }
0x58: {  	[spmem:s10] =	stream.linear.scatter [tilespmem:s23], [sflag:$0x2], $0x4000, $0x38;
	[tilespmem:$0x1FD80] =	vst v63  }
0x59: {  	_ =	swait.ge [sflag:s21], $0x4000  }
0x5a: {  	[sflag:s21] =	ssyncset.done $0x0  }
0x5b: {  	[sflag:s21] =	ssyncadd.s32 $0xFFFFC000  }
0x5c: {  	[spmem:s11] =	stream.linear.scatter [tilespmem:s23], [sflag:$0x2], $0x4000, $0x38;
	[tilespmem:$0x1FD80] =	vst v63  }
0x5d: {  	_ =	swait.ge [sflag:s21], $0x4000  }
0x5e: {  	[sflag:s21] =	ssyncset.done $0x0  }
0x5f: {  	[sflag:s21] =	ssyncadd.s32 $0xFFFFC000  }
0x60: {  	[spmem:s12] =	stream.linear.scatter [tilespmem:s23], [sflag:$0x2], $0x4000, $0x38;
	[tilespmem:$0x1FD80] =	vst v63  }
0x61: {  	_ =	swait.ge [sflag:s21], $0x4000  }
0x62: {  	[sflag:s21] =	ssyncset.done $0x0  }
0x63: {  	[sflag:s21] =	ssyncadd.s32 $0xFFFFC000  }
0x64: {  	[spmem:s13] =	stream.linear.scatter [tilespmem:s23], [sflag:$0x2], $0x4000, $0x38;
	[tilespmem:$0x1FD80] =	vst v63  }
0x65: {  	_ =	swait.ge [sflag:s21], $0x4000  }
0x66: {  	[sflag:s21] =	ssyncset.done $0x0  }
0x67: {  	[sflag:s21] =	ssyncadd.s32 $0xFFFFC000  }
0x68: {  	[spmem:s14] =	stream.linear.scatter [tilespmem:s23], [sflag:$0x2], $0x4000, $0x38;
	[tilespmem:$0x1FD80] =	vst v63  }
0x69: {  	_ =	swait.ge [sflag:s21], $0x4000  }
0x6a: {  	[sflag:s21] =	ssyncset.done $0x0  }
0x6b: {  	s7 =	simm.s32 $0x1FB00;
	[sflag:s21] =	ssyncadd.s32 $0xFFFFC000  }
0x6c: {  	[spmem:s15] =	stream.linear.scatter [tilespmem:s7], [sflag:$0x2], $0x280, $0x38;
	[tilespmem:$0x1FD80] =	vst v63  }
0x6d: {  	_ =	swait.ge [sflag:s21], $0x280  }
0x6e: {  	[sflag:s21] =	ssyncset.done $0x0  }
0x6f: {  	[sflag:s21] =	ssyncadd.s32 $0xFFFFFD80  }
0x70: {  	s3 =	simm.s32 $0x0;
	[bflag:$0x0] =	sbarrier.arrive $0xFFFF  }
.LBB2_4:
0x71: {  	s4 =	smul.u32 $0x50, s3;
	_ =	sdelay $0x1  }
0x72: {  	s4 =	sadd.s32 s16, s4  }
0x73: {  	s4 =	sshrl.u32 s4, $0x3  }
0x74: {  	s6 =	sadd.s32 s8, s4  }
0x75: {  	[tilespmem:s25], [sflag:$0x2] =	stream.linear.gather [hbm4b:s6+s24], $0x50, $0x38;
	[tilespmem:$0x1FD80] =	vst v63  }
0x76: {  	_ =	swait.ge [sflag:s21], $0x50  }
0x77: {  	[sflag:s21] =	ssyncset.done $0x0  }
0x78: {  	s4 =	sadd.s32 s9, s4;
	[sflag:s21] =	ssyncadd.s32 $0xFFFFFFB0  }
0x79: {  	[tilespmem:s26], [sflag:$0x2] =	stream.linear.gather [hbm4b:s4+s24], $0x50, $0x38;
	[tilespmem:$0x1FD80] =	vst v63  }
0x7a: {  	_ =	swait.ge [sflag:s21], $0x50  }
0x7b: {  	[sflag:s21] =	ssyncset.done $0x0  }
0x7c: {  	[sflag:s21] =	ssyncadd.s32 $0xFFFFFFB0  }
0x7d: {  	[tilespmem:s29], [sflag:$0x1] =	stream.indirect.gather [hbm4b:s5+s28], $0x80, s25, s28, $0xb8;
	[tilespmem:$0x1FD80] =	vst v63  }
0x7e: {  	_ =	swait.ge [sflag:s30], $0x2800  }
0x7f: {  	[sflag:s30] =	ssyncset.done $0x0  }
0x80: {  	[sflag:s30] =	ssyncadd.s32 $0xFFFFD800  }
0x81: {  	v1 =	vld [tilespmem:$0x19180]  }
0x82: {  	v2 =	vld [tilespmem:$0x19200];
	_ =	sdelay $0x6  }
0x83: {  	v1 =	vld.idx.msk [tilespmem:v1+s20+$0x0], $0xffff  }
0x84: {  	v2 =	vld.idx.msk [tilespmem:v2+s22+$0x0], $0xffff;
	_ =	sdelay $0x4  }
0x85: {  	v1 =	vadd.f32 v2, v1;
	_ =	sdelay $0x1  }
0x86: {  	v2 =	vmul.f32 $2.000000030e-01, v1  }
0x87: {  	vm0 =	vge.f32 v1, $0.0e+00  }
0x88: {  	v1 =	vsel vm0, v1, v2  }
0x89: {  	v1 =	vmul.f32 $1.442695020e+00, v1;
	_ =	sdelay $0x1  }
0x8a: {  	(erf) = vpow2.f32 v1;
	_ =	sdelay $0x2  }
0x8b: {  	v1 =	vld [tilespmem:$0x19190]  }
0x8c: {  	v2 =	vld [tilespmem:$0x19210];
	_ =	sdelay $0x4  }
0x8d: {  	v3 =	vpop (erf)  }
0x8e: {  	[tilespmem:$0x1BA80] =	vst v3  }
0x8f: {  	v1 =	vld.idx.msk [tilespmem:v1+s20+$0x0], $0xffff  }
0x90: {  	v2 =	vld.idx.msk [tilespmem:v2+s22+$0x0], $0xffff;
	_ =	sdelay $0x4  }
0x91: {  	v1 =	vadd.f32 v2, v1;
	_ =	sdelay $0x1  }
0x92: {  	v2 =	vmul.f32 $2.000000030e-01, v1  }
0x93: {  	vm12 =	vge.f32 v1, $0.0e+00  }
0x94: {  	v1 =	vsel vm12, v1, v2  }
0x95: {  	v1 =	vmul.f32 $1.442695020e+00, v1;
	_ =	sdelay $0x1  }
0x96: {  	(erf) = vpow2.f32 v1;
	_ =	sdelay $0x2  }
0x97: {  	v1 =	vld [tilespmem:$0x191A0]  }
0x98: {  	v2 =	vld [tilespmem:$0x19220];
	_ =	sdelay $0x4  }
0x99: {  	v3 =	vpop (erf)  }
0x9a: {  	[tilespmem:$0x1BA90] =	vst v3  }
0x9b: {  	v1 =	vld.idx.msk [tilespmem:v1+s20+$0x0], $0xffff  }
0x9c: {  	v2 =	vld.idx.msk [tilespmem:v2+s22+$0x0], $0xffff;
	_ =	sdelay $0x4  }
0x9d: {  	v1 =	vadd.f32 v2, v1;
	_ =	sdelay $0x1  }
0x9e: {  	v2 =	vmul.f32 $2.000000030e-01, v1  }
0x9f: {  	vm13 =	vge.f32 v1, $0.0e+00  }
0xa0: {  	v1 =	vsel vm13, v1, v2  }
0xa1: {  	v1 =	vmul.f32 $1.442695020e+00, v1;
	_ =	sdelay $0x1  }
0xa2: {  	(erf) = vpow2.f32 v1;
	_ =	sdelay $0x2  }
0xa3: {  	v1 =	vld [tilespmem:$0x191B0]  }
0xa4: {  	v2 =	vld [tilespmem:$0x19230];
	_ =	sdelay $0x4  }
0xa5: {  	v3 =	vpop (erf)  }
0xa6: {  	[tilespmem:$0x1BAA0] =	vst v3  }
0xa7: {  	v1 =	vld.idx.msk [tilespmem:v1+s20+$0x0], $0xffff  }
0xa8: {  	v2 =	vld.idx.msk [tilespmem:v2+s22+$0x0], $0xffff;
	_ =	sdelay $0x4  }
0xa9: {  	v1 =	vadd.f32 v2, v1;
	_ =	sdelay $0x1  }
0xaa: {  	v2 =	vmul.f32 $2.000000030e-01, v1  }
0xab: {  	vm14 =	vge.f32 v1, $0.0e+00  }
0xac: {  	v1 =	vsel vm14, v1, v2  }
0xad: {  	v1 =	vmul.f32 $1.442695020e+00, v1;
	_ =	sdelay $0x1  }
0xae: {  	(erf) = vpow2.f32 v1;
	_ =	sdelay $0x2  }
0xaf: {  	v1 =	vld [tilespmem:$0x191C0]  }
0xb0: {  	v2 =	vld [tilespmem:$0x19240];
	_ =	sdelay $0x4  }
0xb1: {  	v3 =	vpop (erf)  }
0xb2: {  	[tilespmem:$0x1BAB0] =	vst v3  }
0xb3: {  	v1 =	vld.idx.msk [tilespmem:v1+s20+$0x0], $0xffff  }
0xb4: {  	v2 =	vld.idx.msk [tilespmem:v2+s22+$0x0], $0xffff;
	_ =	sdelay $0x4  }
0xb5: {  	v1 =	vadd.f32 v2, v1;
	_ =	sdelay $0x1  }
0xb6: {  	v2 =	vmul.f32 $2.000000030e-01, v1  }
0xb7: {  	vm15 =	vge.f32 v1, $0.0e+00  }
0xb8: {  	v1 =	vsel vm15, v1, v2  }
0xb9: {  	v1 =	vmul.f32 $1.442695020e+00, v1;
	_ =	sdelay $0x1  }
0xba: {  	(erf) = vpow2.f32 v1;
	_ =	sdelay $0x8  }
0xbb: {  	s6 =	simm.s32 $0x0;
	v1 =	vpop (erf)  }
0xbc: {  	s4 =	sand.u32 $0x3FFFFFF0, s6;
	[tilespmem:$0x1BAC0] =	vst v1  }
0xbd: {  	s7 =	simm.s32 $0x0;
	v1 =	vld [tilespmem:s4+$0x1BA80]  }
0xbe: {  	s4 =	sand.u32 $0x3FFFF800, s7  }
0xbf: {  	v3 =	vld [tilespmem:s4+$0x192A0]  }
0xc0: {  	v4 =	vld [tilespmem:s4+$0x192B0]  }
0xc1: {  	v10 =	vld [tilespmem:s4+$0x192E0]  }
0xc2: {  	v11 =	vld [tilespmem:s4+$0x192F0];
	v2 =	vbroadcast v1, $0x0  }
0xc3: {  	v12 =	vld [tilespmem:s4+$0x19300]  }
0xc4: {  	v13 =	vld [tilespmem:s4+$0x19310];
	v3 =	vmul.f32 v3, v2  }
0xc5: {  	v14 =	vld [tilespmem:s4+$0x19320];
	v4 =	vmul.f32 v4, v2  }
0xc6: {  	v9 =	vld [tilespmem:s4+$0x19330];
	v23 =	vbroadcast v1, $0x1;
	v22 =	vmul.f32 v10, v2;
	[tilespmem:s4+$0x192A0] =	vst v3  }
0xc7: {  	v7 =	vld [tilespmem:s4+$0x19340];
	v11 =	vmul.f32 v11, v2;
	[tilespmem:s4+$0x192B0] =	vst v4  }
0xc8: {  	v8 =	vld [tilespmem:s4+$0x19350];
	v12 =	vmul.f32 v12, v23;
	[tilespmem:s4+$0x192E0] =	vst v22  }
0xc9: {  	v25 =	vld [tilespmem:s4+$0x19370];
	v13 =	vmul.f32 v13, v23;
	[tilespmem:s4+$0x192F0] =	vst v11  }
0xca: {  	v26 =	vld [tilespmem:s4+$0x19380];
	v14 =	vmul.f32 v14, v23;
	[tilespmem:s4+$0x19300] =	vst v12  }
0xcb: {  	v27 =	vld [tilespmem:s4+$0x19390];
	v9 =	vmul.f32 v9, v23;
	[tilespmem:s4+$0x19310] =	vst v13  }
0xcc: {  	v6 =	vld [tilespmem:s4+$0x197F0];
	v7 =	vmul.f32 v7, v23;
	[tilespmem:s4+$0x19320] =	vst v14  }
0xcd: {  	v24 =	vld [tilespmem:s4+$0x19360];
	v15 =	vbroadcast v1, $0x2;
	v8 =	vmul.f32 v8, v23;
	[tilespmem:s4+$0x19330] =	vst v9  }
0xce: {  	v28 =	vld [tilespmem:s4+$0x193A0];
	v10 =	vmul.f32 v25, v23;
	[tilespmem:s4+$0x19340] =	vst v7  }
0xcf: {  	v29 =	vld [tilespmem:s4+$0x193B0];
	v5 =	vbroadcast v1, $0xA;
	v32 =	vmul.f32 v26, v15;
	[tilespmem:s4+$0x19350] =	vst v8  }
0xd0: {  	v30 =	vld [tilespmem:s4+$0x193C0];
	v34 =	vmul.f32 v27, v15;
	[tilespmem:s4+$0x19370] =	vst v10  }
0xd1: {  	v33 =	vld [tilespmem:s4+$0x193E0];
	v3 =	vmul.f32 v6, v5;
	[tilespmem:s4+$0x19380] =	vst v32  }
0xd2: {  	v35 =	vld [tilespmem:s4+$0x193F0];
	v11 =	vmul.f32 v24, v23;
	[tilespmem:s4+$0x19390] =	vst v34  }
0xd3: {  	v36 =	vld [tilespmem:s4+$0x19400];
	v9 =	vmul.f32 v28, v15;
	[tilespmem:s4+$0x197F0] =	vst v3  }
0xd4: {  	v31 =	vld [tilespmem:s4+$0x193D0];
	v7 =	vmul.f32 v29, v15;
	[tilespmem:s4+$0x19360] =	vst v11  }
0xd5: {  	v37 =	vld [tilespmem:s4+$0x19410];
	v8 =	vmul.f32 v30, v15;
	[tilespmem:s4+$0x193A0] =	vst v9  }
0xd6: {  	v38 =	vld [tilespmem:s4+$0x19420];
	v41 =	vbroadcast v1, $0x3;
	v10 =	vmul.f32 v33, v15;
	[tilespmem:s4+$0x193B0] =	vst v7  }
0xd7: {  	v39 =	vld [tilespmem:s4+$0x19430];
	v12 =	vmul.f32 v35, v15;
	[tilespmem:s4+$0x193C0] =	vst v8  }
0xd8: {  	v42 =	vld [tilespmem:s4+$0x19450];
	v13 =	vmul.f32 v36, v41;
	[tilespmem:s4+$0x193E0] =	vst v10  }
0xd9: {  	v43 =	vld [tilespmem:s4+$0x19460];
	v11 =	vmul.f32 v31, v15;
	[tilespmem:s4+$0x193F0] =	vst v12  }
0xda: {  	v44 =	vld [tilespmem:s4+$0x19470];
	v9 =	vmul.f32 v37, v41;
	[tilespmem:s4+$0x19400] =	vst v13  }
0xdb: {  	v40 =	vld [tilespmem:s4+$0x19440];
	v7 =	vmul.f32 v38, v41;
	[tilespmem:s4+$0x193D0] =	vst v11  }
0xdc: {  	v45 =	vld [tilespmem:s4+$0x19480];
	v8 =	vmul.f32 v39, v41;
	[tilespmem:s4+$0x19410] =	vst v9  }
0xdd: {  	v46 =	vld [tilespmem:s4+$0x19490];
	v10 =	vmul.f32 v42, v41;
	[tilespmem:s4+$0x19420] =	vst v7  }
0xde: {  	v47 =	vld [tilespmem:s4+$0x194A0];
	v12 =	vmul.f32 v43, v41;
	[tilespmem:s4+$0x19430] =	vst v8  }
0xdf: {  	v49 =	vld [tilespmem:s4+$0x194C0];
	v50 =	vbroadcast v1, $0x4;
	v13 =	vmul.f32 v44, v41;
	[tilespmem:s4+$0x19450] =	vst v10  }
0xe0: {  	v51 =	vld [tilespmem:s4+$0x194D0];
	v11 =	vmul.f32 v40, v41;
	[tilespmem:s4+$0x19460] =	vst v12  }
0xe1: {  	v52 =	vld [tilespmem:s4+$0x194E0];
	v9 =	vmul.f32 v45, v50;
	[tilespmem:s4+$0x19470] =	vst v13  }
0xe2: {  	v48 =	vld [tilespmem:s4+$0x194B0];
	v7 =	vmul.f32 v46, v50;
	[tilespmem:s4+$0x19440] =	vst v11  }
0xe3: {  	v53 =	vld [tilespmem:s4+$0x194F0];
	v8 =	vmul.f32 v47, v50;
	[tilespmem:s4+$0x19480] =	vst v9  }
0xe4: {  	v54 =	vld [tilespmem:s4+$0x19500];
	v10 =	vmul.f32 v49, v50;
	[tilespmem:s4+$0x19490] =	vst v7  }
0xe5: {  	v55 =	vld [tilespmem:s4+$0x19510];
	v12 =	vmul.f32 v51, v50;
	[tilespmem:s4+$0x194A0] =	vst v8  }
0xe6: {  	v57 =	vld [tilespmem:s4+$0x19530];
	v13 =	vmul.f32 v52, v50;
	[tilespmem:s4+$0x194C0] =	vst v10  }
0xe7: {  	v58 =	vld [tilespmem:s4+$0x19540];
	v59 =	vbroadcast v1, $0x5;
	v11 =	vmul.f32 v48, v50;
	[tilespmem:s4+$0x194D0] =	vst v12  }
0xe8: {  	v60 =	vld [tilespmem:s4+$0x19550];
	v9 =	vmul.f32 v53, v50;
	[tilespmem:s4+$0x194E0] =	vst v13  }
0xe9: {  	v56 =	vld [tilespmem:s4+$0x19520];
	v7 =	vmul.f32 v54, v59;
	[tilespmem:s4+$0x194B0] =	vst v11  }
0xea: {  	v61 =	vld [tilespmem:s4+$0x19560];
	v8 =	vmul.f32 v55, v59;
	[tilespmem:s4+$0x194F0] =	vst v9  }
0xeb: {  	v62 =	vld [tilespmem:s4+$0x19570];
	v10 =	vmul.f32 v57, v59;
	[tilespmem:s4+$0x19500] =	vst v7  }
0xec: {  	v63 =	vld [tilespmem:s4+$0x19580];
	v12 =	vmul.f32 v58, v59;
	[tilespmem:s4+$0x19510] =	vst v8  }
0xed: {  	v19 =	vld [tilespmem:s4+$0x195A0];
	v13 =	vmul.f32 v60, v59;
	[tilespmem:s4+$0x19530] =	vst v10  }
0xee: {  	v20 =	vld [tilespmem:s4+$0x195B0];
	v11 =	vmul.f32 v56, v59;
	[tilespmem:s4+$0x19540] =	vst v12  }
0xef: {  	v21 =	vld [tilespmem:s4+$0x195C0];
	v22 =	vbroadcast v1, $0x6;
	v9 =	vmul.f32 v61, v59;
	[tilespmem:s4+$0x19550] =	vst v13  }
0xf0: {  	v18 =	vld [tilespmem:s4+$0x19590];
	v7 =	vmul.f32 v62, v59;
	[tilespmem:s4+$0x19520] =	vst v11  }
0xf1: {  	v23 =	vld [tilespmem:s4+$0x195D0];
	v8 =	vmul.f32 v63, v22;
	[tilespmem:s4+$0x19560] =	vst v9  }
0xf2: {  	v24 =	vld [tilespmem:s4+$0x195E0];
	v10 =	vmul.f32 v19, v22;
	[tilespmem:s4+$0x19570] =	vst v7  }
0xf3: {  	v25 =	vld [tilespmem:s4+$0x195F0];
	v12 =	vmul.f32 v20, v22;
	[tilespmem:s4+$0x19580] =	vst v8  }
0xf4: {  	v27 =	vld [tilespmem:s4+$0x19610];
	v13 =	vmul.f32 v21, v22;
	[tilespmem:s4+$0x195A0] =	vst v10  }
0xf5: {  	v28 =	vld [tilespmem:s4+$0x19620];
	v11 =	vmul.f32 v18, v22;
	[tilespmem:s4+$0x195B0] =	vst v12  }
0xf6: {  	v29 =	vld [tilespmem:s4+$0x19630];
	v9 =	vmul.f32 v23, v22;
	[tilespmem:s4+$0x195C0] =	vst v13  }
0xf7: {  	v31 =	vbroadcast v1, $0x7;
	v53 =	vld [tilespmem:s4+$0x19780];
	v7 =	vmul.f32 v24, v22;
	[tilespmem:s4+$0x19590] =	vst v11  }
0xf8: {  	v57 =	vld [tilespmem:s4+$0x197C0];
	v8 =	vmul.f32 v25, v22;
	[tilespmem:s4+$0x195D0] =	vst v9  }
0xf9: {  	v58 =	vld [tilespmem:s4+$0x197D0];
	v10 =	vmul.f32 v27, v31;
	[tilespmem:s4+$0x195E0] =	vst v7  }
0xfa: {  	v26 =	vld [tilespmem:s4+$0x19600];
	v12 =	vmul.f32 v28, v31;
	[tilespmem:s4+$0x195F0] =	vst v8  }
0xfb: {  	v30 =	vld [tilespmem:s4+$0x19640];
	v13 =	vmul.f32 v29, v31;
	[tilespmem:s4+$0x19610] =	vst v10  }
0xfc: {  	v32 =	vld [tilespmem:s4+$0x19650];
	v59 =	vmul.f32 v53, v5;
	[tilespmem:s4+$0x19620] =	vst v12  }
0xfd: {  	v33 =	vld [tilespmem:s4+$0x19660];
	v18 =	vmul.f32 v57, v5;
	[tilespmem:s4+$0x19630] =	vst v13  }
0xfe: {  	v35 =	vld [tilespmem:s4+$0x19680];
	v20 =	vmul.f32 v58, v5;
	[tilespmem:s4+$0x19780] =	vst v59  }
0xff: {  	v36 =	vld [tilespmem:s4+$0x19690];
	v11 =	vmul.f32 v26, v31;
	[tilespmem:s4+$0x197C0] =	vst v18  }
0x100: {  	v37 =	vld [tilespmem:s4+$0x196A0];
	v9 =	vmul.f32 v30, v31;
	[tilespmem:s4+$0x197D0] =	vst v20  }
0x101: {  	v4 =	vld [tilespmem:s4+$0x19800];
	v40 =	vbroadcast v1, $0x8;
	v7 =	vmul.f32 v32, v31;
	[tilespmem:s4+$0x19600] =	vst v11  }
0x102: {  	v6 =	vld [tilespmem:s4+$0x19810];
	v8 =	vmul.f32 v33, v31;
	[tilespmem:s4+$0x19640] =	vst v9  }
0x103: {  	v3 =	vld [tilespmem:s4+$0x19A50];
	v10 =	vmul.f32 v35, v40;
	[tilespmem:s4+$0x19650] =	vst v7  }
0x104: {  	v61 =	vld [tilespmem:s4+$0x19280];
	v23 =	vbroadcast v1, $0xB;
	v12 =	vmul.f32 v36, v40;
	[tilespmem:s4+$0x19660] =	vst v8  }
0x105: {  	v34 =	vld [tilespmem:s4+$0x19670];
	v13 =	vmul.f32 v37, v40;
	[tilespmem:s4+$0x19680] =	vst v10  }
0x106: {  	v38 =	vld [tilespmem:s4+$0x196B0];
	v27 =	vbroadcast v1, $0xF;
	v4 =	vmul.f32 v4, v23;
	[tilespmem:s4+$0x19690] =	vst v12  }
0x107: {  	v39 =	vld [tilespmem:s4+$0x196C0];
	v6 =	vmul.f32 v6, v23;
	[tilespmem:s4+$0x196A0] =	vst v13  }
0x108: {  	v41 =	vld [tilespmem:s4+$0x196D0];
	v3 =	vmul.f32 v3, v27;
	[tilespmem:s4+$0x19800] =	vst v4  }
0x109: {  	v43 =	vld [tilespmem:s4+$0x196F0];
	v24 =	vmul.f32 v2, v61;
	[tilespmem:s4+$0x19810] =	vst v6  }
0x10a: {  	v44 =	vld [tilespmem:s4+$0x19700];
	v11 =	vmul.f32 v34, v31;
	[tilespmem:s4+$0x19A50] =	vst v3  }
0x10b: {  	v45 =	vld [tilespmem:s4+$0x19710];
	v9 =	vmul.f32 v38, v40;
	[tilespmem:s4+$0x19280] =	vst v24  }
0x10c: {  	v63 =	vld [tilespmem:s4+$0x192C0];
	v7 =	vmul.f32 v39, v40;
	[tilespmem:s4+$0x19670] =	vst v11  }
0x10d: {  	v49 =	vbroadcast v1, $0x9;
	v29 =	vld [tilespmem:s4+$0x19870];
	v8 =	vmul.f32 v41, v40;
	[tilespmem:s4+$0x196B0] =	vst v9  }
0x10e: {  	v42 =	vld [tilespmem:s4+$0x196E0];
	v10 =	vmul.f32 v43, v40;
	[tilespmem:s4+$0x196C0] =	vst v7  }
0x10f: {  	v46 =	vld [tilespmem:s4+$0x19720];
	v12 =	vmul.f32 v44, v49;
	[tilespmem:s4+$0x196D0] =	vst v8  }
0x110: {  	v47 =	vld [tilespmem:s4+$0x19730];
	v13 =	vmul.f32 v45, v49;
	[tilespmem:s4+$0x196F0] =	vst v10  }
0x111: {  	v48 =	vld [tilespmem:s4+$0x19740];
	v3 =	vmul.f32 v63, v2;
	[tilespmem:s4+$0x19700] =	vst v12  }
0x112: {  	v51 =	vld [tilespmem:s4+$0x19760];
	v6 =	vmul.f32 v29, v23;
	[tilespmem:s4+$0x19710] =	vst v13  }
0x113: {  	v52 =	vld [tilespmem:s4+$0x19770];
	v11 =	vmul.f32 v42, v40;
	[tilespmem:s4+$0x192C0] =	vst v3  }
0x114: {  	v28 =	vld [tilespmem:s4+$0x19860];
	v9 =	vmul.f32 v46, v49;
	[tilespmem:s4+$0x19870] =	vst v6  }
0x115: {  	v26 =	vld [tilespmem:s4+$0x19850];
	v7 =	vmul.f32 v47, v49;
	[tilespmem:s4+$0x196E0] =	vst v11  }
0x116: {  	v30 =	vld [tilespmem:s4+$0x19880];
	v8 =	vmul.f32 v48, v49;
	[tilespmem:s4+$0x19720] =	vst v9  }
0x117: {  	v50 =	vld [tilespmem:s4+$0x19750];
	v10 =	vmul.f32 v51, v49;
	[tilespmem:s4+$0x19730] =	vst v7  }
0x118: {  	v54 =	vld [tilespmem:s4+$0x19790];
	v12 =	vmul.f32 v52, v49;
	[tilespmem:s4+$0x19740] =	vst v8  }
0x119: {  	v55 =	vld [tilespmem:s4+$0x197A0];
	v35 =	vbroadcast v1, $0xC;
	v40 =	vmul.f32 v28, v23;
	[tilespmem:s4+$0x19760] =	vst v10  }
0x11a: {  	v56 =	vld [tilespmem:s4+$0x197B0];
	v32 =	vmul.f32 v26, v23;
	[tilespmem:s4+$0x19770] =	vst v12  }
0x11b: {  	v60 =	vld [tilespmem:s4+$0x197E0];
	v15 =	vmul.f32 v30, v35;
	[tilespmem:s4+$0x19860] =	vst v40  }
0x11c: {  	v62 =	vld [tilespmem:s4+$0x19290];
	v11 =	vmul.f32 v50, v49;
	[tilespmem:s4+$0x19850] =	vst v32  }
0x11d: {  	v19 =	vld [tilespmem:s4+$0x192D0];
	v9 =	vmul.f32 v54, v5;
	[tilespmem:s4+$0x19880] =	vst v15  }
0x11e: {  	v33 =	vld [tilespmem:s4+$0x198B0];
	v7 =	vmul.f32 v55, v5;
	[tilespmem:s4+$0x19750] =	vst v11  }
0x11f: {  	v61 =	vld [tilespmem:s4+$0x19A70];
	v8 =	vmul.f32 v56, v5;
	[tilespmem:s4+$0x19790] =	vst v9  }
0x120: {  	v38 =	vld [tilespmem:s4+$0x198F0];
	v5 =	vmul.f32 v60, v5;
	[tilespmem:s4+$0x197A0] =	vst v7  }
0x121: {  	v21 =	vld [tilespmem:s4+$0x19820];
	v12 =	vmul.f32 v62, v2;
	[tilespmem:s4+$0x197B0] =	vst v8  }
0x122: {  	v22 =	vld [tilespmem:s4+$0x19830];
	v2 =	vmul.f32 v19, v2;
	[tilespmem:s4+$0x197E0] =	vst v5  }
0x123: {  	v25 =	vld [tilespmem:s4+$0x19840];
	v62 =	vmul.f32 v33, v35;
	[tilespmem:s4+$0x19290] =	vst v12  }
0x124: {  	v31 =	vld [tilespmem:s4+$0x19890];
	v63 =	vmul.f32 v61, v27;
	[tilespmem:s4+$0x192D0] =	vst v2  }
0x125: {  	v34 =	vld [tilespmem:s4+$0x198C0];
	v15 =	vmul.f32 v38, v35;
	[tilespmem:s4+$0x198B0] =	vst v62  }
0x126: {  	v41 =	vld [tilespmem:s4+$0x19920];
	v7 =	vmul.f32 v21, v23;
	[tilespmem:s4+$0x19A70] =	vst v63  }
0x127: {  	v46 =	vld [tilespmem:s4+$0x19960];
	v8 =	vmul.f32 v22, v23;
	[tilespmem:s4+$0x198F0] =	vst v15  }
0x128: {  	v36 =	vld [tilespmem:s4+$0x198D0];
	v5 =	vmul.f32 v25, v23;
	[tilespmem:s4+$0x19820] =	vst v7  }
0x129: {  	v44 =	vbroadcast v1, $0xD;
	v9 =	vmul.f32 v31, v35;
	v2 =	vld [tilespmem:s4+$0x19910];
	[tilespmem:s4+$0x19830] =	vst v8  }
0x12a: {  	v37 =	vld [tilespmem:s4+$0x198E0];
	v12 =	vmul.f32 v34, v35;
	[tilespmem:s4+$0x19840] =	vst v5  }
0x12b: {  	v39 =	vld [tilespmem:s4+$0x19900];
	v11 =	vmul.f32 v41, v44;
	[tilespmem:s4+$0x19890] =	vst v9  }
0x12c: {  	v42 =	vld [tilespmem:s4+$0x19930];
	v51 =	vmul.f32 v46, v44;
	[tilespmem:s4+$0x198C0] =	vst v12  }
0x12d: {  	v48 =	vld [tilespmem:s4+$0x19990];
	v8 =	vmul.f32 v36, v35;
	[tilespmem:s4+$0x19920] =	vst v11  }
0x12e: {  	v49 =	vld [tilespmem:s4+$0x199A0];
	[tilespmem:s4+$0x19960] =	vst v51;
	v2 =	vmul.f32 v2, v44  }
0x12f: {  	v50 =	vld [tilespmem:s4+$0x199B0];
	v5 =	vmul.f32 v37, v35;
	[tilespmem:s4+$0x198D0] =	vst v8  }
0x130: {  	v1 =	vbroadcast v1, $0xE;
	v9 =	vmul.f32 v39, v44;
	[tilespmem:s4+$0x19910] =	vst v2;
	v2 =	vld [tilespmem:s4+$0x19980]  }
0x131: {  	v60 =	vld [tilespmem:s4+$0x19A60];
	v12 =	vmul.f32 v42, v44;
	[tilespmem:s4+$0x198E0] =	vst v5  }
0x132: {  	v45 =	vld [tilespmem:s4+$0x19950];
	v11 =	vmul.f32 v48, v1;
	[tilespmem:s4+$0x19900] =	vst v9  }
0x133: {  	v47 =	vld [tilespmem:s4+$0x19970];
	v10 =	vmul.f32 v49, v1;
	[tilespmem:s4+$0x19930] =	vst v12  }
0x134: {  	v43 =	vld [tilespmem:s4+$0x19940];
	v6 =	vmul.f32 v50, v1;
	[tilespmem:s4+$0x19990] =	vst v11  }
0x135: {  	v55 =	vld [tilespmem:s4+$0x19A00];
	[tilespmem:s4+$0x199A0] =	vst v10;
	v2 =	vmul.f32 v2, v1  }
0x136: {  	v57 =	vld [tilespmem:s4+$0x19A20];
	v4 =	vmul.f32 v60, v27;
	[tilespmem:s4+$0x199B0] =	vst v6  }
0x137: {  	v5 =	vmul.f32 v45, v44;
	[tilespmem:s4+$0x19980] =	vst v2;
	v2 =	vld [tilespmem:s4+$0x199F0]  }
0x138: {  	v52 =	vld [tilespmem:s4+$0x199C0];
	v9 =	vmul.f32 v47, v44;
	[tilespmem:s4+$0x19A60] =	vst v4  }
0x139: {  	v56 =	vld [tilespmem:s4+$0x19A10];
	v8 =	vmul.f32 v43, v44;
	[tilespmem:s4+$0x19950] =	vst v5  }
0x13a: {  	v54 =	vld [tilespmem:s4+$0x199E0];
	v11 =	vmul.f32 v55, v27;
	[tilespmem:s4+$0x19970] =	vst v9  }
0x13b: {  	v58 =	vld [tilespmem:s4+$0x19A30];
	v6 =	vmul.f32 v57, v27;
	[tilespmem:s4+$0x19940] =	vst v8  }
0x13c: {  	v53 =	vld [tilespmem:s4+$0x199D0];
	[tilespmem:s4+$0x19A00] =	vst v11;
	v2 =	vmul.f32 v2, v1  }
0x13d: {  	v59 =	vld [tilespmem:s4+$0x19A40];
	v5 =	vmul.f32 v52, v1;
	[tilespmem:s4+$0x19A20] =	vst v6  }
0x13e: {  	[tilespmem:s4+$0x199F0] =	vst v2;
	v2 =	vmul.f32 v56, v27  }
0x13f: {  	v3 =	vld [tilespmem:s4+$0x198A0];
	v9 =	vmul.f32 v54, v1;
	[tilespmem:s4+$0x199C0] =	vst v5  }
0x140: {  	[tilespmem:s4+$0x19A10] =	vst v2;
	v2 =	vmul.f32 v58, v27  }
0x141: {  	[tilespmem:s4+$0x199E0] =	vst v9;
	v1 =	vmul.f32 v53, v1  }
0x142: {  	[tilespmem:s4+$0x19A30] =	vst v2;
	v2 =	vmul.f32 v59, v27  }
0x143: {  	[tilespmem:s4+$0x199D0] =	vst v1  }
0x144: {  	s6 =	simm.s32 $0x1;
	[tilespmem:s4+$0x19A40] =	vst v2;
	v2 =	vmul.f32 v3, v35  }
.LBB2_5:
0x145: {  	s7 =	sshll.u32 s6, $0x4  }
0x146: {  	p0 =	sne.s32 s6, $0x4;
	[tilespmem:s4+$0x198A0] =	vst v2;
	s4 =	smov.u32 s6;
	s6 =	sadd.s32 $0x1, s6  }
0x147: {  	s7 =	sand.u32 $0x3FFFFFF0, s7  }
0x148: {  	s4 =	sshll.u32 s4, $0xB;
	v1 =	vld [tilespmem:s7+$0x1BA80]  }
0x149: {  	s4 =	sand.u32 $0x3FFFF800, s4  }
0x14a: {  	v8 =	vld [tilespmem:s4+$0x19340]  }
0x14b: {  	v9 =	vld [tilespmem:s4+$0x19350]  }
0x14c: {  	v10 =	vld [tilespmem:s4+$0x19330]  }
0x14d: {  	v2 =	vbroadcast v1, $0x0;
	v3 =	vld [tilespmem:s4+$0x192A0];
	v7 =	vbroadcast v1, $0x4  }
0x14e: {  	v5 =	vld [tilespmem:s4+$0x192B0]  }
0x14f: {  	v6 =	vld [tilespmem:s4+$0x197F0]  }
0x150: {  	v11 =	vld [tilespmem:s4+$0x192E0]  }
0x151: {  	v12 =	vld [tilespmem:s4+$0x192F0]  }
0x152: {  	v4 =	vbroadcast v1, $0xA;
	v3 =	vmul.f32 v3, v2;
	v13 =	vld [tilespmem:s4+$0x19300]  }
0x153: {  	v5 =	vmul.f32 v5, v2;
	v14 =	vld [tilespmem:s4+$0x19310]  }
0x154: {  	[tilespmem:s4+$0x192A0] =	vst v3;
	v15 =	vld [tilespmem:s4+$0x19320];
	v3 =	vmul.f32 v6, v4  }
0x155: {  	[tilespmem:s4+$0x192B0] =	vst v5;
	v6 =	vmul.f32 v11, v2;
	v11 =	vbroadcast v1, $0x1;
	v5 =	vld [tilespmem:s4+$0x19800]  }
0x156: {  	v12 =	vmul.f32 v12, v2;
	[tilespmem:s4+$0x197F0] =	vst v3;
	v3 =	vld [tilespmem:s4+$0x19A50]  }
0x157: {  	[tilespmem:s4+$0x192E0] =	vst v6;
	v13 =	vmul.f32 v13, v11;
	v6 =	vld [tilespmem:s4+$0x19810]  }
0x158: {  	[tilespmem:s4+$0x192F0] =	vst v12;
	v12 =	vmul.f32 v14, v11;
	v14 =	vld [tilespmem:s4+$0x19360]  }
0x159: {  	[tilespmem:s4+$0x19300] =	vst v13;
	v13 =	vmul.f32 v15, v11;
	v15 =	vld [tilespmem:s4+$0x19370]  }
0x15a: {  	v10 =	vmul.f32 v10, v11;
	[tilespmem:s4+$0x19310] =	vst v12;
	v12 =	vld [tilespmem:s4+$0x19380]  }
0x15b: {  	v8 =	vmul.f32 v8, v11;
	[tilespmem:s4+$0x19320] =	vst v13;
	v13 =	vld [tilespmem:s4+$0x19390]  }
0x15c: {  	v9 =	vmul.f32 v9, v11;
	[tilespmem:s4+$0x19330] =	vst v10;
	v10 =	vld [tilespmem:s4+$0x193A0]  }
0x15d: {  	[tilespmem:s4+$0x19340] =	vst v8;
	v8 =	vmul.f32 v14, v11;
	v14 =	vbroadcast v1, $0x2;
	v16 =	vld [tilespmem:s4+$0x193B0]  }
0x15e: {  	[tilespmem:s4+$0x19350] =	vst v9;
	v9 =	vmul.f32 v15, v11;
	v11 =	vld [tilespmem:s4+$0x193C0]  }
0x15f: {  	[tilespmem:s4+$0x19360] =	vst v8;
	v8 =	vmul.f32 v12, v14;
	v12 =	vld [tilespmem:s4+$0x193D0]  }
0x160: {  	[tilespmem:s4+$0x19370] =	vst v9;
	v9 =	vmul.f32 v13, v14;
	v13 =	vld [tilespmem:s4+$0x193E0]  }
0x161: {  	[tilespmem:s4+$0x19380] =	vst v8;
	v8 =	vmul.f32 v10, v14;
	v10 =	vld [tilespmem:s4+$0x193F0]  }
0x162: {  	[tilespmem:s4+$0x19390] =	vst v9;
	v9 =	vmul.f32 v16, v14;
	v15 =	vld [tilespmem:s4+$0x19400]  }
0x163: {  	[tilespmem:s4+$0x193A0] =	vst v8;
	v8 =	vmul.f32 v11, v14;
	v11 =	vld [tilespmem:s4+$0x19410]  }
0x164: {  	[tilespmem:s4+$0x193B0] =	vst v9;
	v9 =	vmul.f32 v12, v14;
	v12 =	vld [tilespmem:s4+$0x19420]  }
0x165: {  	[tilespmem:s4+$0x193C0] =	vst v8;
	v8 =	vmul.f32 v13, v14;
	v13 =	vbroadcast v1, $0x3;
	v16 =	vld [tilespmem:s4+$0x19430]  }
0x166: {  	[tilespmem:s4+$0x193D0] =	vst v9;
	v9 =	vmul.f32 v10, v14;
	v10 =	vld [tilespmem:s4+$0x19440]  }
0x167: {  	[tilespmem:s4+$0x193E0] =	vst v8;
	v8 =	vmul.f32 v15, v13;
	v14 =	vld [tilespmem:s4+$0x19450]  }
0x168: {  	[tilespmem:s4+$0x193F0] =	vst v9;
	v9 =	vmul.f32 v11, v13;
	v11 =	vld [tilespmem:s4+$0x19460]  }
0x169: {  	[tilespmem:s4+$0x19400] =	vst v8;
	v8 =	vmul.f32 v12, v13;
	v12 =	vld [tilespmem:s4+$0x19470]  }
0x16a: {  	[tilespmem:s4+$0x19410] =	vst v9;
	v9 =	vmul.f32 v16, v13;
	v15 =	vld [tilespmem:s4+$0x19480]  }
0x16b: {  	[tilespmem:s4+$0x19420] =	vst v8;
	v8 =	vmul.f32 v10, v13;
	v10 =	vld [tilespmem:s4+$0x19490]  }
0x16c: {  	[tilespmem:s4+$0x19430] =	vst v9;
	v9 =	vmul.f32 v14, v13;
	v14 =	vld [tilespmem:s4+$0x194A0]  }
0x16d: {  	[tilespmem:s4+$0x19440] =	vst v8;
	v8 =	vmul.f32 v11, v13;
	v11 =	vld [tilespmem:s4+$0x194B0]  }
0x16e: {  	[tilespmem:s4+$0x19450] =	vst v9;
	v9 =	vmul.f32 v12, v13;
	v12 =	vld [tilespmem:s4+$0x194C0]  }
0x16f: {  	[tilespmem:s4+$0x19460] =	vst v8;
	v8 =	vmul.f32 v15, v7;
	v13 =	vld [tilespmem:s4+$0x194D0]  }
0x170: {  	[tilespmem:s4+$0x19470] =	vst v9;
	v9 =	vmul.f32 v10, v7;
	v10 =	vld [tilespmem:s4+$0x194E0]  }
0x171: {  	[tilespmem:s4+$0x19480] =	vst v8;
	v8 =	vmul.f32 v14, v7;
	v14 =	vld [tilespmem:s4+$0x194F0]  }
0x172: {  	[tilespmem:s4+$0x19490] =	vst v9;
	v9 =	vmul.f32 v11, v7;
	v11 =	vld [tilespmem:s4+$0x19500]  }
0x173: {  	[tilespmem:s4+$0x194A0] =	vst v8;
	v8 =	vmul.f32 v12, v7;
	v12 =	vld [tilespmem:s4+$0x19510]  }
0x174: {  	[tilespmem:s4+$0x194B0] =	vst v9;
	v9 =	vmul.f32 v13, v7;
	v13 =	vld [tilespmem:s4+$0x19520]  }
0x175: {  	[tilespmem:s4+$0x194C0] =	vst v8;
	v8 =	vmul.f32 v10, v7;
	v10 =	vbroadcast v1, $0x5;
	v15 =	vld [tilespmem:s4+$0x19530]  }
0x176: {  	[tilespmem:s4+$0x194D0] =	vst v9;
	v7 =	vmul.f32 v14, v7;
	v9 =	vld [tilespmem:s4+$0x19540]  }
0x177: {  	[tilespmem:s4+$0x194E0] =	vst v8;
	v8 =	vmul.f32 v11, v10;
	v11 =	vld [tilespmem:s4+$0x19550]  }
0x178: {  	[tilespmem:s4+$0x194F0] =	vst v7;
	v7 =	vmul.f32 v12, v10;
	v12 =	vld [tilespmem:s4+$0x19560]  }
0x179: {  	[tilespmem:s4+$0x19500] =	vst v8;
	v8 =	vmul.f32 v13, v10;
	v13 =	vld [tilespmem:s4+$0x19570]  }
0x17a: {  	[tilespmem:s4+$0x19510] =	vst v7;
	v7 =	vmul.f32 v15, v10;
	v14 =	vld [tilespmem:s4+$0x19580]  }
0x17b: {  	[tilespmem:s4+$0x19520] =	vst v8;
	v8 =	vmul.f32 v9, v10;
	v9 =	vld [tilespmem:s4+$0x19590]  }
0x17c: {  	[tilespmem:s4+$0x19530] =	vst v7;
	v7 =	vmul.f32 v11, v10;
	v11 =	vld [tilespmem:s4+$0x195A0]  }
0x17d: {  	[tilespmem:s4+$0x19540] =	vst v8;
	v8 =	vmul.f32 v12, v10;
	v12 =	vbroadcast v1, $0x6;
	v15 =	vld [tilespmem:s4+$0x195B0]  }
0x17e: {  	[tilespmem:s4+$0x19550] =	vst v7;
	v7 =	vmul.f32 v13, v10;
	v10 =	vld [tilespmem:s4+$0x195C0]  }
0x17f: {  	[tilespmem:s4+$0x19560] =	vst v8;
	v8 =	vmul.f32 v14, v12;
	v13 =	vld [tilespmem:s4+$0x195D0]  }
0x180: {  	[tilespmem:s4+$0x19570] =	vst v7;
	v7 =	vmul.f32 v9, v12;
	v9 =	vld [tilespmem:s4+$0x195E0]  }
0x181: {  	[tilespmem:s4+$0x19580] =	vst v8;
	v8 =	vmul.f32 v11, v12;
	v11 =	vld [tilespmem:s4+$0x195F0]  }
0x182: {  	[tilespmem:s4+$0x19590] =	vst v7;
	v7 =	vmul.f32 v15, v12;
	v14 =	vld [tilespmem:s4+$0x19600]  }
0x183: {  	[tilespmem:s4+$0x195A0] =	vst v8;
	v8 =	vmul.f32 v10, v12;
	v10 =	vld [tilespmem:s4+$0x19610]  }
0x184: {  	[tilespmem:s4+$0x195B0] =	vst v7;
	v7 =	vmul.f32 v13, v12;
	v13 =	vld [tilespmem:s4+$0x19620]  }
0x185: {  	[tilespmem:s4+$0x195C0] =	vst v8;
	v8 =	vmul.f32 v9, v12;
	v9 =	vbroadcast v1, $0x7;
	v15 =	vld [tilespmem:s4+$0x19630]  }
0x186: {  	[tilespmem:s4+$0x195D0] =	vst v7;
	v7 =	vmul.f32 v11, v12;
	v11 =	vld [tilespmem:s4+$0x19640]  }
0x187: {  	[tilespmem:s4+$0x195E0] =	vst v8;
	v8 =	vmul.f32 v14, v9;
	v12 =	vld [tilespmem:s4+$0x19650]  }
0x188: {  	[tilespmem:s4+$0x195F0] =	vst v7;
	v7 =	vmul.f32 v10, v9;
	v10 =	vld [tilespmem:s4+$0x19660]  }
0x189: {  	[tilespmem:s4+$0x19600] =	vst v8;
	v8 =	vmul.f32 v13, v9;
	v13 =	vld [tilespmem:s4+$0x19670]  }
0x18a: {  	[tilespmem:s4+$0x19610] =	vst v7;
	v7 =	vmul.f32 v15, v9;
	v14 =	vld [tilespmem:s4+$0x19680]  }
0x18b: {  	[tilespmem:s4+$0x19620] =	vst v8;
	v8 =	vmul.f32 v11, v9;
	v11 =	vld [tilespmem:s4+$0x19690]  }
0x18c: {  	[tilespmem:s4+$0x19630] =	vst v7;
	v7 =	vmul.f32 v12, v9;
	v12 =	vld [tilespmem:s4+$0x196A0]  }
0x18d: {  	[tilespmem:s4+$0x19640] =	vst v8;
	v8 =	vmul.f32 v10, v9;
	v10 =	vbroadcast v1, $0x8;
	v15 =	vld [tilespmem:s4+$0x196B0]  }
0x18e: {  	[tilespmem:s4+$0x19650] =	vst v7;
	v7 =	vmul.f32 v13, v9;
	v9 =	vld [tilespmem:s4+$0x196C0]  }
0x18f: {  	[tilespmem:s4+$0x19660] =	vst v8;
	v8 =	vmul.f32 v14, v10;
	v13 =	vld [tilespmem:s4+$0x196D0]  }
0x190: {  	[tilespmem:s4+$0x19670] =	vst v7;
	v7 =	vmul.f32 v11, v10;
	v11 =	vld [tilespmem:s4+$0x196E0]  }
0x191: {  	[tilespmem:s4+$0x19680] =	vst v8;
	v8 =	vmul.f32 v12, v10;
	v12 =	vld [tilespmem:s4+$0x196F0]  }
0x192: {  	[tilespmem:s4+$0x19690] =	vst v7;
	v7 =	vmul.f32 v15, v10;
	v14 =	vld [tilespmem:s4+$0x19700]  }
0x193: {  	[tilespmem:s4+$0x196A0] =	vst v8;
	v8 =	vmul.f32 v9, v10;
	v9 =	vld [tilespmem:s4+$0x19710]  }
0x194: {  	[tilespmem:s4+$0x196B0] =	vst v7;
	v7 =	vmul.f32 v13, v10;
	v13 =	vld [tilespmem:s4+$0x19720]  }
0x195: {  	[tilespmem:s4+$0x196C0] =	vst v8;
	v8 =	vmul.f32 v11, v10;
	v11 =	vbroadcast v1, $0x9;
	v15 =	vld [tilespmem:s4+$0x19730]  }
0x196: {  	[tilespmem:s4+$0x196D0] =	vst v7;
	v7 =	vmul.f32 v12, v10;
	v10 =	vld [tilespmem:s4+$0x19740]  }
0x197: {  	[tilespmem:s4+$0x196E0] =	vst v8;
	v8 =	vmul.f32 v14, v11;
	v12 =	vld [tilespmem:s4+$0x19750]  }
0x198: {  	[tilespmem:s4+$0x196F0] =	vst v7;
	v7 =	vmul.f32 v9, v11;
	v9 =	vld [tilespmem:s4+$0x19760]  }
0x199: {  	[tilespmem:s4+$0x19700] =	vst v8;
	v8 =	vmul.f32 v13, v11;
	v13 =	vld [tilespmem:s4+$0x19770]  }
0x19a: {  	[tilespmem:s4+$0x19710] =	vst v7;
	v7 =	vmul.f32 v15, v11;
	v14 =	vld [tilespmem:s4+$0x19780]  }
0x19b: {  	[tilespmem:s4+$0x19720] =	vst v8;
	v8 =	vmul.f32 v10, v11;
	v10 =	vld [tilespmem:s4+$0x19790]  }
0x19c: {  	[tilespmem:s4+$0x19730] =	vst v7;
	v7 =	vmul.f32 v12, v11;
	v12 =	vld [tilespmem:s4+$0x197A0]  }
0x19d: {  	[tilespmem:s4+$0x19740] =	vst v8;
	v8 =	vmul.f32 v9, v11;
	v9 =	vld [tilespmem:s4+$0x197B0]  }
0x19e: {  	[tilespmem:s4+$0x19750] =	vst v7;
	v7 =	vmul.f32 v13, v11;
	v11 =	vld [tilespmem:s4+$0x197C0]  }
0x19f: {  	[tilespmem:s4+$0x19760] =	vst v8;
	v8 =	vmul.f32 v14, v4;
	v13 =	vld [tilespmem:s4+$0x197D0]  }
0x1a0: {  	[tilespmem:s4+$0x19770] =	vst v7;
	v7 =	vmul.f32 v10, v4;
	v10 =	vld [tilespmem:s4+$0x197E0]  }
0x1a1: {  	v14 =	vld [tilespmem:s4+$0x19280];
	[tilespmem:s4+$0x19780] =	vst v8;
	v8 =	vmul.f32 v12, v4  }
0x1a2: {  	v12 =	vld [tilespmem:s4+$0x19290];
	[tilespmem:s4+$0x19790] =	vst v7;
	v7 =	vmul.f32 v9, v4  }
0x1a3: {  	v9 =	vld [tilespmem:s4+$0x192C0];
	[tilespmem:s4+$0x197A0] =	vst v8;
	v8 =	vmul.f32 v11, v4  }
0x1a4: {  	v11 =	vld [tilespmem:s4+$0x192D0];
	[tilespmem:s4+$0x197B0] =	vst v7;
	v7 =	vmul.f32 v13, v4  }
0x1a5: {  	[tilespmem:s4+$0x197C0] =	vst v8;
	v8 =	vmul.f32 v10, v4;
	v10 =	vbroadcast v1, $0xB;
	v13 =	vld [tilespmem:s4+$0x19820]  }
0x1a6: {  	v4 =	vbroadcast v1, $0xF;
	v14 =	vmul.f32 v2, v14;
	[tilespmem:s4+$0x197D0] =	vst v7;
	v7 =	vld [tilespmem:s4+$0x19830]  }
0x1a7: {  	v12 =	vmul.f32 v12, v2;
	[tilespmem:s4+$0x197E0] =	vst v8;
	v5 =	vmul.f32 v5, v10;
	v8 =	vld [tilespmem:s4+$0x19840]  }
0x1a8: {  	v6 =	vmul.f32 v6, v10;
	[tilespmem:s4+$0x19280] =	vst v14;
	v9 =	vmul.f32 v9, v2;
	v14 =	vld [tilespmem:s4+$0x19850]  }
0x1a9: {  	v3 =	vmul.f32 v3, v4;
	v11 =	vmul.f32 v11, v2;
	[tilespmem:s4+$0x19800] =	vst v5;
	v2 =	vld [tilespmem:s4+$0x19860]  }
0x1aa: {  	[tilespmem:s4+$0x19810] =	vst v6;
	v5 =	vmul.f32 v13, v10;
	v6 =	vld [tilespmem:s4+$0x19870]  }
0x1ab: {  	v7 =	vmul.f32 v7, v10;
	v13 =	vld [tilespmem:s4+$0x19880];
	[tilespmem:s4+$0x19A50] =	vst v3  }
0x1ac: {  	[tilespmem:s4+$0x19290] =	vst v12;
	v3 =	vmul.f32 v8, v10;
	v8 =	vld [tilespmem:s4+$0x19890]  }
0x1ad: {  	[tilespmem:s4+$0x192C0] =	vst v9;
	v9 =	vmul.f32 v14, v10;
	v12 =	vld [tilespmem:s4+$0x198A0]  }
0x1ae: {  	v14 =	vbroadcast v1, $0xC;
	[tilespmem:s4+$0x19820] =	vst v5;
	v5 =	vmul.f32 v2, v10;
	v15 =	vld [tilespmem:s4+$0x198B0]  }
0x1af: {  	[tilespmem:s4+$0x19850] =	vst v9;
	v6 =	vmul.f32 v6, v10;
	v9 =	vld [tilespmem:s4+$0x198C0]  }
0x1b0: {  	[tilespmem:s4+$0x19830] =	vst v7;
	v2 =	vmul.f32 v13, v14;
	v7 =	vld [tilespmem:s4+$0x198D0]  }
0x1b1: {  	[tilespmem:s4+$0x19840] =	vst v3;
	v3 =	vmul.f32 v8, v14;
	v8 =	vld [tilespmem:s4+$0x198E0]  }
0x1b2: {  	[tilespmem:s4+$0x19880] =	vst v2;
	v2 =	vmul.f32 v12, v14;
	v10 =	vld [tilespmem:s4+$0x198F0]  }
0x1b3: {  	[tilespmem:s4+$0x19890] =	vst v3;
	v3 =	vld [tilespmem:s4+$0x19900]  }
0x1b4: {  	[tilespmem:s4+$0x192D0] =	vst v11;
	v9 =	vmul.f32 v9, v14;
	v11 =	vld [tilespmem:s4+$0x19910]  }
0x1b5: {  	[tilespmem:s4+$0x19860] =	vst v5;
	v5 =	vmul.f32 v7, v14;
	v7 =	vld [tilespmem:s4+$0x19920]  }
0x1b6: {  	[tilespmem:s4+$0x198C0] =	vst v9;
	v8 =	vmul.f32 v8, v14;
	v9 =	vbroadcast v1, $0xD;
	v12 =	vld [tilespmem:s4+$0x19930]  }
0x1b7: {  	[tilespmem:s4+$0x198D0] =	vst v5;
	v5 =	vmul.f32 v10, v14;
	v10 =	vld [tilespmem:s4+$0x19940]  }
0x1b8: {  	[tilespmem:s4+$0x198E0] =	vst v8;
	v3 =	vmul.f32 v3, v9;
	v8 =	vld [tilespmem:s4+$0x19950]  }
0x1b9: {  	[tilespmem:s4+$0x198F0] =	vst v5;
	v5 =	vmul.f32 v11, v9;
	v11 =	vld [tilespmem:s4+$0x19960]  }
0x1ba: {  	[tilespmem:s4+$0x19900] =	vst v3;
	v3 =	vmul.f32 v7, v9;
	v7 =	vld [tilespmem:s4+$0x19970]  }
0x1bb: {  	[tilespmem:s4+$0x19910] =	vst v5;
	v5 =	vmul.f32 v12, v9;
	v12 =	vld [tilespmem:s4+$0x19980]  }
0x1bc: {  	[tilespmem:s4+$0x19920] =	vst v3;
	v3 =	vmul.f32 v10, v9;
	v10 =	vld [tilespmem:s4+$0x19990]  }
0x1bd: {  	[tilespmem:s4+$0x19930] =	vst v5;
	v5 =	vmul.f32 v8, v9;
	v8 =	vld [tilespmem:s4+$0x199A0]  }
0x1be: {  	v1 =	vbroadcast v1, $0xE;
	[tilespmem:s4+$0x19870] =	vst v6;
	v6 =	vmul.f32 v11, v9;
	v11 =	vld [tilespmem:s4+$0x199B0]  }
0x1bf: {  	[tilespmem:s4+$0x19950] =	vst v5;
	v5 =	vmul.f32 v7, v9;
	v7 =	vld [tilespmem:s4+$0x199C0]  }
0x1c0: {  	[tilespmem:s4+$0x19960] =	vst v6;
	v6 =	vmul.f32 v12, v1;
	v9 =	vld [tilespmem:s4+$0x199D0]  }
0x1c1: {  	[tilespmem:s4+$0x19970] =	vst v5;
	v5 =	vmul.f32 v10, v1;
	v10 =	vld [tilespmem:s4+$0x199E0]  }
0x1c2: {  	[tilespmem:s4+$0x19980] =	vst v6;
	v6 =	vmul.f32 v8, v1;
	v8 =	vld [tilespmem:s4+$0x199F0]  }
0x1c3: {  	[tilespmem:s4+$0x19990] =	vst v5;
	v5 =	vmul.f32 v11, v1;
	v11 =	vld [tilespmem:s4+$0x19A00]  }
0x1c4: {  	[tilespmem:s4+$0x199A0] =	vst v6;
	v6 =	vmul.f32 v7, v1;
	v7 =	vld [tilespmem:s4+$0x19A10]  }
0x1c5: {  	[tilespmem:s4+$0x199B0] =	vst v5;
	v5 =	vmul.f32 v9, v1;
	v9 =	vld [tilespmem:s4+$0x19A20]  }
0x1c6: {  	[tilespmem:s4+$0x199C0] =	vst v6;
	v6 =	vmul.f32 v10, v1;
	v10 =	vld [tilespmem:s4+$0x19A30]  }
0x1c7: {  	[tilespmem:s4+$0x19940] =	vst v3;
	v1 =	vmul.f32 v8, v1;
	v3 =	vld [tilespmem:s4+$0x19A40]  }
0x1c8: {  	[tilespmem:s4+$0x199E0] =	vst v6;
	v6 =	vmul.f32 v11, v4;
	v8 =	vld [tilespmem:s4+$0x19A60]  }
0x1c9: {  	[tilespmem:s4+$0x199F0] =	vst v1;
	v1 =	vmul.f32 v7, v4;
	v7 =	vld [tilespmem:s4+$0x19A70]  }
0x1ca: {  	[tilespmem:s4+$0x19A00] =	vst v6;
	v6 =	vmul.f32 v9, v4  }
0x1cb: {  	[tilespmem:s4+$0x19A10] =	vst v1;
	v1 =	vmul.f32 v10, v4  }
0x1cc: {  	v9 =	vmul.f32 v15, v14;
	[tilespmem:s4+$0x19A20] =	vst v6  }
0x1cd: {  	[tilespmem:s4+$0x19A30] =	vst v1;
	v1 =	vmul.f32 v3, v4  }
.Ltmp1:
0x1ce: {  	[tilespmem:s4+$0x198B0] =	vst v9;
	v3 =	vmul.f32 v7, v4;
	(pc) =	sbr.rel @p0 .LBB2_5-.Ltmp1, $4  }
0x1cf: {  	[tilespmem:s4+$0x19A40] =	vst v1  }
0x1d0: {  	v1 =	vmul.f32 v8, v4;
	[tilespmem:s4+$0x19A70] =	vst v3  }
0x1d1: {  	[tilespmem:s4+$0x199D0] =	vst v5  }
0x1d2: {  	[tilespmem:s4+$0x19A60] =	vst v1  }
0x1d3: {  	[tilespmem:s4+$0x198A0] =	vst v2  }
0x1d4: {  	[spmem:s1] =	stream.indirect.scatter.add.f32 [tilespmem:s29], [sflag:$0x2], $0x80, s26, s28, $0xb8;
	[tilespmem:$0x1FD80] =	vst v63  }
0x1d5: {  	s3 =	sadd.s32 $0x1, s3;
	_ =	swait.ge [sflag:s21], $0x2800  }
0x1d6: {  	p0 =	sne.s32 s3, $0x7D;
	[sflag:s21] =	ssyncset.done $0x0  }
.Ltmp2:
0x1d7: {  	[sflag:s21] =	ssyncadd.s32 $0xFFFFD800;
	(pc) =	sbr.rel @p0 .LBB2_4-.Ltmp2, $4  }
0x1d8: {  	[spmem:s2] =	stream.indirect.scatter.add.f32 [tilespmem:s31], [sflag:$0x2], $0x1, s26, s28, $0xb8;
	[tilespmem:$0x1FD80] =	vst v63  }
0x1d9: {  	_ =	swait.ge [sflag:s21], $0x50  }
0x1da: {  	[sflag:s21] =	ssyncset.done $0x0  }
0x1db: {  	[sflag:s21] =	ssyncadd.s32 $0xFFFFFFB0  }
0x1dc: {  	s3 =	stileid.u32  }
0x1dd: {  	s3 =	sshll.u32 s3, $0x6  }
0x1de: {  	[bflag:$0x0] =	sbarrier.arrive $0xFFFF;
	s4 =	sshrl.u32 s10, $0x3;
	s3 =	sor.u32 $0x1C02, s3  }
0x1df: {  	[hbm:s17], [sflag:s3] =	dma.local [spmem:s4], $0x2800  }
0x1e0: {  	s6 =	simm.s32 $0x80;
	s0 =	sadd.s32 $0x1, s0;
	_ =	swait.ge [sflag:s21], $0x2800  }
0x1e1: {  	s7 =	simm.s32 $0x10;
	p0 =	sne.s32 s0, s19;
	[sflag:s21] =	ssyncset.done $0x0  }
.Ltmp3:
0x1e2: {  	s4 =	sshrl.u32 s15, $0x3;
	[sflag:s21] =	ssyncadd.s32 $0xFFFFD800;
	(pc) =	sbr.rel @p0 .LBB2_1-.Ltmp3, $4  }
0x1e3: {  	[hbm:s18@s6], [sflag:s3] =	dma.strided [spmem:s4@s7], $0x50, s30, $0x10   }
0x1e4: {  	_ =	swait.ge [sflag:s21], $0x50  }
0x1e5: {  	[sflag:s21] =	ssyncset.done $0x0  }
0x1e6: {  	[sflag:s21] =	ssyncadd.s32 $0xFFFFFFB0  }
0x1e7: {  	_ =	sfence.sel $0x180000  }
0x1e8: {  	[bflag:$0x0] =	sbarrier.arrive $0xFFFF  }
0x1e9: {  	_ =	strace $0x90000047  }
0x1ea: {  	s0 =	stileid.u32;
	[bflag:$0x2] =	sbarrier.arrive $0xFFFF  }
0x1eb: {  	p0 =	sne.s32 s0, $0x0;
	s0 =	rddreg [dreg:$0x3]  }
0x1ec: {  	s0 =	sadd.s32 @!p0 $0x100000, s0  }
0x1ed: {  	[sflag:s0] =	ssyncadd.tile.s32 @!p0 $0x1;
	_ =	shalt  }
.Lfunc_end2:
_tile_overlayer_lowered:
.L_overlay_start_2:
0x1ee: {  	(tag) =	ssettag $0x2  }
0x1ef: {  	s0 =	rddreg [dreg:$0x0];
	s2 =	stileid.u32  }
0x1f0: {  	s1 =	rddreg [dreg:$0x1];
	p0 =	sne.s32 s2, $0x0  }
0x1f1: {  	s3 =	rddreg [dreg:$0x2];
	[bflag:$0x3] =	sbarrier.arrive $0xFFFF;
	s2 =	simm.s32 @!p0 $0x1C02  }
0x1f2: {  	[timem:s3], [sflag:s2] =	dma.local @!p0 [hbm:s0], s1  }
0x1f3: {  	s0 =	simm.s32 @!p0 $0x2  }
0x1f4: {  	_ =	swait.ge @!p0 [sflag:s0], s1  }
0x1f5: {  	s1 =	ssub.s32 @!p0 $0x0, s1;
	[sflag:s0] =	ssyncset.done @!p0 $0x0  }
0x1f6: {  	[sflag:s0] =	ssyncadd.s32 @!p0 s1  }
0x1f7: {  	[bflag:$0x3] =	sbarrier.arrive $0xFFFF  }
0x1f8: {  	_ =	shalt  }

// kernel: kernel.13.cloned.1.call-start
scs
__scs_entry_jumppad:
0x0: {  	(pc) =	sbr.rel $0x88, $3  }
0x1: {  	(tag) =	ssettag $0x0;
	lr =	simm.s32 $0x1  }
0x2: {  	[smem:$0x3F92] =	sst lr;
	_ =	strace $0xD0000000  }
0x3: {  	_ = 	snop  }
0x4: {  	_ = 	snop  }
0x5: {  	_ = 	snop  }
0x6: {  	_ = 	snop  }
0x7: {  	_ = 	snop  }
__scs_overlays_trampoline_lowered:
0x8: {  	[smem:$0x3FA1] =	sst s0  }
0x9: {  	[smem:$0x3FA2] =	sst s1  }
0xa: {  	[smem:$0x3FA3] =	sst s2  }
0xb: {  	[smem:$0x3FA4] =	sst s3  }
0xc: {  	[smem:$0x3FA5] =	sst s4  }
0xd: {  	[smem:$0x3FA6] =	sst s5  }
0xe: {  	[smem:$0x3FA7] =	sst s6  }
0xf: {  	[smem:$0x3FA8] =	sst s7  }
0x10: {  	[smem:$0x3FA9] =	sst s8  }
0x11: {  	[smem:$0x3FAA] =	sst s9;
	s0 =	simm.s32 @!p0 $0x0  }
0x12: {  	s1 =	sld [smem:$0x3F90];
	s0 =	simm.s32 @p0 $0x1  }
0x13: {  	[smem:$0x3FAB] =	sst s0;
	s0 =	simm.s32 @!p1 $0x0  }
0x14: {  	s2 =	sld [smem:$0x3F8F];
	s0 =	simm.s32 @p1 $0x1  }
0x15: {  	[smem:$0x3FAC] =	sst s0;
	s0 =	simm.s32 @!p2 $0x0  }
0x16: {  	s3 =	sld [smem:$0x3FDB];
	s0 =	simm.s32 @p2 $0x1  }
0x17: {  	s4 =	simm.s32 $0x1BF5;
	[smem:$0x3FAE] =	sst s0  }
0x18: {  	s0 =	sld [smem:$0x3F91];
	_ =	swait.ge [sflag:s4], $0x0  }
0x19: {  	s7 =	sld [smem:$0x3F92]  }
0x1a: {  	s8 =	sadd.s32 $0xFFFFE003, lr  }
0x1b: {  	s9 =	sadd.s32 $0xFFFFFEF7, lr;
	s5 =	simm.s32 $0xFFFFFFFF;
	p2 =	slt.u32 s8, $0xFFFFF086  }
0x1c: {  	p1 =	slt.u32 s9, $0xF7A;
	s5 =	simm.s32 @!p2 $0x0  }
0x1d: {  	s5 =	simm.s32 @p1 $0x1;
	p0 =	seq.s32 s7, s2  }
0x1e: {  	s7 =	smul.u32 @!p0 $0xF7A, s2;
	p2 =	seq.s32 @!p0 s5, $0x0  }
0x1f: {  	s9 =	smul.u32 $0xF7A, s1;
	s8 =	simm.s32 @!p0 $0x1BF5;
	p2 =	por !p2, p0  }
0x20: {  	[sflag:s8] =	ssyncset.s32 @!p0 $0xFFFFF086;
	s6 =	sadd.s32 @!p0 s3, s7;
	s7 =	simm.s32 @!p0 $0x108  }
0x21: {  	s3 =	sadd.s32 s3, s9;
	s6 =	sadd.s32 @!p0 $0x88, s6;
	s7 =	simm.s32 @p2 $0x1082  }
0x22: {  	[simem:s7], [sflag:s8] =	dma.local @!p0 [hbm:s6], $0xF7A  }
0x23: {  	s9 =	sor.u32 $0xD0000000, s2;
	s6 =	simm.s32 $0x108;
	_ =	swait.ge @!p0 [sflag:s8], $0x0  }
0x24: {  	s3 =	sadd.s32 $0x88, s3;
	s6 =	simm.s32 @!p1 $0x1082;
	[sflag:s4] =	ssyncset.s32 $0xFFFFF086  }
0x25: {  	[simem:s6], [sflag:s4] =	dma.local [hbm:s3], $0xF7A  }
0x26: {  	[smem:$0x3F92] =	sst s1;
	(tag) =	ssettag s2;
	_ =	strace s9  }
0x27: {  	s1 =	sld [smem:$0x3FA2]  }
0x28: {  	s2 =	sld [smem:$0x3FA3]  }
0x29: {  	s4 =	sld [smem:$0x3FA5]  }
0x2a: {  	p0 =	seq.s32 s5, $0x0;
	s5 =	sld [smem:$0x3FA6]  }
0x2b: {  	s6 =	sld [smem:$0x3FA7]  }
0x2c: {  	s7 =	sld [smem:$0x3FA8]  }
0x2d: {  	s3 =	simm.s32 $0x108;
	s8 =	sld [smem:$0x3FA9]  }
0x2e: {  	s3 =	simm.s32 @!p0 $0x1082;
	s9 =	sld [smem:$0x3FAA]  }
0x2f: {  	lr =	sadd.s32 s0, s3;
	s0 =	sld [smem:$0x3FA1]  }
0x30: {  	s3 =	sld [smem:$0x3FA4]  }
0x31: {  	[smem:$0x3FAD] =	sst s10  }
0x32: {  	s10 =	sld [smem:$0x3FAB];
	_ =	sdelay $0x3  }
0x33: {  	p0 =	seq.s32 s10, $0x1;
	s10 =	sld [smem:$0x3FAD];
	_ =	sdelay $0x3  }
0x34: {  	[smem:$0x3FAD] =	sst s10  }
0x35: {  	s10 =	sld [smem:$0x3FAC];
	_ =	sdelay $0x3  }
0x36: {  	p1 =	seq.s32 s10, $0x1;
	s10 =	sld [smem:$0x3FAD];
	_ =	sdelay $0x3  }
0x37: {  	[smem:$0x3FAD] =	sst s10  }
0x38: {  	s10 =	sld [smem:$0x3FAE]  }
0x39: {  	_ = 	snop;
	(pc) =	sbr.ind lr, $3  }
0x3a: {  	_ = 	snop  }
0x3b: {  	_ = 	snop  }
0x3c: {  	p2 =	seq.s32 s10, $0x1;
	s10 =	sld [smem:$0x3FAD]  }
0x3d: {  	_ =	shalt  }
0x3e: {  	_ =	shalt  }
0x3f: {  	_ =	shalt  }
0x40: {  	_ =	shalt  }
0x41: {  	_ =	shalt  }
0x42: {  	_ =	shalt  }
0x43: {  	_ =	shalt  }
0x44: {  	_ =	shalt  }
0x45: {  	_ =	shalt  }
0x46: {  	_ =	shalt  }
0x47: {  	_ =	shalt  }
0x48: {  	_ =	shalt  }
0x49: {  	_ =	shalt  }
0x4a: {  	_ =	shalt  }
0x4b: {  	_ =	shalt  }
0x4c: {  	_ =	shalt  }
0x4d: {  	_ =	shalt  }
0x4e: {  	_ =	shalt  }
0x4f: {  	_ =	shalt  }
0x50: {  	_ =	shalt  }
0x51: {  	_ =	shalt  }
0x52: {  	_ =	shalt  }
0x53: {  	_ =	shalt  }
0x54: {  	_ =	shalt  }
0x55: {  	_ =	shalt  }
0x56: {  	_ =	shalt  }
0x57: {  	_ =	shalt  }
0x58: {  	_ =	shalt  }
0x59: {  	_ =	shalt  }
0x5a: {  	_ =	shalt  }
0x5b: {  	_ =	shalt  }
0x5c: {  	_ =	shalt  }
0x5d: {  	_ =	shalt  }
0x5e: {  	_ =	shalt  }
0x5f: {  	_ =	shalt  }
0x60: {  	_ =	shalt  }
0x61: {  	_ =	shalt  }
0x62: {  	_ =	shalt  }
0x63: {  	_ =	shalt  }
0x64: {  	_ =	shalt  }
0x65: {  	_ =	shalt  }
0x66: {  	_ =	shalt  }
0x67: {  	_ =	shalt  }
0x68: {  	_ =	shalt  }
0x69: {  	_ =	shalt  }
0x6a: {  	_ =	shalt  }
0x6b: {  	_ =	shalt  }
0x6c: {  	_ =	shalt  }
0x6d: {  	_ =	shalt  }
0x6e: {  	_ =	shalt  }
0x6f: {  	_ =	shalt  }
0x70: {  	_ =	shalt  }
0x71: {  	_ =	shalt  }
0x72: {  	_ =	shalt  }
0x73: {  	_ =	shalt  }
0x74: {  	_ =	shalt  }
0x75: {  	_ =	shalt  }
0x76: {  	_ =	shalt  }
0x77: {  	_ =	shalt  }
0x78: {  	_ =	shalt  }
0x79: {  	_ =	shalt  }
0x7a: {  	_ =	shalt  }
0x7b: {  	_ =	shalt  }
0x7c: {  	_ =	shalt  }
0x7d: {  	_ =	shalt  }
0x7e: {  	_ =	shalt  }
0x7f: {  	_ =	shalt  }
0x80: {  	_ =	shalt  }
0x81: {  	_ =	shalt  }
0x82: {  	_ =	shalt  }
0x83: {  	_ =	shalt  }
0x84: {  	_ =	shalt  }
0x85: {  	_ =	shalt  }
0x86: {  	_ =	shalt  }
0x87: {  	_ =	shalt  }
.Lfunc_end0:
.L_simem_size_0:
called_computation.1_lowered:
.L_overlay_start_0:
0x88: {  	s2 =	sld [smem:$0x3FD9]  }
0x89: {  	s3 =	sld [smem:$0x3FFE];
	_ =	sdelay $0x1  }
0x8a: {  	s1 =	srdreg.scid  }
0x8b: {  	s0 =	sand.u32 $0x1, s1  }
0x8c: {  	s16 =	sshll.u32 s0, $0xA;
	s2 =	sadd.s32 s3, s2  }
0x8d: {  	s2 =	sadd.s32 s2, s16  }
0x8e: {  	[smem:$0x3FB9] =	sst s2  }
0x8f: {  	_ = 	snop  }
0x90: {  	(tm) =	ssettm $0x1  }
0x91: {  	s17 =	sld [smem:$0x3FFB];
	_ =	sdelay $0x3  }
0x92: {  	_ =	strace s17  }
0x93: {  	s2 =	sld [smem:$0x3FFC];
	_ =	sdelay $0x3  }
0x94: {  	_ =	strace s2  }
0x95: {  	s2 =	sld [smem:$0x3FFD];
	_ =	sdelay $0x3  }
0x96: {  	_ =	strace s2  }
0x97: {  	_ =	strace $0x8FFFFFFF  }
0x98: {  	s18 =	sld [smem:$0x3FDB];
	_ =	sdelay $0x1  }
0x99: {  	s19 =	simm.s32 $_scs_section_size  }
0x9a: {  	s4 =	simm.s32 $_size__tile_overlayer_lowered;
	s5 =	simm.s32 $_tile_overlayer_lowered  }
0x9b: {  	s22 =	simm.s32 $0x1BFF;
	s21 =	sshll.u32 s5, $0x1;
	s2 =	sadd.s32 s19, s18  }
0x9c: {  	s6 =	simm.s32 $0x0;
	s20 =	sshll.u32 s4, $0x1;
	s4 =	sadd.s32 s21, s2  }
0x9d: {  	[timem:s6], [sflag:s22] =	dma.local [hbm:s4], s20  }
0x9e: {  	_ =	swait.ge [sflag:s22], s20  }
0x9f: {  	s3 =	ssub.s32 $0x0, s20;
	[sflag:s22] =	ssyncset.done $0x0  }
0xa0: {  	[sflag:s22] =	ssyncadd.s32 s3;
	_ =	sdelay $0x1  }
0xa1: {  	s23 =	simm.s32 $0x1B8B  }
0xa2: {  	_ =	swait.ge [sflag:s23], $0x1  }
0xa3: {  	[sflag:s23] =	ssyncset.done $0x0  }
0xa4: {  	s25 =	simm.s32 $0x1B8E;
	s24 =	sld [smem:$0x3FFE];
	[sflag:s23] =	ssyncadd.s32 $0xFFFFFFFF  }
0xa5: {  	s26 =	simm.s32 $execute0_lowered;
	[smem:$0x3FD2] =	sst s25  }
0xa6: {  	s4 =	sshll.u32 s26, $0x1;
	_ =	strace $0x80000049;
	[dreg:$0x1] =	wrdreg $0xFFFFFFFF  }
0xa7: {  	s28 =	simm.s32 $_size_execute0_lowered;
	s2 =	sadd.s32 s2, s4;
	[dreg:$0x0] =	wrdreg $0x0  }
0xa8: {  	s4 =	sshll.u32 s28, $0x1;
	[dreg:$0x2] =	wrdreg s2  }
0xa9: {  	[dreg:$0x3] =	wrdreg s4  }
0xaa: {  	[dreg:$0x4] =	wrdreg $0xC0  }
0xab: {  	_ =	task [dreg:s6], $0x5FFFF  }
0xac: {  	[dreg:$0x1] =	wrdreg $0xFFFFFFFF  }
0xad: {  	[dreg:$0x0] =	wrdreg $0x60  }
0xae: {  	[dreg:$0x2] =	wrdreg s24  }
0xaf: {  	[dreg:$0x3] =	wrdreg $0x0  }
0xb0: {  	[dreg:$0x4] =	wrdreg $0x140000  }
0xb1: {  	[dreg:$0x5] =	wrdreg $0x9  }
0xb2: {  	_ =	task.clear_ibuf [dreg:s6], $0x6FFFF;
	_ =	strace $0x90000049  }
0xb3: {  	s29 =	simm.s32 $0x9;
	_ =	strace $0x8000004B  }
0xb4: {  	_ =	swait.ge [sflag:s29], $0x1  }
0xb5: {  	[sflag:s29] =	ssyncadd.s32 $0xFFFFFFFF  }
0xb6: {  	_ =	strace $0x9000004B  }
0xb7: {  	_ =	sfence  }
0xb8: {  	s30 =	sld [smem:$0x0];
	_ =	sdelay $0x2  }
0xb9: {  	s31 =	sshll.u32 s1, $0xD;
	s1 =	sshrl.u32 s1, $0x2  }
0xba: {  	s3 =	sand.u32 $0x4000, s31;
	s1 =	sadd.s32 s1, s30  }
0xbb: {  	s0 =	sor.u32 s3, s0;
	s1 =	sshll.u32 s1, $0x11  }
0xbc: {  	s0 =	sor.u32 s1, s0  }
0xbd: {  	s0 =	sadd.s32 $0x8F2B, s0  }
0xbe: {  	[sflag:s0] =	ssyncadd.remote.s32 $0x1  }
0xbf: {  	_ =	sfence.sel $0xFFFF  }
0xc0: {  	[dreg:$0x0] =	wrdreg $0xFFFFFFFF;
	(pc) =	sbr.abs _section_cstart, $3  }
0xc1: {  	[dreg:$0x1] =	wrdreg $0xFFFFFFFF  }
0xc2: {  	_ =	task.clear_ibuf [dreg:s6], $0x2FFFF;
	_ =	strace $0x9FFFFFFF  }
0xc3: {  	(tm) =	ssettm $0x7FFFFFFF  }
tec
execute0_lowered:
.L_overlay_start_1:
0x0: {  	(tag) =	ssettag $0x1  }
0x1: {  	s0 =	rddreg [dreg:$0x0]  }
0x2: {  	s1 =	rddreg [dreg:$0x1]  }
0x3: {  	s2 =	rddreg [dreg:$0x2];
	s3 =	srdreg.scid  }
0x4: {  	s5 =	simm.s32 $0x0;
	s13 =	stileid.u32;
	s20 =	simm.s32 $0x14280  }
0x5: {  	s28 =	simm.s32 $0x50;
	s29 =	simm.s32 $0x19280;
	s30 =	simm.s32 $0x1  }
0x6: {  	s31 =	simm.s32 $0x1BA80;
	s3 =	sand.u32 $0x1, s3;
	s6 =	smul.u32 $0x14000, s13  }
0x7: {  	[smem:$0x7FF] =	sst s5;
	s7 =	sshrl.u32 s13, $0x3;
	s25 =	smul.u32 $0x50000, s13  }
0x8: {  	s11 =	sshll.u32 s13, $0x7;
	s12 =	sshll.u32 s13, $0x1;
	s13 =	smul.u32 $0xA00, s13  }
0x9: {  	s8 =	sadd.s32 $0x29400, s0;
	s21 =	sadd.s32 $0x28E00, s0;
	s4 =	smul.u32 $0x140000, s3  }
0xa: {  	_ =	strace $0x8000004A;
	s9 =	smul.u32 $0x2800, s3;
	[dreg:$0x4] =	wrdreg s8  }
0xb: {  	s5 =	sadd.s32 $0x1C00, s0;
	s10 =	smul.u32 $0x1400, s7;
	[dreg:$0x5] =	wrdreg s21  }
0xc: {  	s8 =	sadd.s32 $0x33800, s0;
	s23 =	sand.u32 $0x380, s11;
	s24 =	ssub.s32 $0x2, s3  }
0xd: {  	s3 =	sor.u32 s3, s12;
	s21 =	simm.s32 $0x2;
	s26 =	sshrl.u32 s24, $0x1  }
0xe: {  	s11 =	sshrl.u32 s25, $0x2;
	s15 =	sshrl.u32 s13, $0x2;
	s16 =	smul.u32 $0x2710, s3  }
0xf: {  	s25 =	simm.s32 $0x19180;
	s4 =	sadd.s32 s6, s4;
	s22 =	sadd.s32 s9, s10  }
0x10: {  	s9 =	sadd.s32 $0x29A00, s0;
	s10 =	sadd.s32 s11, s1;
	s15 =	sadd.s32 s15, s2  }
0x11: {  	s4 =	sshrl.u32 s4, $0x3;
	s6 =	sor.u32 s23, s22;
	s11 =	sadd.s32 $0x4000, s10  }
0x12: {  	s12 =	sadd.s32 $0x8000, s10;
	s13 =	sadd.s32 $0xC000, s10;
	s14 =	sadd.s32 $0x10000, s10  }
0x13: {  	s22 =	simm.s32 $0x16A00;
	s23 =	simm.s32 $0x1BB00;
	s6 =	sshrl.u32 s6, $0x3  }
0x14: {  	s4 =	sadd.s32 s4, s0;
	s0 =	sadd.s32 s6, s0;
	s6 =	ssub.s32 s24, s26  }
0x15: {  	s17 =	sadd.s32 $0x3E000, s4;
	s26 =	simm.s32 $0x19200;
	s24 =	simm.s32 $0x0  }
0x16: {  	v0 =	vimm.f32 $0.0e+00;
	s18 =	sadd.s32 $0x3D600, s0;
	s19 =	smax.u32 s6, $0x1;
	s0 =	simm.s32 $0x0  }
.LBB2_1:
0x17: {  	s3 =	simm.s32 $0x0;
	s4 =	rddreg [dreg:$0x4]  }
0x18: {  	[tilespmem:s20], [sflag:$0x2] =	stream.linear.gather [hbm4b:s4+s3], $0x2780, $0x38;
	[tilespmem:$0x1FD80] =	vst v63  }
0x19: {  	_ =	swait.ge [sflag:s21], $0x2780  }
0x1a: {  	[sflag:s21] =	ssyncset.done $0x0  }
0x1b: {  	s7 =	rddreg [dreg:$0x5];
	[sflag:s21] =	ssyncadd.s32 $0xFFFFD880  }
0x1c: {  	[tilespmem:s22], [sflag:$0x2] =	stream.linear.gather [hbm4b:s7+s3], $0x2780, $0x38;
	[tilespmem:$0x1FD80] =	vst v63  }
0x1d: {  	_ =	swait.ge [sflag:s21], $0x2780  }
0x1e: {  	[sflag:s21] =	ssyncset.done $0x0  }
0x1f: {  	s4 =	simm.s32 $0x200;
	s3 =	simm.s32 $0x0;
	[sflag:s21] =	ssyncadd.s32 $0xFFFFD880  }
.LBB2_2:
0x20: {  	p0 =	sne.s32 s4, $0xFE00;
	[tilespmem:s3+$0x1BB70] =	vst v0  }
0x21: {  	[tilespmem:s3+$0x1BB00] =	vst v0  }
0x22: {  	[tilespmem:s3+$0x1BB10] =	vst v0  }
.Ltmp0:
0x23: {  	[tilespmem:s3+$0x1BB20] =	vst v0;
	(pc) =	sbr.rel @p0 .LBB2_2-.Ltmp0, $4  }
0x24: {  	[tilespmem:s3+$0x1BB30] =	vst v0  }
0x25: {  	[tilespmem:s3+$0x1BB40] =	vst v0  }
0x26: {  	[tilespmem:s3+$0x1BB50] =	vst v0  }
0x27: {  	[tilespmem:s3+$0x1BB60] =	vst v0;
	s3 =	sshra.s32 s4, $0x2;
	s4 =	sadd.s32 $0x200, s4  }
0x28: {  	[tilespmem:s3+$0x1BB70] =	vst v0  }
0x29: {  	[tilespmem:s3+$0x1BB00] =	vst v0  }
0x2a: {  	[tilespmem:s3+$0x1BB10] =	vst v0  }
0x2b: {  	[tilespmem:s3+$0x1BB20] =	vst v0  }
0x2c: {  	[tilespmem:s3+$0x1BB30] =	vst v0  }
0x2d: {  	[tilespmem:s3+$0x1BB40] =	vst v0  }
0x2e: {  	[tilespmem:s3+$0x1BB50] =	vst v0  }
0x2f: {  	[tilespmem:s3+$0x1BB60] =	vst v0  }
0x30: {  	[tilespmem:$0x1FB00] =	vst v0  }
0x31: {  	[tilespmem:$0x1FB10] =	vst v0  }
0x32: {  	[tilespmem:$0x1FB20] =	vst v0  }
0x33: {  	[tilespmem:$0x1FB30] =	vst v0  }
0x34: {  	[tilespmem:$0x1FB40] =	vst v0  }
0x35: {  	[tilespmem:$0x1FB50] =	vst v0  }
0x36: {  	[tilespmem:$0x1FB60] =	vst v0  }
0x37: {  	[tilespmem:$0x1FB70] =	vst v0  }
0x38: {  	[tilespmem:$0x1FB80] =	vst v0  }
0x39: {  	[tilespmem:$0x1FB90] =	vst v0  }
0x3a: {  	[tilespmem:$0x1FBA0] =	vst v0  }
0x3b: {  	[tilespmem:$0x1FBB0] =	vst v0  }
0x3c: {  	[tilespmem:$0x1FBC0] =	vst v0  }
0x3d: {  	[tilespmem:$0x1FBD0] =	vst v0  }
0x3e: {  	[tilespmem:$0x1FBE0] =	vst v0  }
0x3f: {  	[tilespmem:$0x1FBF0] =	vst v0  }
0x40: {  	[tilespmem:$0x1FC00] =	vst v0  }
0x41: {  	[tilespmem:$0x1FC10] =	vst v0  }
0x42: {  	[tilespmem:$0x1FC20] =	vst v0  }
0x43: {  	[tilespmem:$0x1FC30] =	vst v0  }
0x44: {  	[tilespmem:$0x1FC40] =	vst v0  }
0x45: {  	[tilespmem:$0x1FC50] =	vst v0  }
0x46: {  	[tilespmem:$0x1FC60] =	vst v0  }
0x47: {  	[tilespmem:$0x1FC70] =	vst v0  }
0x48: {  	[tilespmem:$0x1FC80] =	vst v0  }
0x49: {  	[tilespmem:$0x1FC90] =	vst v0  }
0x4a: {  	[tilespmem:$0x1FCA0] =	vst v0  }
0x4b: {  	[tilespmem:$0x1FCB0] =	vst v0  }
0x4c: {  	[tilespmem:$0x1FCC0] =	vst v0  }
0x4d: {  	[tilespmem:$0x1FCD0] =	vst v0  }
0x4e: {  	[tilespmem:$0x1FCE0] =	vst v0  }
0x4f: {  	[tilespmem:$0x1FCF0] =	vst v0  }
0x50: {  	[tilespmem:$0x1FD00] =	vst v0  }
0x51: {  	[tilespmem:$0x1FD10] =	vst v0  }
0x52: {  	[tilespmem:$0x1FD20] =	vst v0  }
0x53: {  	[tilespmem:$0x1FD30] =	vst v0  }
0x54: {  	[tilespmem:$0x1FD40] =	vst v0  }
0x55: {  	[tilespmem:$0x1FD50] =	vst v0  }
0x56: {  	[tilespmem:$0x1FD60] =	vst v0  }
0x57: {  	[tilespmem:$0x1FD70] =	vst v0  }
0x58: {  	[spmem:s10] =	stream.linear.scatter [tilespmem:s23], [sflag:$0x2], $0x4000, $0x38;
	[tilespmem:$0x1FD80] =	vst v63  }
0x59: {  	_ =	swait.ge [sflag:s21], $0x4000  }
0x5a: {  	[sflag:s21] =	ssyncset.done $0x0  }
0x5b: {  	[sflag:s21] =	ssyncadd.s32 $0xFFFFC000  }
0x5c: {  	[spmem:s11] =	stream.linear.scatter [tilespmem:s23], [sflag:$0x2], $0x4000, $0x38;
	[tilespmem:$0x1FD80] =	vst v63  }
0x5d: {  	_ =	swait.ge [sflag:s21], $0x4000  }
0x5e: {  	[sflag:s21] =	ssyncset.done $0x0  }
0x5f: {  	[sflag:s21] =	ssyncadd.s32 $0xFFFFC000  }
0x60: {  	[spmem:s12] =	stream.linear.scatter [tilespmem:s23], [sflag:$0x2], $0x4000, $0x38;
	[tilespmem:$0x1FD80] =	vst v63  }
0x61: {  	_ =	swait.ge [sflag:s21], $0x4000  }
0x62: {  	[sflag:s21] =	ssyncset.done $0x0  }
0x63: {  	[sflag:s21] =	ssyncadd.s32 $0xFFFFC000  }
0x64: {  	[spmem:s13] =	stream.linear.scatter [tilespmem:s23], [sflag:$0x2], $0x4000, $0x38;
	[tilespmem:$0x1FD80] =	vst v63  }
0x65: {  	_ =	swait.ge [sflag:s21], $0x4000  }
0x66: {  	[sflag:s21] =	ssyncset.done $0x0  }
0x67: {  	[sflag:s21] =	ssyncadd.s32 $0xFFFFC000  }
0x68: {  	[spmem:s14] =	stream.linear.scatter [tilespmem:s23], [sflag:$0x2], $0x4000, $0x38;
	[tilespmem:$0x1FD80] =	vst v63  }
0x69: {  	_ =	swait.ge [sflag:s21], $0x4000  }
0x6a: {  	[sflag:s21] =	ssyncset.done $0x0  }
0x6b: {  	s7 =	simm.s32 $0x1FB00;
	[sflag:s21] =	ssyncadd.s32 $0xFFFFC000  }
0x6c: {  	[spmem:s15] =	stream.linear.scatter [tilespmem:s7], [sflag:$0x2], $0x280, $0x38;
	[tilespmem:$0x1FD80] =	vst v63  }
0x6d: {  	_ =	swait.ge [sflag:s21], $0x280  }
0x6e: {  	[sflag:s21] =	ssyncset.done $0x0  }
0x6f: {  	[sflag:s21] =	ssyncadd.s32 $0xFFFFFD80  }
0x70: {  	s3 =	simm.s32 $0x0;
	[bflag:$0x0] =	sbarrier.arrive $0xFFFF  }
.LBB2_4:
0x71: {  	s4 =	smul.u32 $0x50, s3;
	_ =	sdelay $0x1  }
0x72: {  	s4 =	sadd.s32 s16, s4  }
0x73: {  	s4 =	sshrl.u32 s4, $0x3  }
0x74: {  	s6 =	sadd.s32 s8, s4  }
0x75: {  	[tilespmem:s25], [sflag:$0x2] =	stream.linear.gather [hbm4b:s6+s24], $0x50, $0x38;
	[tilespmem:$0x1FD80] =	vst v63  }
0x76: {  	_ =	swait.ge [sflag:s21], $0x50  }
0x77: {  	[sflag:s21] =	ssyncset.done $0x0  }
0x78: {  	s4 =	sadd.s32 s9, s4;
	[sflag:s21] =	ssyncadd.s32 $0xFFFFFFB0  }
0x79: {  	[tilespmem:s26], [sflag:$0x2] =	stream.linear.gather [hbm4b:s4+s24], $0x50, $0x38;
	[tilespmem:$0x1FD80] =	vst v63  }
0x7a: {  	_ =	swait.ge [sflag:s21], $0x50  }
0x7b: {  	[sflag:s21] =	ssyncset.done $0x0  }
0x7c: {  	[sflag:s21] =	ssyncadd.s32 $0xFFFFFFB0  }
0x7d: {  	[tilespmem:s29], [sflag:$0x1] =	stream.indirect.gather [hbm4b:s5+s28], $0x80, s25, s28, $0xb8;
	[tilespmem:$0x1FD80] =	vst v63  }
0x7e: {  	_ =	swait.ge [sflag:s30], $0x2800  }
0x7f: {  	[sflag:s30] =	ssyncset.done $0x0  }
0x80: {  	[sflag:s30] =	ssyncadd.s32 $0xFFFFD800  }
0x81: {  	v1 =	vld [tilespmem:$0x19180]  }
0x82: {  	v2 =	vld [tilespmem:$0x19200];
	_ =	sdelay $0x6  }
0x83: {  	v1 =	vld.idx.msk [tilespmem:v1+s20+$0x0], $0xffff  }
0x84: {  	v2 =	vld.idx.msk [tilespmem:v2+s22+$0x0], $0xffff;
	_ =	sdelay $0x4  }
0x85: {  	v1 =	vadd.f32 v2, v1;
	_ =	sdelay $0x1  }
0x86: {  	v2 =	vmul.f32 $2.000000030e-01, v1  }
0x87: {  	vm0 =	vge.f32 v1, $0.0e+00  }
0x88: {  	v1 =	vsel vm0, v1, v2  }
0x89: {  	v1 =	vmul.f32 $1.442695020e+00, v1;
	_ =	sdelay $0x1  }
0x8a: {  	(erf) = vpow2.f32 v1;
	_ =	sdelay $0x2  }
0x8b: {  	v1 =	vld [tilespmem:$0x19190]  }
0x8c: {  	v2 =	vld [tilespmem:$0x19210];
	_ =	sdelay $0x4  }
0x8d: {  	v3 =	vpop (erf)  }
0x8e: {  	[tilespmem:$0x1BA80] =	vst v3  }
0x8f: {  	v1 =	vld.idx.msk [tilespmem:v1+s20+$0x0], $0xffff  }
0x90: {  	v2 =	vld.idx.msk [tilespmem:v2+s22+$0x0], $0xffff;
	_ =	sdelay $0x4  }
0x91: {  	v1 =	vadd.f32 v2, v1;
	_ =	sdelay $0x1  }
0x92: {  	v2 =	vmul.f32 $2.000000030e-01, v1  }
0x93: {  	vm12 =	vge.f32 v1, $0.0e+00  }
0x94: {  	v1 =	vsel vm12, v1, v2  }
0x95: {  	v1 =	vmul.f32 $1.442695020e+00, v1;
	_ =	sdelay $0x1  }
0x96: {  	(erf) = vpow2.f32 v1;
	_ =	sdelay $0x2  }
0x97: {  	v1 =	vld [tilespmem:$0x191A0]  }
0x98: {  	v2 =	vld [tilespmem:$0x19220];
	_ =	sdelay $0x4  }
0x99: {  	v3 =	vpop (erf)  }
0x9a: {  	[tilespmem:$0x1BA90] =	vst v3  }
0x9b: {  	v1 =	vld.idx.msk [tilespmem:v1+s20+$0x0], $0xffff  }
0x9c: {  	v2 =	vld.idx.msk [tilespmem:v2+s22+$0x0], $0xffff;
	_ =	sdelay $0x4  }
0x9d: {  	v1 =	vadd.f32 v2, v1;
	_ =	sdelay $0x1  }
0x9e: {  	v2 =	vmul.f32 $2.000000030e-01, v1  }
0x9f: {  	vm13 =	vge.f32 v1, $0.0e+00  }
0xa0: {  	v1 =	vsel vm13, v1, v2  }
0xa1: {  	v1 =	vmul.f32 $1.442695020e+00, v1;
	_ =	sdelay $0x1  }
0xa2: {  	(erf) = vpow2.f32 v1;
	_ =	sdelay $0x2  }
0xa3: {  	v1 =	vld [tilespmem:$0x191B0]  }
0xa4: {  	v2 =	vld [tilespmem:$0x19230];
	_ =	sdelay $0x4  }
0xa5: {  	v3 =	vpop (erf)  }
0xa6: {  	[tilespmem:$0x1BAA0] =	vst v3  }
0xa7: {  	v1 =	vld.idx.msk [tilespmem:v1+s20+$0x0], $0xffff  }
0xa8: {  	v2 =	vld.idx.msk [tilespmem:v2+s22+$0x0], $0xffff;
	_ =	sdelay $0x4  }
0xa9: {  	v1 =	vadd.f32 v2, v1;
	_ =	sdelay $0x1  }
0xaa: {  	v2 =	vmul.f32 $2.000000030e-01, v1  }
0xab: {  	vm14 =	vge.f32 v1, $0.0e+00  }
0xac: {  	v1 =	vsel vm14, v1, v2  }
0xad: {  	v1 =	vmul.f32 $1.442695020e+00, v1;
	_ =	sdelay $0x1  }
0xae: {  	(erf) = vpow2.f32 v1;
	_ =	sdelay $0x2  }
0xaf: {  	v1 =	vld [tilespmem:$0x191C0]  }
0xb0: {  	v2 =	vld [tilespmem:$0x19240];
	_ =	sdelay $0x4  }
0xb1: {  	v3 =	vpop (erf)  }
0xb2: {  	[tilespmem:$0x1BAB0] =	vst v3  }
0xb3: {  	v1 =	vld.idx.msk [tilespmem:v1+s20+$0x0], $0xffff  }
0xb4: {  	v2 =	vld.idx.msk [tilespmem:v2+s22+$0x0], $0xffff;
	_ =	sdelay $0x4  }
0xb5: {  	v1 =	vadd.f32 v2, v1;
	_ =	sdelay $0x1  }
0xb6: {  	v2 =	vmul.f32 $2.000000030e-01, v1  }
0xb7: {  	vm15 =	vge.f32 v1, $0.0e+00  }
0xb8: {  	v1 =	vsel vm15, v1, v2  }
0xb9: {  	v1 =	vmul.f32 $1.442695020e+00, v1;
	_ =	sdelay $0x1  }
0xba: {  	(erf) = vpow2.f32 v1;
	_ =	sdelay $0x8  }
0xbb: {  	s6 =	simm.s32 $0x0;
	v1 =	vpop (erf)  }
0xbc: {  	s4 =	sand.u32 $0x3FFFFFF0, s6;
	[tilespmem:$0x1BAC0] =	vst v1  }
0xbd: {  	s7 =	simm.s32 $0x0;
	v1 =	vld [tilespmem:s4+$0x1BA80]  }
0xbe: {  	s4 =	sand.u32 $0x3FFFF800, s7  }
0xbf: {  	v3 =	vld [tilespmem:s4+$0x192A0]  }
0xc0: {  	v4 =	vld [tilespmem:s4+$0x192B0]  }
0xc1: {  	v10 =	vld [tilespmem:s4+$0x192E0]  }
0xc2: {  	v11 =	vld [tilespmem:s4+$0x192F0];
	v2 =	vbroadcast v1, $0x0  }
0xc3: {  	v12 =	vld [tilespmem:s4+$0x19300]  }
0xc4: {  	v13 =	vld [tilespmem:s4+$0x19310];
	v3 =	vmul.f32 v3, v2  }
0xc5: {  	v14 =	vld [tilespmem:s4+$0x19320];
	v4 =	vmul.f32 v4, v2  }
0xc6: {  	v9 =	vld [tilespmem:s4+$0x19330];
	v23 =	vbroadcast v1, $0x1;
	v22 =	vmul.f32 v10, v2;
	[tilespmem:s4+$0x192A0] =	vst v3  }
0xc7: {  	v7 =	vld [tilespmem:s4+$0x19340];
	v11 =	vmul.f32 v11, v2;
	[tilespmem:s4+$0x192B0] =	vst v4  }
0xc8: {  	v8 =	vld [tilespmem:s4+$0x19350];
	v12 =	vmul.f32 v12, v23;
	[tilespmem:s4+$0x192E0] =	vst v22  }
0xc9: {  	v25 =	vld [tilespmem:s4+$0x19370];
	v13 =	vmul.f32 v13, v23;
	[tilespmem:s4+$0x192F0] =	vst v11  }
0xca: {  	v26 =	vld [tilespmem:s4+$0x19380];
	v14 =	vmul.f32 v14, v23;
	[tilespmem:s4+$0x19300] =	vst v12  }
0xcb: {  	v27 =	vld [tilespmem:s4+$0x19390];
	v9 =	vmul.f32 v9, v23;
	[tilespmem:s4+$0x19310] =	vst v13  }
0xcc: {  	v6 =	vld [tilespmem:s4+$0x197F0];
	v7 =	vmul.f32 v7, v23;
	[tilespmem:s4+$0x19320] =	vst v14  }
0xcd: {  	v24 =	vld [tilespmem:s4+$0x19360];
	v15 =	vbroadcast v1, $0x2;
	v8 =	vmul.f32 v8, v23;
	[tilespmem:s4+$0x19330] =	vst v9  }
0xce: {  	v28 =	vld [tilespmem:s4+$0x193A0];
	v10 =	vmul.f32 v25, v23;
	[tilespmem:s4+$0x19340] =	vst v7  }
0xcf: {  	v29 =	vld [tilespmem:s4+$0x193B0];
	v5 =	vbroadcast v1, $0xA;
	v32 =	vmul.f32 v26, v15;
	[tilespmem:s4+$0x19350] =	vst v8  }
0xd0: {  	v30 =	vld [tilespmem:s4+$0x193C0];
	v34 =	vmul.f32 v27, v15;
	[tilespmem:s4+$0x19370] =	vst v10  }
0xd1: {  	v33 =	vld [tilespmem:s4+$0x193E0];
	v3 =	vmul.f32 v6, v5;
	[tilespmem:s4+$0x19380] =	vst v32  }
0xd2: {  	v35 =	vld [tilespmem:s4+$0x193F0];
	v11 =	vmul.f32 v24, v23;
	[tilespmem:s4+$0x19390] =	vst v34  }
0xd3: {  	v36 =	vld [tilespmem:s4+$0x19400];
	v9 =	vmul.f32 v28, v15;
	[tilespmem:s4+$0x197F0] =	vst v3  }
0xd4: {  	v31 =	vld [tilespmem:s4+$0x193D0];
	v7 =	vmul.f32 v29, v15;
	[tilespmem:s4+$0x19360] =	vst v11  }
0xd5: {  	v37 =	vld [tilespmem:s4+$0x19410];
	v8 =	vmul.f32 v30, v15;
	[tilespmem:s4+$0x193A0] =	vst v9  }
0xd6: {  	v38 =	vld [tilespmem:s4+$0x19420];
	v41 =	vbroadcast v1, $0x3;
	v10 =	vmul.f32 v33, v15;
	[tilespmem:s4+$0x193B0] =	vst v7  }
0xd7: {  	v39 =	vld [tilespmem:s4+$0x19430];
	v12 =	vmul.f32 v35, v15;
	[tilespmem:s4+$0x193C0] =	vst v8  }
0xd8: {  	v42 =	vld [tilespmem:s4+$0x19450];
	v13 =	vmul.f32 v36, v41;
	[tilespmem:s4+$0x193E0] =	vst v10  }
0xd9: {  	v43 =	vld [tilespmem:s4+$0x19460];
	v11 =	vmul.f32 v31, v15;
	[tilespmem:s4+$0x193F0] =	vst v12  }
0xda: {  	v44 =	vld [tilespmem:s4+$0x19470];
	v9 =	vmul.f32 v37, v41;
	[tilespmem:s4+$0x19400] =	vst v13  }
0xdb: {  	v40 =	vld [tilespmem:s4+$0x19440];
	v7 =	vmul.f32 v38, v41;
	[tilespmem:s4+$0x193D0] =	vst v11  }
0xdc: {  	v45 =	vld [tilespmem:s4+$0x19480];
	v8 =	vmul.f32 v39, v41;
	[tilespmem:s4+$0x19410] =	vst v9  }
0xdd: {  	v46 =	vld [tilespmem:s4+$0x19490];
	v10 =	vmul.f32 v42, v41;
	[tilespmem:s4+$0x19420] =	vst v7  }
0xde: {  	v47 =	vld [tilespmem:s4+$0x194A0];
	v12 =	vmul.f32 v43, v41;
	[tilespmem:s4+$0x19430] =	vst v8  }
0xdf: {  	v49 =	vld [tilespmem:s4+$0x194C0];
	v50 =	vbroadcast v1, $0x4;
	v13 =	vmul.f32 v44, v41;
	[tilespmem:s4+$0x19450] =	vst v10  }
0xe0: {  	v51 =	vld [tilespmem:s4+$0x194D0];
	v11 =	vmul.f32 v40, v41;
	[tilespmem:s4+$0x19460] =	vst v12  }
0xe1: {  	v52 =	vld [tilespmem:s4+$0x194E0];
	v9 =	vmul.f32 v45, v50;
	[tilespmem:s4+$0x19470] =	vst v13  }
0xe2: {  	v48 =	vld [tilespmem:s4+$0x194B0];
	v7 =	vmul.f32 v46, v50;
	[tilespmem:s4+$0x19440] =	vst v11  }
0xe3: {  	v53 =	vld [tilespmem:s4+$0x194F0];
	v8 =	vmul.f32 v47, v50;
	[tilespmem:s4+$0x19480] =	vst v9  }
0xe4: {  	v54 =	vld [tilespmem:s4+$0x19500];
	v10 =	vmul.f32 v49, v50;
	[tilespmem:s4+$0x19490] =	vst v7  }
0xe5: {  	v55 =	vld [tilespmem:s4+$0x19510];
	v12 =	vmul.f32 v51, v50;
	[tilespmem:s4+$0x194A0] =	vst v8  }
0xe6: {  	v57 =	vld [tilespmem:s4+$0x19530];
	v13 =	vmul.f32 v52, v50;
	[tilespmem:s4+$0x194C0] =	vst v10  }
0xe7: {  	v58 =	vld [tilespmem:s4+$0x19540];
	v59 =	vbroadcast v1, $0x5;
	v11 =	vmul.f32 v48, v50;
	[tilespmem:s4+$0x194D0] =	vst v12  }
0xe8: {  	v60 =	vld [tilespmem:s4+$0x19550];
	v9 =	vmul.f32 v53, v50;
	[tilespmem:s4+$0x194E0] =	vst v13  }
0xe9: {  	v56 =	vld [tilespmem:s4+$0x19520];
	v7 =	vmul.f32 v54, v59;
	[tilespmem:s4+$0x194B0] =	vst v11  }
0xea: {  	v61 =	vld [tilespmem:s4+$0x19560];
	v8 =	vmul.f32 v55, v59;
	[tilespmem:s4+$0x194F0] =	vst v9  }
0xeb: {  	v62 =	vld [tilespmem:s4+$0x19570];
	v10 =	vmul.f32 v57, v59;
	[tilespmem:s4+$0x19500] =	vst v7  }
0xec: {  	v63 =	vld [tilespmem:s4+$0x19580];
	v12 =	vmul.f32 v58, v59;
	[tilespmem:s4+$0x19510] =	vst v8  }
0xed: {  	v19 =	vld [tilespmem:s4+$0x195A0];
	v13 =	vmul.f32 v60, v59;
	[tilespmem:s4+$0x19530] =	vst v10  }
0xee: {  	v20 =	vld [tilespmem:s4+$0x195B0];
	v11 =	vmul.f32 v56, v59;
	[tilespmem:s4+$0x19540] =	vst v12  }
0xef: {  	v21 =	vld [tilespmem:s4+$0x195C0];
	v22 =	vbroadcast v1, $0x6;
	v9 =	vmul.f32 v61, v59;
	[tilespmem:s4+$0x19550] =	vst v13  }
0xf0: {  	v18 =	vld [tilespmem:s4+$0x19590];
	v7 =	vmul.f32 v62, v59;
	[tilespmem:s4+$0x19520] =	vst v11  }
0xf1: {  	v23 =	vld [tilespmem:s4+$0x195D0];
	v8 =	vmul.f32 v63, v22;
	[tilespmem:s4+$0x19560] =	vst v9  }
0xf2: {  	v24 =	vld [tilespmem:s4+$0x195E0];
	v10 =	vmul.f32 v19, v22;
	[tilespmem:s4+$0x19570] =	vst v7  }
0xf3: {  	v25 =	vld [tilespmem:s4+$0x195F0];
	v12 =	vmul.f32 v20, v22;
	[tilespmem:s4+$0x19580] =	vst v8  }
0xf4: {  	v27 =	vld [tilespmem:s4+$0x19610];
	v13 =	vmul.f32 v21, v22;
	[tilespmem:s4+$0x195A0] =	vst v10  }
0xf5: {  	v28 =	vld [tilespmem:s4+$0x19620];
	v11 =	vmul.f32 v18, v22;
	[tilespmem:s4+$0x195B0] =	vst v12  }
0xf6: {  	v29 =	vld [tilespmem:s4+$0x19630];
	v9 =	vmul.f32 v23, v22;
	[tilespmem:s4+$0x195C0] =	vst v13  }
0xf7: {  	v31 =	vbroadcast v1, $0x7;
	v53 =	vld [tilespmem:s4+$0x19780];
	v7 =	vmul.f32 v24, v22;
	[tilespmem:s4+$0x19590] =	vst v11  }
0xf8: {  	v57 =	vld [tilespmem:s4+$0x197C0];
	v8 =	vmul.f32 v25, v22;
	[tilespmem:s4+$0x195D0] =	vst v9  }
0xf9: {  	v58 =	vld [tilespmem:s4+$0x197D0];
	v10 =	vmul.f32 v27, v31;
	[tilespmem:s4+$0x195E0] =	vst v7  }
0xfa: {  	v26 =	vld [tilespmem:s4+$0x19600];
	v12 =	vmul.f32 v28, v31;
	[tilespmem:s4+$0x195F0] =	vst v8  }
0xfb: {  	v30 =	vld [tilespmem:s4+$0x19640];
	v13 =	vmul.f32 v29, v31;
	[tilespmem:s4+$0x19610] =	vst v10  }
0xfc: {  	v32 =	vld [tilespmem:s4+$0x19650];
	v59 =	vmul.f32 v53, v5;
	[tilespmem:s4+$0x19620] =	vst v12  }
0xfd: {  	v33 =	vld [tilespmem:s4+$0x19660];
	v18 =	vmul.f32 v57, v5;
	[tilespmem:s4+$0x19630] =	vst v13  }
0xfe: {  	v35 =	vld [tilespmem:s4+$0x19680];
	v20 =	vmul.f32 v58, v5;
	[tilespmem:s4+$0x19780] =	vst v59  }
0xff: {  	v36 =	vld [tilespmem:s4+$0x19690];
	v11 =	vmul.f32 v26, v31;
	[tilespmem:s4+$0x197C0] =	vst v18  }
0x100: {  	v37 =	vld [tilespmem:s4+$0x196A0];
	v9 =	vmul.f32 v30, v31;
	[tilespmem:s4+$0x197D0] =	vst v20  }
0x101: {  	v4 =	vld [tilespmem:s4+$0x19800];
	v40 =	vbroadcast v1, $0x8;
	v7 =	vmul.f32 v32, v31;
	[tilespmem:s4+$0x19600] =	vst v11  }
0x102: {  	v6 =	vld [tilespmem:s4+$0x19810];
	v8 =	vmul.f32 v33, v31;
	[tilespmem:s4+$0x19640] =	vst v9  }
0x103: {  	v3 =	vld [tilespmem:s4+$0x19A50];
	v10 =	vmul.f32 v35, v40;
	[tilespmem:s4+$0x19650] =	vst v7  }
0x104: {  	v61 =	vld [tilespmem:s4+$0x19280];
	v23 =	vbroadcast v1, $0xB;
	v12 =	vmul.f32 v36, v40;
	[tilespmem:s4+$0x19660] =	vst v8  }
0x105: {  	v34 =	vld [tilespmem:s4+$0x19670];
	v13 =	vmul.f32 v37, v40;
	[tilespmem:s4+$0x19680] =	vst v10  }
0x106: {  	v38 =	vld [tilespmem:s4+$0x196B0];
	v27 =	vbroadcast v1, $0xF;
	v4 =	vmul.f32 v4, v23;
	[tilespmem:s4+$0x19690] =	vst v12  }
0x107: {  	v39 =	vld [tilespmem:s4+$0x196C0];
	v6 =	vmul.f32 v6, v23;
	[tilespmem:s4+$0x196A0] =	vst v13  }
0x108: {  	v41 =	vld [tilespmem:s4+$0x196D0];
	v3 =	vmul.f32 v3, v27;
	[tilespmem:s4+$0x19800] =	vst v4  }
0x109: {  	v43 =	vld [tilespmem:s4+$0x196F0];
	v24 =	vmul.f32 v2, v61;
	[tilespmem:s4+$0x19810] =	vst v6  }
0x10a: {  	v44 =	vld [tilespmem:s4+$0x19700];
	v11 =	vmul.f32 v34, v31;
	[tilespmem:s4+$0x19A50] =	vst v3  }
0x10b: {  	v45 =	vld [tilespmem:s4+$0x19710];
	v9 =	vmul.f32 v38, v40;
	[tilespmem:s4+$0x19280] =	vst v24  }
0x10c: {  	v63 =	vld [tilespmem:s4+$0x192C0];
	v7 =	vmul.f32 v39, v40;
	[tilespmem:s4+$0x19670] =	vst v11  }
0x10d: {  	v49 =	vbroadcast v1, $0x9;
	v29 =	vld [tilespmem:s4+$0x19870];
	v8 =	vmul.f32 v41, v40;
	[tilespmem:s4+$0x196B0] =	vst v9  }
0x10e: {  	v42 =	vld [tilespmem:s4+$0x196E0];
	v10 =	vmul.f32 v43, v40;
	[tilespmem:s4+$0x196C0] =	vst v7  }
0x10f: {  	v46 =	vld [tilespmem:s4+$0x19720];
	v12 =	vmul.f32 v44, v49;
	[tilespmem:s4+$0x196D0] =	vst v8  }
0x110: {  	v47 =	vld [tilespmem:s4+$0x19730];
	v13 =	vmul.f32 v45, v49;
	[tilespmem:s4+$0x196F0] =	vst v10  }
0x111: {  	v48 =	vld [tilespmem:s4+$0x19740];
	v3 =	vmul.f32 v63, v2;
	[tilespmem:s4+$0x19700] =	vst v12  }
0x112: {  	v51 =	vld [tilespmem:s4+$0x19760];
	v6 =	vmul.f32 v29, v23;
	[tilespmem:s4+$0x19710] =	vst v13  }
0x113: {  	v52 =	vld [tilespmem:s4+$0x19770];
	v11 =	vmul.f32 v42, v40;
	[tilespmem:s4+$0x192C0] =	vst v3  }
0x114: {  	v28 =	vld [tilespmem:s4+$0x19860];
	v9 =	vmul.f32 v46, v49;
	[tilespmem:s4+$0x19870] =	vst v6  }
0x115: {  	v26 =	vld [tilespmem:s4+$0x19850];
	v7 =	vmul.f32 v47, v49;
	[tilespmem:s4+$0x196E0] =	vst v11  }
0x116: {  	v30 =	vld [tilespmem:s4+$0x19880];
	v8 =	vmul.f32 v48, v49;
	[tilespmem:s4+$0x19720] =	vst v9  }
0x117: {  	v50 =	vld [tilespmem:s4+$0x19750];
	v10 =	vmul.f32 v51, v49;
	[tilespmem:s4+$0x19730] =	vst v7  }
0x118: {  	v54 =	vld [tilespmem:s4+$0x19790];
	v12 =	vmul.f32 v52, v49;
	[tilespmem:s4+$0x19740] =	vst v8  }
0x119: {  	v55 =	vld [tilespmem:s4+$0x197A0];
	v35 =	vbroadcast v1, $0xC;
	v40 =	vmul.f32 v28, v23;
	[tilespmem:s4+$0x19760] =	vst v10  }
0x11a: {  	v56 =	vld [tilespmem:s4+$0x197B0];
	v32 =	vmul.f32 v26, v23;
	[tilespmem:s4+$0x19770] =	vst v12  }
0x11b: {  	v60 =	vld [tilespmem:s4+$0x197E0];
	v15 =	vmul.f32 v30, v35;
	[tilespmem:s4+$0x19860] =	vst v40  }
0x11c: {  	v62 =	vld [tilespmem:s4+$0x19290];
	v11 =	vmul.f32 v50, v49;
	[tilespmem:s4+$0x19850] =	vst v32  }
0x11d: {  	v19 =	vld [tilespmem:s4+$0x192D0];
	v9 =	vmul.f32 v54, v5;
	[tilespmem:s4+$0x19880] =	vst v15  }
0x11e: {  	v33 =	vld [tilespmem:s4+$0x198B0];
	v7 =	vmul.f32 v55, v5;
	[tilespmem:s4+$0x19750] =	vst v11  }
0x11f: {  	v61 =	vld [tilespmem:s4+$0x19A70];
	v8 =	vmul.f32 v56, v5;
	[tilespmem:s4+$0x19790] =	vst v9  }
0x120: {  	v38 =	vld [tilespmem:s4+$0x198F0];
	v5 =	vmul.f32 v60, v5;
	[tilespmem:s4+$0x197A0] =	vst v7  }
0x121: {  	v21 =	vld [tilespmem:s4+$0x19820];
	v12 =	vmul.f32 v62, v2;
	[tilespmem:s4+$0x197B0] =	vst v8  }
0x122: {  	v22 =	vld [tilespmem:s4+$0x19830];
	v2 =	vmul.f32 v19, v2;
	[tilespmem:s4+$0x197E0] =	vst v5  }
0x123: {  	v25 =	vld [tilespmem:s4+$0x19840];
	v62 =	vmul.f32 v33, v35;
	[tilespmem:s4+$0x19290] =	vst v12  }
0x124: {  	v31 =	vld [tilespmem:s4+$0x19890];
	v63 =	vmul.f32 v61, v27;
	[tilespmem:s4+$0x192D0] =	vst v2  }
0x125: {  	v34 =	vld [tilespmem:s4+$0x198C0];
	v15 =	vmul.f32 v38, v35;
	[tilespmem:s4+$0x198B0] =	vst v62  }
0x126: {  	v41 =	vld [tilespmem:s4+$0x19920];
	v7 =	vmul.f32 v21, v23;
	[tilespmem:s4+$0x19A70] =	vst v63  }
0x127: {  	v46 =	vld [tilespmem:s4+$0x19960];
	v8 =	vmul.f32 v22, v23;
	[tilespmem:s4+$0x198F0] =	vst v15  }
0x128: {  	v36 =	vld [tilespmem:s4+$0x198D0];
	v5 =	vmul.f32 v25, v23;
	[tilespmem:s4+$0x19820] =	vst v7  }
0x129: {  	v44 =	vbroadcast v1, $0xD;
	v9 =	vmul.f32 v31, v35;
	v2 =	vld [tilespmem:s4+$0x19910];
	[tilespmem:s4+$0x19830] =	vst v8  }
0x12a: {  	v37 =	vld [tilespmem:s4+$0x198E0];
	v12 =	vmul.f32 v34, v35;
	[tilespmem:s4+$0x19840] =	vst v5  }
0x12b: {  	v39 =	vld [tilespmem:s4+$0x19900];
	v11 =	vmul.f32 v41, v44;
	[tilespmem:s4+$0x19890] =	vst v9  }
0x12c: {  	v42 =	vld [tilespmem:s4+$0x19930];
	v51 =	vmul.f32 v46, v44;
	[tilespmem:s4+$0x198C0] =	vst v12  }
0x12d: {  	v48 =	vld [tilespmem:s4+$0x19990];
	v8 =	vmul.f32 v36, v35;
	[tilespmem:s4+$0x19920] =	vst v11  }
0x12e: {  	v49 =	vld [tilespmem:s4+$0x199A0];
	[tilespmem:s4+$0x19960] =	vst v51;
	v2 =	vmul.f32 v2, v44  }
0x12f: {  	v50 =	vld [tilespmem:s4+$0x199B0];
	v5 =	vmul.f32 v37, v35;
	[tilespmem:s4+$0x198D0] =	vst v8  }
0x130: {  	v1 =	vbroadcast v1, $0xE;
	v9 =	vmul.f32 v39, v44;
	[tilespmem:s4+$0x19910] =	vst v2;
	v2 =	vld [tilespmem:s4+$0x19980]  }
0x131: {  	v60 =	vld [tilespmem:s4+$0x19A60];
	v12 =	vmul.f32 v42, v44;
	[tilespmem:s4+$0x198E0] =	vst v5  }
0x132: {  	v45 =	vld [tilespmem:s4+$0x19950];
	v11 =	vmul.f32 v48, v1;
	[tilespmem:s4+$0x19900] =	vst v9  }
0x133: {  	v47 =	vld [tilespmem:s4+$0x19970];
	v10 =	vmul.f32 v49, v1;
	[tilespmem:s4+$0x19930] =	vst v12  }
0x134: {  	v43 =	vld [tilespmem:s4+$0x19940];
	v6 =	vmul.f32 v50, v1;
	[tilespmem:s4+$0x19990] =	vst v11  }
0x135: {  	v55 =	vld [tilespmem:s4+$0x19A00];
	[tilespmem:s4+$0x199A0] =	vst v10;
	v2 =	vmul.f32 v2, v1  }
0x136: {  	v57 =	vld [tilespmem:s4+$0x19A20];
	v4 =	vmul.f32 v60, v27;
	[tilespmem:s4+$0x199B0] =	vst v6  }
0x137: {  	v5 =	vmul.f32 v45, v44;
	[tilespmem:s4+$0x19980] =	vst v2;
	v2 =	vld [tilespmem:s4+$0x199F0]  }
0x138: {  	v52 =	vld [tilespmem:s4+$0x199C0];
	v9 =	vmul.f32 v47, v44;
	[tilespmem:s4+$0x19A60] =	vst v4  }
0x139: {  	v56 =	vld [tilespmem:s4+$0x19A10];
	v8 =	vmul.f32 v43, v44;
	[tilespmem:s4+$0x19950] =	vst v5  }
0x13a: {  	v54 =	vld [tilespmem:s4+$0x199E0];
	v11 =	vmul.f32 v55, v27;
	[tilespmem:s4+$0x19970] =	vst v9  }
0x13b: {  	v58 =	vld [tilespmem:s4+$0x19A30];
	v6 =	vmul.f32 v57, v27;
	[tilespmem:s4+$0x19940] =	vst v8  }
0x13c: {  	v53 =	vld [tilespmem:s4+$0x199D0];
	[tilespmem:s4+$0x19A00] =	vst v11;
	v2 =	vmul.f32 v2, v1  }
0x13d: {  	v59 =	vld [tilespmem:s4+$0x19A40];
	v5 =	vmul.f32 v52, v1;
	[tilespmem:s4+$0x19A20] =	vst v6  }
0x13e: {  	[tilespmem:s4+$0x199F0] =	vst v2;
	v2 =	vmul.f32 v56, v27  }
0x13f: {  	v3 =	vld [tilespmem:s4+$0x198A0];
	v9 =	vmul.f32 v54, v1;
	[tilespmem:s4+$0x199C0] =	vst v5  }
0x140: {  	[tilespmem:s4+$0x19A10] =	vst v2;
	v2 =	vmul.f32 v58, v27  }
0x141: {  	[tilespmem:s4+$0x199E0] =	vst v9;
	v1 =	vmul.f32 v53, v1  }
0x142: {  	[tilespmem:s4+$0x19A30] =	vst v2;
	v2 =	vmul.f32 v59, v27  }
0x143: {  	[tilespmem:s4+$0x199D0] =	vst v1  }
0x144: {  	s6 =	simm.s32 $0x1;
	[tilespmem:s4+$0x19A40] =	vst v2;
	v2 =	vmul.f32 v3, v35  }
.LBB2_5:
0x145: {  	s7 =	sshll.u32 s6, $0x4  }
0x146: {  	p0 =	sne.s32 s6, $0x4;
	[tilespmem:s4+$0x198A0] =	vst v2;
	s4 =	smov.u32 s6;
	s6 =	sadd.s32 $0x1, s6  }
0x147: {  	s7 =	sand.u32 $0x3FFFFFF0, s7  }
0x148: {  	s4 =	sshll.u32 s4, $0xB;
	v1 =	vld [tilespmem:s7+$0x1BA80]  }
0x149: {  	s4 =	sand.u32 $0x3FFFF800, s4  }
0x14a: {  	v8 =	vld [tilespmem:s4+$0x19340]  }
0x14b: {  	v9 =	vld [tilespmem:s4+$0x19350]  }
0x14c: {  	v10 =	vld [tilespmem:s4+$0x19330]  }
0x14d: {  	v2 =	vbroadcast v1, $0x0;
	v3 =	vld [tilespmem:s4+$0x192A0];
	v7 =	vbroadcast v1, $0x4  }
0x14e: {  	v5 =	vld [tilespmem:s4+$0x192B0]  }
0x14f: {  	v6 =	vld [tilespmem:s4+$0x197F0]  }
0x150: {  	v11 =	vld [tilespmem:s4+$0x192E0]  }
0x151: {  	v12 =	vld [tilespmem:s4+$0x192F0]  }
0x152: {  	v4 =	vbroadcast v1, $0xA;
	v3 =	vmul.f32 v3, v2;
	v13 =	vld [tilespmem:s4+$0x19300]  }
0x153: {  	v5 =	vmul.f32 v5, v2;
	v14 =	vld [tilespmem:s4+$0x19310]  }
0x154: {  	[tilespmem:s4+$0x192A0] =	vst v3;
	v15 =	vld [tilespmem:s4+$0x19320];
	v3 =	vmul.f32 v6, v4  }
0x155: {  	[tilespmem:s4+$0x192B0] =	vst v5;
	v6 =	vmul.f32 v11, v2;
	v11 =	vbroadcast v1, $0x1;
	v5 =	vld [tilespmem:s4+$0x19800]  }
0x156: {  	v12 =	vmul.f32 v12, v2;
	[tilespmem:s4+$0x197F0] =	vst v3;
	v3 =	vld [tilespmem:s4+$0x19A50]  }
0x157: {  	[tilespmem:s4+$0x192E0] =	vst v6;
	v13 =	vmul.f32 v13, v11;
	v6 =	vld [tilespmem:s4+$0x19810]  }
0x158: {  	[tilespmem:s4+$0x192F0] =	vst v12;
	v12 =	vmul.f32 v14, v11;
	v14 =	vld [tilespmem:s4+$0x19360]  }
0x159: {  	[tilespmem:s4+$0x19300] =	vst v13;
	v13 =	vmul.f32 v15, v11;
	v15 =	vld [tilespmem:s4+$0x19370]  }
0x15a: {  	v10 =	vmul.f32 v10, v11;
	[tilespmem:s4+$0x19310] =	vst v12;
	v12 =	vld [tilespmem:s4+$0x19380]  }
0x15b: {  	v8 =	vmul.f32 v8, v11;
	[tilespmem:s4+$0x19320] =	vst v13;
	v13 =	vld [tilespmem:s4+$0x19390]  }
0x15c: {  	v9 =	vmul.f32 v9, v11;
	[tilespmem:s4+$0x19330] =	vst v10;
	v10 =	vld [tilespmem:s4+$0x193A0]  }
0x15d: {  	[tilespmem:s4+$0x19340] =	vst v8;
	v8 =	vmul.f32 v14, v11;
	v14 =	vbroadcast v1, $0x2;
	v16 =	vld [tilespmem:s4+$0x193B0]  }
0x15e: {  	[tilespmem:s4+$0x19350] =	vst v9;
	v9 =	vmul.f32 v15, v11;
	v11 =	vld [tilespmem:s4+$0x193C0]  }
0x15f: {  	[tilespmem:s4+$0x19360] =	vst v8;
	v8 =	vmul.f32 v12, v14;
	v12 =	vld [tilespmem:s4+$0x193D0]  }
0x160: {  	[tilespmem:s4+$0x19370] =	vst v9;
	v9 =	vmul.f32 v13, v14;
	v13 =	vld [tilespmem:s4+$0x193E0]  }
0x161: {  	[tilespmem:s4+$0x19380] =	vst v8;
	v8 =	vmul.f32 v10, v14;
	v10 =	vld [tilespmem:s4+$0x193F0]  }
0x162: {  	[tilespmem:s4+$0x19390] =	vst v9;
	v9 =	vmul.f32 v16, v14;
	v15 =	vld [tilespmem:s4+$0x19400]  }
0x163: {  	[tilespmem:s4+$0x193A0] =	vst v8;
	v8 =	vmul.f32 v11, v14;
	v11 =	vld [tilespmem:s4+$0x19410]  }
0x164: {  	[tilespmem:s4+$0x193B0] =	vst v9;
	v9 =	vmul.f32 v12, v14;
	v12 =	vld [tilespmem:s4+$0x19420]  }
0x165: {  	[tilespmem:s4+$0x193C0] =	vst v8;
	v8 =	vmul.f32 v13, v14;
	v13 =	vbroadcast v1, $0x3;
	v16 =	vld [tilespmem:s4+$0x19430]  }
0x166: {  	[tilespmem:s4+$0x193D0] =	vst v9;
	v9 =	vmul.f32 v10, v14;
	v10 =	vld [tilespmem:s4+$0x19440]  }
0x167: {  	[tilespmem:s4+$0x193E0] =	vst v8;
	v8 =	vmul.f32 v15, v13;
	v14 =	vld [tilespmem:s4+$0x19450]  }
0x168: {  	[tilespmem:s4+$0x193F0] =	vst v9;
	v9 =	vmul.f32 v11, v13;
	v11 =	vld [tilespmem:s4+$0x19460]  }
0x169: {  	[tilespmem:s4+$0x19400] =	vst v8;
	v8 =	vmul.f32 v12, v13;
	v12 =	vld [tilespmem:s4+$0x19470]  }
0x16a: {  	[tilespmem:s4+$0x19410] =	vst v9;
	v9 =	vmul.f32 v16, v13;
	v15 =	vld [tilespmem:s4+$0x19480]  }
0x16b: {  	[tilespmem:s4+$0x19420] =	vst v8;
	v8 =	vmul.f32 v10, v13;
	v10 =	vld [tilespmem:s4+$0x19490]  }
0x16c: {  	[tilespmem:s4+$0x19430] =	vst v9;
	v9 =	vmul.f32 v14, v13;
	v14 =	vld [tilespmem:s4+$0x194A0]  }
0x16d: {  	[tilespmem:s4+$0x19440] =	vst v8;
	v8 =	vmul.f32 v11, v13;
	v11 =	vld [tilespmem:s4+$0x194B0]  }
0x16e: {  	[tilespmem:s4+$0x19450] =	vst v9;
	v9 =	vmul.f32 v12, v13;
	v12 =	vld [tilespmem:s4+$0x194C0]  }
0x16f: {  	[tilespmem:s4+$0x19460] =	vst v8;
	v8 =	vmul.f32 v15, v7;
	v13 =	vld [tilespmem:s4+$0x194D0]  }
0x170: {  	[tilespmem:s4+$0x19470] =	vst v9;
	v9 =	vmul.f32 v10, v7;
	v10 =	vld [tilespmem:s4+$0x194E0]  }
0x171: {  	[tilespmem:s4+$0x19480] =	vst v8;
	v8 =	vmul.f32 v14, v7;
	v14 =	vld [tilespmem:s4+$0x194F0]  }
0x172: {  	[tilespmem:s4+$0x19490] =	vst v9;
	v9 =	vmul.f32 v11, v7;
	v11 =	vld [tilespmem:s4+$0x19500]  }
0x173: {  	[tilespmem:s4+$0x194A0] =	vst v8;
	v8 =	vmul.f32 v12, v7;
	v12 =	vld [tilespmem:s4+$0x19510]  }
0x174: {  	[tilespmem:s4+$0x194B0] =	vst v9;
	v9 =	vmul.f32 v13, v7;
	v13 =	vld [tilespmem:s4+$0x19520]  }
0x175: {  	[tilespmem:s4+$0x194C0] =	vst v8;
	v8 =	vmul.f32 v10, v7;
	v10 =	vbroadcast v1, $0x5;
	v15 =	vld [tilespmem:s4+$0x19530]  }
0x176: {  	[tilespmem:s4+$0x194D0] =	vst v9;
	v7 =	vmul.f32 v14, v7;
	v9 =	vld [tilespmem:s4+$0x19540]  }
0x177: {  	[tilespmem:s4+$0x194E0] =	vst v8;
	v8 =	vmul.f32 v11, v10;
	v11 =	vld [tilespmem:s4+$0x19550]  }
0x178: {  	[tilespmem:s4+$0x194F0] =	vst v7;
	v7 =	vmul.f32 v12, v10;
	v12 =	vld [tilespmem:s4+$0x19560]  }
0x179: {  	[tilespmem:s4+$0x19500] =	vst v8;
	v8 =	vmul.f32 v13, v10;
	v13 =	vld [tilespmem:s4+$0x19570]  }
0x17a: {  	[tilespmem:s4+$0x19510] =	vst v7;
	v7 =	vmul.f32 v15, v10;
	v14 =	vld [tilespmem:s4+$0x19580]  }
0x17b: {  	[tilespmem:s4+$0x19520] =	vst v8;
	v8 =	vmul.f32 v9, v10;
	v9 =	vld [tilespmem:s4+$0x19590]  }
0x17c: {  	[tilespmem:s4+$0x19530] =	vst v7;
	v7 =	vmul.f32 v11, v10;
	v11 =	vld [tilespmem:s4+$0x195A0]  }
0x17d: {  	[tilespmem:s4+$0x19540] =	vst v8;
	v8 =	vmul.f32 v12, v10;
	v12 =	vbroadcast v1, $0x6;
	v15 =	vld [tilespmem:s4+$0x195B0]  }
0x17e: {  	[tilespmem:s4+$0x19550] =	vst v7;
	v7 =	vmul.f32 v13, v10;
	v10 =	vld [tilespmem:s4+$0x195C0]  }
0x17f: {  	[tilespmem:s4+$0x19560] =	vst v8;
	v8 =	vmul.f32 v14, v12;
	v13 =	vld [tilespmem:s4+$0x195D0]  }
0x180: {  	[tilespmem:s4+$0x19570] =	vst v7;
	v7 =	vmul.f32 v9, v12;
	v9 =	vld [tilespmem:s4+$0x195E0]  }
0x181: {  	[tilespmem:s4+$0x19580] =	vst v8;
	v8 =	vmul.f32 v11, v12;
	v11 =	vld [tilespmem:s4+$0x195F0]  }
0x182: {  	[tilespmem:s4+$0x19590] =	vst v7;
	v7 =	vmul.f32 v15, v12;
	v14 =	vld [tilespmem:s4+$0x19600]  }
0x183: {  	[tilespmem:s4+$0x195A0] =	vst v8;
	v8 =	vmul.f32 v10, v12;
	v10 =	vld [tilespmem:s4+$0x19610]  }
0x184: {  	[tilespmem:s4+$0x195B0] =	vst v7;
	v7 =	vmul.f32 v13, v12;
	v13 =	vld [tilespmem:s4+$0x19620]  }
0x185: {  	[tilespmem:s4+$0x195C0] =	vst v8;
	v8 =	vmul.f32 v9, v12;
	v9 =	vbroadcast v1, $0x7;
	v15 =	vld [tilespmem:s4+$0x19630]  }
0x186: {  	[tilespmem:s4+$0x195D0] =	vst v7;
	v7 =	vmul.f32 v11, v12;
	v11 =	vld [tilespmem:s4+$0x19640]  }
0x187: {  	[tilespmem:s4+$0x195E0] =	vst v8;
	v8 =	vmul.f32 v14, v9;
	v12 =	vld [tilespmem:s4+$0x19650]  }
0x188: {  	[tilespmem:s4+$0x195F0] =	vst v7;
	v7 =	vmul.f32 v10, v9;
	v10 =	vld [tilespmem:s4+$0x19660]  }
0x189: {  	[tilespmem:s4+$0x19600] =	vst v8;
	v8 =	vmul.f32 v13, v9;
	v13 =	vld [tilespmem:s4+$0x19670]  }
0x18a: {  	[tilespmem:s4+$0x19610] =	vst v7;
	v7 =	vmul.f32 v15, v9;
	v14 =	vld [tilespmem:s4+$0x19680]  }
0x18b: {  	[tilespmem:s4+$0x19620] =	vst v8;
	v8 =	vmul.f32 v11, v9;
	v11 =	vld [tilespmem:s4+$0x19690]  }
0x18c: {  	[tilespmem:s4+$0x19630] =	vst v7;
	v7 =	vmul.f32 v12, v9;
	v12 =	vld [tilespmem:s4+$0x196A0]  }
0x18d: {  	[tilespmem:s4+$0x19640] =	vst v8;
	v8 =	vmul.f32 v10, v9;
	v10 =	vbroadcast v1, $0x8;
	v15 =	vld [tilespmem:s4+$0x196B0]  }
0x18e: {  	[tilespmem:s4+$0x19650] =	vst v7;
	v7 =	vmul.f32 v13, v9;
	v9 =	vld [tilespmem:s4+$0x196C0]  }
0x18f: {  	[tilespmem:s4+$0x19660] =	vst v8;
	v8 =	vmul.f32 v14, v10;
	v13 =	vld [tilespmem:s4+$0x196D0]  }
0x190: {  	[tilespmem:s4+$0x19670] =	vst v7;
	v7 =	vmul.f32 v11, v10;
	v11 =	vld [tilespmem:s4+$0x196E0]  }
0x191: {  	[tilespmem:s4+$0x19680] =	vst v8;
	v8 =	vmul.f32 v12, v10;
	v12 =	vld [tilespmem:s4+$0x196F0]  }
0x192: {  	[tilespmem:s4+$0x19690] =	vst v7;
	v7 =	vmul.f32 v15, v10;
	v14 =	vld [tilespmem:s4+$0x19700]  }
0x193: {  	[tilespmem:s4+$0x196A0] =	vst v8;
	v8 =	vmul.f32 v9, v10;
	v9 =	vld [tilespmem:s4+$0x19710]  }
0x194: {  	[tilespmem:s4+$0x196B0] =	vst v7;
	v7 =	vmul.f32 v13, v10;
	v13 =	vld [tilespmem:s4+$0x19720]  }
0x195: {  	[tilespmem:s4+$0x196C0] =	vst v8;
	v8 =	vmul.f32 v11, v10;
	v11 =	vbroadcast v1, $0x9;
	v15 =	vld [tilespmem:s4+$0x19730]  }
0x196: {  	[tilespmem:s4+$0x196D0] =	vst v7;
	v7 =	vmul.f32 v12, v10;
	v10 =	vld [tilespmem:s4+$0x19740]  }
0x197: {  	[tilespmem:s4+$0x196E0] =	vst v8;
	v8 =	vmul.f32 v14, v11;
	v12 =	vld [tilespmem:s4+$0x19750]  }
0x198: {  	[tilespmem:s4+$0x196F0] =	vst v7;
	v7 =	vmul.f32 v9, v11;
	v9 =	vld [tilespmem:s4+$0x19760]  }
0x199: {  	[tilespmem:s4+$0x19700] =	vst v8;
	v8 =	vmul.f32 v13, v11;
	v13 =	vld [tilespmem:s4+$0x19770]  }
0x19a: {  	[tilespmem:s4+$0x19710] =	vst v7;
	v7 =	vmul.f32 v15, v11;
	v14 =	vld [tilespmem:s4+$0x19780]  }
0x19b: {  	[tilespmem:s4+$0x19720] =	vst v8;
	v8 =	vmul.f32 v10, v11;
	v10 =	vld [tilespmem:s4+$0x19790]  }
0x19c: {  	[tilespmem:s4+$0x19730] =	vst v7;
	v7 =	vmul.f32 v12, v11;
	v12 =	vld [tilespmem:s4+$0x197A0]  }
0x19d: {  	[tilespmem:s4+$0x19740] =	vst v8;
	v8 =	vmul.f32 v9, v11;
	v9 =	vld [tilespmem:s4+$0x197B0]  }
0x19e: {  	[tilespmem:s4+$0x19750] =	vst v7;
	v7 =	vmul.f32 v13, v11;
	v11 =	vld [tilespmem:s4+$0x197C0]  }
0x19f: {  	[tilespmem:s4+$0x19760] =	vst v8;
	v8 =	vmul.f32 v14, v4;
	v13 =	vld [tilespmem:s4+$0x197D0]  }
0x1a0: {  	[tilespmem:s4+$0x19770] =	vst v7;
	v7 =	vmul.f32 v10, v4;
	v10 =	vld [tilespmem:s4+$0x197E0]  }
0x1a1: {  	v14 =	vld [tilespmem:s4+$0x19280];
	[tilespmem:s4+$0x19780] =	vst v8;
	v8 =	vmul.f32 v12, v4  }
0x1a2: {  	v12 =	vld [tilespmem:s4+$0x19290];
	[tilespmem:s4+$0x19790] =	vst v7;
	v7 =	vmul.f32 v9, v4  }
0x1a3: {  	v9 =	vld [tilespmem:s4+$0x192C0];
	[tilespmem:s4+$0x197A0] =	vst v8;
	v8 =	vmul.f32 v11, v4  }
0x1a4: {  	v11 =	vld [tilespmem:s4+$0x192D0];
	[tilespmem:s4+$0x197B0] =	vst v7;
	v7 =	vmul.f32 v13, v4  }
0x1a5: {  	[tilespmem:s4+$0x197C0] =	vst v8;
	v8 =	vmul.f32 v10, v4;
	v10 =	vbroadcast v1, $0xB;
	v13 =	vld [tilespmem:s4+$0x19820]  }
0x1a6: {  	v4 =	vbroadcast v1, $0xF;
	v14 =	vmul.f32 v2, v14;
	[tilespmem:s4+$0x197D0] =	vst v7;
	v7 =	vld [tilespmem:s4+$0x19830]  }
0x1a7: {  	v12 =	vmul.f32 v12, v2;
	[tilespmem:s4+$0x197E0] =	vst v8;
	v5 =	vmul.f32 v5, v10;
	v8 =	vld [tilespmem:s4+$0x19840]  }
0x1a8: {  	v6 =	vmul.f32 v6, v10;
	[tilespmem:s4+$0x19280] =	vst v14;
	v9 =	vmul.f32 v9, v2;
	v14 =	vld [tilespmem:s4+$0x19850]  }
0x1a9: {  	v3 =	vmul.f32 v3, v4;
	v11 =	vmul.f32 v11, v2;
	[tilespmem:s4+$0x19800] =	vst v5;
	v2 =	vld [tilespmem:s4+$0x19860]  }
0x1aa: {  	[tilespmem:s4+$0x19810] =	vst v6;
	v5 =	vmul.f32 v13, v10;
	v6 =	vld [tilespmem:s4+$0x19870]  }
0x1ab: {  	v7 =	vmul.f32 v7, v10;
	v13 =	vld [tilespmem:s4+$0x19880];
	[tilespmem:s4+$0x19A50] =	vst v3  }
0x1ac: {  	[tilespmem:s4+$0x19290] =	vst v12;
	v3 =	vmul.f32 v8, v10;
	v8 =	vld [tilespmem:s4+$0x19890]  }
0x1ad: {  	[tilespmem:s4+$0x192C0] =	vst v9;
	v9 =	vmul.f32 v14, v10;
	v12 =	vld [tilespmem:s4+$0x198A0]  }
0x1ae: {  	v14 =	vbroadcast v1, $0xC;
	[tilespmem:s4+$0x19820] =	vst v5;
	v5 =	vmul.f32 v2, v10;
	v15 =	vld [tilespmem:s4+$0x198B0]  }
0x1af: {  	[tilespmem:s4+$0x19850] =	vst v9;
	v6 =	vmul.f32 v6, v10;
	v9 =	vld [tilespmem:s4+$0x198C0]  }
0x1b0: {  	[tilespmem:s4+$0x19830] =	vst v7;
	v2 =	vmul.f32 v13, v14;
	v7 =	vld [tilespmem:s4+$0x198D0]  }
0x1b1: {  	[tilespmem:s4+$0x19840] =	vst v3;
	v3 =	vmul.f32 v8, v14;
	v8 =	vld [tilespmem:s4+$0x198E0]  }
0x1b2: {  	[tilespmem:s4+$0x19880] =	vst v2;
	v2 =	vmul.f32 v12, v14;
	v10 =	vld [tilespmem:s4+$0x198F0]  }
0x1b3: {  	[tilespmem:s4+$0x19890] =	vst v3;
	v3 =	vld [tilespmem:s4+$0x19900]  }
0x1b4: {  	[tilespmem:s4+$0x192D0] =	vst v11;
	v9 =	vmul.f32 v9, v14;
	v11 =	vld [tilespmem:s4+$0x19910]  }
0x1b5: {  	[tilespmem:s4+$0x19860] =	vst v5;
	v5 =	vmul.f32 v7, v14;
	v7 =	vld [tilespmem:s4+$0x19920]  }
0x1b6: {  	[tilespmem:s4+$0x198C0] =	vst v9;
	v8 =	vmul.f32 v8, v14;
	v9 =	vbroadcast v1, $0xD;
	v12 =	vld [tilespmem:s4+$0x19930]  }
0x1b7: {  	[tilespmem:s4+$0x198D0] =	vst v5;
	v5 =	vmul.f32 v10, v14;
	v10 =	vld [tilespmem:s4+$0x19940]  }
0x1b8: {  	[tilespmem:s4+$0x198E0] =	vst v8;
	v3 =	vmul.f32 v3, v9;
	v8 =	vld [tilespmem:s4+$0x19950]  }
0x1b9: {  	[tilespmem:s4+$0x198F0] =	vst v5;
	v5 =	vmul.f32 v11, v9;
	v11 =	vld [tilespmem:s4+$0x19960]  }
0x1ba: {  	[tilespmem:s4+$0x19900] =	vst v3;
	v3 =	vmul.f32 v7, v9;
	v7 =	vld [tilespmem:s4+$0x19970]  }
0x1bb: {  	[tilespmem:s4+$0x19910] =	vst v5;
	v5 =	vmul.f32 v12, v9;
	v12 =	vld [tilespmem:s4+$0x19980]  }
0x1bc: {  	[tilespmem:s4+$0x19920] =	vst v3;
	v3 =	vmul.f32 v10, v9;
	v10 =	vld [tilespmem:s4+$0x19990]  }
0x1bd: {  	[tilespmem:s4+$0x19930] =	vst v5;
	v5 =	vmul.f32 v8, v9;
	v8 =	vld [tilespmem:s4+$0x199A0]  }
0x1be: {  	v1 =	vbroadcast v1, $0xE;
	[tilespmem:s4+$0x19870] =	vst v6;
	v6 =	vmul.f32 v11, v9;
	v11 =	vld [tilespmem:s4+$0x199B0]  }
0x1bf: {  	[tilespmem:s4+$0x19950] =	vst v5;
	v5 =	vmul.f32 v7, v9;
	v7 =	vld [tilespmem:s4+$0x199C0]  }
0x1c0: {  	[tilespmem:s4+$0x19960] =	vst v6;
	v6 =	vmul.f32 v12, v1;
	v9 =	vld [tilespmem:s4+$0x199D0]  }
0x1c1: {  	[tilespmem:s4+$0x19970] =	vst v5;
	v5 =	vmul.f32 v10, v1;
	v10 =	vld [tilespmem:s4+$0x199E0]  }
0x1c2: {  	[tilespmem:s4+$0x19980] =	vst v6;
	v6 =	vmul.f32 v8, v1;
	v8 =	vld [tilespmem:s4+$0x199F0]  }
0x1c3: {  	[tilespmem:s4+$0x19990] =	vst v5;
	v5 =	vmul.f32 v11, v1;
	v11 =	vld [tilespmem:s4+$0x19A00]  }
0x1c4: {  	[tilespmem:s4+$0x199A0] =	vst v6;
	v6 =	vmul.f32 v7, v1;
	v7 =	vld [tilespmem:s4+$0x19A10]  }
0x1c5: {  	[tilespmem:s4+$0x199B0] =	vst v5;
	v5 =	vmul.f32 v9, v1;
	v9 =	vld [tilespmem:s4+$0x19A20]  }
0x1c6: {  	[tilespmem:s4+$0x199C0] =	vst v6;
	v6 =	vmul.f32 v10, v1;
	v10 =	vld [tilespmem:s4+$0x19A30]  }
0x1c7: {  	[tilespmem:s4+$0x19940] =	vst v3;
	v1 =	vmul.f32 v8, v1;
	v3 =	vld [tilespmem:s4+$0x19A40]  }
0x1c8: {  	[tilespmem:s4+$0x199E0] =	vst v6;
	v6 =	vmul.f32 v11, v4;
	v8 =	vld [tilespmem:s4+$0x19A60]  }
0x1c9: {  	[tilespmem:s4+$0x199F0] =	vst v1;
	v1 =	vmul.f32 v7, v4;
	v7 =	vld [tilespmem:s4+$0x19A70]  }
0x1ca: {  	[tilespmem:s4+$0x19A00] =	vst v6;
	v6 =	vmul.f32 v9, v4  }
0x1cb: {  	[tilespmem:s4+$0x19A10] =	vst v1;
	v1 =	vmul.f32 v10, v4  }
0x1cc: {  	v9 =	vmul.f32 v15, v14;
	[tilespmem:s4+$0x19A20] =	vst v6  }
0x1cd: {  	[tilespmem:s4+$0x19A30] =	vst v1;
	v1 =	vmul.f32 v3, v4  }
.Ltmp1:
0x1ce: {  	[tilespmem:s4+$0x198B0] =	vst v9;
	v3 =	vmul.f32 v7, v4;
	(pc) =	sbr.rel @p0 .LBB2_5-.Ltmp1, $4  }
0x1cf: {  	[tilespmem:s4+$0x19A40] =	vst v1  }
0x1d0: {  	v1 =	vmul.f32 v8, v4;
	[tilespmem:s4+$0x19A70] =	vst v3  }
0x1d1: {  	[tilespmem:s4+$0x199D0] =	vst v5  }
0x1d2: {  	[tilespmem:s4+$0x19A60] =	vst v1  }
0x1d3: {  	[tilespmem:s4+$0x198A0] =	vst v2  }
0x1d4: {  	[spmem:s1] =	stream.indirect.scatter.add.f32 [tilespmem:s29], [sflag:$0x2], $0x80, s26, s28, $0xb8;
	[tilespmem:$0x1FD80] =	vst v63  }
0x1d5: {  	s3 =	sadd.s32 $0x1, s3;
	_ =	swait.ge [sflag:s21], $0x2800  }
0x1d6: {  	p0 =	sne.s32 s3, $0x7D;
	[sflag:s21] =	ssyncset.done $0x0  }
.Ltmp2:
0x1d7: {  	[sflag:s21] =	ssyncadd.s32 $0xFFFFD800;
	(pc) =	sbr.rel @p0 .LBB2_4-.Ltmp2, $4  }
0x1d8: {  	[spmem:s2] =	stream.indirect.scatter.add.f32 [tilespmem:s31], [sflag:$0x2], $0x1, s26, s28, $0xb8;
	[tilespmem:$0x1FD80] =	vst v63  }
0x1d9: {  	_ =	swait.ge [sflag:s21], $0x50  }
0x1da: {  	[sflag:s21] =	ssyncset.done $0x0  }
0x1db: {  	[sflag:s21] =	ssyncadd.s32 $0xFFFFFFB0  }
0x1dc: {  	s3 =	stileid.u32  }
0x1dd: {  	s3 =	sshll.u32 s3, $0x6  }
0x1de: {  	[bflag:$0x0] =	sbarrier.arrive $0xFFFF;
	s4 =	sshrl.u32 s10, $0x3;
	s3 =	sor.u32 $0x1C02, s3  }
0x1df: {  	[hbm:s17], [sflag:s3] =	dma.local [spmem:s4], $0x2800  }
0x1e0: {  	s6 =	simm.s32 $0x80;
	s0 =	sadd.s32 $0x1, s0;
	_ =	swait.ge [sflag:s21], $0x2800  }
0x1e1: {  	s7 =	simm.s32 $0x10;
	p0 =	sne.s32 s0, s19;
	[sflag:s21] =	ssyncset.done $0x0  }
.Ltmp3:
0x1e2: {  	s4 =	sshrl.u32 s15, $0x3;
	[sflag:s21] =	ssyncadd.s32 $0xFFFFD800;
	(pc) =	sbr.rel @p0 .LBB2_1-.Ltmp3, $4  }
0x1e3: {  	[hbm:s18@s6], [sflag:s3] =	dma.strided [spmem:s4@s7], $0x50, s30, $0x10   }
0x1e4: {  	_ =	swait.ge [sflag:s21], $0x50  }
0x1e5: {  	[sflag:s21] =	ssyncset.done $0x0  }
0x1e6: {  	[sflag:s21] =	ssyncadd.s32 $0xFFFFFFB0  }
0x1e7: {  	_ =	sfence.sel $0x180000  }
0x1e8: {  	[bflag:$0x0] =	sbarrier.arrive $0xFFFF  }
0x1e9: {  	_ =	strace $0x9000004A  }
0x1ea: {  	s0 =	stileid.u32;
	[bflag:$0x2] =	sbarrier.arrive $0xFFFF  }
0x1eb: {  	p0 =	sne.s32 s0, $0x0;
	s0 =	rddreg [dreg:$0x3]  }
0x1ec: {  	s0 =	sadd.s32 @!p0 $0x100000, s0  }
0x1ed: {  	[sflag:s0] =	ssyncadd.tile.s32 @!p0 $0x1;
	_ =	shalt  }
.Lfunc_end2:
_tile_overlayer_lowered:
.L_overlay_start_2:
0x1ee: {  	(tag) =	ssettag $0x2  }
0x1ef: {  	s0 =	rddreg [dreg:$0x0];
	s2 =	stileid.u32  }
0x1f0: {  	s1 =	rddreg [dreg:$0x1];
	p0 =	sne.s32 s2, $0x0  }
0x1f1: {  	s3 =	rddreg [dreg:$0x2];
	[bflag:$0x3] =	sbarrier.arrive $0xFFFF;
	s2 =	simm.s32 @!p0 $0x1C02  }
0x1f2: {  	[timem:s3], [sflag:s2] =	dma.local @!p0 [hbm:s0], s1  }
0x1f3: {  	s0 =	simm.s32 @!p0 $0x2  }
0x1f4: {  	_ =	swait.ge @!p0 [sflag:s0], s1  }
0x1f5: {  	s1 =	ssub.s32 @!p0 $0x0, s1;
	[sflag:s0] =	ssyncset.done @!p0 $0x0  }
0x1f6: {  	[sflag:s0] =	ssyncadd.s32 @!p0 s1  }
0x1f7: {  	[bflag:$0x3] =	sbarrier.arrive $0xFFFF  }
0x1f8: {  	_ =	shalt  }

</sc_bundles>
